<compile_context>
chip_gen: v7x
topology: tpu7x:2x2x1
jax: 0.10.2.dev20260603
libtpu: 0.0.44.dev20260713+nightly
codegen_flags: <defaults>
</compile_context>

<pallas_src>
import functools
import jax
import jax.numpy as jnp
from jax import lax
from jax.experimental import pallas as pl
from jax.experimental.pallas import tpu as pltpu, tpu_sc as plsc

VOXEL_SIZE = 0.015
MIN_BETA = VOXEL_SIZE
T_STEP = 0.01
N_TABLE = 2560000
P1, P2, P3 = 73856093, 19349663, 83492791

_info = plsc.get_sparse_core_info()
_NC, _NS = _info.num_cores, _info.num_subcores
_NW = _NC * _NS
_S = 64
_CH = 128
_BS = 1024


def _sc_gather_kernel(n_samples):
    blocks_per_worker = n_samples // (_NW * _S)
    chunks = (_S * 8) // _CH

    mesh = plsc.VectorSubcoreMesh(core_axis_name="c", subcore_axis_name="s")
    out_t = jax.ShapeDtypeStruct((n_samples * 8, 128), jnp.float32)

    @functools.partial(
        pl.kernel, mesh=mesh, out_type=out_t,
        scratch_types=[
            pltpu.VMEM((_S * 8,), jnp.int32),
            pltpu.VMEM((_S * 8, 128), jnp.float32),
            pltpu.SemaphoreType.DMA,
        ],
    )
    def k(table_hbm, idx_hbm, g_hbm, idx_v, rows_v, sem):
        wid = lax.axis_index("s") * _NC + lax.axis_index("c")

        def block_body(blk, carry):
            base = pl.multiple_of((wid * blocks_per_worker + blk) * _S, _S)
            base8 = pl.multiple_of(base * 8, _S * 8)
            pltpu.sync_copy(idx_hbm.at[pl.ds(base8, _S * 8)], idx_v)
            copies = [
                pltpu.async_copy(table_hbm.at[idx_v.at[pl.ds(c * _CH, _CH)]],
                                 rows_v.at[pl.ds(c * _CH, _CH)], sem)
                for c in range(chunks)
            ]
            for cp in copies:
                cp.wait()
            pltpu.sync_copy(rows_v, g_hbm.at[pl.ds(base8, _S * 8)])
            return carry

        lax.fori_loop(0, blocks_per_worker, block_body, 0)

    return k


def _tc_interp_kernel(g_ref, fx_ref, fy_ref, fz_ref, out_ref):
    fx = fx_ref[...]
    fy = fy_ref[...]
    fz = fz_ref[...]
    wx = (1.0 - fx, fx)
    wy = (1.0 - fy, fy)
    wz = (1.0 - fz, fz)
    n = fx.shape[0]
    emb16 = jnp.zeros((n, 16), jnp.float32)
    gx = jnp.zeros_like(fx)
    gy = jnp.zeros_like(fx)
    gz = jnp.zeros_like(fx)
    for j in range(8):
        dx, dy, dz = (j >> 2) & 1, (j >> 1) & 1, j & 1
        row16 = g_ref[:, j * 128:j * 128 + 16]
        wj = wx[dx] * wy[dy] * wz[dz]
        emb16 = emb16 + wj * row16
        v0 = row16[:, 0:1]
        wyz = wy[dy] * wz[dz]
        wxz = wx[dx] * wz[dz]
        wxy = wx[dx] * wy[dy]
        gx = gx + wyz * v0 if dx else gx - wyz * v0
        gy = gy + wxz * v0 if dy else gy - wxz * v0
        gz = gz + wxy * v0 if dz else gz - wxy * v0
    inv_v = jnp.float32(1.0 / VOXEL_SIZE)
    out_ref[...] = jnp.concatenate(
        [emb16[:, 0:5], gx * inv_v, gy * inv_v, gz * inv_v, emb16[:, 8:16]],
        axis=1)


def _tc_scan_kernel(e0, e1, e2, e3, e4, g0, g1, g2, tmid, istart, bsc,
                    s0, s1, s2, s3, s4, s5, s6, s7):
    R = e0.shape[0]
    b = bsc[0, 0]
    alpha = 1.0 / b
    rix = lax.broadcasted_iota(jnp.int32, (R, R), 0)
    cix = lax.broadcasted_iota(jnp.int32, (R, R), 1)
    U = (rix <= cix).astype(jnp.float32)
    Lst = (cix < rix).astype(jnp.float32)

    sdf = e0[...]
    sig = alpha * (0.5 + 0.5 * jnp.sign(sdf)
                   * (jnp.exp(-jnp.abs(sdf) / b) - 1.0))
    m = (e4[...] > 0.0).astype(jnp.float32)
    sdt = sig * jnp.float32(T_STEP) * m

    def full_cumsum(x):
        incl = jnp.dot(x, U, preferred_element_type=jnp.float32,
                       precision=lax.Precision.HIGHEST)
        offs = jnp.dot(Lst, incl[:, R - 1:R],
                       preferred_element_type=jnp.float32,
                       precision=lax.Precision.HIGHEST)
        return incl + offs

    cs = full_cumsum(sdt)
    excl = cs - sdt

    neg = jnp.float32(-3.0e38)
    s = jnp.where(istart[...] > 0.0, excl, neg)
    mm = s
    k = 1
    while k < R:
        sh = jnp.concatenate(
            [jnp.full((R, k), neg, jnp.float32), mm[:, :R - k]], axis=1)
        mm = jnp.maximum(mm, sh)
        k *= 2
    rowmax = mm[:, R - 1:R]
    prev = jnp.concatenate(
        [jnp.full((1, 1), neg, jnp.float32), rowmax[:R - 1, :]], axis=0)
    k = 1
    while k < R:
        sh = jnp.concatenate(
            [jnp.full((k, 1), neg, jnp.float32), prev[:R - k, :]], axis=0)
        prev = jnp.maximum(prev, sh)
        k *= 2
    segoff = jnp.maximum(mm, prev)
    excl_in = excl - segoff
    T = jnp.exp(-excl_in)
    w = T * (1.0 - jnp.exp(-sdt))

    ga, gb, gc = g0[...], g1[...], g2[...]
    nrm = jnp.sqrt(ga * ga + gb * gb + gc * gc) + jnp.float32(1e-12)
    inv_n = w / nrm
    chans = (w, w * e1[...], w * e2[...], w * e3[...], w * tmid[...],
             inv_n * ga, inv_n * gb, inv_n * gc)
    souts = (s0, s1, s2, s3, s4, s5, s6, s7)
    for c in range(8):
        souts[c][...] = full_cumsum(chans[c])


def kernel(rays_o, rays_d, rays_d_norm, near, far, ray_indices, table, beta):
    n_rays = rays_o.shape[0]
    N = ray_indices.shape[0]
    R = 512

    ri = ray_indices.astype(jnp.int32)
    ar = jnp.arange(n_rays, dtype=jnp.int32)
    first_idx = jnp.searchsorted(ri, ar, side="left").astype(jnp.int32)
    end_idx = jnp.searchsorted(ri, ar, side="right").astype(jnp.int32)
    pos = jnp.arange(N, dtype=jnp.int32) - first_idx[ri]
    t_nears = near + pos.astype(jnp.float32) * T_STEP
    t_mid = 0.5 * (t_nears + (t_nears + T_STEP))
    x = rays_o[ri] + t_mid[:, None] * rays_d[ri]
    gq = x / VOXEL_SIZE
    g0f = jnp.floor(gq)
    f = gq - g0f
    gi = g0f.astype(jnp.int32)

    corner_idx = []
    for j in range(8):
        dx, dy, dz = (j >> 2) & 1, (j >> 1) & 1, j & 1
        h = (((gi[:, 0] + dx) * P1) ^ ((gi[:, 1] + dy) * P2)
             ^ ((gi[:, 2] + dz) * P3))
        corner_idx.append(jnp.mod(h, N_TABLE))
    idx8 = jnp.stack(corner_idx, axis=1)
    idx_fold = idx8.reshape(-1)
    table_fold = jnp.pad(table, ((0, 0), (0, 123)))

    g_rows = _sc_gather_kernel(N)(table_fold, idx_fold)
    g2 = g_rows.reshape(N, 1024)

    nb = N // _BS
    O = pl.pallas_call(
        _tc_interp_kernel,
        grid=(nb,),
        in_specs=[
            pl.BlockSpec((_BS, 1024), lambda i: (i, 0)),
            pl.BlockSpec((_BS, 1), lambda i: (i, 0)),
            pl.BlockSpec((_BS, 1), lambda i: (i, 0)),
            pl.BlockSpec((_BS, 1), lambda i: (i, 0)),
        ],
        out_specs=pl.BlockSpec((_BS, 16), lambda i: (i, 0)),
        out_shape=jax.ShapeDtypeStruct((N, 16), jnp.float32),
    )(g2, f[:, 0:1], f[:, 1:2], f[:, 2:3])

    bsc = (MIN_BETA + jnp.abs(beta)).reshape(1, 1)
    istart = jnp.concatenate(
        [jnp.ones((1,), jnp.float32),
         (ri[1:] != ri[:-1]).astype(jnp.float32)])
    sq = lambda a: a.reshape(R, R)
    outs = pl.pallas_call(
        _tc_scan_kernel,
        out_shape=[jax.ShapeDtypeStruct((R, R), jnp.float32)
                   for _ in range(8)],
    )(sq(O[:, 0]), sq(O[:, 1]), sq(O[:, 2]), sq(O[:, 3]), sq(O[:, 4]),
      sq(O[:, 5]), sq(O[:, 6]), sq(O[:, 7]),
      sq(t_mid), sq(istart), bsc)

    zero = jnp.zeros((1,), jnp.float32)
    per_ray = []
    for c in range(8):
        Sp = jnp.concatenate([zero, outs[c].reshape(-1)])
        per_ray.append(Sp[end_idx] - Sp[first_idx])
    acc = per_ray[0][:, None]
    rgb = jnp.stack(per_ray[1:4], axis=1)
    depth = per_ray[4][:, None] / rays_d_norm
    nrm_o = jnp.stack(per_ray[5:8], axis=1)
    sdf_grads = O[:, 5:8]
    nears = jnp.full((n_rays, 1), near, dtype=jnp.float32) / rays_d_norm
    fars = jnp.full((n_rays, 1), far, dtype=jnp.float32) / rays_d_norm
    return rgb, depth, nrm_o, acc, sdf_grads, nears, fars

# --- scband reference (transcript-rebuilt; emitter-appended) ---
"""Pipeline reference for scband-plain-voxels-53626961658337 (READ-ONLY COPY).

The authoritative reference and input builder live on the scoring server;
editing this copy changes nothing except your own understanding.
"""

import jax, jax.numpy as jnp
import numpy as np

VOXEL_SIZE = 0.015
MIN_BETA = VOXEL_SIZE
T_STEP = 0.01
N_TABLE = 2560000
P1, P2, P3 = 73856093, 19349663, 83492791


def _hash(gi):
    h = gi[..., 0] * P1 ^ gi[..., 1] * P2 ^ gi[..., 2] * P3
    return jnp.mod(h, N_TABLE)


def _interp(p, table):
    # trilinear interpolation into spatially-hashed sparse-dense voxel grid
    g = p / VOXEL_SIZE
    g0 = jnp.floor(g)
    f = g - g0
    gi = g0.astype(jnp.int32)
    emb = jnp.zeros((table.shape[-1],), dtype=table.dtype)
    for dx in (0, 1):
        for dy in (0, 1):
            for dz in (0, 1):
                off = jnp.array([dx, dy, dz], dtype=jnp.int32)
                idx = _hash(gi + off)
                w = (f[0] if dx else 1.0 - f[0]) * (f[1] if dy else 1.0 - f[1]) * (f[2] if dz else 1.0 - f[2])
                emb = emb + w * table[idx]
    return emb


def setup_inputs(seed: int = 0) -> dict:
    key = jax.random.key(seed)
    ks = jax.random.split(key, 6)
    n_rays = 4096
    total = 262144
    rays_o = jax.random.normal(ks[0], (n_rays, 3), dtype=jnp.float32)
    rays_d = jax.random.normal(ks[1], (n_rays, 3), dtype=jnp.float32)
    rays_d_norm = jax.random.uniform(ks[2], (n_rays, 1), dtype=jnp.float32) + 0.5
    ray_indices = jnp.sort(jax.random.randint(ks[3], (total,), 0, n_rays, dtype=jnp.int64))
    table = jax.random.normal(ks[4], (N_TABLE, 5), dtype=jnp.float32) * 0.1
    beta = jnp.array([2.0 * VOXEL_SIZE], dtype=jnp.float32)
    return {"rays_o": rays_o, "rays_d": rays_d, "rays_d_norm": rays_d_norm,
            "near": 0, "far": 3, "ray_indices": ray_indices,
            "table": table, "beta": beta}


def reference(rays_o, rays_d, rays_d_norm, near, far, ray_indices, table, beta):
    n_rays = rays_o.shape[0]
    N = ray_indices.shape[0]
    idx = jnp.arange(N)
    first_idx = jax.ops.segment_min(idx, ray_indices, num_segments=n_rays)
    first_idx = jnp.minimum(first_idx, N - 1)
    pos = idx - first_idx[ray_indices]
    t_nears = (near + pos.astype(jnp.float32) * T_STEP)[:, None]
    t_fars = t_nears + T_STEP
    t_mid = 0.5 * (t_nears + t_fars)
    x = rays_o[ray_indices] + t_mid * rays_d[ray_indices]
    emb = jax.vmap(_interp, in_axes=(0, None))(x, table)
    masks = emb[:, 4] > 0.0
    sdfs = emb[:, 0:1]
    rgbs = emb[:, 1:4]
    sdf_fn = lambda p: _interp(p, table)[0]
    sdf_grads = jax.vmap(jax.grad(sdf_fn))(x)
    normals = sdf_grads / (jnp.linalg.norm(sdf_grads, axis=-1, keepdims=True) + 1e-12)
    # SDFToDensity
    b = MIN_BETA + jnp.abs(beta)
    alpha = 1.0 / b
    sigmas = alpha * (0.5 + 0.5 * jnp.sign(sdfs) * jnp.expm1(-jnp.abs(sdfs) / b))
    m = masks.astype(jnp.float32)[:, None]
    sdt = (sigmas * (t_fars - t_nears) * m)[:, 0]
    # render_weight_from_density: per-ray exclusive cumsum transmittance
    cs = jnp.cumsum(sdt)
    excl = cs - sdt
    seg_off = excl[first_idx]
    excl_in = excl - seg_off[ray_indices]
    T = jnp.exp(-excl_in)
    w = (T * (1.0 - jnp.exp(-sdt)))[:, None]
    rgb = jax.ops.segment_sum(w * rgbs, ray_indices, num_segments=n_rays)
    depth = jax.ops.segment_sum(w * t_mid, ray_indices, num_segments=n_rays) / rays_d_norm
    nrm = jax.ops.segment_sum(w * normals, ray_indices, num_segments=n_rays)
    acc = jax.ops.segment_sum(w, ray_indices, num_segments=n_rays)
    nears = jnp.full((n_rays, 1), near, dtype=jnp.float32) / rays_d_norm
    fars = jnp.full((n_rays, 1), far, dtype=jnp.float32) / rays_d_norm
    return rgb, depth, nrm, acc, sdf_grads, nears, fars

if __name__ == "__main__":
    import jax
    _d = setup_inputs()
    print(jax.jit(kernel)(*tuple(_d.values())))

</pallas_src>

<mosaic_0001>
#map = affine_map<(d0, d1) -> (0, 0)>
#map1 = affine_map<(d0, d1) -> (0)>
module attributes {stable_mosaic.version = 14 : i64} {
  func.func @k(%arg0: i32, %arg1: i32, %arg2: memref<2560000x128xf32, #tpu.memory_space<hbm>>, %arg3: memref<2097152xi32, #tpu.memory_space<hbm>>, %arg4: memref<2097152x128xf32, #tpu.memory_space<hbm>>, %arg5: memref<512xi32, #tpu.memory_space<vmem>>, %arg6: memref<512x128xf32, #tpu.memory_space<vmem>>, %arg7: memref<!tpu.dma_semaphore, #tpu.memory_space<semaphore_mem>>) attributes {dimension_semantics = [#tpu.dimension_semantics<core_parallel>, #tpu.dimension_semantics<subcore_parallel>], iteration_bounds = array<i64: 2, 16>, scalar_prefetch = 0 : i64, scratch_operands = 3 : i64, tpu.core_type = #tpu.core_type<sc_vector_subcore>, window_params = [{transform_indices = #map}, {transform_indices = #map1}, {transform_indices = #map}]} {
    %mul3A = arith.constant 2 : i32
    %mul3A_0 = arith.muli %arg1, %mul3A : i32
    %add3A = arith.addi %mul3A_0, %arg0 : i32
    %scan3A = arith.constant 0 : i32
    %scan3A_1 = arith.constant 0 : i32
    %scan3A_2 = arith.constant 128 : i32
    %scan3A_3 = arith.addi %scan3A_1, %scan3A_2 : i32
    %scan3A_4 = arith.constant 1 : i32
    scf.for %scan3A_6 = %scan3A_1 to %scan3A_3 step %scan3A_4  : i32 {
      %mul3A_7 = arith.constant 128 : i32
      %mul3A_8 = arith.muli %add3A, %mul3A_7 : i32
      %add3A_9 = arith.addi %mul3A_8, %scan3A_6 : i32
      %mul3A_10 = arith.constant 64 : i32
      %mul3A_11 = arith.muli %add3A_9, %mul3A_10 : i32
      %multiple_of3A = tpu.assume_multiple %mul3A_11, 64 : i32
      %mul3A_12 = arith.constant 8 : i32
      %mul3A_13 = arith.muli %multiple_of3A, %mul3A_12 : i32
      %multiple_of3A_14 = tpu.assume_multiple %mul3A_13, 512 : i32
      "tpu.region"() ({
        %run_scoped3A = tpu.sem_alloc : memref<!tpu.dma_semaphore, #tpu.memory_space<semaphore_mem>>
        %dma_start3A_77 = tpu.memref_slice %arg3[%multiple_of3A_14] : memref<2097152xi32, #tpu.memory_space<hbm>> -> memref<512xi32, #tpu.memory_space<hbm>>
        %dma_start3A_78 = tpu.memref_slice %arg3[%multiple_of3A_14] : memref<2097152xi32, #tpu.memory_space<hbm>> -> memref<512xi32, #tpu.memory_space<hbm>>
        tpu.enqueue_dma source(%dma_start3A_78 : memref<512xi32, #tpu.memory_space<hbm>>) target(%arg5 : memref<512xi32, #tpu.memory_space<vmem>>) target_semaphore(%run_scoped3A : memref<!tpu.dma_semaphore, #tpu.memory_space<semaphore_mem>>)
        %dma_wait3A_79 = tpu.memref_slice %arg3[%multiple_of3A_14] : memref<2097152xi32, #tpu.memory_space<hbm>> -> memref<512xi32, #tpu.memory_space<hbm>>
        %dma_wait3A_80 = tpu.memref_slice %arg3[%multiple_of3A_14] : memref<2097152xi32, #tpu.memory_space<hbm>> -> memref<512xi32, #tpu.memory_space<hbm>>
        tpu.wait_dma2 semaphore(%run_scoped3A : memref<!tpu.dma_semaphore, #tpu.memory_space<semaphore_mem>>) src(%dma_wait3A_80 : memref<512xi32, #tpu.memory_space<hbm>>) dst(%arg5 : memref<512xi32, #tpu.memory_space<vmem>>)
        tpu.yield
      }) : () -> ()
      %dma_start3A = arith.constant 0 : i32
      %dma_start3A_15 = arith.constant 0 : i32
      %dma_start3A_16 = tpu.memref_slice %arg6[%dma_start3A, %dma_start3A_15] : memref<512x128xf32, #tpu.memory_space<vmem>> -> memref<128x128xf32, #tpu.memory_space<vmem>>
      %dma_start3A_17 = arith.constant 0 : i32
      %dma_start3A_18 = tpu.memref_slice %arg5[%dma_start3A_17] : memref<512xi32, #tpu.memory_space<vmem>> -> memref<128xi32, #tpu.memory_space<vmem>>
      %dma_start3A_19 = arith.constant 0 : i32
      %dma_start3A_20 = arith.constant 0 : i32
      %dma_start3A_21 = tpu.memref_slice %arg2[%dma_start3A_19, %dma_start3A_20] : memref<2560000x128xf32, #tpu.memory_space<hbm>> -> memref<2560000x128xf32, #tpu.memory_space<hbm>>
      tpu.enqueue_indirect_dma source(%dma_start3A_21 : memref<2560000x128xf32, #tpu.memory_space<hbm>>) target(%dma_start3A_16 : memref<128x128xf32, #tpu.memory_space<vmem>>) offsets(%dma_start3A_18 : memref<128xi32, #tpu.memory_space<vmem>>) semaphore(%arg7 : memref<!tpu.dma_semaphore, #tpu.memory_space<semaphore_mem>>)
      %dma_start3A_22 = arith.constant 128 : i32
      %dma_start3A_23 = arith.constant 0 : i32
      %dma_start3A_24 = tpu.memref_slice %arg6[%dma_start3A_22, %dma_start3A_23] : memref<512x128xf32, #tpu.memory_space<vmem>> -> memref<128x128xf32, #tpu.memory_space<vmem>>
      %dma_start3A_25 = arith.constant 128 : i32
      %dma_start3A_26 = tpu.memref_slice %arg5[%dma_start3A_25] : memref<512xi32, #tpu.memory_space<vmem>> -> memref<128xi32, #tpu.memory_space<vmem>>
      %dma_start3A_27 = arith.constant 0 : i32
      %dma_start3A_28 = arith.constant 0 : i32
      %dma_start3A_29 = tpu.memref_slice %arg2[%dma_start3A_27, %dma_start3A_28] : memref<2560000x128xf32, #tpu.memory_space<hbm>> -> memref<2560000x128xf32, #tpu.memory_space<hbm>>
      tpu.enqueue_indirect_dma source(%dma_start3A_29 : memref<2560000x128xf32, #tpu.memory_space<hbm>>) target(%dma_start3A_24 : memref<128x128xf32, #tpu.memory_space<vmem>>) offsets(%dma_start3A_26 : memref<128xi32, #tpu.memory_space<vmem>>) semaphore(%arg7 : memref<!tpu.dma_semaphore, #tpu.memory_space<semaphore_mem>>)
      %dma_start3A_30 = arith.constant 256 : i32
      %dma_start3A_31 = arith.constant 0 : i32
      %dma_start3A_32 = tpu.memref_slice %arg6[%dma_start3A_30, %dma_start3A_31] : memref<512x128xf32, #tpu.memory_space<vmem>> -> memref<128x128xf32, #tpu.memory_space<vmem>>
      %dma_start3A_33 = arith.constant 256 : i32
      %dma_start3A_34 = tpu.memref_slice %arg5[%dma_start3A_33] : memref<512xi32, #tpu.memory_space<vmem>> -> memref<128xi32, #tpu.memory_space<vmem>>
      %dma_start3A_35 = arith.constant 0 : i32
      %dma_start3A_36 = arith.constant 0 : i32
      %dma_start3A_37 = tpu.memref_slice %arg2[%dma_start3A_35, %dma_start3A_36] : memref<2560000x128xf32, #tpu.memory_space<hbm>> -> memref<2560000x128xf32, #tpu.memory_space<hbm>>
      tpu.enqueue_indirect_dma source(%dma_start3A_37 : memref<2560000x128xf32, #tpu.memory_space<hbm>>) target(%dma_start3A_32 : memref<128x128xf32, #tpu.memory_space<vmem>>) offsets(%dma_start3A_34 : memref<128xi32, #tpu.memory_space<vmem>>) semaphore(%arg7 : memref<!tpu.dma_semaphore, #tpu.memory_space<semaphore_mem>>)
      %dma_start3A_38 = arith.constant 384 : i32
      %dma_start3A_39 = arith.constant 0 : i32
      %dma_start3A_40 = tpu.memref_slice %arg6[%dma_start3A_38, %dma_start3A_39] : memref<512x128xf32, #tpu.memory_space<vmem>> -> memref<128x128xf32, #tpu.memory_space<vmem>>
      %dma_start3A_41 = arith.constant 384 : i32
      %dma_start3A_42 = tpu.memref_slice %arg5[%dma_start3A_41] : memref<512xi32, #tpu.memory_space<vmem>> -> memref<128xi32, #tpu.memory_space<vmem>>
      %dma_start3A_43 = arith.constant 0 : i32
      %dma_start3A_44 = arith.constant 0 : i32
      %dma_start3A_45 = tpu.memref_slice %arg2[%dma_start3A_43, %dma_start3A_44] : memref<2560000x128xf32, #tpu.memory_space<hbm>> -> memref<2560000x128xf32, #tpu.memory_space<hbm>>
      tpu.enqueue_indirect_dma source(%dma_start3A_45 : memref<2560000x128xf32, #tpu.memory_space<hbm>>) target(%dma_start3A_40 : memref<128x128xf32, #tpu.memory_space<vmem>>) offsets(%dma_start3A_42 : memref<128xi32, #tpu.memory_space<vmem>>) semaphore(%arg7 : memref<!tpu.dma_semaphore, #tpu.memory_space<semaphore_mem>>)
      %dma_wait3A = arith.constant 0 : i32
      %dma_wait3A_46 = arith.constant 0 : i32
      %dma_wait3A_47 = tpu.memref_slice %arg6[%dma_wait3A, %dma_wait3A_46] : memref<512x128xf32, #tpu.memory_space<vmem>> -> memref<128x128xf32, #tpu.memory_space<vmem>>
      %dma_wait3A_48 = arith.constant 0 : i32
      %dma_wait3A_49 = tpu.memref_slice %arg5[%dma_wait3A_48] : memref<512xi32, #tpu.memory_space<vmem>> -> memref<128xi32, #tpu.memory_space<vmem>>
      %dma_wait3A_50 = arith.constant 0 : i32
      %dma_wait3A_51 = arith.constant 0 : i32
      %dma_wait3A_52 = tpu.memref_slice %arg2[%dma_wait3A_50, %dma_wait3A_51] : memref<2560000x128xf32, #tpu.memory_space<hbm>> -> memref<2560000x128xf32, #tpu.memory_space<hbm>>
      tpu.wait_indirect_dma semaphore(%arg7 : memref<!tpu.dma_semaphore, #tpu.memory_space<semaphore_mem>>) src(%dma_wait3A_52 : memref<2560000x128xf32, #tpu.memory_space<hbm>>) dst(%dma_wait3A_47 : memref<128x128xf32, #tpu.memory_space<vmem>>)
      %dma_wait3A_53 = arith.constant 128 : i32
      %dma_wait3A_54 = arith.constant 0 : i32
      %dma_wait3A_55 = tpu.memref_slice %arg6[%dma_wait3A_53, %dma_wait3A_54] : memref<512x128xf32, #tpu.memory_space<vmem>> -> memref<128x128xf32, #tpu.memory_space<vmem>>
      %dma_wait3A_56 = arith.constant 128 : i32
      %dma_wait3A_57 = tpu.memref_slice %arg5[%dma_wait3A_56] : memref<512xi32, #tpu.memory_space<vmem>> -> memref<128xi32, #tpu.memory_space<vmem>>
      %dma_wait3A_58 = arith.constant 0 : i32
      %dma_wait3A_59 = arith.constant 0 : i32
      %dma_wait3A_60 = tpu.memref_slice %arg2[%dma_wait3A_58, %dma_wait3A_59] : memref<2560000x128xf32, #tpu.memory_space<hbm>> -> memref<2560000x128xf32, #tpu.memory_space<hbm>>
      tpu.wait_indirect_dma semaphore(%arg7 : memref<!tpu.dma_semaphore, #tpu.memory_space<semaphore_mem>>) src(%dma_wait3A_60 : memref<2560000x128xf32, #tpu.memory_space<hbm>>) dst(%dma_wait3A_55 : memref<128x128xf32, #tpu.memory_space<vmem>>)
      %dma_wait3A_61 = arith.constant 256 : i32
      %dma_wait3A_62 = arith.constant 0 : i32
      %dma_wait3A_63 = tpu.memref_slice %arg6[%dma_wait3A_61, %dma_wait3A_62] : memref<512x128xf32, #tpu.memory_space<vmem>> -> memref<128x128xf32, #tpu.memory_space<vmem>>
      %dma_wait3A_64 = arith.constant 256 : i32
      %dma_wait3A_65 = tpu.memref_slice %arg5[%dma_wait3A_64] : memref<512xi32, #tpu.memory_space<vmem>> -> memref<128xi32, #tpu.memory_space<vmem>>
      %dma_wait3A_66 = arith.constant 0 : i32
      %dma_wait3A_67 = arith.constant 0 : i32
      %dma_wait3A_68 = tpu.memref_slice %arg2[%dma_wait3A_66, %dma_wait3A_67] : memref<2560000x128xf32, #tpu.memory_space<hbm>> -> memref<2560000x128xf32, #tpu.memory_space<hbm>>
      tpu.wait_indirect_dma semaphore(%arg7 : memref<!tpu.dma_semaphore, #tpu.memory_space<semaphore_mem>>) src(%dma_wait3A_68 : memref<2560000x128xf32, #tpu.memory_space<hbm>>) dst(%dma_wait3A_63 : memref<128x128xf32, #tpu.memory_space<vmem>>)
      %dma_wait3A_69 = arith.constant 384 : i32
      %dma_wait3A_70 = arith.constant 0 : i32
      %dma_wait3A_71 = tpu.memref_slice %arg6[%dma_wait3A_69, %dma_wait3A_70] : memref<512x128xf32, #tpu.memory_space<vmem>> -> memref<128x128xf32, #tpu.memory_space<vmem>>
      %dma_wait3A_72 = arith.constant 384 : i32
      %dma_wait3A_73 = tpu.memref_slice %arg5[%dma_wait3A_72] : memref<512xi32, #tpu.memory_space<vmem>> -> memref<128xi32, #tpu.memory_space<vmem>>
      %dma_wait3A_74 = arith.constant 0 : i32
      %dma_wait3A_75 = arith.constant 0 : i32
      %dma_wait3A_76 = tpu.memref_slice %arg2[%dma_wait3A_74, %dma_wait3A_75] : memref<2560000x128xf32, #tpu.memory_space<hbm>> -> memref<2560000x128xf32, #tpu.memory_space<hbm>>
      tpu.wait_indirect_dma semaphore(%arg7 : memref<!tpu.dma_semaphore, #tpu.memory_space<semaphore_mem>>) src(%dma_wait3A_76 : memref<2560000x128xf32, #tpu.memory_space<hbm>>) dst(%dma_wait3A_71 : memref<128x128xf32, #tpu.memory_space<vmem>>)
      "tpu.region"() ({
        %run_scoped3A = tpu.sem_alloc : memref<!tpu.dma_semaphore, #tpu.memory_space<semaphore_mem>>
        %dma_start3A_77 = arith.constant 0 : i32
        %dma_start3A_78 = tpu.memref_slice %arg4[%multiple_of3A_14, %dma_start3A_77] : memref<2097152x128xf32, #tpu.memory_space<hbm>> -> memref<512x128xf32, #tpu.memory_space<hbm>>
        %dma_start3A_79 = arith.constant 0 : i32
        %dma_start3A_80 = tpu.memref_slice %arg4[%multiple_of3A_14, %dma_start3A_79] : memref<2097152x128xf32, #tpu.memory_space<hbm>> -> memref<512x128xf32, #tpu.memory_space<hbm>>
        tpu.enqueue_dma source(%arg6 : memref<512x128xf32, #tpu.memory_space<vmem>>) target(%dma_start3A_80 : memref<512x128xf32, #tpu.memory_space<hbm>>) target_semaphore(%run_scoped3A : memref<!tpu.dma_semaphore, #tpu.memory_space<semaphore_mem>>)
        %dma_wait3A_81 = arith.constant 0 : i32
        %dma_wait3A_82 = tpu.memref_slice %arg4[%multiple_of3A_14, %dma_wait3A_81] : memref<2097152x128xf32, #tpu.memory_space<hbm>> -> memref<512x128xf32, #tpu.memory_space<hbm>>
        %dma_wait3A_83 = arith.constant 0 : i32
        %dma_wait3A_84 = tpu.memref_slice %arg4[%multiple_of3A_14, %dma_wait3A_83] : memref<2097152x128xf32, #tpu.memory_space<hbm>> -> memref<512x128xf32, #tpu.memory_space<hbm>>
        tpu.wait_dma2 semaphore(%run_scoped3A : memref<!tpu.dma_semaphore, #tpu.memory_space<semaphore_mem>>) src(%arg6 : memref<512x128xf32, #tpu.memory_space<vmem>>) dst(%dma_wait3A_84 : memref<512x128xf32, #tpu.memory_space<hbm>>)
        tpu.yield
      }) : () -> ()
    }
    %scan3A_5 = arith.constant 128 : i32
    return
  }
}

module attributes {stable_mosaic.version = 14 : i64} {
  func.func @_tc_interp_kernel(%arg0: i32, %arg1: memref<1024x1024xf32, #tpu.memory_space<vmem>>, %arg2: memref<1024x1xf32, #tpu.memory_space<vmem>>, %arg3: memref<1024x1xf32, #tpu.memory_space<vmem>>, %arg4: memref<1024x1xf32, #tpu.memory_space<vmem>>, %arg5: memref<1024x16xf32, #tpu.memory_space<vmem>>) attributes {dimension_semantics = [#tpu.dimension_semantics<arbitrary>], iteration_bounds = array<i64: 256>, scalar_prefetch = 0 : i64, scratch_operands = 0 : i64, tpu.core_type = #tpu.core_type<tc>, window_params = [{transform_indices = @transform_0, window_bounds = array<i64: 1024, 1024>}, {transform_indices = @transform_1, window_bounds = array<i64: 1024, 1>}, {transform_indices = @transform_2, window_bounds = array<i64: 1024, 1>}, {transform_indices = @transform_3, window_bounds = array<i64: 1024, 1>}, {transform_indices = @transform_4, window_bounds = array<i64: 1024, 16>}]} {
    %get3A = arith.constant 0 : index
    %get3A_0 = arith.constant 0 : index
    %get3A_1 = vector.load %arg2[%get3A, %get3A_0] : memref<1024x1xf32, #tpu.memory_space<vmem>>, vector<1024x1xf32>
    %get3A_2 = arith.constant 0 : index
    %get3A_3 = arith.constant 0 : index
    %get3A_4 = vector.load %arg3[%get3A_2, %get3A_3] : memref<1024x1xf32, #tpu.memory_space<vmem>>, vector<1024x1xf32>
    %get3A_5 = arith.constant 0 : index
    %get3A_6 = arith.constant 0 : index
    %get3A_7 = vector.load %arg4[%get3A_5, %get3A_6] : memref<1024x1xf32, #tpu.memory_space<vmem>>, vector<1024x1xf32>
    %sub3A = arith.constant 1.000000e+00 : f32
    %sub3A_8 = vector.broadcast %sub3A : f32 to vector<1024x1xf32>
    %sub3A_9 = arith.subf %sub3A_8, %get3A_1 : vector<1024x1xf32>
    %sub3A_10 = arith.constant 1.000000e+00 : f32
    %sub3A_11 = vector.broadcast %sub3A_10 : f32 to vector<1024x1xf32>
    %sub3A_12 = arith.subf %sub3A_11, %get3A_4 : vector<1024x1xf32>
    %sub3A_13 = arith.constant 1.000000e+00 : f32
    %sub3A_14 = vector.broadcast %sub3A_13 : f32 to vector<1024x1xf32>
    %sub3A_15 = arith.subf %sub3A_14, %get3A_7 : vector<1024x1xf32>
    %broadcast_in_dim3A = arith.constant 0.000000e+00 : f32
    %broadcast_in_dim3A_16 = vector.broadcast %broadcast_in_dim3A : f32 to vector<1024x16xf32>
    %broadcast_in_dim3A_17 = arith.constant 0.000000e+00 : f32
    %broadcast_in_dim3A_18 = vector.broadcast %broadcast_in_dim3A_17 : f32 to vector<1024x1xf32>
    %broadcast_in_dim3A_19 = arith.constant 0.000000e+00 : f32
    %broadcast_in_dim3A_20 = vector.broadcast %broadcast_in_dim3A_19 : f32 to vector<1024x1xf32>
    %broadcast_in_dim3A_21 = arith.constant 0.000000e+00 : f32
    %broadcast_in_dim3A_22 = vector.broadcast %broadcast_in_dim3A_21 : f32 to vector<1024x1xf32>
    %get3A_23 = arith.constant 0 : index
    %get3A_24 = arith.constant 0 : index
    %get3A_25 = vector.load %arg1[%get3A_23, %get3A_24] : memref<1024x1024xf32, #tpu.memory_space<vmem>>, vector<1024x16xf32>
    %mul3A = arith.mulf %sub3A_9, %sub3A_12 : vector<1024x1xf32>
    %mul3A_26 = arith.mulf %mul3A, %sub3A_15 : vector<1024x1xf32>
    %mul3A_27 = vector.broadcast %mul3A_26 : vector<1024x1xf32> to vector<1024x16xf32>
    %mul3A_28 = arith.mulf %mul3A_27, %get3A_25 : vector<1024x16xf32>
    %add3A = arith.addf %broadcast_in_dim3A_16, %mul3A_28 : vector<1024x16xf32>
    %slice3A = vector.extract_strided_slice %get3A_25 {offsets = [0, 0], sizes = [1024, 1], strides = [1, 1]} : vector<1024x16xf32> to vector<1024x1xf32>
    %mul3A_29 = arith.mulf %sub3A_12, %sub3A_15 : vector<1024x1xf32>
    %mul3A_30 = arith.mulf %sub3A_9, %sub3A_15 : vector<1024x1xf32>
    %mul3A_31 = arith.mulf %sub3A_9, %sub3A_12 : vector<1024x1xf32>
    %mul3A_32 = arith.mulf %mul3A_29, %slice3A : vector<1024x1xf32>
    %sub3A_33 = arith.subf %broadcast_in_dim3A_18, %mul3A_32 : vector<1024x1xf32>
    %mul3A_34 = arith.mulf %mul3A_30, %slice3A : vector<1024x1xf32>
    %sub3A_35 = arith.subf %broadcast_in_dim3A_20, %mul3A_34 : vector<1024x1xf32>
    %mul3A_36 = arith.mulf %mul3A_31, %slice3A : vector<1024x1xf32>
    %sub3A_37 = arith.subf %broadcast_in_dim3A_22, %mul3A_36 : vector<1024x1xf32>
    %get3A_38 = arith.constant 0 : index
    %get3A_39 = arith.constant 128 : index
    %get3A_40 = vector.load %arg1[%get3A_38, %get3A_39] : memref<1024x1024xf32, #tpu.memory_space<vmem>>, vector<1024x16xf32>
    %mul3A_41 = arith.mulf %sub3A_9, %sub3A_12 : vector<1024x1xf32>
    %mul3A_42 = arith.mulf %mul3A_41, %get3A_7 : vector<1024x1xf32>
    %mul3A_43 = vector.broadcast %mul3A_42 : vector<1024x1xf32> to vector<1024x16xf32>
    %mul3A_44 = arith.mulf %mul3A_43, %get3A_40 : vector<1024x16xf32>
    %add3A_45 = arith.addf %add3A, %mul3A_44 : vector<1024x16xf32>
    %slice3A_46 = vector.extract_strided_slice %get3A_40 {offsets = [0, 0], sizes = [1024, 1], strides = [1, 1]} : vector<1024x16xf32> to vector<1024x1xf32>
    %mul3A_47 = arith.mulf %sub3A_12, %get3A_7 : vector<1024x1xf32>
    %mul3A_48 = arith.mulf %sub3A_9, %get3A_7 : vector<1024x1xf32>
    %mul3A_49 = arith.mulf %sub3A_9, %sub3A_12 : vector<1024x1xf32>
    %mul3A_50 = arith.mulf %mul3A_47, %slice3A_46 : vector<1024x1xf32>
    %sub3A_51 = arith.subf %sub3A_33, %mul3A_50 : vector<1024x1xf32>
    %mul3A_52 = arith.mulf %mul3A_48, %slice3A_46 : vector<1024x1xf32>
    %sub3A_53 = arith.subf %sub3A_35, %mul3A_52 : vector<1024x1xf32>
    %mul3A_54 = arith.mulf %mul3A_49, %slice3A_46 : vector<1024x1xf32>
    %add3A_55 = arith.addf %sub3A_37, %mul3A_54 : vector<1024x1xf32>
    %get3A_56 = arith.constant 0 : index
    %get3A_57 = arith.constant 256 : index
    %get3A_58 = vector.load %arg1[%get3A_56, %get3A_57] : memref<1024x1024xf32, #tpu.memory_space<vmem>>, vector<1024x16xf32>
    %mul3A_59 = arith.mulf %sub3A_9, %get3A_4 : vector<1024x1xf32>
    %mul3A_60 = arith.mulf %mul3A_59, %sub3A_15 : vector<1024x1xf32>
    %mul3A_61 = vector.broadcast %mul3A_60 : vector<1024x1xf32> to vector<1024x16xf32>
    %mul3A_62 = arith.mulf %mul3A_61, %get3A_58 : vector<1024x16xf32>
    %add3A_63 = arith.addf %add3A_45, %mul3A_62 : vector<1024x16xf32>
    %slice3A_64 = vector.extract_strided_slice %get3A_58 {offsets = [0, 0], sizes = [1024, 1], strides = [1, 1]} : vector<1024x16xf32> to vector<1024x1xf32>
    %mul3A_65 = arith.mulf %get3A_4, %sub3A_15 : vector<1024x1xf32>
    %mul3A_66 = arith.mulf %sub3A_9, %sub3A_15 : vector<1024x1xf32>
    %mul3A_67 = arith.mulf %sub3A_9, %get3A_4 : vector<1024x1xf32>
    %mul3A_68 = arith.mulf %mul3A_65, %slice3A_64 : vector<1024x1xf32>
    %sub3A_69 = arith.subf %sub3A_51, %mul3A_68 : vector<1024x1xf32>
    %mul3A_70 = arith.mulf %mul3A_66, %slice3A_64 : vector<1024x1xf32>
    %add3A_71 = arith.addf %sub3A_53, %mul3A_70 : vector<1024x1xf32>
    %mul3A_72 = arith.mulf %mul3A_67, %slice3A_64 : vector<1024x1xf32>
    %sub3A_73 = arith.subf %add3A_55, %mul3A_72 : vector<1024x1xf32>
    %get3A_74 = arith.constant 0 : index
    %get3A_75 = arith.constant 384 : index
    %get3A_76 = vector.load %arg1[%get3A_74, %get3A_75] : memref<1024x1024xf32, #tpu.memory_space<vmem>>, vector<1024x16xf32>
    %mul3A_77 = arith.mulf %sub3A_9, %get3A_4 : vector<1024x1xf32>
    %mul3A_78 = arith.mulf %mul3A_77, %get3A_7 : vector<1024x1xf32>
    %mul3A_79 = vector.broadcast %mul3A_78 : vector<1024x1xf32> to vector<1024x16xf32>
    %mul3A_80 = arith.mulf %mul3A_79, %get3A_76 : vector<1024x16xf32>
    %add3A_81 = arith.addf %add3A_63, %mul3A_80 : vector<1024x16xf32>
    %slice3A_82 = vector.extract_strided_slice %get3A_76 {offsets = [0, 0], sizes = [1024, 1], strides = [1, 1]} : vector<1024x16xf32> to vector<1024x1xf32>
    %mul3A_83 = arith.mulf %get3A_4, %get3A_7 : vector<1024x1xf32>
    %mul3A_84 = arith.mulf %sub3A_9, %get3A_7 : vector<1024x1xf32>
    %mul3A_85 = arith.mulf %sub3A_9, %get3A_4 : vector<1024x1xf32>
    %mul3A_86 = arith.mulf %mul3A_83, %slice3A_82 : vector<1024x1xf32>
    %sub3A_87 = arith.subf %sub3A_69, %mul3A_86 : vector<1024x1xf32>
    %mul3A_88 = arith.mulf %mul3A_84, %slice3A_82 : vector<1024x1xf32>
    %add3A_89 = arith.addf %add3A_71, %mul3A_88 : vector<1024x1xf32>
    %mul3A_90 = arith.mulf %mul3A_85, %slice3A_82 : vector<1024x1xf32>
    %add3A_91 = arith.addf %sub3A_73, %mul3A_90 : vector<1024x1xf32>
    %get3A_92 = arith.constant 0 : index
    %get3A_93 = arith.constant 512 : index
    %get3A_94 = vector.load %arg1[%get3A_92, %get3A_93] : memref<1024x1024xf32, #tpu.memory_space<vmem>>, vector<1024x16xf32>
    %mul3A_95 = arith.mulf %get3A_1, %sub3A_12 : vector<1024x1xf32>
    %mul3A_96 = arith.mulf %mul3A_95, %sub3A_15 : vector<1024x1xf32>
    %mul3A_97 = vector.broadcast %mul3A_96 : vector<1024x1xf32> to vector<1024x16xf32>
    %mul3A_98 = arith.mulf %mul3A_97, %get3A_94 : vector<1024x16xf32>
    %add3A_99 = arith.addf %add3A_81, %mul3A_98 : vector<1024x16xf32>
    %slice3A_100 = vector.extract_strided_slice %get3A_94 {offsets = [0, 0], sizes = [1024, 1], strides = [1, 1]} : vector<1024x16xf32> to vector<1024x1xf32>
    %mul3A_101 = arith.mulf %sub3A_12, %sub3A_15 : vector<1024x1xf32>
    %mul3A_102 = arith.mulf %get3A_1, %sub3A_15 : vector<1024x1xf32>
    %mul3A_103 = arith.mulf %get3A_1, %sub3A_12 : vector<1024x1xf32>
    %mul3A_104 = arith.mulf %mul3A_101, %slice3A_100 : vector<1024x1xf32>
    %add3A_105 = arith.addf %sub3A_87, %mul3A_104 : vector<1024x1xf32>
    %mul3A_106 = arith.mulf %mul3A_102, %slice3A_100 : vector<1024x1xf32>
    %sub3A_107 = arith.subf %add3A_89, %mul3A_106 : vector<1024x1xf32>
    %mul3A_108 = arith.mulf %mul3A_103, %slice3A_100 : vector<1024x1xf32>
    %sub3A_109 = arith.subf %add3A_91, %mul3A_108 : vector<1024x1xf32>
    %get3A_110 = arith.constant 0 : index
    %get3A_111 = arith.constant 640 : index
    %get3A_112 = vector.load %arg1[%get3A_110, %get3A_111] : memref<1024x1024xf32, #tpu.memory_space<vmem>>, vector<1024x16xf32>
    %mul3A_113 = arith.mulf %get3A_1, %sub3A_12 : vector<1024x1xf32>
    %mul3A_114 = arith.mulf %mul3A_113, %get3A_7 : vector<1024x1xf32>
    %mul3A_115 = vector.broadcast %mul3A_114 : vector<1024x1xf32> to vector<1024x16xf32>
    %mul3A_116 = arith.mulf %mul3A_115, %get3A_112 : vector<1024x16xf32>
    %add3A_117 = arith.addf %add3A_99, %mul3A_116 : vector<1024x16xf32>
    %slice3A_118 = vector.extract_strided_slice %get3A_112 {offsets = [0, 0], sizes = [1024, 1], strides = [1, 1]} : vector<1024x16xf32> to vector<1024x1xf32>
    %mul3A_119 = arith.mulf %sub3A_12, %get3A_7 : vector<1024x1xf32>
    %mul3A_120 = arith.mulf %get3A_1, %get3A_7 : vector<1024x1xf32>
    %mul3A_121 = arith.mulf %get3A_1, %sub3A_12 : vector<1024x1xf32>
    %mul3A_122 = arith.mulf %mul3A_119, %slice3A_118 : vector<1024x1xf32>
    %add3A_123 = arith.addf %add3A_105, %mul3A_122 : vector<1024x1xf32>
    %mul3A_124 = arith.mulf %mul3A_120, %slice3A_118 : vector<1024x1xf32>
    %sub3A_125 = arith.subf %sub3A_107, %mul3A_124 : vector<1024x1xf32>
    %mul3A_126 = arith.mulf %mul3A_121, %slice3A_118 : vector<1024x1xf32>
    %add3A_127 = arith.addf %sub3A_109, %mul3A_126 : vector<1024x1xf32>
    %get3A_128 = arith.constant 0 : index
    %get3A_129 = arith.constant 768 : index
    %get3A_130 = vector.load %arg1[%get3A_128, %get3A_129] : memref<1024x1024xf32, #tpu.memory_space<vmem>>, vector<1024x16xf32>
    %mul3A_131 = arith.mulf %get3A_1, %get3A_4 : vector<1024x1xf32>
    %mul3A_132 = arith.mulf %mul3A_131, %sub3A_15 : vector<1024x1xf32>
    %mul3A_133 = vector.broadcast %mul3A_132 : vector<1024x1xf32> to vector<1024x16xf32>
    %mul3A_134 = arith.mulf %mul3A_133, %get3A_130 : vector<1024x16xf32>
    %add3A_135 = arith.addf %add3A_117, %mul3A_134 : vector<1024x16xf32>
    %slice3A_136 = vector.extract_strided_slice %get3A_130 {offsets = [0, 0], sizes = [1024, 1], strides = [1, 1]} : vector<1024x16xf32> to vector<1024x1xf32>
    %mul3A_137 = arith.mulf %get3A_4, %sub3A_15 : vector<1024x1xf32>
    %mul3A_138 = arith.mulf %get3A_1, %sub3A_15 : vector<1024x1xf32>
    %mul3A_139 = arith.mulf %get3A_1, %get3A_4 : vector<1024x1xf32>
    %mul3A_140 = arith.mulf %mul3A_137, %slice3A_136 : vector<1024x1xf32>
    %add3A_141 = arith.addf %add3A_123, %mul3A_140 : vector<1024x1xf32>
    %mul3A_142 = arith.mulf %mul3A_138, %slice3A_136 : vector<1024x1xf32>
    %add3A_143 = arith.addf %sub3A_125, %mul3A_142 : vector<1024x1xf32>
    %mul3A_144 = arith.mulf %mul3A_139, %slice3A_136 : vector<1024x1xf32>
    %sub3A_145 = arith.subf %add3A_127, %mul3A_144 : vector<1024x1xf32>
    %get3A_146 = arith.constant 0 : index
    %get3A_147 = arith.constant 896 : index
    %get3A_148 = vector.load %arg1[%get3A_146, %get3A_147] : memref<1024x1024xf32, #tpu.memory_space<vmem>>, vector<1024x16xf32>
    %mul3A_149 = arith.mulf %get3A_1, %get3A_4 : vector<1024x1xf32>
    %mul3A_150 = arith.mulf %mul3A_149, %get3A_7 : vector<1024x1xf32>
    %mul3A_151 = vector.broadcast %mul3A_150 : vector<1024x1xf32> to vector<1024x16xf32>
    %mul3A_152 = arith.mulf %mul3A_151, %get3A_148 : vector<1024x16xf32>
    %add3A_153 = arith.addf %add3A_135, %mul3A_152 : vector<1024x16xf32>
    %slice3A_154 = vector.extract_strided_slice %get3A_148 {offsets = [0, 0], sizes = [1024, 1], strides = [1, 1]} : vector<1024x16xf32> to vector<1024x1xf32>
    %mul3A_155 = arith.mulf %get3A_4, %get3A_7 : vector<1024x1xf32>
    %mul3A_156 = arith.mulf %get3A_1, %get3A_7 : vector<1024x1xf32>
    %mul3A_157 = arith.mulf %get3A_1, %get3A_4 : vector<1024x1xf32>
    %mul3A_158 = arith.mulf %mul3A_155, %slice3A_154 : vector<1024x1xf32>
    %add3A_159 = arith.addf %add3A_141, %mul3A_158 : vector<1024x1xf32>
    %mul3A_160 = arith.mulf %mul3A_156, %slice3A_154 : vector<1024x1xf32>
    %add3A_161 = arith.addf %add3A_143, %mul3A_160 : vector<1024x1xf32>
    %mul3A_162 = arith.mulf %mul3A_157, %slice3A_154 : vector<1024x1xf32>
    %add3A_163 = arith.addf %sub3A_145, %mul3A_162 : vector<1024x1xf32>
    %slice3A_164 = vector.extract_strided_slice %add3A_153 {offsets = [0, 0], sizes = [1024, 5], strides = [1, 1]} : vector<1024x16xf32> to vector<1024x5xf32>
    %mul3A_165 = arith.constant 66.6666641 : f32
    %mul3A_166 = vector.broadcast %mul3A_165 : f32 to vector<1024x1xf32>
    %mul3A_167 = arith.mulf %add3A_159, %mul3A_166 : vector<1024x1xf32>
    %mul3A_168 = arith.constant 66.6666641 : f32
    %mul3A_169 = vector.broadcast %mul3A_168 : f32 to vector<1024x1xf32>
    %mul3A_170 = arith.mulf %add3A_161, %mul3A_169 : vector<1024x1xf32>
    %mul3A_171 = arith.constant 66.6666641 : f32
    %mul3A_172 = vector.broadcast %mul3A_171 : f32 to vector<1024x1xf32>
    %mul3A_173 = arith.mulf %add3A_163, %mul3A_172 : vector<1024x1xf32>
    %slice3A_174 = vector.extract_strided_slice %add3A_153 {offsets = [0, 8], sizes = [1024, 8], strides = [1, 1]} : vector<1024x16xf32> to vector<1024x8xf32>
    %concatenate3A = tpu.concatenate %slice3A_164, %mul3A_167, %mul3A_170, %mul3A_173, %slice3A_174 in 1 : vector<1024x5xf32>, vector<1024x1xf32>, vector<1024x1xf32>, vector<1024x1xf32>, vector<1024x8xf32> -> vector<1024x16xf32>
    %swap3A = arith.constant 0 : index
    %swap3A_175 = arith.constant 0 : index
    %swap3A_176 = vector.load %arg5[%swap3A, %swap3A_175] : memref<1024x16xf32, #tpu.memory_space<vmem>>, vector<1024x16xf32>
    tpu.vector_store %arg5[%swap3A, %swap3A_175], %concatenate3A {strides = array<i32>} : memref<1024x16xf32, #tpu.memory_space<vmem>>, vector<1024x16xf32>,
    return
  }
  func.func @transform_0(%arg0: i32) -> (i32, i32) {
    %c0_i32 = arith.constant 0 : i32
    %c0_i32_0 = arith.constant 0 : i32
    return %arg0, %c0_i32 : i32, i32
  }
  func.func @transform_1(%arg0: i32) -> (i32, i32) {
    %c0_i32 = arith.constant 0 : i32
    %c0_i32_0 = arith.constant 0 : i32
    return %arg0, %c0_i32 : i32, i32
  }
  func.func @transform_2(%arg0: i32) -> (i32, i32) {
    %c0_i32 = arith.constant 0 : i32
    %c0_i32_0 = arith.constant 0 : i32
    return %arg0, %c0_i32 : i32, i32
  }
  func.func @transform_3(%arg0: i32) -> (i32, i32) {
    %c0_i32 = arith.constant 0 : i32
    %c0_i32_0 = arith.constant 0 : i32
    return %arg0, %c0_i32 : i32, i32
  }
  func.func @transform_4(%arg0: i32) -> (i32, i32) {
    %c0_i32 = arith.constant 0 : i32
    %c0_i32_0 = arith.constant 0 : i32
    return %arg0, %c0_i32 : i32, i32
  }
}

module attributes {stable_mosaic.version = 14 : i64} {
  func.func @_tc_scan_kernel(%arg0: memref<512x512xf32, #tpu.memory_space<vmem>>, %arg1: memref<512x512xf32, #tpu.memory_space<vmem>>, %arg2: memref<512x512xf32, #tpu.memory_space<vmem>>, %arg3: memref<512x512xf32, #tpu.memory_space<vmem>>, %arg4: memref<512x512xf32, #tpu.memory_space<vmem>>, %arg5: memref<512x512xf32, #tpu.memory_space<vmem>>, %arg6: memref<512x512xf32, #tpu.memory_space<vmem>>, %arg7: memref<512x512xf32, #tpu.memory_space<vmem>>, %arg8: memref<512x512xf32, #tpu.memory_space<vmem>>, %arg9: memref<512x512xf32, #tpu.memory_space<vmem>>, %arg10: memref<1x1xf32, #tpu.memory_space<vmem>>, %arg11: memref<512x512xf32, #tpu.memory_space<vmem>>, %arg12: memref<512x512xf32, #tpu.memory_space<vmem>>, %arg13: memref<512x512xf32, #tpu.memory_space<vmem>>, %arg14: memref<512x512xf32, #tpu.memory_space<vmem>>, %arg15: memref<512x512xf32, #tpu.memory_space<vmem>>, %arg16: memref<512x512xf32, #tpu.memory_space<vmem>>, %arg17: memref<512x512xf32, #tpu.memory_space<vmem>>, %arg18: memref<512x512xf32, #tpu.memory_space<vmem>>) attributes {dimension_semantics = [], scalar_prefetch = 0 : i64, scratch_operands = 0 : i64, tpu.core_type = #tpu.core_type<tc>} {
    %get3A = arith.constant 0 : index
    %get3A_0 = arith.constant 0 : index
    %get3A_1 = vector.load %arg10[%get3A, %get3A_0] : memref<1x1xf32, #tpu.memory_space<vmem>>, vector<1x1xf32>
    %get3A_2 = vector.extract %get3A_1[0, 0] : f32 from vector<1x1xf32>
    %div3A = arith.constant 1.000000e+00 : f32
    %div3A_3 = arith.divf %div3A, %get3A_2 : f32
    %iota3A = tpu.iota {dimensions = array<i32: 0>} : vector<512x512xi32>
    %iota3A_4 = tpu.iota {dimensions = array<i32: 1>} : vector<512x512xi32>
    %le3A = arith.cmpi sle, %iota3A, %iota3A_4 : vector<512x512xi32>
    %convert_element_type3A = arith.extui %le3A : vector<512x512xi1> to vector<512x512xi32>
    %convert_element_type3A_5 = arith.sitofp %convert_element_type3A : vector<512x512xi32> to vector<512x512xf32>
    %lt3A = arith.cmpi slt, %iota3A_4, %iota3A : vector<512x512xi32>
    %convert_element_type3A_6 = arith.extui %lt3A : vector<512x512xi1> to vector<512x512xi32>
    %convert_element_type3A_7 = arith.sitofp %convert_element_type3A_6 : vector<512x512xi32> to vector<512x512xf32>
    %get3A_8 = arith.constant 0 : index
    %get3A_9 = arith.constant 0 : index
    %get3A_10 = vector.load %arg0[%get3A_8, %get3A_9] : memref<512x512xf32, #tpu.memory_space<vmem>>, vector<512x512xf32>
    %sign3A = tpu.bitcast %get3A_10 : vector<512x512xf32> -> vector<512x512xi32>
    %sign3A_11 = arith.constant -2147483648 : i32
    %sign3A_12 = vector.broadcast %sign3A_11 : i32 to vector<512x512xi32>
    %sign3A_13 = arith.andi %sign3A, %sign3A_12 : vector<512x512xi32>
    %sign3A_14 = arith.constant 1065353216 : i32
    %sign3A_15 = vector.broadcast %sign3A_14 : i32 to vector<512x512xi32>
    %sign3A_16 = arith.ori %sign3A_15, %sign3A_13 : vector<512x512xi32>
    %sign3A_17 = tpu.bitcast %sign3A_16 : vector<512x512xi32> -> vector<512x512xf32>
    %sign3A_18 = math.absf %get3A_10 : vector<512x512xf32>
    %sign3A_19 = arith.constant 0.000000e+00 : f32
    %sign3A_20 = vector.broadcast %sign3A_19 : f32 to vector<512x512xf32>
    %sign3A_21 = arith.cmpf ogt, %sign3A_18, %sign3A_20 : vector<512x512xf32>
    %sign3A_22 = arith.select %sign3A_21, %sign3A_17, %get3A_10 : vector<512x512xi1>, vector<512x512xf32>
    %mul3A = arith.constant 5.000000e-01 : f32
    %mul3A_23 = vector.broadcast %mul3A : f32 to vector<512x512xf32>
    %mul3A_24 = arith.mulf %mul3A_23, %sign3A_22 : vector<512x512xf32>
    %abs3A = math.absf %get3A_10 : vector<512x512xf32>
    %neg3A = arith.constant 0.000000e+00 : f32
    %neg3A_25 = vector.broadcast %neg3A : f32 to vector<512x512xf32>
    %neg3A_26 = arith.subf %neg3A_25, %abs3A : vector<512x512xf32>
    %div3A_27 = vector.broadcast %get3A_2 : f32 to vector<512x512xf32>
    %div3A_28 = arith.divf %neg3A_26, %div3A_27 : vector<512x512xf32>
    %exp3A = math.exp %div3A_28 : vector<512x512xf32>
    %sub3A = arith.constant 1.000000e+00 : f32
    %sub3A_29 = vector.broadcast %sub3A : f32 to vector<512x512xf32>
    %sub3A_30 = arith.subf %exp3A, %sub3A_29 : vector<512x512xf32>
    %mul3A_31 = arith.mulf %mul3A_24, %sub3A_30 : vector<512x512xf32>
    %add3A = arith.constant 5.000000e-01 : f32
    %add3A_32 = vector.broadcast %add3A : f32 to vector<512x512xf32>
    %add3A_33 = arith.addf %add3A_32, %mul3A_31 : vector<512x512xf32>
    %mul3A_34 = vector.broadcast %div3A_3 : f32 to vector<512x512xf32>
    %mul3A_35 = arith.mulf %mul3A_34, %add3A_33 : vector<512x512xf32>
    %get3A_36 = arith.constant 0 : index
    %get3A_37 = arith.constant 0 : index
    %get3A_38 = vector.load %arg4[%get3A_36, %get3A_37] : memref<512x512xf32, #tpu.memory_space<vmem>>, vector<512x512xf32>
    %gt3A = arith.constant 0.000000e+00 : f32
    %gt3A_39 = vector.broadcast %gt3A : f32 to vector<512x512xf32>
    %gt3A_40 = arith.cmpf ogt, %get3A_38, %gt3A_39 : vector<512x512xf32>
    %convert_element_type3A_41 = arith.extui %gt3A_40 : vector<512x512xi1> to vector<512x512xi32>
    %convert_element_type3A_42 = arith.sitofp %convert_element_type3A_41 : vector<512x512xi32> to vector<512x512xf32>
    %mul3A_43 = arith.constant 0.00999999977 : f32
    %mul3A_44 = vector.broadcast %mul3A_43 : f32 to vector<512x512xf32>
    %mul3A_45 = arith.mulf %mul3A_35, %mul3A_44 : vector<512x512xf32>
    %mul3A_46 = arith.mulf %mul3A_45, %convert_element_type3A_42 : vector<512x512xf32>
    %dot_general3A = arith.constant dense<0.000000e+00> : vector<512x512xf32>
    %dot_general3A_47 = tpu.matmul %mul3A_46, %convert_element_type3A_5, %dot_general3A {dimension_numbers = #tpu.dot_dimension_numbers<[1], [0], [0], [1], [0, 0, 1, 1], [], []>, precision = #tpu.contract_precision<fp32>, transpose_lhs_hint = false} : vector<512x512xf32>, vector<512x512xf32>, vector<512x512xf32> -> vector<512x512xf32>
    %slice3A = vector.extract_strided_slice %dot_general3A_47 {offsets = [0, 511], sizes = [512, 1], strides = [1, 1]} : vector<512x512xf32> to vector<512x1xf32>
    %dot_general3A_48 = arith.constant dense<0.000000e+00> : vector<512x1xf32>
    %dot_general3A_49 = tpu.matmul %convert_element_type3A_7, %slice3A, %dot_general3A_48 {dimension_numbers = #tpu.dot_dimension_numbers<[1], [0], [0], [1], [0, 0, 1, 1], [], []>, precision = #tpu.contract_precision<fp32>, transpose_lhs_hint = false} : vector<512x512xf32>, vector<512x1xf32>, vector<512x1xf32> -> vector<512x1xf32>
    %add3A_50 = vector.broadcast %dot_general3A_49 : vector<512x1xf32> to vector<512x512xf32>
    %add3A_51 = arith.addf %dot_general3A_47, %add3A_50 : vector<512x512xf32>
    %sub3A_52 = arith.subf %add3A_51, %mul3A_46 : vector<512x512xf32>
    %get3A_53 = arith.constant 0 : index
    %get3A_54 = arith.constant 0 : index
    %get3A_55 = vector.load %arg9[%get3A_53, %get3A_54] : memref<512x512xf32, #tpu.memory_space<vmem>>, vector<512x512xf32>
    %gt3A_56 = arith.constant 0.000000e+00 : f32
    %gt3A_57 = vector.broadcast %gt3A_56 : f32 to vector<512x512xf32>
    %gt3A_58 = arith.cmpf ogt, %get3A_55, %gt3A_57 : vector<512x512xf32>
    %jit3A = arith.constant -3.000000e+38 : f32
    %broadcast_in_dim3A = vector.broadcast %jit3A : f32 to vector<512x512xf32>
    %select_n3A = arith.select %gt3A_58, %sub3A_52, %broadcast_in_dim3A : vector<512x512xi1>, vector<512x512xf32>
    %broadcast_in_dim3A_59 = arith.constant -3.000000e+38 : f32
    %broadcast_in_dim3A_60 = vector.broadcast %broadcast_in_dim3A_59 : f32 to vector<512x1xf32>
    %slice3A_61 = vector.extract_strided_slice %select_n3A {offsets = [0, 0], sizes = [512, 511], strides = [1, 1]} : vector<512x512xf32> to vector<512x511xf32>
    %concatenate3A = tpu.concatenate %broadcast_in_dim3A_60, %slice3A_61 in 1 : vector<512x1xf32>, vector<512x511xf32> -> vector<512x512xf32>
    %max3A = arith.maximumf %select_n3A, %concatenate3A : vector<512x512xf32>
    %broadcast_in_dim3A_62 = arith.constant -3.000000e+38 : f32
    %broadcast_in_dim3A_63 = vector.broadcast %broadcast_in_dim3A_62 : f32 to vector<512x2xf32>
    %slice3A_64 = vector.extract_strided_slice %max3A {offsets = [0, 0], sizes = [512, 510], strides = [1, 1]} : vector<512x512xf32> to vector<512x510xf32>
    %concatenate3A_65 = tpu.concatenate %broadcast_in_dim3A_63, %slice3A_64 in 1 : vector<512x2xf32>, vector<512x510xf32> -> vector<512x512xf32>
    %max3A_66 = arith.maximumf %max3A, %concatenate3A_65 : vector<512x512xf32>
    %broadcast_in_dim3A_67 = arith.constant -3.000000e+38 : f32
    %broadcast_in_dim3A_68 = vector.broadcast %broadcast_in_dim3A_67 : f32 to vector<512x4xf32>
    %slice3A_69 = vector.extract_strided_slice %max3A_66 {offsets = [0, 0], sizes = [512, 508], strides = [1, 1]} : vector<512x512xf32> to vector<512x508xf32>
    %concatenate3A_70 = tpu.concatenate %broadcast_in_dim3A_68, %slice3A_69 in 1 : vector<512x4xf32>, vector<512x508xf32> -> vector<512x512xf32>
    %max3A_71 = arith.maximumf %max3A_66, %concatenate3A_70 : vector<512x512xf32>
    %broadcast_in_dim3A_72 = arith.constant -3.000000e+38 : f32
    %broadcast_in_dim3A_73 = vector.broadcast %broadcast_in_dim3A_72 : f32 to vector<512x8xf32>
    %slice3A_74 = vector.extract_strided_slice %max3A_71 {offsets = [0, 0], sizes = [512, 504], strides = [1, 1]} : vector<512x512xf32> to vector<512x504xf32>
    %concatenate3A_75 = tpu.concatenate %broadcast_in_dim3A_73, %slice3A_74 in 1 : vector<512x8xf32>, vector<512x504xf32> -> vector<512x512xf32>
    %max3A_76 = arith.maximumf %max3A_71, %concatenate3A_75 : vector<512x512xf32>
    %broadcast_in_dim3A_77 = arith.constant -3.000000e+38 : f32
    %broadcast_in_dim3A_78 = vector.broadcast %broadcast_in_dim3A_77 : f32 to vector<512x16xf32>
    %slice3A_79 = vector.extract_strided_slice %max3A_76 {offsets = [0, 0], sizes = [512, 496], strides = [1, 1]} : vector<512x512xf32> to vector<512x496xf32>
    %concatenate3A_80 = tpu.concatenate %broadcast_in_dim3A_78, %slice3A_79 in 1 : vector<512x16xf32>, vector<512x496xf32> -> vector<512x512xf32>
    %max3A_81 = arith.maximumf %max3A_76, %concatenate3A_80 : vector<512x512xf32>
    %broadcast_in_dim3A_82 = arith.constant -3.000000e+38 : f32
    %broadcast_in_dim3A_83 = vector.broadcast %broadcast_in_dim3A_82 : f32 to vector<512x32xf32>
    %slice3A_84 = vector.extract_strided_slice %max3A_81 {offsets = [0, 0], sizes = [512, 480], strides = [1, 1]} : vector<512x512xf32> to vector<512x480xf32>
    %concatenate3A_85 = tpu.concatenate %broadcast_in_dim3A_83, %slice3A_84 in 1 : vector<512x32xf32>, vector<512x480xf32> -> vector<512x512xf32>
    %max3A_86 = arith.maximumf %max3A_81, %concatenate3A_85 : vector<512x512xf32>
    %broadcast_in_dim3A_87 = arith.constant -3.000000e+38 : f32
    %broadcast_in_dim3A_88 = vector.broadcast %broadcast_in_dim3A_87 : f32 to vector<512x64xf32>
    %slice3A_89 = vector.extract_strided_slice %max3A_86 {offsets = [0, 0], sizes = [512, 448], strides = [1, 1]} : vector<512x512xf32> to vector<512x448xf32>
    %concatenate3A_90 = tpu.concatenate %broadcast_in_dim3A_88, %slice3A_89 in 1 : vector<512x64xf32>, vector<512x448xf32> -> vector<512x512xf32>
    %max3A_91 = arith.maximumf %max3A_86, %concatenate3A_90 : vector<512x512xf32>
    %broadcast_in_dim3A_92 = arith.constant -3.000000e+38 : f32
    %broadcast_in_dim3A_93 = vector.broadcast %broadcast_in_dim3A_92 : f32 to vector<512x128xf32>
    %slice3A_94 = vector.extract_strided_slice %max3A_91 {offsets = [0, 0], sizes = [512, 384], strides = [1, 1]} : vector<512x512xf32> to vector<512x384xf32>
    %concatenate3A_95 = tpu.concatenate %broadcast_in_dim3A_93, %slice3A_94 in 1 : vector<512x128xf32>, vector<512x384xf32> -> vector<512x512xf32>
    %max3A_96 = arith.maximumf %max3A_91, %concatenate3A_95 : vector<512x512xf32>
    %broadcast_in_dim3A_97 = arith.constant -3.000000e+38 : f32
    %broadcast_in_dim3A_98 = vector.broadcast %broadcast_in_dim3A_97 : f32 to vector<512x256xf32>
    %slice3A_99 = vector.extract_strided_slice %max3A_96 {offsets = [0, 0], sizes = [512, 256], strides = [1, 1]} : vector<512x512xf32> to vector<512x256xf32>
    %concatenate3A_100 = tpu.concatenate %broadcast_in_dim3A_98, %slice3A_99 in 1 : vector<512x256xf32>, vector<512x256xf32> -> vector<512x512xf32>
    %max3A_101 = arith.maximumf %max3A_96, %concatenate3A_100 : vector<512x512xf32>
    %slice3A_102 = vector.extract_strided_slice %max3A_101 {offsets = [0, 511], sizes = [512, 1], strides = [1, 1]} : vector<512x512xf32> to vector<512x1xf32>
    %broadcast_in_dim3A_103 = arith.constant -3.000000e+38 : f32
    %broadcast_in_dim3A_104 = vector.broadcast %broadcast_in_dim3A_103 : f32 to vector<1x1xf32>
    %slice3A_105 = vector.extract_strided_slice %slice3A_102 {offsets = [0, 0], sizes = [511, 1], strides = [1, 1]} : vector<512x1xf32> to vector<511x1xf32>
    %concatenate3A_106 = tpu.concatenate %broadcast_in_dim3A_104, %slice3A_105 in 0 : vector<1x1xf32>, vector<511x1xf32> -> vector<512x1xf32>
    %broadcast_in_dim3A_107 = arith.constant -3.000000e+38 : f32
    %broadcast_in_dim3A_108 = vector.broadcast %broadcast_in_dim3A_107 : f32 to vector<1x1xf32>
    %slice3A_109 = vector.extract_strided_slice %concatenate3A_106 {offsets = [0, 0], sizes = [511, 1], strides = [1, 1]} : vector<512x1xf32> to vector<511x1xf32>
    %concatenate3A_110 = tpu.concatenate %broadcast_in_dim3A_108, %slice3A_109 in 0 : vector<1x1xf32>, vector<511x1xf32> -> vector<512x1xf32>
    %max3A_111 = arith.maximumf %concatenate3A_106, %concatenate3A_110 : vector<512x1xf32>
    %broadcast_in_dim3A_112 = arith.constant -3.000000e+38 : f32
    %broadcast_in_dim3A_113 = vector.broadcast %broadcast_in_dim3A_112 : f32 to vector<2x1xf32>
    %slice3A_114 = vector.extract_strided_slice %max3A_111 {offsets = [0, 0], sizes = [510, 1], strides = [1, 1]} : vector<512x1xf32> to vector<510x1xf32>
    %concatenate3A_115 = tpu.concatenate %broadcast_in_dim3A_113, %slice3A_114 in 0 : vector<2x1xf32>, vector<510x1xf32> -> vector<512x1xf32>
    %max3A_116 = arith.maximumf %max3A_111, %concatenate3A_115 : vector<512x1xf32>
    %broadcast_in_dim3A_117 = arith.constant -3.000000e+38 : f32
    %broadcast_in_dim3A_118 = vector.broadcast %broadcast_in_dim3A_117 : f32 to vector<4x1xf32>
    %slice3A_119 = vector.extract_strided_slice %max3A_116 {offsets = [0, 0], sizes = [508, 1], strides = [1, 1]} : vector<512x1xf32> to vector<508x1xf32>
    %concatenate3A_120 = tpu.concatenate %broadcast_in_dim3A_118, %slice3A_119 in 0 : vector<4x1xf32>, vector<508x1xf32> -> vector<512x1xf32>
    %max3A_121 = arith.maximumf %max3A_116, %concatenate3A_120 : vector<512x1xf32>
    %broadcast_in_dim3A_122 = arith.constant -3.000000e+38 : f32
    %broadcast_in_dim3A_123 = vector.broadcast %broadcast_in_dim3A_122 : f32 to vector<8x1xf32>
    %slice3A_124 = vector.extract_strided_slice %max3A_121 {offsets = [0, 0], sizes = [504, 1], strides = [1, 1]} : vector<512x1xf32> to vector<504x1xf32>
    %concatenate3A_125 = tpu.concatenate %broadcast_in_dim3A_123, %slice3A_124 in 0 : vector<8x1xf32>, vector<504x1xf32> -> vector<512x1xf32>
    %max3A_126 = arith.maximumf %max3A_121, %concatenate3A_125 : vector<512x1xf32>
    %broadcast_in_dim3A_127 = arith.constant -3.000000e+38 : f32
    %broadcast_in_dim3A_128 = vector.broadcast %broadcast_in_dim3A_127 : f32 to vector<16x1xf32>
    %slice3A_129 = vector.extract_strided_slice %max3A_126 {offsets = [0, 0], sizes = [496, 1], strides = [1, 1]} : vector<512x1xf32> to vector<496x1xf32>
    %concatenate3A_130 = tpu.concatenate %broadcast_in_dim3A_128, %slice3A_129 in 0 : vector<16x1xf32>, vector<496x1xf32> -> vector<512x1xf32>
    %max3A_131 = arith.maximumf %max3A_126, %concatenate3A_130 : vector<512x1xf32>
    %broadcast_in_dim3A_132 = arith.constant -3.000000e+38 : f32
    %broadcast_in_dim3A_133 = vector.broadcast %broadcast_in_dim3A_132 : f32 to vector<32x1xf32>
    %slice3A_134 = vector.extract_strided_slice %max3A_131 {offsets = [0, 0], sizes = [480, 1], strides = [1, 1]} : vector<512x1xf32> to vector<480x1xf32>
    %concatenate3A_135 = tpu.concatenate %broadcast_in_dim3A_133, %slice3A_134 in 0 : vector<32x1xf32>, vector<480x1xf32> -> vector<512x1xf32>
    %max3A_136 = arith.maximumf %max3A_131, %concatenate3A_135 : vector<512x1xf32>
    %broadcast_in_dim3A_137 = arith.constant -3.000000e+38 : f32
    %broadcast_in_dim3A_138 = vector.broadcast %broadcast_in_dim3A_137 : f32 to vector<64x1xf32>
    %slice3A_139 = vector.extract_strided_slice %max3A_136 {offsets = [0, 0], sizes = [448, 1], strides = [1, 1]} : vector<512x1xf32> to vector<448x1xf32>
    %concatenate3A_140 = tpu.concatenate %broadcast_in_dim3A_138, %slice3A_139 in 0 : vector<64x1xf32>, vector<448x1xf32> -> vector<512x1xf32>
    %max3A_141 = arith.maximumf %max3A_136, %concatenate3A_140 : vector<512x1xf32>
    %broadcast_in_dim3A_142 = arith.constant -3.000000e+38 : f32
    %broadcast_in_dim3A_143 = vector.broadcast %broadcast_in_dim3A_142 : f32 to vector<128x1xf32>
    %slice3A_144 = vector.extract_strided_slice %max3A_141 {offsets = [0, 0], sizes = [384, 1], strides = [1, 1]} : vector<512x1xf32> to vector<384x1xf32>
    %concatenate3A_145 = tpu.concatenate %broadcast_in_dim3A_143, %slice3A_144 in 0 : vector<128x1xf32>, vector<384x1xf32> -> vector<512x1xf32>
    %max3A_146 = arith.maximumf %max3A_141, %concatenate3A_145 : vector<512x1xf32>
    %broadcast_in_dim3A_147 = arith.constant -3.000000e+38 : f32
    %broadcast_in_dim3A_148 = vector.broadcast %broadcast_in_dim3A_147 : f32 to vector<256x1xf32>
    %slice3A_149 = vector.extract_strided_slice %max3A_146 {offsets = [0, 0], sizes = [256, 1], strides = [1, 1]} : vector<512x1xf32> to vector<256x1xf32>
    %concatenate3A_150 = tpu.concatenate %broadcast_in_dim3A_148, %slice3A_149 in 0 : vector<256x1xf32>, vector<256x1xf32> -> vector<512x1xf32>
    %max3A_151 = arith.maximumf %max3A_146, %concatenate3A_150 : vector<512x1xf32>
    %max3A_152 = vector.broadcast %max3A_151 : vector<512x1xf32> to vector<512x512xf32>
    %max3A_153 = arith.maximumf %max3A_101, %max3A_152 : vector<512x512xf32>
    %sub3A_154 = arith.subf %sub3A_52, %max3A_153 : vector<512x512xf32>
    %neg3A_155 = arith.constant 0.000000e+00 : f32
    %neg3A_156 = vector.broadcast %neg3A_155 : f32 to vector<512x512xf32>
    %neg3A_157 = arith.subf %neg3A_156, %sub3A_154 : vector<512x512xf32>
    %exp3A_158 = math.exp %neg3A_157 : vector<512x512xf32>
    %neg3A_159 = arith.constant 0.000000e+00 : f32
    %neg3A_160 = vector.broadcast %neg3A_159 : f32 to vector<512x512xf32>
    %neg3A_161 = arith.subf %neg3A_160, %mul3A_46 : vector<512x512xf32>
    %exp3A_162 = math.exp %neg3A_161 : vector<512x512xf32>
    %sub3A_163 = arith.constant 1.000000e+00 : f32
    %sub3A_164 = vector.broadcast %sub3A_163 : f32 to vector<512x512xf32>
    %sub3A_165 = arith.subf %sub3A_164, %exp3A_162 : vector<512x512xf32>
    %mul3A_166 = arith.mulf %exp3A_158, %sub3A_165 : vector<512x512xf32>
    %get3A_167 = arith.constant 0 : index
    %get3A_168 = arith.constant 0 : index
    %get3A_169 = vector.load %arg5[%get3A_167, %get3A_168] : memref<512x512xf32, #tpu.memory_space<vmem>>, vector<512x512xf32>
    %get3A_170 = arith.constant 0 : index
    %get3A_171 = arith.constant 0 : index
    %get3A_172 = vector.load %arg6[%get3A_170, %get3A_171] : memref<512x512xf32, #tpu.memory_space<vmem>>, vector<512x512xf32>
    %get3A_173 = arith.constant 0 : index
    %get3A_174 = arith.constant 0 : index
    %get3A_175 = vector.load %arg7[%get3A_173, %get3A_174] : memref<512x512xf32, #tpu.memory_space<vmem>>, vector<512x512xf32>
    %mul3A_176 = arith.mulf %get3A_169, %get3A_169 : vector<512x512xf32>
    %mul3A_177 = arith.mulf %get3A_172, %get3A_172 : vector<512x512xf32>
    %add3A_178 = arith.addf %mul3A_176, %mul3A_177 : vector<512x512xf32>
    %mul3A_179 = arith.mulf %get3A_175, %get3A_175 : vector<512x512xf32>
    %add3A_180 = arith.addf %add3A_178, %mul3A_179 : vector<512x512xf32>
    %sqrt3A = math.sqrt %add3A_180 : vector<512x512xf32>
    %add3A_181 = arith.constant 9.99999996E-13 : f32
    %add3A_182 = vector.broadcast %add3A_181 : f32 to vector<512x512xf32>
    %add3A_183 = arith.addf %sqrt3A, %add3A_182 : vector<512x512xf32>
    %div3A_184 = arith.divf %mul3A_166, %add3A_183 : vector<512x512xf32>
    %get3A_185 = arith.constant 0 : index
    %get3A_186 = arith.constant 0 : index
    %get3A_187 = vector.load %arg1[%get3A_185, %get3A_186] : memref<512x512xf32, #tpu.memory_space<vmem>>, vector<512x512xf32>
    %mul3A_188 = arith.mulf %mul3A_166, %get3A_187 : vector<512x512xf32>
    %get3A_189 = arith.constant 0 : index
    %get3A_190 = arith.constant 0 : index
    %get3A_191 = vector.load %arg2[%get3A_189, %get3A_190] : memref<512x512xf32, #tpu.memory_space<vmem>>, vector<512x512xf32>
    %mul3A_192 = arith.mulf %mul3A_166, %get3A_191 : vector<512x512xf32>
    %get3A_193 = arith.constant 0 : index
    %get3A_194 = arith.constant 0 : index
    %get3A_195 = vector.load %arg3[%get3A_193, %get3A_194] : memref<512x512xf32, #tpu.memory_space<vmem>>, vector<512x512xf32>
    %mul3A_196 = arith.mulf %mul3A_166, %get3A_195 : vector<512x512xf32>
    %get3A_197 = arith.constant 0 : index
    %get3A_198 = arith.constant 0 : index
    %get3A_199 = vector.load %arg8[%get3A_197, %get3A_198] : memref<512x512xf32, #tpu.memory_space<vmem>>, vector<512x512xf32>
    %mul3A_200 = arith.mulf %mul3A_166, %get3A_199 : vector<512x512xf32>
    %mul3A_201 = arith.mulf %div3A_184, %get3A_169 : vector<512x512xf32>
    %mul3A_202 = arith.mulf %div3A_184, %get3A_172 : vector<512x512xf32>
    %mul3A_203 = arith.mulf %div3A_184, %get3A_175 : vector<512x512xf32>
    %dot_general3A_204 = arith.constant dense<0.000000e+00> : vector<512x512xf32>
    %dot_general3A_205 = tpu.matmul %mul3A_166, %convert_element_type3A_5, %dot_general3A_204 {dimension_numbers = #tpu.dot_dimension_numbers<[1], [0], [0], [1], [0, 0, 1, 1], [], []>, precision = #tpu.contract_precision<fp32>, transpose_lhs_hint = false} : vector<512x512xf32>, vector<512x512xf32>, vector<512x512xf32> -> vector<512x512xf32>
    %slice3A_206 = vector.extract_strided_slice %dot_general3A_205 {offsets = [0, 511], sizes = [512, 1], strides = [1, 1]} : vector<512x512xf32> to vector<512x1xf32>
    %dot_general3A_207 = arith.constant dense<0.000000e+00> : vector<512x1xf32>
    %dot_general3A_208 = tpu.matmul %convert_element_type3A_7, %slice3A_206, %dot_general3A_207 {dimension_numbers = #tpu.dot_dimension_numbers<[1], [0], [0], [1], [0, 0, 1, 1], [], []>, precision = #tpu.contract_precision<fp32>, transpose_lhs_hint = false} : vector<512x512xf32>, vector<512x1xf32>, vector<512x1xf32> -> vector<512x1xf32>
    %add3A_209 = vector.broadcast %dot_general3A_208 : vector<512x1xf32> to vector<512x512xf32>
    %add3A_210 = arith.addf %dot_general3A_205, %add3A_209 : vector<512x512xf32>
    %swap3A = arith.constant 0 : index
    %swap3A_211 = arith.constant 0 : index
    %swap3A_212 = vector.load %arg11[%swap3A, %swap3A_211] : memref<512x512xf32, #tpu.memory_space<vmem>>, vector<512x512xf32>
    tpu.vector_store %arg11[%swap3A, %swap3A_211], %add3A_210 {strides = array<i32>} : memref<512x512xf32, #tpu.memory_space<vmem>>, vector<512x512xf32>,
    %dot_general3A_213 = arith.constant dense<0.000000e+00> : vector<512x512xf32>
    %dot_general3A_214 = tpu.matmul %mul3A_188, %convert_element_type3A_5, %dot_general3A_213 {dimension_numbers = #tpu.dot_dimension_numbers<[1], [0], [0], [1], [0, 0, 1, 1], [], []>, precision = #tpu.contract_precision<fp32>, transpose_lhs_hint = false} : vector<512x512xf32>, vector<512x512xf32>, vector<512x512xf32> -> vector<512x512xf32>
    %slice3A_215 = vector.extract_strided_slice %dot_general3A_214 {offsets = [0, 511], sizes = [512, 1], strides = [1, 1]} : vector<512x512xf32> to vector<512x1xf32>
    %dot_general3A_216 = arith.constant dense<0.000000e+00> : vector<512x1xf32>
    %dot_general3A_217 = tpu.matmul %convert_element_type3A_7, %slice3A_215, %dot_general3A_216 {dimension_numbers = #tpu.dot_dimension_numbers<[1], [0], [0], [1], [0, 0, 1, 1], [], []>, precision = #tpu.contract_precision<fp32>, transpose_lhs_hint = false} : vector<512x512xf32>, vector<512x1xf32>, vector<512x1xf32> -> vector<512x1xf32>
    %add3A_218 = vector.broadcast %dot_general3A_217 : vector<512x1xf32> to vector<512x512xf32>
    %add3A_219 = arith.addf %dot_general3A_214, %add3A_218 : vector<512x512xf32>
    %swap3A_220 = arith.constant 0 : index
    %swap3A_221 = arith.constant 0 : index
    %swap3A_222 = vector.load %arg12[%swap3A_220, %swap3A_221] : memref<512x512xf32, #tpu.memory_space<vmem>>, vector<512x512xf32>
    tpu.vector_store %arg12[%swap3A_220, %swap3A_221], %add3A_219 {strides = array<i32>} : memref<512x512xf32, #tpu.memory_space<vmem>>, vector<512x512xf32>,
    %dot_general3A_223 = arith.constant dense<0.000000e+00> : vector<512x512xf32>
    %dot_general3A_224 = tpu.matmul %mul3A_192, %convert_element_type3A_5, %dot_general3A_223 {dimension_numbers = #tpu.dot_dimension_numbers<[1], [0], [0], [1], [0, 0, 1, 1], [], []>, precision = #tpu.contract_precision<fp32>, transpose_lhs_hint = false} : vector<512x512xf32>, vector<512x512xf32>, vector<512x512xf32> -> vector<512x512xf32>
    %slice3A_225 = vector.extract_strided_slice %dot_general3A_224 {offsets = [0, 511], sizes = [512, 1], strides = [1, 1]} : vector<512x512xf32> to vector<512x1xf32>
    %dot_general3A_226 = arith.constant dense<0.000000e+00> : vector<512x1xf32>
    %dot_general3A_227 = tpu.matmul %convert_element_type3A_7, %slice3A_225, %dot_general3A_226 {dimension_numbers = #tpu.dot_dimension_numbers<[1], [0], [0], [1], [0, 0, 1, 1], [], []>, precision = #tpu.contract_precision<fp32>, transpose_lhs_hint = false} : vector<512x512xf32>, vector<512x1xf32>, vector<512x1xf32> -> vector<512x1xf32>
    %add3A_228 = vector.broadcast %dot_general3A_227 : vector<512x1xf32> to vector<512x512xf32>
    %add3A_229 = arith.addf %dot_general3A_224, %add3A_228 : vector<512x512xf32>
    %swap3A_230 = arith.constant 0 : index
    %swap3A_231 = arith.constant 0 : index
    %swap3A_232 = vector.load %arg13[%swap3A_230, %swap3A_231] : memref<512x512xf32, #tpu.memory_space<vmem>>, vector<512x512xf32>
    tpu.vector_store %arg13[%swap3A_230, %swap3A_231], %add3A_229 {strides = array<i32>} : memref<512x512xf32, #tpu.memory_space<vmem>>, vector<512x512xf32>,
    %dot_general3A_233 = arith.constant dense<0.000000e+00> : vector<512x512xf32>
    %dot_general3A_234 = tpu.matmul %mul3A_196, %convert_element_type3A_5, %dot_general3A_233 {dimension_numbers = #tpu.dot_dimension_numbers<[1], [0], [0], [1], [0, 0, 1, 1], [], []>, precision = #tpu.contract_precision<fp32>, transpose_lhs_hint = false} : vector<512x512xf32>, vector<512x512xf32>, vector<512x512xf32> -> vector<512x512xf32>
    %slice3A_235 = vector.extract_strided_slice %dot_general3A_234 {offsets = [0, 511], sizes = [512, 1], strides = [1, 1]} : vector<512x512xf32> to vector<512x1xf32>
    %dot_general3A_236 = arith.constant dense<0.000000e+00> : vector<512x1xf32>
    %dot_general3A_237 = tpu.matmul %convert_element_type3A_7, %slice3A_235, %dot_general3A_236 {dimension_numbers = #tpu.dot_dimension_numbers<[1], [0], [0], [1], [0, 0, 1, 1], [], []>, precision = #tpu.contract_precision<fp32>, transpose_lhs_hint = false} : vector<512x512xf32>, vector<512x1xf32>, vector<512x1xf32> -> vector<512x1xf32>
    %add3A_238 = vector.broadcast %dot_general3A_237 : vector<512x1xf32> to vector<512x512xf32>
    %add3A_239 = arith.addf %dot_general3A_234, %add3A_238 : vector<512x512xf32>
    %swap3A_240 = arith.constant 0 : index
    %swap3A_241 = arith.constant 0 : index
    %swap3A_242 = vector.load %arg14[%swap3A_240, %swap3A_241] : memref<512x512xf32, #tpu.memory_space<vmem>>, vector<512x512xf32>
    tpu.vector_store %arg14[%swap3A_240, %swap3A_241], %add3A_239 {strides = array<i32>} : memref<512x512xf32, #tpu.memory_space<vmem>>, vector<512x512xf32>,
    %dot_general3A_243 = arith.constant dense<0.000000e+00> : vector<512x512xf32>
    %dot_general3A_244 = tpu.matmul %mul3A_200, %convert_element_type3A_5, %dot_general3A_243 {dimension_numbers = #tpu.dot_dimension_numbers<[1], [0], [0], [1], [0, 0, 1, 1], [], []>, precision = #tpu.contract_precision<fp32>, transpose_lhs_hint = false} : vector<512x512xf32>, vector<512x512xf32>, vector<512x512xf32> -> vector<512x512xf32>
    %slice3A_245 = vector.extract_strided_slice %dot_general3A_244 {offsets = [0, 511], sizes = [512, 1], strides = [1, 1]} : vector<512x512xf32> to vector<512x1xf32>
    %dot_general3A_246 = arith.constant dense<0.000000e+00> : vector<512x1xf32>
    %dot_general3A_247 = tpu.matmul %convert_element_type3A_7, %slice3A_245, %dot_general3A_246 {dimension_numbers = #tpu.dot_dimension_numbers<[1], [0], [0], [1], [0, 0, 1, 1], [], []>, precision = #tpu.contract_precision<fp32>, transpose_lhs_hint = false} : vector<512x512xf32>, vector<512x1xf32>, vector<512x1xf32> -> vector<512x1xf32>
    %add3A_248 = vector.broadcast %dot_general3A_247 : vector<512x1xf32> to vector<512x512xf32>
    %add3A_249 = arith.addf %dot_general3A_244, %add3A_248 : vector<512x512xf32>
    %swap3A_250 = arith.constant 0 : index
    %swap3A_251 = arith.constant 0 : index
    %swap3A_252 = vector.load %arg15[%swap3A_250, %swap3A_251] : memref<512x512xf32, #tpu.memory_space<vmem>>, vector<512x512xf32>
    tpu.vector_store %arg15[%swap3A_250, %swap3A_251], %add3A_249 {strides = array<i32>} : memref<512x512xf32, #tpu.memory_space<vmem>>, vector<512x512xf32>,
    %dot_general3A_253 = arith.constant dense<0.000000e+00> : vector<512x512xf32>
    %dot_general3A_254 = tpu.matmul %mul3A_201, %convert_element_type3A_5, %dot_general3A_253 {dimension_numbers = #tpu.dot_dimension_numbers<[1], [0], [0], [1], [0, 0, 1, 1], [], []>, precision = #tpu.contract_precision<fp32>, transpose_lhs_hint = false} : vector<512x512xf32>, vector<512x512xf32>, vector<512x512xf32> -> vector<512x512xf32>
    %slice3A_255 = vector.extract_strided_slice %dot_general3A_254 {offsets = [0, 511], sizes = [512, 1], strides = [1, 1]} : vector<512x512xf32> to vector<512x1xf32>
    %dot_general3A_256 = arith.constant dense<0.000000e+00> : vector<512x1xf32>
    %dot_general3A_257 = tpu.matmul %convert_element_type3A_7, %slice3A_255, %dot_general3A_256 {dimension_numbers = #tpu.dot_dimension_numbers<[1], [0], [0], [1], [0, 0, 1, 1], [], []>, precision = #tpu.contract_precision<fp32>, transpose_lhs_hint = false} : vector<512x512xf32>, vector<512x1xf32>, vector<512x1xf32> -> vector<512x1xf32>
    %add3A_258 = vector.broadcast %dot_general3A_257 : vector<512x1xf32> to vector<512x512xf32>
    %add3A_259 = arith.addf %dot_general3A_254, %add3A_258 : vector<512x512xf32>
    %swap3A_260 = arith.constant 0 : index
    %swap3A_261 = arith.constant 0 : index
    %swap3A_262 = vector.load %arg16[%swap3A_260, %swap3A_261] : memref<512x512xf32, #tpu.memory_space<vmem>>, vector<512x512xf32>
    tpu.vector_store %arg16[%swap3A_260, %swap3A_261], %add3A_259 {strides = array<i32>} : memref<512x512xf32, #tpu.memory_space<vmem>>, vector<512x512xf32>,
    %dot_general3A_263 = arith.constant dense<0.000000e+00> : vector<512x512xf32>
    %dot_general3A_264 = tpu.matmul %mul3A_202, %convert_element_type3A_5, %dot_general3A_263 {dimension_numbers = #tpu.dot_dimension_numbers<[1], [0], [0], [1], [0, 0, 1, 1], [], []>, precision = #tpu.contract_precision<fp32>, transpose_lhs_hint = false} : vector<512x512xf32>, vector<512x512xf32>, vector<512x512xf32> -> vector<512x512xf32>
    %slice3A_265 = vector.extract_strided_slice %dot_general3A_264 {offsets = [0, 511], sizes = [512, 1], strides = [1, 1]} : vector<512x512xf32> to vector<512x1xf32>
    %dot_general3A_266 = arith.constant dense<0.000000e+00> : vector<512x1xf32>
    %dot_general3A_267 = tpu.matmul %convert_element_type3A_7, %slice3A_265, %dot_general3A_266 {dimension_numbers = #tpu.dot_dimension_numbers<[1], [0], [0], [1], [0, 0, 1, 1], [], []>, precision = #tpu.contract_precision<fp32>, transpose_lhs_hint = false} : vector<512x512xf32>, vector<512x1xf32>, vector<512x1xf32> -> vector<512x1xf32>
    %add3A_268 = vector.broadcast %dot_general3A_267 : vector<512x1xf32> to vector<512x512xf32>
    %add3A_269 = arith.addf %dot_general3A_264, %add3A_268 : vector<512x512xf32>
    %swap3A_270 = arith.constant 0 : index
    %swap3A_271 = arith.constant 0 : index
    %swap3A_272 = vector.load %arg17[%swap3A_270, %swap3A_271] : memref<512x512xf32, #tpu.memory_space<vmem>>, vector<512x512xf32>
    tpu.vector_store %arg17[%swap3A_270, %swap3A_271], %add3A_269 {strides = array<i32>} : memref<512x512xf32, #tpu.memory_space<vmem>>, vector<512x512xf32>,
    %dot_general3A_273 = arith.constant dense<0.000000e+00> : vector<512x512xf32>
    %dot_general3A_274 = tpu.matmul %mul3A_203, %convert_element_type3A_5, %dot_general3A_273 {dimension_numbers = #tpu.dot_dimension_numbers<[1], [0], [0], [1], [0, 0, 1, 1], [], []>, precision = #tpu.contract_precision<fp32>, transpose_lhs_hint = false} : vector<512x512xf32>, vector<512x512xf32>, vector<512x512xf32> -> vector<512x512xf32>
    %slice3A_275 = vector.extract_strided_slice %dot_general3A_274 {offsets = [0, 511], sizes = [512, 1], strides = [1, 1]} : vector<512x512xf32> to vector<512x1xf32>
    %dot_general3A_276 = arith.constant dense<0.000000e+00> : vector<512x1xf32>
    %dot_general3A_277 = tpu.matmul %convert_element_type3A_7, %slice3A_275, %dot_general3A_276 {dimension_numbers = #tpu.dot_dimension_numbers<[1], [0], [0], [1], [0, 0, 1, 1], [], []>, precision = #tpu.contract_precision<fp32>, transpose_lhs_hint = false} : vector<512x512xf32>, vector<512x1xf32>, vector<512x1xf32> -> vector<512x1xf32>
    %add3A_278 = vector.broadcast %dot_general3A_277 : vector<512x1xf32> to vector<512x512xf32>
    %add3A_279 = arith.addf %dot_general3A_274, %add3A_278 : vector<512x512xf32>
    %swap3A_280 = arith.constant 0 : index
    %swap3A_281 = arith.constant 0 : index
    %swap3A_282 = vector.load %arg18[%swap3A_280, %swap3A_281] : memref<512x512xf32, #tpu.memory_space<vmem>>, vector<512x512xf32>
    tpu.vector_store %arg18[%swap3A_280, %swap3A_281], %add3A_279 {strides = array<i32>} : memref<512x512xf32, #tpu.memory_space<vmem>>, vector<512x512xf32>,
    return
  }
}

</mosaic_0001>

<sc_bundles>
// kernel: gather_offload_async_start.10
scs
__scs_entry_jumppad:
0x0: {  	(pc) =	sbr.rel $0x88, $3  }
0x1: {  	(tag) =	ssettag $0x0;
	lr =	simm.s32 $0x1  }
0x2: {  	[smem:$0x3F99] =	sst lr;
	_ =	strace $0xD0000000  }
0x3: {  	_ = 	snop  }
0x4: {  	_ = 	snop  }
0x5: {  	_ = 	snop  }
0x6: {  	_ = 	snop  }
0x7: {  	_ = 	snop  }
__scs_overlays_trampoline_lowered:
0x8: {  	[smem:$0x3FA8] =	sst s0  }
0x9: {  	[smem:$0x3FA9] =	sst s1  }
0xa: {  	[smem:$0x3FAA] =	sst s2  }
0xb: {  	[smem:$0x3FAB] =	sst s3  }
0xc: {  	[smem:$0x3FAC] =	sst s4  }
0xd: {  	[smem:$0x3FAD] =	sst s5  }
0xe: {  	[smem:$0x3FAE] =	sst s6  }
0xf: {  	[smem:$0x3FAF] =	sst s7  }
0x10: {  	[smem:$0x3FB0] =	sst s8  }
0x11: {  	[smem:$0x3FB1] =	sst s9;
	s0 =	simm.s32 @!p0 $0x0  }
0x12: {  	s1 =	sld [smem:$0x3F97];
	s0 =	simm.s32 @p0 $0x1  }
0x13: {  	[smem:$0x3FB2] =	sst s0;
	s0 =	simm.s32 @!p1 $0x0  }
0x14: {  	s2 =	sld [smem:$0x3F96];
	s0 =	simm.s32 @p1 $0x1  }
0x15: {  	[smem:$0x3FB3] =	sst s0;
	s0 =	simm.s32 @!p2 $0x0  }
0x16: {  	s3 =	sld [smem:$0x3FDB];
	s0 =	simm.s32 @p2 $0x1  }
0x17: {  	s4 =	simm.s32 $0x1BF5;
	[smem:$0x3FB5] =	sst s0  }
0x18: {  	s0 =	sld [smem:$0x3F98];
	_ =	swait.ge [sflag:s4], $0x0  }
0x19: {  	s7 =	sld [smem:$0x3F99]  }
0x1a: {  	s8 =	sadd.s32 $0xFFFFE003, lr  }
0x1b: {  	s9 =	sadd.s32 $0xFFFFFEF7, lr;
	s5 =	simm.s32 $0xFFFFFFFF;
	p2 =	slt.u32 s8, $0xFFFFF086  }
0x1c: {  	p1 =	slt.u32 s9, $0xF7A;
	s5 =	simm.s32 @!p2 $0x0  }
0x1d: {  	s5 =	simm.s32 @p1 $0x1;
	p0 =	seq.s32 s7, s2  }
0x1e: {  	s7 =	smul.u32 @!p0 $0xF7A, s2;
	p2 =	seq.s32 @!p0 s5, $0x0  }
0x1f: {  	s9 =	smul.u32 $0xF7A, s1;
	s8 =	simm.s32 @!p0 $0x1BF5;
	p2 =	por !p2, p0  }
0x20: {  	[sflag:s8] =	ssyncset.s32 @!p0 $0xFFFFF086;
	s6 =	sadd.s32 @!p0 s3, s7;
	s7 =	simm.s32 @!p0 $0x108  }
0x21: {  	s3 =	sadd.s32 s3, s9;
	s6 =	sadd.s32 @!p0 $0x88, s6;
	s7 =	simm.s32 @p2 $0x1082  }
0x22: {  	[simem:s7], [sflag:s8] =	dma.local @!p0 [hbm:s6], $0xF7A  }
0x23: {  	s9 =	sor.u32 $0xD0000000, s2;
	s6 =	simm.s32 $0x108;
	_ =	swait.ge @!p0 [sflag:s8], $0x0  }
0x24: {  	s3 =	sadd.s32 $0x88, s3;
	s6 =	simm.s32 @!p1 $0x1082;
	[sflag:s4] =	ssyncset.s32 $0xFFFFF086  }
0x25: {  	[simem:s6], [sflag:s4] =	dma.local [hbm:s3], $0xF7A  }
0x26: {  	[smem:$0x3F99] =	sst s1;
	(tag) =	ssettag s2;
	_ =	strace s9  }
0x27: {  	s1 =	sld [smem:$0x3FA9]  }
0x28: {  	s2 =	sld [smem:$0x3FAA]  }
0x29: {  	s4 =	sld [smem:$0x3FAC]  }
0x2a: {  	p0 =	seq.s32 s5, $0x0;
	s5 =	sld [smem:$0x3FAD]  }
0x2b: {  	s6 =	sld [smem:$0x3FAE]  }
0x2c: {  	s7 =	sld [smem:$0x3FAF]  }
0x2d: {  	s3 =	simm.s32 $0x108;
	s8 =	sld [smem:$0x3FB0]  }
0x2e: {  	s3 =	simm.s32 @!p0 $0x1082;
	s9 =	sld [smem:$0x3FB1]  }
0x2f: {  	lr =	sadd.s32 s0, s3;
	s0 =	sld [smem:$0x3FA8]  }
0x30: {  	s3 =	sld [smem:$0x3FAB]  }
0x31: {  	[smem:$0x3FB4] =	sst s10  }
0x32: {  	s10 =	sld [smem:$0x3FB2];
	_ =	sdelay $0x3  }
0x33: {  	p0 =	seq.s32 s10, $0x1;
	s10 =	sld [smem:$0x3FB4];
	_ =	sdelay $0x3  }
0x34: {  	[smem:$0x3FB4] =	sst s10  }
0x35: {  	s10 =	sld [smem:$0x3FB3];
	_ =	sdelay $0x3  }
0x36: {  	p1 =	seq.s32 s10, $0x1;
	s10 =	sld [smem:$0x3FB4];
	_ =	sdelay $0x3  }
0x37: {  	[smem:$0x3FB4] =	sst s10  }
0x38: {  	s10 =	sld [smem:$0x3FB5]  }
0x39: {  	_ = 	snop;
	(pc) =	sbr.ind lr, $3  }
0x3a: {  	_ = 	snop  }
0x3b: {  	_ = 	snop  }
0x3c: {  	p2 =	seq.s32 s10, $0x1;
	s10 =	sld [smem:$0x3FB4]  }
0x3d: {  	_ =	shalt  }
0x3e: {  	_ =	shalt  }
0x3f: {  	_ =	shalt  }
0x40: {  	_ =	shalt  }
0x41: {  	_ =	shalt  }
0x42: {  	_ =	shalt  }
0x43: {  	_ =	shalt  }
0x44: {  	_ =	shalt  }
0x45: {  	_ =	shalt  }
0x46: {  	_ =	shalt  }
0x47: {  	_ =	shalt  }
0x48: {  	_ =	shalt  }
0x49: {  	_ =	shalt  }
0x4a: {  	_ =	shalt  }
0x4b: {  	_ =	shalt  }
0x4c: {  	_ =	shalt  }
0x4d: {  	_ =	shalt  }
0x4e: {  	_ =	shalt  }
0x4f: {  	_ =	shalt  }
0x50: {  	_ =	shalt  }
0x51: {  	_ =	shalt  }
0x52: {  	_ =	shalt  }
0x53: {  	_ =	shalt  }
0x54: {  	_ =	shalt  }
0x55: {  	_ =	shalt  }
0x56: {  	_ =	shalt  }
0x57: {  	_ =	shalt  }
0x58: {  	_ =	shalt  }
0x59: {  	_ =	shalt  }
0x5a: {  	_ =	shalt  }
0x5b: {  	_ =	shalt  }
0x5c: {  	_ =	shalt  }
0x5d: {  	_ =	shalt  }
0x5e: {  	_ =	shalt  }
0x5f: {  	_ =	shalt  }
0x60: {  	_ =	shalt  }
0x61: {  	_ =	shalt  }
0x62: {  	_ =	shalt  }
0x63: {  	_ =	shalt  }
0x64: {  	_ =	shalt  }
0x65: {  	_ =	shalt  }
0x66: {  	_ =	shalt  }
0x67: {  	_ =	shalt  }
0x68: {  	_ =	shalt  }
0x69: {  	_ =	shalt  }
0x6a: {  	_ =	shalt  }
0x6b: {  	_ =	shalt  }
0x6c: {  	_ =	shalt  }
0x6d: {  	_ =	shalt  }
0x6e: {  	_ =	shalt  }
0x6f: {  	_ =	shalt  }
0x70: {  	_ =	shalt  }
0x71: {  	_ =	shalt  }
0x72: {  	_ =	shalt  }
0x73: {  	_ =	shalt  }
0x74: {  	_ =	shalt  }
0x75: {  	_ =	shalt  }
0x76: {  	_ =	shalt  }
0x77: {  	_ =	shalt  }
0x78: {  	_ =	shalt  }
0x79: {  	_ =	shalt  }
0x7a: {  	_ =	shalt  }
0x7b: {  	_ =	shalt  }
0x7c: {  	_ =	shalt  }
0x7d: {  	_ =	shalt  }
0x7e: {  	_ =	shalt  }
0x7f: {  	_ =	shalt  }
0x80: {  	_ =	shalt  }
0x81: {  	_ =	shalt  }
0x82: {  	_ =	shalt  }
0x83: {  	_ =	shalt  }
0x84: {  	_ =	shalt  }
0x85: {  	_ =	shalt  }
0x86: {  	_ =	shalt  }
0x87: {  	_ =	shalt  }
.Lfunc_end0:
.L_simem_size_0:
called_computation.10_lowered:
.L_overlay_start_0:
0x88: {  	s2 =	sld [smem:$0x3FD9]  }
0x89: {  	s3 =	sld [smem:$0x3FFE];
	_ =	sdelay $0x1  }
0x8a: {  	s1 =	srdreg.scid  }
0x8b: {  	s0 =	sand.u32 $0x1, s1  }
0x8c: {  	s14 =	sshll.u32 s0, $0xA;
	s2 =	sadd.s32 s3, s2  }
0x8d: {  	s2 =	sadd.s32 s2, s14  }
0x8e: {  	[smem:$0x3FC0] =	sst s2  }
0x8f: {  	_ = 	snop  }
0x90: {  	s2 =	sld [smem:$0x3FD0];
	_ =	sdelay $0x2  }
0x91: {  	s15 =	simm.s32 $0xC;
	s4 =	simm.s32 $0x10  }
0x92: {  	[smem:s4], [sflag:s15] =	dma.local [hbm:s2], $0x1  }
0x93: {  	_ =	swait.eq [sflag:s15], $0x1  }
0x94: {  	[sflag:s15] =	ssyncset.done $0x0  }
0x95: {  	s16 =	sld [smem:$0x13];
	[sflag:s15] =	ssyncadd.s32 $0xFFFFFFFF  }
0x96: {  	s17 =	sld [smem:$0x15];
	(tm) =	ssettm $0x1  }
0x97: {  	s18 =	sld [smem:$0x3FFB];
	_ =	sdelay $0x3  }
0x98: {  	_ =	strace s18  }
0x99: {  	s4 =	sld [smem:$0x3FFC];
	_ =	sdelay $0x3  }
0x9a: {  	_ =	strace s4  }
0x9b: {  	s4 =	sld [smem:$0x3FFD];
	_ =	sdelay $0x3  }
0x9c: {  	_ =	strace s4  }
0x9d: {  	_ =	strace $0x8FFFFFFF  }
0x9e: {  	s19 =	sld [smem:$0x3FDB];
	_ =	sdelay $0x1  }
0x9f: {  	s5 =	simm.s32 $_scs_section_size  }
0xa0: {  	s6 =	simm.s32 $_size__tile_overlayer_lowered;
	s7 =	simm.s32 $_tile_overlayer_lowered  }
0xa1: {  	s22 =	simm.s32 $0x1BFF;
	s21 =	sshll.u32 s7, $0x1;
	s4 =	sadd.s32 s5, s19  }
0xa2: {  	s8 =	simm.s32 $0x0;
	s20 =	sshll.u32 s6, $0x1;
	s6 =	sadd.s32 s21, s4  }
0xa3: {  	[timem:s8], [sflag:s22] =	dma.local [hbm:s6], s20  }
0xa4: {  	_ =	swait.ge [sflag:s22], s20  }
0xa5: {  	s5 =	ssub.s32 $0x0, s20;
	[sflag:s22] =	ssyncset.done $0x0  }
0xa6: {  	[sflag:s22] =	ssyncadd.s32 s5;
	_ =	sdelay $0x1  }
0xa7: {  	s23 =	simm.s32 $0x1B8B  }
0xa8: {  	_ =	swait.ge [sflag:s23], $0x1  }
0xa9: {  	[sflag:s23] =	ssyncset.done $0x0  }
0xaa: {  	s25 =	simm.s32 $0x1B8E;
	s24 =	sld [smem:$0x3FFE];
	[sflag:s23] =	ssyncadd.s32 $0xFFFFFFFF  }
0xab: {  	s26 =	simm.s32 $execute0_lowered;
	[smem:$0x3FD2] =	sst s25  }
0xac: {  	s6 =	sshll.u32 s26, $0x1;
	_ =	strace $0x8000005B;
	[dreg:$0x1] =	wrdreg $0xFFFFFFFF  }
0xad: {  	s28 =	simm.s32 $_size_execute0_lowered;
	s4 =	sadd.s32 s4, s6;
	[dreg:$0x0] =	wrdreg $0x0  }
0xae: {  	s6 =	sshll.u32 s28, $0x1;
	[dreg:$0x2] =	wrdreg s4  }
0xaf: {  	[dreg:$0x3] =	wrdreg s6  }
0xb0: {  	[dreg:$0x4] =	wrdreg $0xC0  }
0xb1: {  	_ =	task [dreg:s8], $0x5FFFF  }
0xb2: {  	[dreg:$0x1] =	wrdreg $0xFFFFFFFF  }
0xb3: {  	[dreg:$0x0] =	wrdreg $0x60  }
0xb4: {  	[dreg:$0x2] =	wrdreg s24  }
0xb5: {  	[dreg:$0x3] =	wrdreg s16  }
0xb6: {  	[dreg:$0x4] =	wrdreg s17  }
0xb7: {  	[dreg:$0x5] =	wrdreg $0x9  }
0xb8: {  	_ =	task.clear_ibuf [dreg:s8], $0x6FFFF;
	_ =	strace $0x9000005B  }
0xb9: {  	s29 =	simm.s32 $0x9;
	_ =	strace $0x8000005D  }
0xba: {  	_ =	swait.ge [sflag:s29], $0x1  }
0xbb: {  	[sflag:s29] =	ssyncadd.s32 $0xFFFFFFFF  }
0xbc: {  	_ =	strace $0x9000005D  }
0xbd: {  	_ =	sfence  }
0xbe: {  	s30 =	sld [smem:$0x0];
	_ =	sdelay $0x2  }
0xbf: {  	s31 =	sshll.u32 s1, $0xD;
	s1 =	sshrl.u32 s1, $0x2  }
0xc0: {  	s3 =	sand.u32 $0x4000, s31;
	s1 =	sadd.s32 s1, s30  }
0xc1: {  	s0 =	sor.u32 s3, s0;
	s1 =	sshll.u32 s1, $0x11  }
0xc2: {  	s0 =	sor.u32 s1, s0  }
0xc3: {  	s0 =	sadd.s32 $0x8F2B, s0  }
0xc4: {  	[sflag:s0] =	ssyncadd.remote.s32 $0x1  }
0xc5: {  	_ =	sfence.sel $0xFFFF  }
0xc6: {  	[dreg:$0x0] =	wrdreg $0xFFFFFFFF;
	(pc) =	sbr.abs _section_cstart, $3  }
0xc7: {  	[dreg:$0x1] =	wrdreg $0xFFFFFFFF  }
0xc8: {  	_ =	task.clear_ibuf [dreg:s8], $0x2FFFF;
	_ =	strace $0x9FFFFFFF  }
0xc9: {  	(tm) =	ssettm $0x7FFFFFFF  }
tec
execute0_lowered:
.L_overlay_start_1:
0x0: {  	(tag) =	ssettag $0x1  }
0x1: {  	s5 =	rddreg [dreg:$0x0]  }
0x2: {  	s1 =	srdreg.scid;
	s2 =	rddreg [dreg:$0x1]  }
0x3: {  	s0 =	stileid.u32;
	s3 =	rddreg [dreg:$0x2]  }
0x4: {  	s9 =	simm.s32 $0x1;
	s10 =	simm.s32 $0x3;
	s1 =	sshll.u32 s1, $0x6  }
0x5: {  	s13 =	simm.s32 $0x0;
	s4 =	sshll.u32 s0, $0x7;
	s6 =	sand.u32 $0x40, s1  }
0x6: {  	s12 =	simm.s32 $0x0;
	s5 =	sadd.s32 $0x15200, s5;
	s4 =	sor.u32 s4, s6  }
0x7: {  	s1 =	rddreg [dreg:$0x3];
	_ =	strace $0x8000005C;
	s8 =	ssub.s32 $0x1000, s4  }
.Ltmp0:
0x8: {  	s6 =	simm.s32 $0x1;
	s7 =	sand.u32 $0x7C0, s8;
	(pc) =	sbr.rel .LBB2_1-.Ltmp0, $4  }
0x9: {  	[sflag:s6] =	ssyncpa.u1 $0x0;
	s11 =	smov.u32 s4;
	p0 =	sne.s32 s7, $0x0  }
0xa: {  	s8 =	sshrl.u32 s8, $0xB;
	s7 =	simm.s32 $0x2;
	s9 =	simm.s32 @!p0 $0x0  }
0xb: {  	[sflag:s7] =	ssyncpa.u1 $0x0;
	p0 =	por $0x0, $0x0;
	s8 =	sadd.s32 s9, s8  }
0xc: {  	vm0 =	vmmov $0xffff;
	[sflag:s10] =	ssyncpa.u1 $0x0;
	s10 =	simm.s32 $0x0;
	s9 =	sadd.s32 $0x1, s8  }
.LBB2_4:
0xd: {  	v2 =	vnsel vm1, $0x0, v2  }
0xe: {  	vm1 =	vgt.s32 v0, $0x0;
	v2 =	vmin.u32 v2, $0x40000  }
0xf: {  	v0 =	vnsel vm1, $0x0, v0  }
0x10: {  	v0 =	vmin.u32 v0, $0x40000  }
0x11: {  	[tilespmem:s15], [sflag:$0x1] =	stream.indirect_vreg.gather [hbm4b:s5+s10], $0x1, v1, vm0, $0x4038;
	[tilespmem:$0x100] =	vst v63  }
0x12: {  	(ifvalue) =	ssetifvalue $0x7FFFFFFF  }
0x13: {  	[tilespmem:s16], [sflag:$0x1] =	stream.indirect_vreg.gather [hbm4b:s5+s10], $0x1, v2, vm0, $0x4038;
	[tilespmem:$0x100] =	vst v63  }
0x14: {  	s29 =	sadd.s32 $0x10, s16;
	(ifvalue) =	ssetifvalue $0x7FFFFFFF  }
0x15: {  	[tilespmem:s29], [sflag:$0x1] =	stream.indirect_vreg.gather [hbm4b:s5+s10], $0x1, v0, vm0, $0x4038;
	[tilespmem:$0x100] =	vst v63  }
0x16: {  	_ =	swait.ge [sflag:s6], $0x40  }
0x17: {  	s30 =	sshrl.u32 s13, $0x3;
	[sflag:s6] =	ssyncset.done $0x0  }
0x18: {  	s31 =	sand.u32 $0x7, s13;
	s15 =	sadd.s32 s3, s30;
	[sflag:s6] =	ssyncadd.s32 $0xFFFFFFC0  }
0x19: {  	[hbm4b:s15+s31] =	stream.linear.scatter [tilespmem:s14], [sflag:$0x3], $0x40, $0x38;
	[tilespmem:$0x100] =	vst v63  }
.LBB2_5:
0x1a: {  	s15 =	sadd.s32 $0x800, s11  }
0x1b: {  	p2 =	sgt.s32 s15, $0xFFF  }
0x1c: {  	s15 =	smov.u32 @p2 s4;
	p2 =	sne.s32 s12, s9  }
.Ltmp1:
0x1d: {  	p1 =	slt.u32 s12, $0x2;
	(pc) =	sbr.rel @!p2 .LBB2_6-.Ltmp1, $4  }
0x1e: {  	s14 =	simm.s32 @!p1 $0x3  }
0x1f: {  	s16 =	sadd.s32 $0x1, s12;
	_ =	swait.ge @!p1 [sflag:s14], $0x40  }
0x20: {  	s13 =	smov.u32 s11;
	p0 =	por !p0, !p0;
	[sflag:s14] =	ssyncset.done @!p1 $0x0  }
0x21: {  	s12 =	smov.u32 s16;
	s11 =	smov.u32 s15;
	[sflag:s14] =	ssyncadd.s32 @!p1 $0xFFFFFFC0  }
.LBB2_1:
0x22: {  	p1 =	sge.u32 s12, s8  }
0x23: {  	s14 =	sxor.u32 @!p1 $0xFFFFFFFF, s12  }
0x24: {  	s31 =	sadd.s32 $0xFFFFFFFF, s12;
	s15 =	sshrl.u32 @!p1 s11, $0x3;
	s14 =	sshll.u32 @!p1 s14, $0x6  }
0x25: {  	s16 =	sand.u32 @!p1 $0x7, s11;
	s15 =	sadd.s32 @!p1 s2, s15;
	s14 =	sand.u32 @!p1 $0x40, s14  }
0x26: {  	[tilespmem:s14], [sflag:$0x2] =	stream.linear.gather @!p1 [hbm4b:s15+s16], $0x40, $0x38;
	[tilespmem:$0x100] =	vst v63  }
0x27: {  	p1 =	sge.u32 s31, s8  }
.Ltmp2:
0x28: {  	_ = 	snop;
	(pc) =	sbr.rel @p1 .LBB2_5-.Ltmp2, $1  }
0x29: {  	_ =	sdelay $0x3  }
0x2a: {  	s14 =	simm.s32 $0x1  }
0x2b: {  	_ =	swait.ge [sflag:s7], $0x40;
	s14 =	simm.s32 @!p0 $0x0  }
0x2c: {  	[sflag:s7] =	ssyncset.done $0x0;
	s14 =	sshll.u32 s14, $0x6  }
0x2d: {  	[sflag:s7] =	ssyncadd.s32 $0xFFFFFFC0;
	(ifvalue) =	ssetifvalue $0x7FFFFFFF;
	v0 =	vld.msk [tilespmem:s14+$0x0 ss:$0x1], $0xffff;
	_ =	sdelay $0x4  }
0x2e: {  	s15 =	sadd.s32 $0x10, s14;
	vm1 =	vgt.s32 v0, $0x0  }
0x2f: {  	v2 =	vld.msk [tilespmem:s15+$0x0 ss:$0x1], $0xffff;
	v1 =	vnsel vm1, $0x0, v0  }
0x30: {  	v1 =	vmin.u32 v1, $0x40000;
	_ =	sdelay $0x1  }
0x31: {  	s16 =	sshll.u32 s12, $0x6;
	s18 =	simm.s32 $0x20  }
0x32: {  	s16 =	sand.u32 $0x40, s16;
	s17 =	sadd.s32 $0x10, s15;
	s15 =	sor.u32 $0x80, s14  }
0x33: {  	s14 =	sor.u32 $0x80, s16;
	s16 =	sadd.s32 $0x10, s15;
	v0 =	vld.msk [tilespmem:s17+$0x0 ss:$0x1], $0xffff;
	vm1 =	vgt.s32 v2, $0x0;
	(ifvalue) =	ssetifvalue $0x7FFFFFFF  }
.LBB2_3:
0x34: {  	[tilespmem:s15], [sflag:$0x1] =	stream.indirect_vreg.gather [hbm4b:s5+s10], $0x1, v1, vm0, $0x4038;
	[tilespmem:$0x100] =	vst v63  }
0x35: {  	s18 =	sadd.s32 $0x10, s18  }
0x36: {  	v2 =	vnsel vm1, $0x0, v2;
	p1 =	slt.u32 s18, $0x30  }
.Ltmp3:
0x37: {  	s15 =	smov.u32 s16;
	v1 =	vmin.u32 v2, $0x40000;
	(pc) =	sbr.rel @p1 .LBB2_3-.Ltmp3, $3  }
0x38: {  	_ =	sdelay $0x1  }
0x39: {  	s17 =	sadd.s32 $0x10, s17  }
0x3a: {  	vm1 =	vgt.s32 v0, $0x0;
	s16 =	sadd.s32 $0x10, s16;
	v2 =	vmov v0;
	(ifvalue) =	ssetifvalue $0x7FFFFFFF;
	v0 =	vld.msk [tilespmem:s17+$0x0 ss:$0x1], $0xffff  }
.Ltmp4:
0x3b: {  	_ = 	snop;
	(pc) =	sbr.rel .LBB2_4-.Ltmp4, $1  }
0x3c: {  	_ =	sdelay $0x3  }
.LBB2_6:
0x3d: {  	_ =	sfence.sel $0x180000  }
0x3e: {  	s2 =	simm.s32 $0x2;
	[bflag:$0x0] =	sbarrier.arrive $0xFFFF  }
0x3f: {  	s30 =	simm.s32 $0x3;
	[sflag:s2] =	ssyncpa.u1 $0x1  }
0x40: {  	s31 =	simm.s32 $0x1;
	[sflag:s30] =	ssyncpa.u1 $0x1  }
0x41: {  	[sflag:s31] =	ssyncpa.u1 $0x1  }
0x42: {  	p0 =	sne.s32 s0, $0x0;
	_ =	strace $0x9000005C  }
0x43: {  	s0 =	sadd.s32 @!p0 $0x100000, s1;
	[bflag:$0x2] =	sbarrier.arrive $0xFFFF  }
0x44: {  	[sflag:s0] =	ssyncadd.tile.s32 @!p0 $0x1;
	_ =	shalt  }
.Lfunc_end2:
_tile_overlayer_lowered:
.L_overlay_start_2:
0x45: {  	(tag) =	ssettag $0x2  }
0x46: {  	s0 =	rddreg [dreg:$0x0];
	s2 =	stileid.u32  }
0x47: {  	s1 =	rddreg [dreg:$0x1];
	p0 =	sne.s32 s2, $0x0  }
0x48: {  	s3 =	rddreg [dreg:$0x2];
	[bflag:$0x3] =	sbarrier.arrive $0xFFFF;
	s2 =	simm.s32 @!p0 $0x1C01  }
0x49: {  	[timem:s3], [sflag:s2] =	dma.local @!p0 [hbm:s0], s1  }
0x4a: {  	s0 =	simm.s32 @!p0 $0x1  }
0x4b: {  	_ =	swait.ge @!p0 [sflag:s0], s1  }
0x4c: {  	s1 =	ssub.s32 @!p0 $0x0, s1;
	[sflag:s0] =	ssyncset.done @!p0 $0x0  }
0x4d: {  	[sflag:s0] =	ssyncadd.s32 @!p0 s1  }
0x4e: {  	[bflag:$0x3] =	sbarrier.arrive $0xFFFF  }
0x4f: {  	_ =	shalt  }

// kernel: gather_offload_async_start.11
scs
__scs_entry_jumppad:
0x0: {  	(pc) =	sbr.rel $0x88, $3  }
0x1: {  	(tag) =	ssettag $0x0;
	lr =	simm.s32 $0x1  }
0x2: {  	[smem:$0x3F99] =	sst lr;
	_ =	strace $0xD0000000  }
0x3: {  	_ = 	snop  }
0x4: {  	_ = 	snop  }
0x5: {  	_ = 	snop  }
0x6: {  	_ = 	snop  }
0x7: {  	_ = 	snop  }
__scs_overlays_trampoline_lowered:
0x8: {  	[smem:$0x3FA8] =	sst s0  }
0x9: {  	[smem:$0x3FA9] =	sst s1  }
0xa: {  	[smem:$0x3FAA] =	sst s2  }
0xb: {  	[smem:$0x3FAB] =	sst s3  }
0xc: {  	[smem:$0x3FAC] =	sst s4  }
0xd: {  	[smem:$0x3FAD] =	sst s5  }
0xe: {  	[smem:$0x3FAE] =	sst s6  }
0xf: {  	[smem:$0x3FAF] =	sst s7  }
0x10: {  	[smem:$0x3FB0] =	sst s8  }
0x11: {  	[smem:$0x3FB1] =	sst s9;
	s0 =	simm.s32 @!p0 $0x0  }
0x12: {  	s1 =	sld [smem:$0x3F97];
	s0 =	simm.s32 @p0 $0x1  }
0x13: {  	[smem:$0x3FB2] =	sst s0;
	s0 =	simm.s32 @!p1 $0x0  }
0x14: {  	s2 =	sld [smem:$0x3F96];
	s0 =	simm.s32 @p1 $0x1  }
0x15: {  	[smem:$0x3FB3] =	sst s0;
	s0 =	simm.s32 @!p2 $0x0  }
0x16: {  	s3 =	sld [smem:$0x3FDB];
	s0 =	simm.s32 @p2 $0x1  }
0x17: {  	s4 =	simm.s32 $0x1BF5;
	[smem:$0x3FB5] =	sst s0  }
0x18: {  	s0 =	sld [smem:$0x3F98];
	_ =	swait.ge [sflag:s4], $0x0  }
0x19: {  	s7 =	sld [smem:$0x3F99]  }
0x1a: {  	s8 =	sadd.s32 $0xFFFFE003, lr  }
0x1b: {  	s9 =	sadd.s32 $0xFFFFFEF7, lr;
	s5 =	simm.s32 $0xFFFFFFFF;
	p2 =	slt.u32 s8, $0xFFFFF086  }
0x1c: {  	p1 =	slt.u32 s9, $0xF7A;
	s5 =	simm.s32 @!p2 $0x0  }
0x1d: {  	s5 =	simm.s32 @p1 $0x1;
	p0 =	seq.s32 s7, s2  }
0x1e: {  	s7 =	smul.u32 @!p0 $0xF7A, s2;
	p2 =	seq.s32 @!p0 s5, $0x0  }
0x1f: {  	s9 =	smul.u32 $0xF7A, s1;
	s8 =	simm.s32 @!p0 $0x1BF5;
	p2 =	por !p2, p0  }
0x20: {  	[sflag:s8] =	ssyncset.s32 @!p0 $0xFFFFF086;
	s6 =	sadd.s32 @!p0 s3, s7;
	s7 =	simm.s32 @!p0 $0x108  }
0x21: {  	s3 =	sadd.s32 s3, s9;
	s6 =	sadd.s32 @!p0 $0x88, s6;
	s7 =	simm.s32 @p2 $0x1082  }
0x22: {  	[simem:s7], [sflag:s8] =	dma.local @!p0 [hbm:s6], $0xF7A  }
0x23: {  	s9 =	sor.u32 $0xD0000000, s2;
	s6 =	simm.s32 $0x108;
	_ =	swait.ge @!p0 [sflag:s8], $0x0  }
0x24: {  	s3 =	sadd.s32 $0x88, s3;
	s6 =	simm.s32 @!p1 $0x1082;
	[sflag:s4] =	ssyncset.s32 $0xFFFFF086  }
0x25: {  	[simem:s6], [sflag:s4] =	dma.local [hbm:s3], $0xF7A  }
0x26: {  	[smem:$0x3F99] =	sst s1;
	(tag) =	ssettag s2;
	_ =	strace s9  }
0x27: {  	s1 =	sld [smem:$0x3FA9]  }
0x28: {  	s2 =	sld [smem:$0x3FAA]  }
0x29: {  	s4 =	sld [smem:$0x3FAC]  }
0x2a: {  	p0 =	seq.s32 s5, $0x0;
	s5 =	sld [smem:$0x3FAD]  }
0x2b: {  	s6 =	sld [smem:$0x3FAE]  }
0x2c: {  	s7 =	sld [smem:$0x3FAF]  }
0x2d: {  	s3 =	simm.s32 $0x108;
	s8 =	sld [smem:$0x3FB0]  }
0x2e: {  	s3 =	simm.s32 @!p0 $0x1082;
	s9 =	sld [smem:$0x3FB1]  }
0x2f: {  	lr =	sadd.s32 s0, s3;
	s0 =	sld [smem:$0x3FA8]  }
0x30: {  	s3 =	sld [smem:$0x3FAB]  }
0x31: {  	[smem:$0x3FB4] =	sst s10  }
0x32: {  	s10 =	sld [smem:$0x3FB2];
	_ =	sdelay $0x3  }
0x33: {  	p0 =	seq.s32 s10, $0x1;
	s10 =	sld [smem:$0x3FB4];
	_ =	sdelay $0x3  }
0x34: {  	[smem:$0x3FB4] =	sst s10  }
0x35: {  	s10 =	sld [smem:$0x3FB3];
	_ =	sdelay $0x3  }
0x36: {  	p1 =	seq.s32 s10, $0x1;
	s10 =	sld [smem:$0x3FB4];
	_ =	sdelay $0x3  }
0x37: {  	[smem:$0x3FB4] =	sst s10  }
0x38: {  	s10 =	sld [smem:$0x3FB5]  }
0x39: {  	_ = 	snop;
	(pc) =	sbr.ind lr, $3  }
0x3a: {  	_ = 	snop  }
0x3b: {  	_ = 	snop  }
0x3c: {  	p2 =	seq.s32 s10, $0x1;
	s10 =	sld [smem:$0x3FB4]  }
0x3d: {  	_ =	shalt  }
0x3e: {  	_ =	shalt  }
0x3f: {  	_ =	shalt  }
0x40: {  	_ =	shalt  }
0x41: {  	_ =	shalt  }
0x42: {  	_ =	shalt  }
0x43: {  	_ =	shalt  }
0x44: {  	_ =	shalt  }
0x45: {  	_ =	shalt  }
0x46: {  	_ =	shalt  }
0x47: {  	_ =	shalt  }
0x48: {  	_ =	shalt  }
0x49: {  	_ =	shalt  }
0x4a: {  	_ =	shalt  }
0x4b: {  	_ =	shalt  }
0x4c: {  	_ =	shalt  }
0x4d: {  	_ =	shalt  }
0x4e: {  	_ =	shalt  }
0x4f: {  	_ =	shalt  }
0x50: {  	_ =	shalt  }
0x51: {  	_ =	shalt  }
0x52: {  	_ =	shalt  }
0x53: {  	_ =	shalt  }
0x54: {  	_ =	shalt  }
0x55: {  	_ =	shalt  }
0x56: {  	_ =	shalt  }
0x57: {  	_ =	shalt  }
0x58: {  	_ =	shalt  }
0x59: {  	_ =	shalt  }
0x5a: {  	_ =	shalt  }
0x5b: {  	_ =	shalt  }
0x5c: {  	_ =	shalt  }
0x5d: {  	_ =	shalt  }
0x5e: {  	_ =	shalt  }
0x5f: {  	_ =	shalt  }
0x60: {  	_ =	shalt  }
0x61: {  	_ =	shalt  }
0x62: {  	_ =	shalt  }
0x63: {  	_ =	shalt  }
0x64: {  	_ =	shalt  }
0x65: {  	_ =	shalt  }
0x66: {  	_ =	shalt  }
0x67: {  	_ =	shalt  }
0x68: {  	_ =	shalt  }
0x69: {  	_ =	shalt  }
0x6a: {  	_ =	shalt  }
0x6b: {  	_ =	shalt  }
0x6c: {  	_ =	shalt  }
0x6d: {  	_ =	shalt  }
0x6e: {  	_ =	shalt  }
0x6f: {  	_ =	shalt  }
0x70: {  	_ =	shalt  }
0x71: {  	_ =	shalt  }
0x72: {  	_ =	shalt  }
0x73: {  	_ =	shalt  }
0x74: {  	_ =	shalt  }
0x75: {  	_ =	shalt  }
0x76: {  	_ =	shalt  }
0x77: {  	_ =	shalt  }
0x78: {  	_ =	shalt  }
0x79: {  	_ =	shalt  }
0x7a: {  	_ =	shalt  }
0x7b: {  	_ =	shalt  }
0x7c: {  	_ =	shalt  }
0x7d: {  	_ =	shalt  }
0x7e: {  	_ =	shalt  }
0x7f: {  	_ =	shalt  }
0x80: {  	_ =	shalt  }
0x81: {  	_ =	shalt  }
0x82: {  	_ =	shalt  }
0x83: {  	_ =	shalt  }
0x84: {  	_ =	shalt  }
0x85: {  	_ =	shalt  }
0x86: {  	_ =	shalt  }
0x87: {  	_ =	shalt  }
.Lfunc_end0:
.L_simem_size_0:
called_computation.11_lowered:
.L_overlay_start_0:
0x88: {  	s2 =	sld [smem:$0x3FD9]  }
0x89: {  	s3 =	sld [smem:$0x3FFE];
	_ =	sdelay $0x1  }
0x8a: {  	s1 =	srdreg.scid  }
0x8b: {  	s0 =	sand.u32 $0x1, s1  }
0x8c: {  	s15 =	sshll.u32 s0, $0xA;
	s2 =	sadd.s32 s3, s2  }
0x8d: {  	s2 =	sadd.s32 s2, s15  }
0x8e: {  	[smem:$0x3FC0] =	sst s2  }
0x8f: {  	_ = 	snop  }
0x90: {  	s2 =	sld [smem:$0x3FD0];
	_ =	sdelay $0x2  }
0x91: {  	s16 =	simm.s32 $0xC;
	s4 =	simm.s32 $0x10  }
0x92: {  	[smem:s4], [sflag:s16] =	dma.local [hbm:s2], $0x1  }
0x93: {  	_ =	swait.eq [sflag:s16], $0x1  }
0x94: {  	[sflag:s16] =	ssyncset.done $0x0  }
0x95: {  	[sflag:s16] =	ssyncadd.s32 $0xFFFFFFFF  }
0x96: {  	s17 =	sld [smem:$0x11];
	(tm) =	ssettm $0x1  }
0x97: {  	s18 =	sld [smem:$0x3FFB];
	_ =	sdelay $0x3  }
0x98: {  	_ =	strace s18  }
0x99: {  	s2 =	sld [smem:$0x3FFC];
	_ =	sdelay $0x3  }
0x9a: {  	_ =	strace s2  }
0x9b: {  	s2 =	sld [smem:$0x3FFD];
	_ =	sdelay $0x3  }
0x9c: {  	_ =	strace s2  }
0x9d: {  	_ =	strace $0x8FFFFFFF  }
0x9e: {  	s19 =	sld [smem:$0x3FDB];
	_ =	sdelay $0x1  }
0x9f: {  	s20 =	simm.s32 $_scs_section_size  }
0xa0: {  	s5 =	simm.s32 $_size__tile_overlayer_lowered;
	s6 =	simm.s32 $_tile_overlayer_lowered  }
0xa1: {  	s7 =	simm.s32 $0x1BFF;
	s21 =	sshll.u32 s6, $0x1;
	s4 =	sadd.s32 s20, s19  }
0xa2: {  	s22 =	simm.s32 $0x0;
	s5 =	sshll.u32 s5, $0x1;
	s6 =	sadd.s32 s21, s4  }
0xa3: {  	[timem:s22], [sflag:s7] =	dma.local [hbm:s6], s5  }
0xa4: {  	_ =	swait.ge [sflag:s7], s5  }
0xa5: {  	s5 =	ssub.s32 $0x0, s5;
	[sflag:s7] =	ssyncset.done $0x0  }
0xa6: {  	[sflag:s7] =	ssyncadd.s32 s5;
	_ =	sdelay $0x1  }
0xa7: {  	s23 =	simm.s32 $0x1B8B  }
0xa8: {  	_ =	swait.ge [sflag:s23], $0x1  }
0xa9: {  	[sflag:s23] =	ssyncset.done $0x0  }
0xaa: {  	[sflag:s23] =	ssyncadd.s32 $0xFFFFFFFF  }
0xab: {  	s5 =	sld [smem:$0x0]  }
0xac: {  	s6 =	sand.u32 $0xFFFFFFFE, s1  }
0xad: {  	p0 =	sne.s32 s1, s6  }
0xae: {  	s6 =	sshll.u32 @p0 s6, $0xE  }
0xaf: {  	s6 =	sadd.s32 @p0 $0x11B8D, s6;
	s7 =	sshll.u32 @p0 s5, $0x11  }
0xb0: {  	s6 =	sor.u32 @p0 s7, s6  }
0xb1: {  	[sflag:s6] =	ssyncadd.remote.s32 @p0 $0x1;
	_ =	sdelay $0x1  }
0xb2: {  	s6 =	simm.s32 @p0 $0x1B8D  }
0xb3: {  	_ =	swait.eq @p0 [sflag:s6], $0x1  }
0xb4: {  	[sflag:s6] =	ssyncadd.s32 @p0 $0xFFFFFFFF  }
0xb5: {  	s7 =	sshll.u32 @!p0 s1, $0xE  }
0xb6: {  	s7 =	sor.u32 @!p0 $0x4000, s7;
	s6 =	simm.s32 @!p0 $0x1B8D  }
0xb7: {  	s5 =	sshll.u32 @!p0 s5, $0x11;
	s7 =	sadd.s32 @!p0 $0x11B8D, s7;
	_ =	swait.eq @!p0 [sflag:s6], $0x1  }
0xb8: {  	s5 =	sor.u32 @!p0 s5, s7;
	[sflag:s6] =	ssyncadd.s32 @!p0 $0xFFFFFFFF  }
0xb9: {  	s25 =	simm.s32 $0x1B8E;
	s24 =	sld [smem:$0x3FFE];
	[sflag:s5] =	ssyncadd.remote.s32 @!p0 $0x1  }
0xba: {  	s26 =	simm.s32 $execute0_lowered;
	[smem:$0x3FD2] =	sst s25  }
0xbb: {  	s6 =	sshll.u32 s26, $0x1;
	_ =	strace $0x8000005E;
	[dreg:$0x1] =	wrdreg $0xFFFFFFFF  }
0xbc: {  	s28 =	simm.s32 $_size_execute0_lowered;
	s4 =	sadd.s32 s4, s6;
	[dreg:$0x0] =	wrdreg $0x0  }
0xbd: {  	s6 =	sshll.u32 s28, $0x1;
	[dreg:$0x2] =	wrdreg s4  }
0xbe: {  	[dreg:$0x3] =	wrdreg s6  }
0xbf: {  	[dreg:$0x4] =	wrdreg $0xC0  }
0xc0: {  	_ =	task [dreg:s22], $0x5FFFF  }
0xc1: {  	[dreg:$0x1] =	wrdreg $0xFFFFFFFF  }
0xc2: {  	[dreg:$0x0] =	wrdreg $0x60  }
0xc3: {  	[dreg:$0x2] =	wrdreg s24  }
0xc4: {  	[dreg:$0x3] =	wrdreg s17  }
0xc5: {  	[dreg:$0x4] =	wrdreg $0xA  }
0xc6: {  	_ =	task.clear_ibuf [dreg:s22], $0x5FFFF;
	_ =	strace $0x9000005E  }
0xc7: {  	s29 =	simm.s32 $0xA;
	_ =	strace $0x80000060  }
0xc8: {  	_ =	swait.ge [sflag:s29], $0x1  }
0xc9: {  	[sflag:s29] =	ssyncadd.s32 $0xFFFFFFFF  }
0xca: {  	_ =	strace $0x90000060  }
0xcb: {  	_ =	sfence  }
0xcc: {  	s30 =	sld [smem:$0x0];
	_ =	sdelay $0x2  }
0xcd: {  	s31 =	sshll.u32 s1, $0xD;
	s1 =	sshrl.u32 s1, $0x2  }
0xce: {  	s4 =	sand.u32 $0x4000, s31;
	s1 =	sadd.s32 s1, s30  }
0xcf: {  	s0 =	sor.u32 s4, s0;
	s1 =	sshll.u32 s1, $0x11  }
0xd0: {  	s0 =	sor.u32 s1, s0  }
0xd1: {  	s0 =	sadd.s32 $0x8F2B, s0  }
0xd2: {  	[sflag:s0] =	ssyncadd.remote.s32 $0x1  }
0xd3: {  	_ =	sfence.sel $0xFFFF  }
0xd4: {  	[dreg:$0x0] =	wrdreg $0xFFFFFFFF;
	(pc) =	sbr.abs _section_cstart, $3  }
0xd5: {  	[dreg:$0x1] =	wrdreg $0xFFFFFFFF  }
0xd6: {  	_ =	task.clear_ibuf [dreg:s22], $0x2FFFF;
	_ =	strace $0x9FFFFFFF  }
0xd7: {  	(tm) =	ssettm $0x7FFFFFFF  }
tec
execute0_lowered:
.L_overlay_start_1:
0x0: {  	(tag) =	ssettag $0x1  }
0x1: {  	s1 =	srdreg.scid;
	s5 =	rddreg [dreg:$0x0]  }
0x2: {  	s0 =	stileid.u32;
	s2 =	rddreg [dreg:$0x1];
	s6 =	simm.s32 $0x1  }
0x3: {  	s9 =	simm.s32 $0x1;
	s10 =	simm.s32 $0x3;
	s1 =	sshll.u32 s1, $0x6  }
0x4: {  	s13 =	simm.s32 $0x0;
	s3 =	sshll.u32 s0, $0x7;
	s4 =	sand.u32 $0x40, s1  }
0x5: {  	s12 =	simm.s32 $0x0;
	s1 =	rddreg [dreg:$0x2];
	s3 =	sor.u32 s3, s4  }
0x6: {  	_ =	strace $0x8000005F;
	s4 =	sadd.s32 $0x15200, s5;
	s8 =	ssub.s32 $0x1000, s3  }
.Ltmp0:
0x7: {  	s5 =	sadd.s32 $0xCE00, s5;
	s7 =	sand.u32 $0x7C0, s8;
	(pc) =	sbr.rel .LBB2_1-.Ltmp0, $4  }
0x8: {  	[sflag:s6] =	ssyncpa.u1 $0x0;
	s11 =	smov.u32 s3;
	p0 =	sne.s32 s7, $0x0  }
0x9: {  	s8 =	sshrl.u32 s8, $0xB;
	s7 =	simm.s32 $0x2;
	s9 =	simm.s32 @!p0 $0x0  }
0xa: {  	[sflag:s7] =	ssyncpa.u1 $0x0;
	p0 =	por $0x0, $0x0;
	s8 =	sadd.s32 s9, s8  }
0xb: {  	vm0 =	vmmov $0xffff;
	[sflag:s10] =	ssyncpa.u1 $0x0;
	s10 =	simm.s32 $0x0;
	s9 =	sadd.s32 $0x1, s8  }
.LBB2_4:
0xc: {  	v2 =	vnsel vm1, $0x0, v2  }
0xd: {  	vm1 =	vgt.s32 v0, $0x0;
	v2 =	vmin.u32 v2, $0x40000  }
0xe: {  	v0 =	vnsel vm1, $0x0, v0  }
0xf: {  	v0 =	vmin.u32 v0, $0x40000  }
0x10: {  	[tilespmem:s15], [sflag:$0x1] =	stream.indirect_vreg.gather [hbm4b:s4+s10], $0x1, v1, vm0, $0x4038;
	[tilespmem:$0x100] =	vst v63  }
0x11: {  	(ifvalue) =	ssetifvalue $0x7FFFFFFF  }
0x12: {  	[tilespmem:s16], [sflag:$0x1] =	stream.indirect_vreg.gather [hbm4b:s4+s10], $0x1, v2, vm0, $0x4038;
	[tilespmem:$0x100] =	vst v63  }
0x13: {  	s29 =	sadd.s32 $0x10, s16;
	(ifvalue) =	ssetifvalue $0x7FFFFFFF  }
0x14: {  	[tilespmem:s29], [sflag:$0x1] =	stream.indirect_vreg.gather [hbm4b:s4+s10], $0x1, v0, vm0, $0x4038;
	[tilespmem:$0x100] =	vst v63  }
0x15: {  	_ =	swait.ge [sflag:s6], $0x40  }
0x16: {  	s30 =	sshrl.u32 s13, $0x3;
	[sflag:s6] =	ssyncset.done $0x0  }
0x17: {  	s31 =	sand.u32 $0x7, s13;
	s15 =	sadd.s32 s2, s30;
	[sflag:s6] =	ssyncadd.s32 $0xFFFFFFC0  }
0x18: {  	[hbm4b:s15+s31] =	stream.linear.scatter [tilespmem:s14], [sflag:$0x3], $0x40, $0x38;
	[tilespmem:$0x100] =	vst v63  }
.LBB2_5:
0x19: {  	s15 =	sadd.s32 $0x800, s11  }
0x1a: {  	p2 =	sgt.s32 s15, $0xFFF  }
0x1b: {  	s15 =	smov.u32 @p2 s3;
	p2 =	sne.s32 s12, s9  }
.Ltmp1:
0x1c: {  	p1 =	slt.u32 s12, $0x2;
	(pc) =	sbr.rel @!p2 .LBB2_6-.Ltmp1, $4  }
0x1d: {  	s14 =	simm.s32 @!p1 $0x3  }
0x1e: {  	s16 =	sadd.s32 $0x1, s12;
	_ =	swait.ge @!p1 [sflag:s14], $0x40  }
0x1f: {  	s13 =	smov.u32 s11;
	p0 =	por !p0, !p0;
	[sflag:s14] =	ssyncset.done @!p1 $0x0  }
0x20: {  	s12 =	smov.u32 s16;
	s11 =	smov.u32 s15;
	[sflag:s14] =	ssyncadd.s32 @!p1 $0xFFFFFFC0  }
.LBB2_1:
0x21: {  	p1 =	sge.u32 s12, s8  }
0x22: {  	s14 =	sxor.u32 @!p1 $0xFFFFFFFF, s12  }
0x23: {  	s31 =	sadd.s32 $0xFFFFFFFF, s12;
	s15 =	sshrl.u32 @!p1 s11, $0x3;
	s14 =	sshll.u32 @!p1 s14, $0x6  }
0x24: {  	s16 =	sand.u32 @!p1 $0x7, s11;
	s15 =	sadd.s32 @!p1 s5, s15;
	s14 =	sand.u32 @!p1 $0x40, s14  }
0x25: {  	[tilespmem:s14], [sflag:$0x2] =	stream.linear.gather @!p1 [hbm4b:s15+s16], $0x40, $0x38;
	[tilespmem:$0x100] =	vst v63  }
0x26: {  	p1 =	sge.u32 s31, s8  }
.Ltmp2:
0x27: {  	_ = 	snop;
	(pc) =	sbr.rel @p1 .LBB2_5-.Ltmp2, $1  }
0x28: {  	_ =	sdelay $0x3  }
0x29: {  	s14 =	simm.s32 $0x1  }
0x2a: {  	_ =	swait.ge [sflag:s7], $0x40;
	s14 =	simm.s32 @!p0 $0x0  }
0x2b: {  	[sflag:s7] =	ssyncset.done $0x0;
	s14 =	sshll.u32 s14, $0x6  }
0x2c: {  	[sflag:s7] =	ssyncadd.s32 $0xFFFFFFC0;
	(ifvalue) =	ssetifvalue $0x7FFFFFFF;
	v0 =	vld.msk [tilespmem:s14+$0x0 ss:$0x1], $0xffff;
	_ =	sdelay $0x4  }
0x2d: {  	s15 =	sadd.s32 $0x10, s14;
	vm1 =	vgt.s32 v0, $0x0  }
0x2e: {  	v2 =	vld.msk [tilespmem:s15+$0x0 ss:$0x1], $0xffff;
	v1 =	vnsel vm1, $0x0, v0  }
0x2f: {  	v1 =	vmin.u32 v1, $0x40000;
	_ =	sdelay $0x1  }
0x30: {  	s16 =	sshll.u32 s12, $0x6;
	s18 =	simm.s32 $0x20  }
0x31: {  	s16 =	sand.u32 $0x40, s16;
	s17 =	sadd.s32 $0x10, s15;
	s15 =	sor.u32 $0x80, s14  }
0x32: {  	s14 =	sor.u32 $0x80, s16;
	s16 =	sadd.s32 $0x10, s15;
	v0 =	vld.msk [tilespmem:s17+$0x0 ss:$0x1], $0xffff;
	vm1 =	vgt.s32 v2, $0x0;
	(ifvalue) =	ssetifvalue $0x7FFFFFFF  }
.LBB2_3:
0x33: {  	[tilespmem:s15], [sflag:$0x1] =	stream.indirect_vreg.gather [hbm4b:s4+s10], $0x1, v1, vm0, $0x4038;
	[tilespmem:$0x100] =	vst v63  }
0x34: {  	s18 =	sadd.s32 $0x10, s18  }
0x35: {  	v2 =	vnsel vm1, $0x0, v2;
	p1 =	slt.u32 s18, $0x30  }
.Ltmp3:
0x36: {  	s15 =	smov.u32 s16;
	v1 =	vmin.u32 v2, $0x40000;
	(pc) =	sbr.rel @p1 .LBB2_3-.Ltmp3, $3  }
0x37: {  	_ =	sdelay $0x1  }
0x38: {  	s17 =	sadd.s32 $0x10, s17  }
0x39: {  	vm1 =	vgt.s32 v0, $0x0;
	s16 =	sadd.s32 $0x10, s16;
	v2 =	vmov v0;
	(ifvalue) =	ssetifvalue $0x7FFFFFFF;
	v0 =	vld.msk [tilespmem:s17+$0x0 ss:$0x1], $0xffff  }
.Ltmp4:
0x3a: {  	_ = 	snop;
	(pc) =	sbr.rel .LBB2_4-.Ltmp4, $1  }
0x3b: {  	_ =	sdelay $0x3  }
.LBB2_6:
0x3c: {  	_ =	sfence.sel $0x180000  }
0x3d: {  	s2 =	simm.s32 $0x2;
	[bflag:$0x0] =	sbarrier.arrive $0xFFFF  }
0x3e: {  	s30 =	simm.s32 $0x3;
	[sflag:s2] =	ssyncpa.u1 $0x1  }
0x3f: {  	s31 =	simm.s32 $0x1;
	[sflag:s30] =	ssyncpa.u1 $0x1  }
0x40: {  	[sflag:s31] =	ssyncpa.u1 $0x1  }
0x41: {  	p0 =	sne.s32 s0, $0x0;
	_ =	strace $0x9000005F  }
0x42: {  	s0 =	sadd.s32 @!p0 $0x100000, s1;
	[bflag:$0x2] =	sbarrier.arrive $0xFFFF  }
0x43: {  	[sflag:s0] =	ssyncadd.tile.s32 @!p0 $0x1;
	_ =	shalt  }
.Lfunc_end2:
_tile_overlayer_lowered:
.L_overlay_start_2:
0x44: {  	(tag) =	ssettag $0x2  }
0x45: {  	s0 =	rddreg [dreg:$0x0];
	s2 =	stileid.u32  }
0x46: {  	s1 =	rddreg [dreg:$0x1];
	p0 =	sne.s32 s2, $0x0  }
0x47: {  	s3 =	rddreg [dreg:$0x2];
	[bflag:$0x3] =	sbarrier.arrive $0xFFFF;
	s2 =	simm.s32 @!p0 $0x1C01  }
0x48: {  	[timem:s3], [sflag:s2] =	dma.local @!p0 [hbm:s0], s1  }
0x49: {  	s0 =	simm.s32 @!p0 $0x1  }
0x4a: {  	_ =	swait.ge @!p0 [sflag:s0], s1  }
0x4b: {  	s1 =	ssub.s32 @!p0 $0x0, s1;
	[sflag:s0] =	ssyncset.done @!p0 $0x0  }
0x4c: {  	[sflag:s0] =	ssyncadd.s32 @!p0 s1  }
0x4d: {  	[bflag:$0x3] =	sbarrier.arrive $0xFFFF  }
0x4e: {  	_ =	shalt  }

// kernel: gather_offload_async_start.12
scs
__scs_entry_jumppad:
0x0: {  	(pc) =	sbr.rel $0x88, $3  }
0x1: {  	(tag) =	ssettag $0x0;
	lr =	simm.s32 $0x1  }
0x2: {  	[smem:$0x3F99] =	sst lr;
	_ =	strace $0xD0000000  }
0x3: {  	_ = 	snop  }
0x4: {  	_ = 	snop  }
0x5: {  	_ = 	snop  }
0x6: {  	_ = 	snop  }
0x7: {  	_ = 	snop  }
__scs_overlays_trampoline_lowered:
0x8: {  	[smem:$0x3FA8] =	sst s0  }
0x9: {  	[smem:$0x3FA9] =	sst s1  }
0xa: {  	[smem:$0x3FAA] =	sst s2  }
0xb: {  	[smem:$0x3FAB] =	sst s3  }
0xc: {  	[smem:$0x3FAC] =	sst s4  }
0xd: {  	[smem:$0x3FAD] =	sst s5  }
0xe: {  	[smem:$0x3FAE] =	sst s6  }
0xf: {  	[smem:$0x3FAF] =	sst s7  }
0x10: {  	[smem:$0x3FB0] =	sst s8  }
0x11: {  	[smem:$0x3FB1] =	sst s9;
	s0 =	simm.s32 @!p0 $0x0  }
0x12: {  	s1 =	sld [smem:$0x3F97];
	s0 =	simm.s32 @p0 $0x1  }
0x13: {  	[smem:$0x3FB2] =	sst s0;
	s0 =	simm.s32 @!p1 $0x0  }
0x14: {  	s2 =	sld [smem:$0x3F96];
	s0 =	simm.s32 @p1 $0x1  }
0x15: {  	[smem:$0x3FB3] =	sst s0;
	s0 =	simm.s32 @!p2 $0x0  }
0x16: {  	s3 =	sld [smem:$0x3FDB];
	s0 =	simm.s32 @p2 $0x1  }
0x17: {  	s4 =	simm.s32 $0x1BF5;
	[smem:$0x3FB5] =	sst s0  }
0x18: {  	s0 =	sld [smem:$0x3F98];
	_ =	swait.ge [sflag:s4], $0x0  }
0x19: {  	s7 =	sld [smem:$0x3F99]  }
0x1a: {  	s8 =	sadd.s32 $0xFFFFE003, lr  }
0x1b: {  	s9 =	sadd.s32 $0xFFFFFEF7, lr;
	s5 =	simm.s32 $0xFFFFFFFF;
	p2 =	slt.u32 s8, $0xFFFFF086  }
0x1c: {  	p1 =	slt.u32 s9, $0xF7A;
	s5 =	simm.s32 @!p2 $0x0  }
0x1d: {  	s5 =	simm.s32 @p1 $0x1;
	p0 =	seq.s32 s7, s2  }
0x1e: {  	s7 =	smul.u32 @!p0 $0xF7A, s2;
	p2 =	seq.s32 @!p0 s5, $0x0  }
0x1f: {  	s9 =	smul.u32 $0xF7A, s1;
	s8 =	simm.s32 @!p0 $0x1BF5;
	p2 =	por !p2, p0  }
0x20: {  	[sflag:s8] =	ssyncset.s32 @!p0 $0xFFFFF086;
	s6 =	sadd.s32 @!p0 s3, s7;
	s7 =	simm.s32 @!p0 $0x108  }
0x21: {  	s3 =	sadd.s32 s3, s9;
	s6 =	sadd.s32 @!p0 $0x88, s6;
	s7 =	simm.s32 @p2 $0x1082  }
0x22: {  	[simem:s7], [sflag:s8] =	dma.local @!p0 [hbm:s6], $0xF7A  }
0x23: {  	s9 =	sor.u32 $0xD0000000, s2;
	s6 =	simm.s32 $0x108;
	_ =	swait.ge @!p0 [sflag:s8], $0x0  }
0x24: {  	s3 =	sadd.s32 $0x88, s3;
	s6 =	simm.s32 @!p1 $0x1082;
	[sflag:s4] =	ssyncset.s32 $0xFFFFF086  }
0x25: {  	[simem:s6], [sflag:s4] =	dma.local [hbm:s3], $0xF7A  }
0x26: {  	[smem:$0x3F99] =	sst s1;
	(tag) =	ssettag s2;
	_ =	strace s9  }
0x27: {  	s1 =	sld [smem:$0x3FA9]  }
0x28: {  	s2 =	sld [smem:$0x3FAA]  }
0x29: {  	s4 =	sld [smem:$0x3FAC]  }
0x2a: {  	p0 =	seq.s32 s5, $0x0;
	s5 =	sld [smem:$0x3FAD]  }
0x2b: {  	s6 =	sld [smem:$0x3FAE]  }
0x2c: {  	s7 =	sld [smem:$0x3FAF]  }
0x2d: {  	s3 =	simm.s32 $0x108;
	s8 =	sld [smem:$0x3FB0]  }
0x2e: {  	s3 =	simm.s32 @!p0 $0x1082;
	s9 =	sld [smem:$0x3FB1]  }
0x2f: {  	lr =	sadd.s32 s0, s3;
	s0 =	sld [smem:$0x3FA8]  }
0x30: {  	s3 =	sld [smem:$0x3FAB]  }
0x31: {  	[smem:$0x3FB4] =	sst s10  }
0x32: {  	s10 =	sld [smem:$0x3FB2];
	_ =	sdelay $0x3  }
0x33: {  	p0 =	seq.s32 s10, $0x1;
	s10 =	sld [smem:$0x3FB4];
	_ =	sdelay $0x3  }
0x34: {  	[smem:$0x3FB4] =	sst s10  }
0x35: {  	s10 =	sld [smem:$0x3FB3];
	_ =	sdelay $0x3  }
0x36: {  	p1 =	seq.s32 s10, $0x1;
	s10 =	sld [smem:$0x3FB4];
	_ =	sdelay $0x3  }
0x37: {  	[smem:$0x3FB4] =	sst s10  }
0x38: {  	s10 =	sld [smem:$0x3FB5]  }
0x39: {  	_ = 	snop;
	(pc) =	sbr.ind lr, $3  }
0x3a: {  	_ = 	snop  }
0x3b: {  	_ = 	snop  }
0x3c: {  	p2 =	seq.s32 s10, $0x1;
	s10 =	sld [smem:$0x3FB4]  }
0x3d: {  	_ =	shalt  }
0x3e: {  	_ =	shalt  }
0x3f: {  	_ =	shalt  }
0x40: {  	_ =	shalt  }
0x41: {  	_ =	shalt  }
0x42: {  	_ =	shalt  }
0x43: {  	_ =	shalt  }
0x44: {  	_ =	shalt  }
0x45: {  	_ =	shalt  }
0x46: {  	_ =	shalt  }
0x47: {  	_ =	shalt  }
0x48: {  	_ =	shalt  }
0x49: {  	_ =	shalt  }
0x4a: {  	_ =	shalt  }
0x4b: {  	_ =	shalt  }
0x4c: {  	_ =	shalt  }
0x4d: {  	_ =	shalt  }
0x4e: {  	_ =	shalt  }
0x4f: {  	_ =	shalt  }
0x50: {  	_ =	shalt  }
0x51: {  	_ =	shalt  }
0x52: {  	_ =	shalt  }
0x53: {  	_ =	shalt  }
0x54: {  	_ =	shalt  }
0x55: {  	_ =	shalt  }
0x56: {  	_ =	shalt  }
0x57: {  	_ =	shalt  }
0x58: {  	_ =	shalt  }
0x59: {  	_ =	shalt  }
0x5a: {  	_ =	shalt  }
0x5b: {  	_ =	shalt  }
0x5c: {  	_ =	shalt  }
0x5d: {  	_ =	shalt  }
0x5e: {  	_ =	shalt  }
0x5f: {  	_ =	shalt  }
0x60: {  	_ =	shalt  }
0x61: {  	_ =	shalt  }
0x62: {  	_ =	shalt  }
0x63: {  	_ =	shalt  }
0x64: {  	_ =	shalt  }
0x65: {  	_ =	shalt  }
0x66: {  	_ =	shalt  }
0x67: {  	_ =	shalt  }
0x68: {  	_ =	shalt  }
0x69: {  	_ =	shalt  }
0x6a: {  	_ =	shalt  }
0x6b: {  	_ =	shalt  }
0x6c: {  	_ =	shalt  }
0x6d: {  	_ =	shalt  }
0x6e: {  	_ =	shalt  }
0x6f: {  	_ =	shalt  }
0x70: {  	_ =	shalt  }
0x71: {  	_ =	shalt  }
0x72: {  	_ =	shalt  }
0x73: {  	_ =	shalt  }
0x74: {  	_ =	shalt  }
0x75: {  	_ =	shalt  }
0x76: {  	_ =	shalt  }
0x77: {  	_ =	shalt  }
0x78: {  	_ =	shalt  }
0x79: {  	_ =	shalt  }
0x7a: {  	_ =	shalt  }
0x7b: {  	_ =	shalt  }
0x7c: {  	_ =	shalt  }
0x7d: {  	_ =	shalt  }
0x7e: {  	_ =	shalt  }
0x7f: {  	_ =	shalt  }
0x80: {  	_ =	shalt  }
0x81: {  	_ =	shalt  }
0x82: {  	_ =	shalt  }
0x83: {  	_ =	shalt  }
0x84: {  	_ =	shalt  }
0x85: {  	_ =	shalt  }
0x86: {  	_ =	shalt  }
0x87: {  	_ =	shalt  }
.Lfunc_end0:
.L_simem_size_0:
called_computation.12_lowered:
.L_overlay_start_0:
0x88: {  	s2 =	sld [smem:$0x3FD9]  }
0x89: {  	s3 =	sld [smem:$0x3FFE];
	_ =	sdelay $0x1  }
0x8a: {  	s1 =	srdreg.scid  }
0x8b: {  	s0 =	sand.u32 $0x1, s1  }
0x8c: {  	s15 =	sshll.u32 s0, $0xA;
	s2 =	sadd.s32 s3, s2  }
0x8d: {  	s2 =	sadd.s32 s2, s15  }
0x8e: {  	[smem:$0x3FC0] =	sst s2  }
0x8f: {  	_ = 	snop  }
0x90: {  	s2 =	sld [smem:$0x3FD0];
	_ =	sdelay $0x2  }
0x91: {  	s16 =	simm.s32 $0xC;
	s4 =	simm.s32 $0x10  }
0x92: {  	[smem:s4], [sflag:s16] =	dma.local [hbm:s2], $0x1  }
0x93: {  	_ =	swait.eq [sflag:s16], $0x1  }
0x94: {  	[sflag:s16] =	ssyncset.done $0x0  }
0x95: {  	[sflag:s16] =	ssyncadd.s32 $0xFFFFFFFF  }
0x96: {  	s17 =	sld [smem:$0x13];
	(tm) =	ssettm $0x1  }
0x97: {  	s18 =	sld [smem:$0x3FFB];
	_ =	sdelay $0x3  }
0x98: {  	_ =	strace s18  }
0x99: {  	s2 =	sld [smem:$0x3FFC];
	_ =	sdelay $0x3  }
0x9a: {  	_ =	strace s2  }
0x9b: {  	s2 =	sld [smem:$0x3FFD];
	_ =	sdelay $0x3  }
0x9c: {  	_ =	strace s2  }
0x9d: {  	_ =	strace $0x8FFFFFFF  }
0x9e: {  	s19 =	sld [smem:$0x3FDB];
	_ =	sdelay $0x1  }
0x9f: {  	s20 =	simm.s32 $_scs_section_size  }
0xa0: {  	s5 =	simm.s32 $_size__tile_overlayer_lowered;
	s6 =	simm.s32 $_tile_overlayer_lowered  }
0xa1: {  	s7 =	simm.s32 $0x1BFF;
	s21 =	sshll.u32 s6, $0x1;
	s4 =	sadd.s32 s20, s19  }
0xa2: {  	s22 =	simm.s32 $0x0;
	s5 =	sshll.u32 s5, $0x1;
	s6 =	sadd.s32 s21, s4  }
0xa3: {  	[timem:s22], [sflag:s7] =	dma.local [hbm:s6], s5  }
0xa4: {  	_ =	swait.ge [sflag:s7], s5  }
0xa5: {  	s5 =	ssub.s32 $0x0, s5;
	[sflag:s7] =	ssyncset.done $0x0  }
0xa6: {  	[sflag:s7] =	ssyncadd.s32 s5;
	_ =	sdelay $0x1  }
0xa7: {  	s23 =	simm.s32 $0x1B8B  }
0xa8: {  	_ =	swait.ge [sflag:s23], $0x1  }
0xa9: {  	[sflag:s23] =	ssyncset.done $0x0  }
0xaa: {  	[sflag:s23] =	ssyncadd.s32 $0xFFFFFFFF  }
0xab: {  	s5 =	sld [smem:$0x0]  }
0xac: {  	s6 =	sand.u32 $0xFFFFFFFE, s1  }
0xad: {  	p0 =	sne.s32 s1, s6  }
0xae: {  	s6 =	sshll.u32 @p0 s6, $0xE  }
0xaf: {  	s6 =	sadd.s32 @p0 $0x11B8D, s6;
	s7 =	sshll.u32 @p0 s5, $0x11  }
0xb0: {  	s6 =	sor.u32 @p0 s7, s6  }
0xb1: {  	[sflag:s6] =	ssyncadd.remote.s32 @p0 $0x1;
	_ =	sdelay $0x1  }
0xb2: {  	s6 =	simm.s32 @p0 $0x1B8D  }
0xb3: {  	_ =	swait.eq @p0 [sflag:s6], $0x1  }
0xb4: {  	[sflag:s6] =	ssyncadd.s32 @p0 $0xFFFFFFFF  }
0xb5: {  	s7 =	sshll.u32 @!p0 s1, $0xE  }
0xb6: {  	s7 =	sor.u32 @!p0 $0x4000, s7;
	s6 =	simm.s32 @!p0 $0x1B8D  }
0xb7: {  	s5 =	sshll.u32 @!p0 s5, $0x11;
	s7 =	sadd.s32 @!p0 $0x11B8D, s7;
	_ =	swait.eq @!p0 [sflag:s6], $0x1  }
0xb8: {  	s5 =	sor.u32 @!p0 s5, s7;
	[sflag:s6] =	ssyncadd.s32 @!p0 $0xFFFFFFFF  }
0xb9: {  	s25 =	simm.s32 $0x1B8E;
	s24 =	sld [smem:$0x3FFE];
	[sflag:s5] =	ssyncadd.remote.s32 @!p0 $0x1  }
0xba: {  	s26 =	simm.s32 $execute0_lowered;
	[smem:$0x3FD2] =	sst s25  }
0xbb: {  	s6 =	sshll.u32 s26, $0x1;
	_ =	strace $0x8000006D;
	[dreg:$0x1] =	wrdreg $0xFFFFFFFF  }
0xbc: {  	s28 =	simm.s32 $_size_execute0_lowered;
	s4 =	sadd.s32 s4, s6;
	[dreg:$0x0] =	wrdreg $0x0  }
0xbd: {  	s6 =	sshll.u32 s28, $0x1;
	[dreg:$0x2] =	wrdreg s4  }
0xbe: {  	[dreg:$0x3] =	wrdreg s6  }
0xbf: {  	[dreg:$0x4] =	wrdreg $0xC0  }
0xc0: {  	_ =	task [dreg:s22], $0x5FFFF  }
0xc1: {  	[dreg:$0x1] =	wrdreg $0xFFFFFFFF  }
0xc2: {  	[dreg:$0x0] =	wrdreg $0x60  }
0xc3: {  	[dreg:$0x2] =	wrdreg s24  }
0xc4: {  	[dreg:$0x3] =	wrdreg s17  }
0xc5: {  	[dreg:$0x4] =	wrdreg $0xA  }
0xc6: {  	_ =	task.clear_ibuf [dreg:s22], $0x5FFFF;
	_ =	strace $0x9000006D  }
0xc7: {  	s29 =	simm.s32 $0xA;
	_ =	strace $0x8000006F  }
0xc8: {  	_ =	swait.ge [sflag:s29], $0x1  }
0xc9: {  	[sflag:s29] =	ssyncadd.s32 $0xFFFFFFFF  }
0xca: {  	_ =	strace $0x9000006F  }
0xcb: {  	_ =	sfence  }
0xcc: {  	s30 =	sld [smem:$0x0];
	_ =	sdelay $0x2  }
0xcd: {  	s31 =	sshll.u32 s1, $0xD;
	s1 =	sshrl.u32 s1, $0x2  }
0xce: {  	s4 =	sand.u32 $0x4000, s31;
	s1 =	sadd.s32 s1, s30  }
0xcf: {  	s0 =	sor.u32 s4, s0;
	s1 =	sshll.u32 s1, $0x11  }
0xd0: {  	s0 =	sor.u32 s1, s0  }
0xd1: {  	s0 =	sadd.s32 $0x8F2B, s0  }
0xd2: {  	[sflag:s0] =	ssyncadd.remote.s32 $0x1  }
0xd3: {  	_ =	sfence.sel $0xFFFF  }
0xd4: {  	[dreg:$0x0] =	wrdreg $0xFFFFFFFF;
	(pc) =	sbr.abs _section_cstart, $3  }
0xd5: {  	[dreg:$0x1] =	wrdreg $0xFFFFFFFF  }
0xd6: {  	_ =	task.clear_ibuf [dreg:s22], $0x2FFFF;
	_ =	strace $0x9FFFFFFF  }
0xd7: {  	(tm) =	ssettm $0x7FFFFFFF  }
tec
execute0_lowered:
.L_overlay_start_1:
0x0: {  	(tag) =	ssettag $0x1  }
0x1: {  	s1 =	srdreg.scid;
	s5 =	rddreg [dreg:$0x0]  }
0x2: {  	s0 =	stileid.u32;
	s2 =	rddreg [dreg:$0x1];
	s6 =	simm.s32 $0x1  }
0x3: {  	s9 =	simm.s32 $0x1;
	s10 =	simm.s32 $0x3;
	s1 =	sshll.u32 s1, $0x6  }
0x4: {  	s13 =	simm.s32 $0x0;
	s3 =	sshll.u32 s0, $0x7;
	s4 =	sand.u32 $0x40, s1  }
0x5: {  	s12 =	simm.s32 $0x0;
	s1 =	rddreg [dreg:$0x2];
	s3 =	sor.u32 s3, s4  }
0x6: {  	_ =	strace $0x8000006E;
	s4 =	sadd.s32 $0x45E00, s5;
	s8 =	ssub.s32 $0x1000, s3  }
.Ltmp0:
0x7: {  	s5 =	sadd.s32 $0x4E00, s5;
	s7 =	sand.u32 $0x7C0, s8;
	(pc) =	sbr.rel .LBB2_1-.Ltmp0, $4  }
0x8: {  	[sflag:s6] =	ssyncpa.u1 $0x0;
	s11 =	smov.u32 s3;
	p0 =	sne.s32 s7, $0x0  }
0x9: {  	s8 =	sshrl.u32 s8, $0xB;
	s7 =	simm.s32 $0x2;
	s9 =	simm.s32 @!p0 $0x0  }
0xa: {  	[sflag:s7] =	ssyncpa.u1 $0x0;
	p0 =	por $0x0, $0x0;
	s8 =	sadd.s32 s9, s8  }
0xb: {  	vm0 =	vmmov $0xffff;
	[sflag:s10] =	ssyncpa.u1 $0x0;
	s10 =	simm.s32 $0x0;
	s9 =	sadd.s32 $0x1, s8  }
.LBB2_4:
0xc: {  	v2 =	vnsel vm1, $0x0, v2  }
0xd: {  	vm1 =	vgt.s32 v0, $0x0;
	v2 =	vmin.u32 v2, $0x40000  }
0xe: {  	v0 =	vnsel vm1, $0x0, v0  }
0xf: {  	v0 =	vmin.u32 v0, $0x40000  }
0x10: {  	[tilespmem:s15], [sflag:$0x1] =	stream.indirect_vreg.gather [hbm4b:s4+s10], $0x1, v1, vm0, $0x4038;
	[tilespmem:$0x100] =	vst v63  }
0x11: {  	(ifvalue) =	ssetifvalue $0x7FFFFFFF  }
0x12: {  	[tilespmem:s16], [sflag:$0x1] =	stream.indirect_vreg.gather [hbm4b:s4+s10], $0x1, v2, vm0, $0x4038;
	[tilespmem:$0x100] =	vst v63  }
0x13: {  	s29 =	sadd.s32 $0x10, s16;
	(ifvalue) =	ssetifvalue $0x7FFFFFFF  }
0x14: {  	[tilespmem:s29], [sflag:$0x1] =	stream.indirect_vreg.gather [hbm4b:s4+s10], $0x1, v0, vm0, $0x4038;
	[tilespmem:$0x100] =	vst v63  }
0x15: {  	_ =	swait.ge [sflag:s6], $0x40  }
0x16: {  	s30 =	sshrl.u32 s13, $0x3;
	[sflag:s6] =	ssyncset.done $0x0  }
0x17: {  	s31 =	sand.u32 $0x7, s13;
	s15 =	sadd.s32 s5, s30;
	[sflag:s6] =	ssyncadd.s32 $0xFFFFFFC0  }
0x18: {  	[hbm4b:s15+s31] =	stream.linear.scatter [tilespmem:s14], [sflag:$0x3], $0x40, $0x38;
	[tilespmem:$0x100] =	vst v63  }
.LBB2_5:
0x19: {  	s15 =	sadd.s32 $0x800, s11  }
0x1a: {  	p2 =	sgt.s32 s15, $0xFFF  }
0x1b: {  	s15 =	smov.u32 @p2 s3;
	p2 =	sne.s32 s12, s9  }
.Ltmp1:
0x1c: {  	p1 =	slt.u32 s12, $0x2;
	(pc) =	sbr.rel @!p2 .LBB2_6-.Ltmp1, $4  }
0x1d: {  	s14 =	simm.s32 @!p1 $0x3  }
0x1e: {  	s16 =	sadd.s32 $0x1, s12;
	_ =	swait.ge @!p1 [sflag:s14], $0x40  }
0x1f: {  	s13 =	smov.u32 s11;
	p0 =	por !p0, !p0;
	[sflag:s14] =	ssyncset.done @!p1 $0x0  }
0x20: {  	s12 =	smov.u32 s16;
	s11 =	smov.u32 s15;
	[sflag:s14] =	ssyncadd.s32 @!p1 $0xFFFFFFC0  }
.LBB2_1:
0x21: {  	p1 =	sge.u32 s12, s8  }
0x22: {  	s14 =	sxor.u32 @!p1 $0xFFFFFFFF, s12  }
0x23: {  	s31 =	sadd.s32 $0xFFFFFFFF, s12;
	s15 =	sshrl.u32 @!p1 s11, $0x3;
	s14 =	sshll.u32 @!p1 s14, $0x6  }
0x24: {  	s16 =	sand.u32 @!p1 $0x7, s11;
	s15 =	sadd.s32 @!p1 s2, s15;
	s14 =	sand.u32 @!p1 $0x40, s14  }
0x25: {  	[tilespmem:s14], [sflag:$0x2] =	stream.linear.gather @!p1 [hbm4b:s15+s16], $0x40, $0x38;
	[tilespmem:$0x100] =	vst v63  }
0x26: {  	p1 =	sge.u32 s31, s8  }
.Ltmp2:
0x27: {  	_ = 	snop;
	(pc) =	sbr.rel @p1 .LBB2_5-.Ltmp2, $1  }
0x28: {  	_ =	sdelay $0x3  }
0x29: {  	s14 =	simm.s32 $0x1  }
0x2a: {  	_ =	swait.ge [sflag:s7], $0x40;
	s14 =	simm.s32 @!p0 $0x0  }
0x2b: {  	[sflag:s7] =	ssyncset.done $0x0;
	s14 =	sshll.u32 s14, $0x6  }
0x2c: {  	[sflag:s7] =	ssyncadd.s32 $0xFFFFFFC0;
	(ifvalue) =	ssetifvalue $0x7FFFFFFF;
	v0 =	vld.msk [tilespmem:s14+$0x0 ss:$0x1], $0xffff;
	_ =	sdelay $0x4  }
0x2d: {  	s15 =	sadd.s32 $0x10, s14;
	vm1 =	vgt.s32 v0, $0x0  }
0x2e: {  	v2 =	vld.msk [tilespmem:s15+$0x0 ss:$0x1], $0xffff;
	v1 =	vnsel vm1, $0x0, v0  }
0x2f: {  	v1 =	vmin.u32 v1, $0x40000;
	_ =	sdelay $0x1  }
0x30: {  	s16 =	sshll.u32 s12, $0x6;
	s18 =	simm.s32 $0x20  }
0x31: {  	s16 =	sand.u32 $0x40, s16;
	s17 =	sadd.s32 $0x10, s15;
	s15 =	sor.u32 $0x80, s14  }
0x32: {  	s14 =	sor.u32 $0x80, s16;
	s16 =	sadd.s32 $0x10, s15;
	v0 =	vld.msk [tilespmem:s17+$0x0 ss:$0x1], $0xffff;
	vm1 =	vgt.s32 v2, $0x0;
	(ifvalue) =	ssetifvalue $0x7FFFFFFF  }
.LBB2_3:
0x33: {  	[tilespmem:s15], [sflag:$0x1] =	stream.indirect_vreg.gather [hbm4b:s4+s10], $0x1, v1, vm0, $0x4038;
	[tilespmem:$0x100] =	vst v63  }
0x34: {  	s18 =	sadd.s32 $0x10, s18  }
0x35: {  	v2 =	vnsel vm1, $0x0, v2;
	p1 =	slt.u32 s18, $0x30  }
.Ltmp3:
0x36: {  	s15 =	smov.u32 s16;
	v1 =	vmin.u32 v2, $0x40000;
	(pc) =	sbr.rel @p1 .LBB2_3-.Ltmp3, $3  }
0x37: {  	_ =	sdelay $0x1  }
0x38: {  	s17 =	sadd.s32 $0x10, s17  }
0x39: {  	vm1 =	vgt.s32 v0, $0x0;
	s16 =	sadd.s32 $0x10, s16;
	v2 =	vmov v0;
	(ifvalue) =	ssetifvalue $0x7FFFFFFF;
	v0 =	vld.msk [tilespmem:s17+$0x0 ss:$0x1], $0xffff  }
.Ltmp4:
0x3a: {  	_ = 	snop;
	(pc) =	sbr.rel .LBB2_4-.Ltmp4, $1  }
0x3b: {  	_ =	sdelay $0x3  }
.LBB2_6:
0x3c: {  	_ =	sfence.sel $0x180000  }
0x3d: {  	s2 =	simm.s32 $0x2;
	[bflag:$0x0] =	sbarrier.arrive $0xFFFF  }
0x3e: {  	s30 =	simm.s32 $0x3;
	[sflag:s2] =	ssyncpa.u1 $0x1  }
0x3f: {  	s31 =	simm.s32 $0x1;
	[sflag:s30] =	ssyncpa.u1 $0x1  }
0x40: {  	[sflag:s31] =	ssyncpa.u1 $0x1  }
0x41: {  	p0 =	sne.s32 s0, $0x0;
	_ =	strace $0x9000006E  }
0x42: {  	s0 =	sadd.s32 @!p0 $0x100000, s1;
	[bflag:$0x2] =	sbarrier.arrive $0xFFFF  }
0x43: {  	[sflag:s0] =	ssyncadd.tile.s32 @!p0 $0x1;
	_ =	shalt  }
.Lfunc_end2:
_tile_overlayer_lowered:
.L_overlay_start_2:
0x44: {  	(tag) =	ssettag $0x2  }
0x45: {  	s0 =	rddreg [dreg:$0x0];
	s2 =	stileid.u32  }
0x46: {  	s1 =	rddreg [dreg:$0x1];
	p0 =	sne.s32 s2, $0x0  }
0x47: {  	s3 =	rddreg [dreg:$0x2];
	[bflag:$0x3] =	sbarrier.arrive $0xFFFF;
	s2 =	simm.s32 @!p0 $0x1C01  }
0x48: {  	[timem:s3], [sflag:s2] =	dma.local @!p0 [hbm:s0], s1  }
0x49: {  	s0 =	simm.s32 @!p0 $0x1  }
0x4a: {  	_ =	swait.ge @!p0 [sflag:s0], s1  }
0x4b: {  	s1 =	ssub.s32 @!p0 $0x0, s1;
	[sflag:s0] =	ssyncset.done @!p0 $0x0  }
0x4c: {  	[sflag:s0] =	ssyncadd.s32 @!p0 s1  }
0x4d: {  	[bflag:$0x3] =	sbarrier.arrive $0xFFFF  }
0x4e: {  	_ =	shalt  }

// kernel: gather_offload_async_start.13
scs
__scs_entry_jumppad:
0x0: {  	(pc) =	sbr.rel $0x88, $3  }
0x1: {  	(tag) =	ssettag $0x0;
	lr =	simm.s32 $0x1  }
0x2: {  	[smem:$0x3F99] =	sst lr;
	_ =	strace $0xD0000000  }
0x3: {  	_ = 	snop  }
0x4: {  	_ = 	snop  }
0x5: {  	_ = 	snop  }
0x6: {  	_ = 	snop  }
0x7: {  	_ = 	snop  }
__scs_overlays_trampoline_lowered:
0x8: {  	[smem:$0x3FA8] =	sst s0  }
0x9: {  	[smem:$0x3FA9] =	sst s1  }
0xa: {  	[smem:$0x3FAA] =	sst s2  }
0xb: {  	[smem:$0x3FAB] =	sst s3  }
0xc: {  	[smem:$0x3FAC] =	sst s4  }
0xd: {  	[smem:$0x3FAD] =	sst s5  }
0xe: {  	[smem:$0x3FAE] =	sst s6  }
0xf: {  	[smem:$0x3FAF] =	sst s7  }
0x10: {  	[smem:$0x3FB0] =	sst s8  }
0x11: {  	[smem:$0x3FB1] =	sst s9;
	s0 =	simm.s32 @!p0 $0x0  }
0x12: {  	s1 =	sld [smem:$0x3F97];
	s0 =	simm.s32 @p0 $0x1  }
0x13: {  	[smem:$0x3FB2] =	sst s0;
	s0 =	simm.s32 @!p1 $0x0  }
0x14: {  	s2 =	sld [smem:$0x3F96];
	s0 =	simm.s32 @p1 $0x1  }
0x15: {  	[smem:$0x3FB3] =	sst s0;
	s0 =	simm.s32 @!p2 $0x0  }
0x16: {  	s3 =	sld [smem:$0x3FDB];
	s0 =	simm.s32 @p2 $0x1  }
0x17: {  	s4 =	simm.s32 $0x1BF5;
	[smem:$0x3FB5] =	sst s0  }
0x18: {  	s0 =	sld [smem:$0x3F98];
	_ =	swait.ge [sflag:s4], $0x0  }
0x19: {  	s7 =	sld [smem:$0x3F99]  }
0x1a: {  	s8 =	sadd.s32 $0xFFFFE003, lr  }
0x1b: {  	s9 =	sadd.s32 $0xFFFFFEF7, lr;
	s5 =	simm.s32 $0xFFFFFFFF;
	p2 =	slt.u32 s8, $0xFFFFF086  }
0x1c: {  	p1 =	slt.u32 s9, $0xF7A;
	s5 =	simm.s32 @!p2 $0x0  }
0x1d: {  	s5 =	simm.s32 @p1 $0x1;
	p0 =	seq.s32 s7, s2  }
0x1e: {  	s7 =	smul.u32 @!p0 $0xF7A, s2;
	p2 =	seq.s32 @!p0 s5, $0x0  }
0x1f: {  	s9 =	smul.u32 $0xF7A, s1;
	s8 =	simm.s32 @!p0 $0x1BF5;
	p2 =	por !p2, p0  }
0x20: {  	[sflag:s8] =	ssyncset.s32 @!p0 $0xFFFFF086;
	s6 =	sadd.s32 @!p0 s3, s7;
	s7 =	simm.s32 @!p0 $0x108  }
0x21: {  	s3 =	sadd.s32 s3, s9;
	s6 =	sadd.s32 @!p0 $0x88, s6;
	s7 =	simm.s32 @p2 $0x1082  }
0x22: {  	[simem:s7], [sflag:s8] =	dma.local @!p0 [hbm:s6], $0xF7A  }
0x23: {  	s9 =	sor.u32 $0xD0000000, s2;
	s6 =	simm.s32 $0x108;
	_ =	swait.ge @!p0 [sflag:s8], $0x0  }
0x24: {  	s3 =	sadd.s32 $0x88, s3;
	s6 =	simm.s32 @!p1 $0x1082;
	[sflag:s4] =	ssyncset.s32 $0xFFFFF086  }
0x25: {  	[simem:s6], [sflag:s4] =	dma.local [hbm:s3], $0xF7A  }
0x26: {  	[smem:$0x3F99] =	sst s1;
	(tag) =	ssettag s2;
	_ =	strace s9  }
0x27: {  	s1 =	sld [smem:$0x3FA9]  }
0x28: {  	s2 =	sld [smem:$0x3FAA]  }
0x29: {  	s4 =	sld [smem:$0x3FAC]  }
0x2a: {  	p0 =	seq.s32 s5, $0x0;
	s5 =	sld [smem:$0x3FAD]  }
0x2b: {  	s6 =	sld [smem:$0x3FAE]  }
0x2c: {  	s7 =	sld [smem:$0x3FAF]  }
0x2d: {  	s3 =	simm.s32 $0x108;
	s8 =	sld [smem:$0x3FB0]  }
0x2e: {  	s3 =	simm.s32 @!p0 $0x1082;
	s9 =	sld [smem:$0x3FB1]  }
0x2f: {  	lr =	sadd.s32 s0, s3;
	s0 =	sld [smem:$0x3FA8]  }
0x30: {  	s3 =	sld [smem:$0x3FAB]  }
0x31: {  	[smem:$0x3FB4] =	sst s10  }
0x32: {  	s10 =	sld [smem:$0x3FB2];
	_ =	sdelay $0x3  }
0x33: {  	p0 =	seq.s32 s10, $0x1;
	s10 =	sld [smem:$0x3FB4];
	_ =	sdelay $0x3  }
0x34: {  	[smem:$0x3FB4] =	sst s10  }
0x35: {  	s10 =	sld [smem:$0x3FB3];
	_ =	sdelay $0x3  }
0x36: {  	p1 =	seq.s32 s10, $0x1;
	s10 =	sld [smem:$0x3FB4];
	_ =	sdelay $0x3  }
0x37: {  	[smem:$0x3FB4] =	sst s10  }
0x38: {  	s10 =	sld [smem:$0x3FB5]  }
0x39: {  	_ = 	snop;
	(pc) =	sbr.ind lr, $3  }
0x3a: {  	_ = 	snop  }
0x3b: {  	_ = 	snop  }
0x3c: {  	p2 =	seq.s32 s10, $0x1;
	s10 =	sld [smem:$0x3FB4]  }
0x3d: {  	_ =	shalt  }
0x3e: {  	_ =	shalt  }
0x3f: {  	_ =	shalt  }
0x40: {  	_ =	shalt  }
0x41: {  	_ =	shalt  }
0x42: {  	_ =	shalt  }
0x43: {  	_ =	shalt  }
0x44: {  	_ =	shalt  }
0x45: {  	_ =	shalt  }
0x46: {  	_ =	shalt  }
0x47: {  	_ =	shalt  }
0x48: {  	_ =	shalt  }
0x49: {  	_ =	shalt  }
0x4a: {  	_ =	shalt  }
0x4b: {  	_ =	shalt  }
0x4c: {  	_ =	shalt  }
0x4d: {  	_ =	shalt  }
0x4e: {  	_ =	shalt  }
0x4f: {  	_ =	shalt  }
0x50: {  	_ =	shalt  }
0x51: {  	_ =	shalt  }
0x52: {  	_ =	shalt  }
0x53: {  	_ =	shalt  }
0x54: {  	_ =	shalt  }
0x55: {  	_ =	shalt  }
0x56: {  	_ =	shalt  }
0x57: {  	_ =	shalt  }
0x58: {  	_ =	shalt  }
0x59: {  	_ =	shalt  }
0x5a: {  	_ =	shalt  }
0x5b: {  	_ =	shalt  }
0x5c: {  	_ =	shalt  }
0x5d: {  	_ =	shalt  }
0x5e: {  	_ =	shalt  }
0x5f: {  	_ =	shalt  }
0x60: {  	_ =	shalt  }
0x61: {  	_ =	shalt  }
0x62: {  	_ =	shalt  }
0x63: {  	_ =	shalt  }
0x64: {  	_ =	shalt  }
0x65: {  	_ =	shalt  }
0x66: {  	_ =	shalt  }
0x67: {  	_ =	shalt  }
0x68: {  	_ =	shalt  }
0x69: {  	_ =	shalt  }
0x6a: {  	_ =	shalt  }
0x6b: {  	_ =	shalt  }
0x6c: {  	_ =	shalt  }
0x6d: {  	_ =	shalt  }
0x6e: {  	_ =	shalt  }
0x6f: {  	_ =	shalt  }
0x70: {  	_ =	shalt  }
0x71: {  	_ =	shalt  }
0x72: {  	_ =	shalt  }
0x73: {  	_ =	shalt  }
0x74: {  	_ =	shalt  }
0x75: {  	_ =	shalt  }
0x76: {  	_ =	shalt  }
0x77: {  	_ =	shalt  }
0x78: {  	_ =	shalt  }
0x79: {  	_ =	shalt  }
0x7a: {  	_ =	shalt  }
0x7b: {  	_ =	shalt  }
0x7c: {  	_ =	shalt  }
0x7d: {  	_ =	shalt  }
0x7e: {  	_ =	shalt  }
0x7f: {  	_ =	shalt  }
0x80: {  	_ =	shalt  }
0x81: {  	_ =	shalt  }
0x82: {  	_ =	shalt  }
0x83: {  	_ =	shalt  }
0x84: {  	_ =	shalt  }
0x85: {  	_ =	shalt  }
0x86: {  	_ =	shalt  }
0x87: {  	_ =	shalt  }
.Lfunc_end0:
.L_simem_size_0:
called_computation.13_lowered:
.L_overlay_start_0:
0x88: {  	s2 =	sld [smem:$0x3FD9]  }
0x89: {  	s3 =	sld [smem:$0x3FFE];
	_ =	sdelay $0x1  }
0x8a: {  	s1 =	srdreg.scid  }
0x8b: {  	s0 =	sand.u32 $0x1, s1  }
0x8c: {  	s15 =	sshll.u32 s0, $0xA;
	s2 =	sadd.s32 s3, s2  }
0x8d: {  	s2 =	sadd.s32 s2, s15  }
0x8e: {  	[smem:$0x3FC0] =	sst s2  }
0x8f: {  	_ = 	snop  }
0x90: {  	s2 =	sld [smem:$0x3FD0];
	_ =	sdelay $0x2  }
0x91: {  	s16 =	simm.s32 $0xC;
	s4 =	simm.s32 $0x10  }
0x92: {  	[smem:s4], [sflag:s16] =	dma.local [hbm:s2], $0x1  }
0x93: {  	_ =	swait.eq [sflag:s16], $0x1  }
0x94: {  	[sflag:s16] =	ssyncset.done $0x0  }
0x95: {  	[sflag:s16] =	ssyncadd.s32 $0xFFFFFFFF  }
0x96: {  	s17 =	sld [smem:$0x12];
	(tm) =	ssettm $0x1  }
0x97: {  	s18 =	sld [smem:$0x3FFB];
	_ =	sdelay $0x3  }
0x98: {  	_ =	strace s18  }
0x99: {  	s2 =	sld [smem:$0x3FFC];
	_ =	sdelay $0x3  }
0x9a: {  	_ =	strace s2  }
0x9b: {  	s2 =	sld [smem:$0x3FFD];
	_ =	sdelay $0x3  }
0x9c: {  	_ =	strace s2  }
0x9d: {  	_ =	strace $0x8FFFFFFF  }
0x9e: {  	s19 =	sld [smem:$0x3FDB];
	_ =	sdelay $0x1  }
0x9f: {  	s20 =	simm.s32 $_scs_section_size  }
0xa0: {  	s5 =	simm.s32 $_size__tile_overlayer_lowered;
	s6 =	simm.s32 $_tile_overlayer_lowered  }
0xa1: {  	s7 =	simm.s32 $0x1BFF;
	s21 =	sshll.u32 s6, $0x1;
	s4 =	sadd.s32 s20, s19  }
0xa2: {  	s22 =	simm.s32 $0x0;
	s5 =	sshll.u32 s5, $0x1;
	s6 =	sadd.s32 s21, s4  }
0xa3: {  	[timem:s22], [sflag:s7] =	dma.local [hbm:s6], s5  }
0xa4: {  	_ =	swait.ge [sflag:s7], s5  }
0xa5: {  	s5 =	ssub.s32 $0x0, s5;
	[sflag:s7] =	ssyncset.done $0x0  }
0xa6: {  	[sflag:s7] =	ssyncadd.s32 s5;
	_ =	sdelay $0x1  }
0xa7: {  	s23 =	simm.s32 $0x1B8B  }
0xa8: {  	_ =	swait.ge [sflag:s23], $0x1  }
0xa9: {  	[sflag:s23] =	ssyncset.done $0x0  }
0xaa: {  	[sflag:s23] =	ssyncadd.s32 $0xFFFFFFFF  }
0xab: {  	s5 =	sld [smem:$0x0]  }
0xac: {  	s6 =	sand.u32 $0xFFFFFFFE, s1  }
0xad: {  	p0 =	sne.s32 s1, s6  }
0xae: {  	s6 =	sshll.u32 @p0 s6, $0xE  }
0xaf: {  	s6 =	sadd.s32 @p0 $0x11B8D, s6;
	s7 =	sshll.u32 @p0 s5, $0x11  }
0xb0: {  	s6 =	sor.u32 @p0 s7, s6  }
0xb1: {  	[sflag:s6] =	ssyncadd.remote.s32 @p0 $0x1;
	_ =	sdelay $0x1  }
0xb2: {  	s6 =	simm.s32 @p0 $0x1B8D  }
0xb3: {  	_ =	swait.eq @p0 [sflag:s6], $0x1  }
0xb4: {  	[sflag:s6] =	ssyncadd.s32 @p0 $0xFFFFFFFF  }
0xb5: {  	s7 =	sshll.u32 @!p0 s1, $0xE  }
0xb6: {  	s7 =	sor.u32 @!p0 $0x4000, s7;
	s6 =	simm.s32 @!p0 $0x1B8D  }
0xb7: {  	s5 =	sshll.u32 @!p0 s5, $0x11;
	s7 =	sadd.s32 @!p0 $0x11B8D, s7;
	_ =	swait.eq @!p0 [sflag:s6], $0x1  }
0xb8: {  	s5 =	sor.u32 @!p0 s5, s7;
	[sflag:s6] =	ssyncadd.s32 @!p0 $0xFFFFFFFF  }
0xb9: {  	s25 =	simm.s32 $0x1B8E;
	s24 =	sld [smem:$0x3FFE];
	[sflag:s5] =	ssyncadd.remote.s32 @!p0 $0x1  }
0xba: {  	s26 =	simm.s32 $execute0_lowered;
	[smem:$0x3FD2] =	sst s25  }
0xbb: {  	s6 =	sshll.u32 s26, $0x1;
	_ =	strace $0x80000070;
	[dreg:$0x1] =	wrdreg $0xFFFFFFFF  }
0xbc: {  	s28 =	simm.s32 $_size_execute0_lowered;
	s4 =	sadd.s32 s4, s6;
	[dreg:$0x0] =	wrdreg $0x0  }
0xbd: {  	s6 =	sshll.u32 s28, $0x1;
	[dreg:$0x2] =	wrdreg s4  }
0xbe: {  	[dreg:$0x3] =	wrdreg s6  }
0xbf: {  	[dreg:$0x4] =	wrdreg $0xC0  }
0xc0: {  	_ =	task [dreg:s22], $0x5FFFF  }
0xc1: {  	[dreg:$0x1] =	wrdreg $0xFFFFFFFF  }
0xc2: {  	[dreg:$0x0] =	wrdreg $0x60  }
0xc3: {  	[dreg:$0x2] =	wrdreg s24  }
0xc4: {  	[dreg:$0x3] =	wrdreg s17  }
0xc5: {  	[dreg:$0x4] =	wrdreg $0x9  }
0xc6: {  	_ =	task.clear_ibuf [dreg:s22], $0x5FFFF;
	_ =	strace $0x90000070  }
0xc7: {  	s29 =	simm.s32 $0x9;
	_ =	strace $0x80000072  }
0xc8: {  	_ =	swait.ge [sflag:s29], $0x1  }
0xc9: {  	[sflag:s29] =	ssyncadd.s32 $0xFFFFFFFF  }
0xca: {  	_ =	strace $0x90000072  }
0xcb: {  	_ =	sfence  }
0xcc: {  	s30 =	sld [smem:$0x0];
	_ =	sdelay $0x2  }
0xcd: {  	s31 =	sshll.u32 s1, $0xD;
	s1 =	sshrl.u32 s1, $0x2  }
0xce: {  	s4 =	sand.u32 $0x4000, s31;
	s1 =	sadd.s32 s1, s30  }
0xcf: {  	s0 =	sor.u32 s4, s0;
	s1 =	sshll.u32 s1, $0x11  }
0xd0: {  	s0 =	sor.u32 s1, s0  }
0xd1: {  	s0 =	sadd.s32 $0x8F2B, s0  }
0xd2: {  	[sflag:s0] =	ssyncadd.remote.s32 $0x1  }
0xd3: {  	_ =	sfence.sel $0xFFFF  }
0xd4: {  	[dreg:$0x0] =	wrdreg $0xFFFFFFFF;
	(pc) =	sbr.abs _section_cstart, $3  }
0xd5: {  	[dreg:$0x1] =	wrdreg $0xFFFFFFFF  }
0xd6: {  	_ =	task.clear_ibuf [dreg:s22], $0x2FFFF;
	_ =	strace $0x9FFFFFFF  }
0xd7: {  	(tm) =	ssettm $0x7FFFFFFF  }
tec
execute0_lowered:
.L_overlay_start_1:
0x0: {  	(tag) =	ssettag $0x1  }
0x1: {  	s1 =	srdreg.scid;
	s5 =	rddreg [dreg:$0x0]  }
0x2: {  	s0 =	stileid.u32;
	s2 =	rddreg [dreg:$0x1];
	s6 =	simm.s32 $0x1  }
0x3: {  	s9 =	simm.s32 $0x1;
	s10 =	simm.s32 $0x3;
	s1 =	sshll.u32 s1, $0x6  }
0x4: {  	s13 =	simm.s32 $0x0;
	s3 =	sshll.u32 s0, $0x7;
	s4 =	sand.u32 $0x40, s1  }
0x5: {  	s12 =	simm.s32 $0x0;
	s1 =	rddreg [dreg:$0x2];
	s3 =	sor.u32 s3, s4  }
0x6: {  	_ =	strace $0x80000071;
	s4 =	sadd.s32 $0x45E00, s5;
	s8 =	ssub.s32 $0x1000, s3  }
.Ltmp0:
0x7: {  	s5 =	sadd.s32 $0xCE00, s5;
	s7 =	sand.u32 $0x7C0, s8;
	(pc) =	sbr.rel .LBB2_1-.Ltmp0, $4  }
0x8: {  	[sflag:s6] =	ssyncpa.u1 $0x0;
	s11 =	smov.u32 s3;
	p0 =	sne.s32 s7, $0x0  }
0x9: {  	s8 =	sshrl.u32 s8, $0xB;
	s7 =	simm.s32 $0x2;
	s9 =	simm.s32 @!p0 $0x0  }
0xa: {  	[sflag:s7] =	ssyncpa.u1 $0x0;
	p0 =	por $0x0, $0x0;
	s8 =	sadd.s32 s9, s8  }
0xb: {  	vm0 =	vmmov $0xffff;
	[sflag:s10] =	ssyncpa.u1 $0x0;
	s10 =	simm.s32 $0x0;
	s9 =	sadd.s32 $0x1, s8  }
.LBB2_4:
0xc: {  	v2 =	vnsel vm1, $0x0, v2  }
0xd: {  	vm1 =	vgt.s32 v0, $0x0;
	v2 =	vmin.u32 v2, $0x40000  }
0xe: {  	v0 =	vnsel vm1, $0x0, v0  }
0xf: {  	v0 =	vmin.u32 v0, $0x40000  }
0x10: {  	[tilespmem:s15], [sflag:$0x1] =	stream.indirect_vreg.gather [hbm4b:s4+s10], $0x1, v1, vm0, $0x4038;
	[tilespmem:$0x100] =	vst v63  }
0x11: {  	(ifvalue) =	ssetifvalue $0x7FFFFFFF  }
0x12: {  	[tilespmem:s16], [sflag:$0x1] =	stream.indirect_vreg.gather [hbm4b:s4+s10], $0x1, v2, vm0, $0x4038;
	[tilespmem:$0x100] =	vst v63  }
0x13: {  	s29 =	sadd.s32 $0x10, s16;
	(ifvalue) =	ssetifvalue $0x7FFFFFFF  }
0x14: {  	[tilespmem:s29], [sflag:$0x1] =	stream.indirect_vreg.gather [hbm4b:s4+s10], $0x1, v0, vm0, $0x4038;
	[tilespmem:$0x100] =	vst v63  }
0x15: {  	_ =	swait.ge [sflag:s6], $0x40  }
0x16: {  	s30 =	sshrl.u32 s13, $0x3;
	[sflag:s6] =	ssyncset.done $0x0  }
0x17: {  	s31 =	sand.u32 $0x7, s13;
	s15 =	sadd.s32 s2, s30;
	[sflag:s6] =	ssyncadd.s32 $0xFFFFFFC0  }
0x18: {  	[hbm4b:s15+s31] =	stream.linear.scatter [tilespmem:s14], [sflag:$0x3], $0x40, $0x38;
	[tilespmem:$0x100] =	vst v63  }
.LBB2_5:
0x19: {  	s15 =	sadd.s32 $0x800, s11  }
0x1a: {  	p2 =	sgt.s32 s15, $0xFFF  }
0x1b: {  	s15 =	smov.u32 @p2 s3;
	p2 =	sne.s32 s12, s9  }
.Ltmp1:
0x1c: {  	p1 =	slt.u32 s12, $0x2;
	(pc) =	sbr.rel @!p2 .LBB2_6-.Ltmp1, $4  }
0x1d: {  	s14 =	simm.s32 @!p1 $0x3  }
0x1e: {  	s16 =	sadd.s32 $0x1, s12;
	_ =	swait.ge @!p1 [sflag:s14], $0x40  }
0x1f: {  	s13 =	smov.u32 s11;
	p0 =	por !p0, !p0;
	[sflag:s14] =	ssyncset.done @!p1 $0x0  }
0x20: {  	s12 =	smov.u32 s16;
	s11 =	smov.u32 s15;
	[sflag:s14] =	ssyncadd.s32 @!p1 $0xFFFFFFC0  }
.LBB2_1:
0x21: {  	p1 =	sge.u32 s12, s8  }
0x22: {  	s14 =	sxor.u32 @!p1 $0xFFFFFFFF, s12  }
0x23: {  	s31 =	sadd.s32 $0xFFFFFFFF, s12;
	s15 =	sshrl.u32 @!p1 s11, $0x3;
	s14 =	sshll.u32 @!p1 s14, $0x6  }
0x24: {  	s16 =	sand.u32 @!p1 $0x7, s11;
	s15 =	sadd.s32 @!p1 s5, s15;
	s14 =	sand.u32 @!p1 $0x40, s14  }
0x25: {  	[tilespmem:s14], [sflag:$0x2] =	stream.linear.gather @!p1 [hbm4b:s15+s16], $0x40, $0x38;
	[tilespmem:$0x100] =	vst v63  }
0x26: {  	p1 =	sge.u32 s31, s8  }
.Ltmp2:
0x27: {  	_ = 	snop;
	(pc) =	sbr.rel @p1 .LBB2_5-.Ltmp2, $1  }
0x28: {  	_ =	sdelay $0x3  }
0x29: {  	s14 =	simm.s32 $0x1  }
0x2a: {  	_ =	swait.ge [sflag:s7], $0x40;
	s14 =	simm.s32 @!p0 $0x0  }
0x2b: {  	[sflag:s7] =	ssyncset.done $0x0;
	s14 =	sshll.u32 s14, $0x6  }
0x2c: {  	[sflag:s7] =	ssyncadd.s32 $0xFFFFFFC0;
	(ifvalue) =	ssetifvalue $0x7FFFFFFF;
	v0 =	vld.msk [tilespmem:s14+$0x0 ss:$0x1], $0xffff;
	_ =	sdelay $0x4  }
0x2d: {  	s15 =	sadd.s32 $0x10, s14;
	vm1 =	vgt.s32 v0, $0x0  }
0x2e: {  	v2 =	vld.msk [tilespmem:s15+$0x0 ss:$0x1], $0xffff;
	v1 =	vnsel vm1, $0x0, v0  }
0x2f: {  	v1 =	vmin.u32 v1, $0x40000;
	_ =	sdelay $0x1  }
0x30: {  	s16 =	sshll.u32 s12, $0x6;
	s18 =	simm.s32 $0x20  }
0x31: {  	s16 =	sand.u32 $0x40, s16;
	s17 =	sadd.s32 $0x10, s15;
	s15 =	sor.u32 $0x80, s14  }
0x32: {  	s14 =	sor.u32 $0x80, s16;
	s16 =	sadd.s32 $0x10, s15;
	v0 =	vld.msk [tilespmem:s17+$0x0 ss:$0x1], $0xffff;
	vm1 =	vgt.s32 v2, $0x0;
	(ifvalue) =	ssetifvalue $0x7FFFFFFF  }
.LBB2_3:
0x33: {  	[tilespmem:s15], [sflag:$0x1] =	stream.indirect_vreg.gather [hbm4b:s4+s10], $0x1, v1, vm0, $0x4038;
	[tilespmem:$0x100] =	vst v63  }
0x34: {  	s18 =	sadd.s32 $0x10, s18  }
0x35: {  	v2 =	vnsel vm1, $0x0, v2;
	p1 =	slt.u32 s18, $0x30  }
.Ltmp3:
0x36: {  	s15 =	smov.u32 s16;
	v1 =	vmin.u32 v2, $0x40000;
	(pc) =	sbr.rel @p1 .LBB2_3-.Ltmp3, $3  }
0x37: {  	_ =	sdelay $0x1  }
0x38: {  	s17 =	sadd.s32 $0x10, s17  }
0x39: {  	vm1 =	vgt.s32 v0, $0x0;
	s16 =	sadd.s32 $0x10, s16;
	v2 =	vmov v0;
	(ifvalue) =	ssetifvalue $0x7FFFFFFF;
	v0 =	vld.msk [tilespmem:s17+$0x0 ss:$0x1], $0xffff  }
.Ltmp4:
0x3a: {  	_ = 	snop;
	(pc) =	sbr.rel .LBB2_4-.Ltmp4, $1  }
0x3b: {  	_ =	sdelay $0x3  }
.LBB2_6:
0x3c: {  	_ =	sfence.sel $0x180000  }
0x3d: {  	s2 =	simm.s32 $0x2;
	[bflag:$0x0] =	sbarrier.arrive $0xFFFF  }
0x3e: {  	s30 =	simm.s32 $0x3;
	[sflag:s2] =	ssyncpa.u1 $0x1  }
0x3f: {  	s31 =	simm.s32 $0x1;
	[sflag:s30] =	ssyncpa.u1 $0x1  }
0x40: {  	[sflag:s31] =	ssyncpa.u1 $0x1  }
0x41: {  	p0 =	sne.s32 s0, $0x0;
	_ =	strace $0x90000071  }
0x42: {  	s0 =	sadd.s32 @!p0 $0x100000, s1;
	[bflag:$0x2] =	sbarrier.arrive $0xFFFF  }
0x43: {  	[sflag:s0] =	ssyncadd.tile.s32 @!p0 $0x1;
	_ =	shalt  }
.Lfunc_end2:
_tile_overlayer_lowered:
.L_overlay_start_2:
0x44: {  	(tag) =	ssettag $0x2  }
0x45: {  	s0 =	rddreg [dreg:$0x0];
	s2 =	stileid.u32  }
0x46: {  	s1 =	rddreg [dreg:$0x1];
	p0 =	sne.s32 s2, $0x0  }
0x47: {  	s3 =	rddreg [dreg:$0x2];
	[bflag:$0x3] =	sbarrier.arrive $0xFFFF;
	s2 =	simm.s32 @!p0 $0x1C01  }
0x48: {  	[timem:s3], [sflag:s2] =	dma.local @!p0 [hbm:s0], s1  }
0x49: {  	s0 =	simm.s32 @!p0 $0x1  }
0x4a: {  	_ =	swait.ge @!p0 [sflag:s0], s1  }
0x4b: {  	s1 =	ssub.s32 @!p0 $0x0, s1;
	[sflag:s0] =	ssyncset.done @!p0 $0x0  }
0x4c: {  	[sflag:s0] =	ssyncadd.s32 @!p0 s1  }
0x4d: {  	[bflag:$0x3] =	sbarrier.arrive $0xFFFF  }
0x4e: {  	_ =	shalt  }

// kernel: gather_offload_async_start.14
scs
__scs_entry_jumppad:
0x0: {  	(pc) =	sbr.rel $0x88, $3  }
0x1: {  	(tag) =	ssettag $0x0;
	lr =	simm.s32 $0x1  }
0x2: {  	[smem:$0x3F99] =	sst lr;
	_ =	strace $0xD0000000  }
0x3: {  	_ = 	snop  }
0x4: {  	_ = 	snop  }
0x5: {  	_ = 	snop  }
0x6: {  	_ = 	snop  }
0x7: {  	_ = 	snop  }
__scs_overlays_trampoline_lowered:
0x8: {  	[smem:$0x3FA8] =	sst s0  }
0x9: {  	[smem:$0x3FA9] =	sst s1  }
0xa: {  	[smem:$0x3FAA] =	sst s2  }
0xb: {  	[smem:$0x3FAB] =	sst s3  }
0xc: {  	[smem:$0x3FAC] =	sst s4  }
0xd: {  	[smem:$0x3FAD] =	sst s5  }
0xe: {  	[smem:$0x3FAE] =	sst s6  }
0xf: {  	[smem:$0x3FAF] =	sst s7  }
0x10: {  	[smem:$0x3FB0] =	sst s8  }
0x11: {  	[smem:$0x3FB1] =	sst s9;
	s0 =	simm.s32 @!p0 $0x0  }
0x12: {  	s1 =	sld [smem:$0x3F97];
	s0 =	simm.s32 @p0 $0x1  }
0x13: {  	[smem:$0x3FB2] =	sst s0;
	s0 =	simm.s32 @!p1 $0x0  }
0x14: {  	s2 =	sld [smem:$0x3F96];
	s0 =	simm.s32 @p1 $0x1  }
0x15: {  	[smem:$0x3FB3] =	sst s0;
	s0 =	simm.s32 @!p2 $0x0  }
0x16: {  	s3 =	sld [smem:$0x3FDB];
	s0 =	simm.s32 @p2 $0x1  }
0x17: {  	s4 =	simm.s32 $0x1BF5;
	[smem:$0x3FB5] =	sst s0  }
0x18: {  	s0 =	sld [smem:$0x3F98];
	_ =	swait.ge [sflag:s4], $0x0  }
0x19: {  	s7 =	sld [smem:$0x3F99]  }
0x1a: {  	s8 =	sadd.s32 $0xFFFFE003, lr  }
0x1b: {  	s9 =	sadd.s32 $0xFFFFFEF7, lr;
	s5 =	simm.s32 $0xFFFFFFFF;
	p2 =	slt.u32 s8, $0xFFFFF086  }
0x1c: {  	p1 =	slt.u32 s9, $0xF7A;
	s5 =	simm.s32 @!p2 $0x0  }
0x1d: {  	s5 =	simm.s32 @p1 $0x1;
	p0 =	seq.s32 s7, s2  }
0x1e: {  	s7 =	smul.u32 @!p0 $0xF7A, s2;
	p2 =	seq.s32 @!p0 s5, $0x0  }
0x1f: {  	s9 =	smul.u32 $0xF7A, s1;
	s8 =	simm.s32 @!p0 $0x1BF5;
	p2 =	por !p2, p0  }
0x20: {  	[sflag:s8] =	ssyncset.s32 @!p0 $0xFFFFF086;
	s6 =	sadd.s32 @!p0 s3, s7;
	s7 =	simm.s32 @!p0 $0x108  }
0x21: {  	s3 =	sadd.s32 s3, s9;
	s6 =	sadd.s32 @!p0 $0x88, s6;
	s7 =	simm.s32 @p2 $0x1082  }
0x22: {  	[simem:s7], [sflag:s8] =	dma.local @!p0 [hbm:s6], $0xF7A  }
0x23: {  	s9 =	sor.u32 $0xD0000000, s2;
	s6 =	simm.s32 $0x108;
	_ =	swait.ge @!p0 [sflag:s8], $0x0  }
0x24: {  	s3 =	sadd.s32 $0x88, s3;
	s6 =	simm.s32 @!p1 $0x1082;
	[sflag:s4] =	ssyncset.s32 $0xFFFFF086  }
0x25: {  	[simem:s6], [sflag:s4] =	dma.local [hbm:s3], $0xF7A  }
0x26: {  	[smem:$0x3F99] =	sst s1;
	(tag) =	ssettag s2;
	_ =	strace s9  }
0x27: {  	s1 =	sld [smem:$0x3FA9]  }
0x28: {  	s2 =	sld [smem:$0x3FAA]  }
0x29: {  	s4 =	sld [smem:$0x3FAC]  }
0x2a: {  	p0 =	seq.s32 s5, $0x0;
	s5 =	sld [smem:$0x3FAD]  }
0x2b: {  	s6 =	sld [smem:$0x3FAE]  }
0x2c: {  	s7 =	sld [smem:$0x3FAF]  }
0x2d: {  	s3 =	simm.s32 $0x108;
	s8 =	sld [smem:$0x3FB0]  }
0x2e: {  	s3 =	simm.s32 @!p0 $0x1082;
	s9 =	sld [smem:$0x3FB1]  }
0x2f: {  	lr =	sadd.s32 s0, s3;
	s0 =	sld [smem:$0x3FA8]  }
0x30: {  	s3 =	sld [smem:$0x3FAB]  }
0x31: {  	[smem:$0x3FB4] =	sst s10  }
0x32: {  	s10 =	sld [smem:$0x3FB2];
	_ =	sdelay $0x3  }
0x33: {  	p0 =	seq.s32 s10, $0x1;
	s10 =	sld [smem:$0x3FB4];
	_ =	sdelay $0x3  }
0x34: {  	[smem:$0x3FB4] =	sst s10  }
0x35: {  	s10 =	sld [smem:$0x3FB3];
	_ =	sdelay $0x3  }
0x36: {  	p1 =	seq.s32 s10, $0x1;
	s10 =	sld [smem:$0x3FB4];
	_ =	sdelay $0x3  }
0x37: {  	[smem:$0x3FB4] =	sst s10  }
0x38: {  	s10 =	sld [smem:$0x3FB5]  }
0x39: {  	_ = 	snop;
	(pc) =	sbr.ind lr, $3  }
0x3a: {  	_ = 	snop  }
0x3b: {  	_ = 	snop  }
0x3c: {  	p2 =	seq.s32 s10, $0x1;
	s10 =	sld [smem:$0x3FB4]  }
0x3d: {  	_ =	shalt  }
0x3e: {  	_ =	shalt  }
0x3f: {  	_ =	shalt  }
0x40: {  	_ =	shalt  }
0x41: {  	_ =	shalt  }
0x42: {  	_ =	shalt  }
0x43: {  	_ =	shalt  }
0x44: {  	_ =	shalt  }
0x45: {  	_ =	shalt  }
0x46: {  	_ =	shalt  }
0x47: {  	_ =	shalt  }
0x48: {  	_ =	shalt  }
0x49: {  	_ =	shalt  }
0x4a: {  	_ =	shalt  }
0x4b: {  	_ =	shalt  }
0x4c: {  	_ =	shalt  }
0x4d: {  	_ =	shalt  }
0x4e: {  	_ =	shalt  }
0x4f: {  	_ =	shalt  }
0x50: {  	_ =	shalt  }
0x51: {  	_ =	shalt  }
0x52: {  	_ =	shalt  }
0x53: {  	_ =	shalt  }
0x54: {  	_ =	shalt  }
0x55: {  	_ =	shalt  }
0x56: {  	_ =	shalt  }
0x57: {  	_ =	shalt  }
0x58: {  	_ =	shalt  }
0x59: {  	_ =	shalt  }
0x5a: {  	_ =	shalt  }
0x5b: {  	_ =	shalt  }
0x5c: {  	_ =	shalt  }
0x5d: {  	_ =	shalt  }
0x5e: {  	_ =	shalt  }
0x5f: {  	_ =	shalt  }
0x60: {  	_ =	shalt  }
0x61: {  	_ =	shalt  }
0x62: {  	_ =	shalt  }
0x63: {  	_ =	shalt  }
0x64: {  	_ =	shalt  }
0x65: {  	_ =	shalt  }
0x66: {  	_ =	shalt  }
0x67: {  	_ =	shalt  }
0x68: {  	_ =	shalt  }
0x69: {  	_ =	shalt  }
0x6a: {  	_ =	shalt  }
0x6b: {  	_ =	shalt  }
0x6c: {  	_ =	shalt  }
0x6d: {  	_ =	shalt  }
0x6e: {  	_ =	shalt  }
0x6f: {  	_ =	shalt  }
0x70: {  	_ =	shalt  }
0x71: {  	_ =	shalt  }
0x72: {  	_ =	shalt  }
0x73: {  	_ =	shalt  }
0x74: {  	_ =	shalt  }
0x75: {  	_ =	shalt  }
0x76: {  	_ =	shalt  }
0x77: {  	_ =	shalt  }
0x78: {  	_ =	shalt  }
0x79: {  	_ =	shalt  }
0x7a: {  	_ =	shalt  }
0x7b: {  	_ =	shalt  }
0x7c: {  	_ =	shalt  }
0x7d: {  	_ =	shalt  }
0x7e: {  	_ =	shalt  }
0x7f: {  	_ =	shalt  }
0x80: {  	_ =	shalt  }
0x81: {  	_ =	shalt  }
0x82: {  	_ =	shalt  }
0x83: {  	_ =	shalt  }
0x84: {  	_ =	shalt  }
0x85: {  	_ =	shalt  }
0x86: {  	_ =	shalt  }
0x87: {  	_ =	shalt  }
.Lfunc_end0:
.L_simem_size_0:
called_computation.14_lowered:
.L_overlay_start_0:
0x88: {  	s2 =	sld [smem:$0x3FD9]  }
0x89: {  	s3 =	sld [smem:$0x3FFE];
	_ =	sdelay $0x1  }
0x8a: {  	s1 =	srdreg.scid  }
0x8b: {  	s0 =	sand.u32 $0x1, s1  }
0x8c: {  	s15 =	sshll.u32 s0, $0xA;
	s2 =	sadd.s32 s3, s2  }
0x8d: {  	s2 =	sadd.s32 s2, s15  }
0x8e: {  	[smem:$0x3FC0] =	sst s2  }
0x8f: {  	_ = 	snop  }
0x90: {  	s2 =	sld [smem:$0x3FD0];
	_ =	sdelay $0x2  }
0x91: {  	s16 =	simm.s32 $0xC;
	s4 =	simm.s32 $0x10  }
0x92: {  	[smem:s4], [sflag:s16] =	dma.local [hbm:s2], $0x1  }
0x93: {  	_ =	swait.eq [sflag:s16], $0x1  }
0x94: {  	[sflag:s16] =	ssyncset.done $0x0  }
0x95: {  	[sflag:s16] =	ssyncadd.s32 $0xFFFFFFFF  }
0x96: {  	s17 =	sld [smem:$0x13];
	(tm) =	ssettm $0x1  }
0x97: {  	s18 =	sld [smem:$0x3FFB];
	_ =	sdelay $0x3  }
0x98: {  	_ =	strace s18  }
0x99: {  	s2 =	sld [smem:$0x3FFC];
	_ =	sdelay $0x3  }
0x9a: {  	_ =	strace s2  }
0x9b: {  	s2 =	sld [smem:$0x3FFD];
	_ =	sdelay $0x3  }
0x9c: {  	_ =	strace s2  }
0x9d: {  	_ =	strace $0x8FFFFFFF  }
0x9e: {  	s19 =	sld [smem:$0x3FDB];
	_ =	sdelay $0x1  }
0x9f: {  	s20 =	simm.s32 $_scs_section_size  }
0xa0: {  	s5 =	simm.s32 $_size__tile_overlayer_lowered;
	s6 =	simm.s32 $_tile_overlayer_lowered  }
0xa1: {  	s7 =	simm.s32 $0x1BFF;
	s21 =	sshll.u32 s6, $0x1;
	s4 =	sadd.s32 s20, s19  }
0xa2: {  	s22 =	simm.s32 $0x0;
	s5 =	sshll.u32 s5, $0x1;
	s6 =	sadd.s32 s21, s4  }
0xa3: {  	[timem:s22], [sflag:s7] =	dma.local [hbm:s6], s5  }
0xa4: {  	_ =	swait.ge [sflag:s7], s5  }
0xa5: {  	s5 =	ssub.s32 $0x0, s5;
	[sflag:s7] =	ssyncset.done $0x0  }
0xa6: {  	[sflag:s7] =	ssyncadd.s32 s5;
	_ =	sdelay $0x1  }
0xa7: {  	s23 =	simm.s32 $0x1B8B  }
0xa8: {  	_ =	swait.ge [sflag:s23], $0x1  }
0xa9: {  	[sflag:s23] =	ssyncset.done $0x0  }
0xaa: {  	[sflag:s23] =	ssyncadd.s32 $0xFFFFFFFF  }
0xab: {  	s5 =	sld [smem:$0x0]  }
0xac: {  	s6 =	sand.u32 $0xFFFFFFFE, s1  }
0xad: {  	p0 =	sne.s32 s1, s6  }
0xae: {  	s6 =	sshll.u32 @p0 s6, $0xE  }
0xaf: {  	s6 =	sadd.s32 @p0 $0x11B8D, s6;
	s7 =	sshll.u32 @p0 s5, $0x11  }
0xb0: {  	s6 =	sor.u32 @p0 s7, s6  }
0xb1: {  	[sflag:s6] =	ssyncadd.remote.s32 @p0 $0x1;
	_ =	sdelay $0x1  }
0xb2: {  	s6 =	simm.s32 @p0 $0x1B8D  }
0xb3: {  	_ =	swait.eq @p0 [sflag:s6], $0x1  }
0xb4: {  	[sflag:s6] =	ssyncadd.s32 @p0 $0xFFFFFFFF  }
0xb5: {  	s7 =	sshll.u32 @!p0 s1, $0xE  }
0xb6: {  	s7 =	sor.u32 @!p0 $0x4000, s7;
	s6 =	simm.s32 @!p0 $0x1B8D  }
0xb7: {  	s5 =	sshll.u32 @!p0 s5, $0x11;
	s7 =	sadd.s32 @!p0 $0x11B8D, s7;
	_ =	swait.eq @!p0 [sflag:s6], $0x1  }
0xb8: {  	s5 =	sor.u32 @!p0 s5, s7;
	[sflag:s6] =	ssyncadd.s32 @!p0 $0xFFFFFFFF  }
0xb9: {  	s25 =	simm.s32 $0x1B8E;
	s24 =	sld [smem:$0x3FFE];
	[sflag:s5] =	ssyncadd.remote.s32 @!p0 $0x1  }
0xba: {  	s26 =	simm.s32 $execute0_lowered;
	[smem:$0x3FD2] =	sst s25  }
0xbb: {  	s6 =	sshll.u32 s26, $0x1;
	_ =	strace $0x80000067;
	[dreg:$0x1] =	wrdreg $0xFFFFFFFF  }
0xbc: {  	s28 =	simm.s32 $_size_execute0_lowered;
	s4 =	sadd.s32 s4, s6;
	[dreg:$0x0] =	wrdreg $0x0  }
0xbd: {  	s6 =	sshll.u32 s28, $0x1;
	[dreg:$0x2] =	wrdreg s4  }
0xbe: {  	[dreg:$0x3] =	wrdreg s6  }
0xbf: {  	[dreg:$0x4] =	wrdreg $0xC0  }
0xc0: {  	_ =	task [dreg:s22], $0x5FFFF  }
0xc1: {  	[dreg:$0x1] =	wrdreg $0xFFFFFFFF  }
0xc2: {  	[dreg:$0x0] =	wrdreg $0x60  }
0xc3: {  	[dreg:$0x2] =	wrdreg s24  }
0xc4: {  	[dreg:$0x3] =	wrdreg s17  }
0xc5: {  	[dreg:$0x4] =	wrdreg $0x9  }
0xc6: {  	_ =	task.clear_ibuf [dreg:s22], $0x5FFFF;
	_ =	strace $0x90000067  }
0xc7: {  	s29 =	simm.s32 $0x9;
	_ =	strace $0x80000069  }
0xc8: {  	_ =	swait.ge [sflag:s29], $0x1  }
0xc9: {  	[sflag:s29] =	ssyncadd.s32 $0xFFFFFFFF  }
0xca: {  	_ =	strace $0x90000069  }
0xcb: {  	_ =	sfence  }
0xcc: {  	s30 =	sld [smem:$0x0];
	_ =	sdelay $0x2  }
0xcd: {  	s31 =	sshll.u32 s1, $0xD;
	s1 =	sshrl.u32 s1, $0x2  }
0xce: {  	s4 =	sand.u32 $0x4000, s31;
	s1 =	sadd.s32 s1, s30  }
0xcf: {  	s0 =	sor.u32 s4, s0;
	s1 =	sshll.u32 s1, $0x11  }
0xd0: {  	s0 =	sor.u32 s1, s0  }
0xd1: {  	s0 =	sadd.s32 $0x8F2B, s0  }
0xd2: {  	[sflag:s0] =	ssyncadd.remote.s32 $0x1  }
0xd3: {  	_ =	sfence.sel $0xFFFF  }
0xd4: {  	[dreg:$0x0] =	wrdreg $0xFFFFFFFF;
	(pc) =	sbr.abs _section_cstart, $3  }
0xd5: {  	[dreg:$0x1] =	wrdreg $0xFFFFFFFF  }
0xd6: {  	_ =	task.clear_ibuf [dreg:s22], $0x2FFFF;
	_ =	strace $0x9FFFFFFF  }
0xd7: {  	(tm) =	ssettm $0x7FFFFFFF  }
tec
execute0_lowered:
.L_overlay_start_1:
0x0: {  	(tag) =	ssettag $0x1  }
0x1: {  	s1 =	srdreg.scid;
	s5 =	rddreg [dreg:$0x0]  }
0x2: {  	s0 =	stileid.u32;
	s2 =	rddreg [dreg:$0x1];
	s6 =	simm.s32 $0x1  }
0x3: {  	s9 =	simm.s32 $0x1;
	s10 =	simm.s32 $0x3;
	s1 =	sshll.u32 s1, $0x6  }
0x4: {  	s13 =	simm.s32 $0x0;
	s3 =	sshll.u32 s0, $0x7;
	s4 =	sand.u32 $0x40, s1  }
0x5: {  	s12 =	simm.s32 $0x0;
	s1 =	rddreg [dreg:$0x2];
	s3 =	sor.u32 s3, s4  }
0x6: {  	_ =	strace $0x80000068;
	s4 =	sadd.s32 $0x3DC00, s5;
	s8 =	ssub.s32 $0x1000, s3  }
.Ltmp0:
0x7: {  	s5 =	sadd.s32 $0x5000, s5;
	s7 =	sand.u32 $0x7C0, s8;
	(pc) =	sbr.rel .LBB2_1-.Ltmp0, $4  }
0x8: {  	[sflag:s6] =	ssyncpa.u1 $0x0;
	s11 =	smov.u32 s3;
	p0 =	sne.s32 s7, $0x0  }
0x9: {  	s8 =	sshrl.u32 s8, $0xB;
	s7 =	simm.s32 $0x2;
	s9 =	simm.s32 @!p0 $0x0  }
0xa: {  	[sflag:s7] =	ssyncpa.u1 $0x0;
	p0 =	por $0x0, $0x0;
	s8 =	sadd.s32 s9, s8  }
0xb: {  	vm0 =	vmmov $0xffff;
	[sflag:s10] =	ssyncpa.u1 $0x0;
	s10 =	simm.s32 $0x0;
	s9 =	sadd.s32 $0x1, s8  }
.LBB2_4:
0xc: {  	v2 =	vnsel vm1, $0x0, v2  }
0xd: {  	vm1 =	vgt.s32 v0, $0x0;
	v2 =	vmin.u32 v2, $0x40000  }
0xe: {  	v0 =	vnsel vm1, $0x0, v0  }
0xf: {  	v0 =	vmin.u32 v0, $0x40000  }
0x10: {  	[tilespmem:s15], [sflag:$0x1] =	stream.indirect_vreg.gather [hbm4b:s4+s10], $0x1, v1, vm0, $0x4038;
	[tilespmem:$0x100] =	vst v63  }
0x11: {  	(ifvalue) =	ssetifvalue $0x7FFFFFFF  }
0x12: {  	[tilespmem:s16], [sflag:$0x1] =	stream.indirect_vreg.gather [hbm4b:s4+s10], $0x1, v2, vm0, $0x4038;
	[tilespmem:$0x100] =	vst v63  }
0x13: {  	s29 =	sadd.s32 $0x10, s16;
	(ifvalue) =	ssetifvalue $0x7FFFFFFF  }
0x14: {  	[tilespmem:s29], [sflag:$0x1] =	stream.indirect_vreg.gather [hbm4b:s4+s10], $0x1, v0, vm0, $0x4038;
	[tilespmem:$0x100] =	vst v63  }
0x15: {  	_ =	swait.ge [sflag:s6], $0x40  }
0x16: {  	s30 =	sshrl.u32 s13, $0x3;
	[sflag:s6] =	ssyncset.done $0x0  }
0x17: {  	s31 =	sand.u32 $0x7, s13;
	s15 =	sadd.s32 s5, s30;
	[sflag:s6] =	ssyncadd.s32 $0xFFFFFFC0  }
0x18: {  	[hbm4b:s15+s31] =	stream.linear.scatter [tilespmem:s14], [sflag:$0x3], $0x40, $0x38;
	[tilespmem:$0x100] =	vst v63  }
.LBB2_5:
0x19: {  	s15 =	sadd.s32 $0x800, s11  }
0x1a: {  	p2 =	sgt.s32 s15, $0xFFF  }
0x1b: {  	s15 =	smov.u32 @p2 s3;
	p2 =	sne.s32 s12, s9  }
.Ltmp1:
0x1c: {  	p1 =	slt.u32 s12, $0x2;
	(pc) =	sbr.rel @!p2 .LBB2_6-.Ltmp1, $4  }
0x1d: {  	s14 =	simm.s32 @!p1 $0x3  }
0x1e: {  	s16 =	sadd.s32 $0x1, s12;
	_ =	swait.ge @!p1 [sflag:s14], $0x40  }
0x1f: {  	s13 =	smov.u32 s11;
	p0 =	por !p0, !p0;
	[sflag:s14] =	ssyncset.done @!p1 $0x0  }
0x20: {  	s12 =	smov.u32 s16;
	s11 =	smov.u32 s15;
	[sflag:s14] =	ssyncadd.s32 @!p1 $0xFFFFFFC0  }
.LBB2_1:
0x21: {  	p1 =	sge.u32 s12, s8  }
0x22: {  	s14 =	sxor.u32 @!p1 $0xFFFFFFFF, s12  }
0x23: {  	s31 =	sadd.s32 $0xFFFFFFFF, s12;
	s15 =	sshrl.u32 @!p1 s11, $0x3;
	s14 =	sshll.u32 @!p1 s14, $0x6  }
0x24: {  	s16 =	sand.u32 @!p1 $0x7, s11;
	s15 =	sadd.s32 @!p1 s2, s15;
	s14 =	sand.u32 @!p1 $0x40, s14  }
0x25: {  	[tilespmem:s14], [sflag:$0x2] =	stream.linear.gather @!p1 [hbm4b:s15+s16], $0x40, $0x38;
	[tilespmem:$0x100] =	vst v63  }
0x26: {  	p1 =	sge.u32 s31, s8  }
.Ltmp2:
0x27: {  	_ = 	snop;
	(pc) =	sbr.rel @p1 .LBB2_5-.Ltmp2, $1  }
0x28: {  	_ =	sdelay $0x3  }
0x29: {  	s14 =	simm.s32 $0x1  }
0x2a: {  	_ =	swait.ge [sflag:s7], $0x40;
	s14 =	simm.s32 @!p0 $0x0  }
0x2b: {  	[sflag:s7] =	ssyncset.done $0x0;
	s14 =	sshll.u32 s14, $0x6  }
0x2c: {  	[sflag:s7] =	ssyncadd.s32 $0xFFFFFFC0;
	(ifvalue) =	ssetifvalue $0x7FFFFFFF;
	v0 =	vld.msk [tilespmem:s14+$0x0 ss:$0x1], $0xffff;
	_ =	sdelay $0x4  }
0x2d: {  	s15 =	sadd.s32 $0x10, s14;
	vm1 =	vgt.s32 v0, $0x0  }
0x2e: {  	v2 =	vld.msk [tilespmem:s15+$0x0 ss:$0x1], $0xffff;
	v1 =	vnsel vm1, $0x0, v0  }
0x2f: {  	v1 =	vmin.u32 v1, $0x40000;
	_ =	sdelay $0x1  }
0x30: {  	s16 =	sshll.u32 s12, $0x6;
	s18 =	simm.s32 $0x20  }
0x31: {  	s16 =	sand.u32 $0x40, s16;
	s17 =	sadd.s32 $0x10, s15;
	s15 =	sor.u32 $0x80, s14  }
0x32: {  	s14 =	sor.u32 $0x80, s16;
	s16 =	sadd.s32 $0x10, s15;
	v0 =	vld.msk [tilespmem:s17+$0x0 ss:$0x1], $0xffff;
	vm1 =	vgt.s32 v2, $0x0;
	(ifvalue) =	ssetifvalue $0x7FFFFFFF  }
.LBB2_3:
0x33: {  	[tilespmem:s15], [sflag:$0x1] =	stream.indirect_vreg.gather [hbm4b:s4+s10], $0x1, v1, vm0, $0x4038;
	[tilespmem:$0x100] =	vst v63  }
0x34: {  	s18 =	sadd.s32 $0x10, s18  }
0x35: {  	v2 =	vnsel vm1, $0x0, v2;
	p1 =	slt.u32 s18, $0x30  }
.Ltmp3:
0x36: {  	s15 =	smov.u32 s16;
	v1 =	vmin.u32 v2, $0x40000;
	(pc) =	sbr.rel @p1 .LBB2_3-.Ltmp3, $3  }
0x37: {  	_ =	sdelay $0x1  }
0x38: {  	s17 =	sadd.s32 $0x10, s17  }
0x39: {  	vm1 =	vgt.s32 v0, $0x0;
	s16 =	sadd.s32 $0x10, s16;
	v2 =	vmov v0;
	(ifvalue) =	ssetifvalue $0x7FFFFFFF;
	v0 =	vld.msk [tilespmem:s17+$0x0 ss:$0x1], $0xffff  }
.Ltmp4:
0x3a: {  	_ = 	snop;
	(pc) =	sbr.rel .LBB2_4-.Ltmp4, $1  }
0x3b: {  	_ =	sdelay $0x3  }
.LBB2_6:
0x3c: {  	_ =	sfence.sel $0x180000  }
0x3d: {  	s2 =	simm.s32 $0x2;
	[bflag:$0x0] =	sbarrier.arrive $0xFFFF  }
0x3e: {  	s30 =	simm.s32 $0x3;
	[sflag:s2] =	ssyncpa.u1 $0x1  }
0x3f: {  	s31 =	simm.s32 $0x1;
	[sflag:s30] =	ssyncpa.u1 $0x1  }
0x40: {  	[sflag:s31] =	ssyncpa.u1 $0x1  }
0x41: {  	p0 =	sne.s32 s0, $0x0;
	_ =	strace $0x90000068  }
0x42: {  	s0 =	sadd.s32 @!p0 $0x100000, s1;
	[bflag:$0x2] =	sbarrier.arrive $0xFFFF  }
0x43: {  	[sflag:s0] =	ssyncadd.tile.s32 @!p0 $0x1;
	_ =	shalt  }
.Lfunc_end2:
_tile_overlayer_lowered:
.L_overlay_start_2:
0x44: {  	(tag) =	ssettag $0x2  }
0x45: {  	s0 =	rddreg [dreg:$0x0];
	s2 =	stileid.u32  }
0x46: {  	s1 =	rddreg [dreg:$0x1];
	p0 =	sne.s32 s2, $0x0  }
0x47: {  	s3 =	rddreg [dreg:$0x2];
	[bflag:$0x3] =	sbarrier.arrive $0xFFFF;
	s2 =	simm.s32 @!p0 $0x1C01  }
0x48: {  	[timem:s3], [sflag:s2] =	dma.local @!p0 [hbm:s0], s1  }
0x49: {  	s0 =	simm.s32 @!p0 $0x1  }
0x4a: {  	_ =	swait.ge @!p0 [sflag:s0], s1  }
0x4b: {  	s1 =	ssub.s32 @!p0 $0x0, s1;
	[sflag:s0] =	ssyncset.done @!p0 $0x0  }
0x4c: {  	[sflag:s0] =	ssyncadd.s32 @!p0 s1  }
0x4d: {  	[bflag:$0x3] =	sbarrier.arrive $0xFFFF  }
0x4e: {  	_ =	shalt  }

// kernel: gather_offload_async_start.15
scs
__scs_entry_jumppad:
0x0: {  	(pc) =	sbr.rel $0x88, $3  }
0x1: {  	(tag) =	ssettag $0x0;
	lr =	simm.s32 $0x1  }
0x2: {  	[smem:$0x3F99] =	sst lr;
	_ =	strace $0xD0000000  }
0x3: {  	_ = 	snop  }
0x4: {  	_ = 	snop  }
0x5: {  	_ = 	snop  }
0x6: {  	_ = 	snop  }
0x7: {  	_ = 	snop  }
__scs_overlays_trampoline_lowered:
0x8: {  	[smem:$0x3FA8] =	sst s0  }
0x9: {  	[smem:$0x3FA9] =	sst s1  }
0xa: {  	[smem:$0x3FAA] =	sst s2  }
0xb: {  	[smem:$0x3FAB] =	sst s3  }
0xc: {  	[smem:$0x3FAC] =	sst s4  }
0xd: {  	[smem:$0x3FAD] =	sst s5  }
0xe: {  	[smem:$0x3FAE] =	sst s6  }
0xf: {  	[smem:$0x3FAF] =	sst s7  }
0x10: {  	[smem:$0x3FB0] =	sst s8  }
0x11: {  	[smem:$0x3FB1] =	sst s9;
	s0 =	simm.s32 @!p0 $0x0  }
0x12: {  	s1 =	sld [smem:$0x3F97];
	s0 =	simm.s32 @p0 $0x1  }
0x13: {  	[smem:$0x3FB2] =	sst s0;
	s0 =	simm.s32 @!p1 $0x0  }
0x14: {  	s2 =	sld [smem:$0x3F96];
	s0 =	simm.s32 @p1 $0x1  }
0x15: {  	[smem:$0x3FB3] =	sst s0;
	s0 =	simm.s32 @!p2 $0x0  }
0x16: {  	s3 =	sld [smem:$0x3FDB];
	s0 =	simm.s32 @p2 $0x1  }
0x17: {  	s4 =	simm.s32 $0x1BF5;
	[smem:$0x3FB5] =	sst s0  }
0x18: {  	s0 =	sld [smem:$0x3F98];
	_ =	swait.ge [sflag:s4], $0x0  }
0x19: {  	s7 =	sld [smem:$0x3F99]  }
0x1a: {  	s8 =	sadd.s32 $0xFFFFE003, lr  }
0x1b: {  	s9 =	sadd.s32 $0xFFFFFEF7, lr;
	s5 =	simm.s32 $0xFFFFFFFF;
	p2 =	slt.u32 s8, $0xFFFFF086  }
0x1c: {  	p1 =	slt.u32 s9, $0xF7A;
	s5 =	simm.s32 @!p2 $0x0  }
0x1d: {  	s5 =	simm.s32 @p1 $0x1;
	p0 =	seq.s32 s7, s2  }
0x1e: {  	s7 =	smul.u32 @!p0 $0xF7A, s2;
	p2 =	seq.s32 @!p0 s5, $0x0  }
0x1f: {  	s9 =	smul.u32 $0xF7A, s1;
	s8 =	simm.s32 @!p0 $0x1BF5;
	p2 =	por !p2, p0  }
0x20: {  	[sflag:s8] =	ssyncset.s32 @!p0 $0xFFFFF086;
	s6 =	sadd.s32 @!p0 s3, s7;
	s7 =	simm.s32 @!p0 $0x108  }
0x21: {  	s3 =	sadd.s32 s3, s9;
	s6 =	sadd.s32 @!p0 $0x88, s6;
	s7 =	simm.s32 @p2 $0x1082  }
0x22: {  	[simem:s7], [sflag:s8] =	dma.local @!p0 [hbm:s6], $0xF7A  }
0x23: {  	s9 =	sor.u32 $0xD0000000, s2;
	s6 =	simm.s32 $0x108;
	_ =	swait.ge @!p0 [sflag:s8], $0x0  }
0x24: {  	s3 =	sadd.s32 $0x88, s3;
	s6 =	simm.s32 @!p1 $0x1082;
	[sflag:s4] =	ssyncset.s32 $0xFFFFF086  }
0x25: {  	[simem:s6], [sflag:s4] =	dma.local [hbm:s3], $0xF7A  }
0x26: {  	[smem:$0x3F99] =	sst s1;
	(tag) =	ssettag s2;
	_ =	strace s9  }
0x27: {  	s1 =	sld [smem:$0x3FA9]  }
0x28: {  	s2 =	sld [smem:$0x3FAA]  }
0x29: {  	s4 =	sld [smem:$0x3FAC]  }
0x2a: {  	p0 =	seq.s32 s5, $0x0;
	s5 =	sld [smem:$0x3FAD]  }
0x2b: {  	s6 =	sld [smem:$0x3FAE]  }
0x2c: {  	s7 =	sld [smem:$0x3FAF]  }
0x2d: {  	s3 =	simm.s32 $0x108;
	s8 =	sld [smem:$0x3FB0]  }
0x2e: {  	s3 =	simm.s32 @!p0 $0x1082;
	s9 =	sld [smem:$0x3FB1]  }
0x2f: {  	lr =	sadd.s32 s0, s3;
	s0 =	sld [smem:$0x3FA8]  }
0x30: {  	s3 =	sld [smem:$0x3FAB]  }
0x31: {  	[smem:$0x3FB4] =	sst s10  }
0x32: {  	s10 =	sld [smem:$0x3FB2];
	_ =	sdelay $0x3  }
0x33: {  	p0 =	seq.s32 s10, $0x1;
	s10 =	sld [smem:$0x3FB4];
	_ =	sdelay $0x3  }
0x34: {  	[smem:$0x3FB4] =	sst s10  }
0x35: {  	s10 =	sld [smem:$0x3FB3];
	_ =	sdelay $0x3  }
0x36: {  	p1 =	seq.s32 s10, $0x1;
	s10 =	sld [smem:$0x3FB4];
	_ =	sdelay $0x3  }
0x37: {  	[smem:$0x3FB4] =	sst s10  }
0x38: {  	s10 =	sld [smem:$0x3FB5]  }
0x39: {  	_ = 	snop;
	(pc) =	sbr.ind lr, $3  }
0x3a: {  	_ = 	snop  }
0x3b: {  	_ = 	snop  }
0x3c: {  	p2 =	seq.s32 s10, $0x1;
	s10 =	sld [smem:$0x3FB4]  }
0x3d: {  	_ =	shalt  }
0x3e: {  	_ =	shalt  }
0x3f: {  	_ =	shalt  }
0x40: {  	_ =	shalt  }
0x41: {  	_ =	shalt  }
0x42: {  	_ =	shalt  }
0x43: {  	_ =	shalt  }
0x44: {  	_ =	shalt  }
0x45: {  	_ =	shalt  }
0x46: {  	_ =	shalt  }
0x47: {  	_ =	shalt  }
0x48: {  	_ =	shalt  }
0x49: {  	_ =	shalt  }
0x4a: {  	_ =	shalt  }
0x4b: {  	_ =	shalt  }
0x4c: {  	_ =	shalt  }
0x4d: {  	_ =	shalt  }
0x4e: {  	_ =	shalt  }
0x4f: {  	_ =	shalt  }
0x50: {  	_ =	shalt  }
0x51: {  	_ =	shalt  }
0x52: {  	_ =	shalt  }
0x53: {  	_ =	shalt  }
0x54: {  	_ =	shalt  }
0x55: {  	_ =	shalt  }
0x56: {  	_ =	shalt  }
0x57: {  	_ =	shalt  }
0x58: {  	_ =	shalt  }
0x59: {  	_ =	shalt  }
0x5a: {  	_ =	shalt  }
0x5b: {  	_ =	shalt  }
0x5c: {  	_ =	shalt  }
0x5d: {  	_ =	shalt  }
0x5e: {  	_ =	shalt  }
0x5f: {  	_ =	shalt  }
0x60: {  	_ =	shalt  }
0x61: {  	_ =	shalt  }
0x62: {  	_ =	shalt  }
0x63: {  	_ =	shalt  }
0x64: {  	_ =	shalt  }
0x65: {  	_ =	shalt  }
0x66: {  	_ =	shalt  }
0x67: {  	_ =	shalt  }
0x68: {  	_ =	shalt  }
0x69: {  	_ =	shalt  }
0x6a: {  	_ =	shalt  }
0x6b: {  	_ =	shalt  }
0x6c: {  	_ =	shalt  }
0x6d: {  	_ =	shalt  }
0x6e: {  	_ =	shalt  }
0x6f: {  	_ =	shalt  }
0x70: {  	_ =	shalt  }
0x71: {  	_ =	shalt  }
0x72: {  	_ =	shalt  }
0x73: {  	_ =	shalt  }
0x74: {  	_ =	shalt  }
0x75: {  	_ =	shalt  }
0x76: {  	_ =	shalt  }
0x77: {  	_ =	shalt  }
0x78: {  	_ =	shalt  }
0x79: {  	_ =	shalt  }
0x7a: {  	_ =	shalt  }
0x7b: {  	_ =	shalt  }
0x7c: {  	_ =	shalt  }
0x7d: {  	_ =	shalt  }
0x7e: {  	_ =	shalt  }
0x7f: {  	_ =	shalt  }
0x80: {  	_ =	shalt  }
0x81: {  	_ =	shalt  }
0x82: {  	_ =	shalt  }
0x83: {  	_ =	shalt  }
0x84: {  	_ =	shalt  }
0x85: {  	_ =	shalt  }
0x86: {  	_ =	shalt  }
0x87: {  	_ =	shalt  }
.Lfunc_end0:
.L_simem_size_0:
called_computation.15_lowered:
.L_overlay_start_0:
0x88: {  	s2 =	sld [smem:$0x3FD9]  }
0x89: {  	s3 =	sld [smem:$0x3FFE];
	_ =	sdelay $0x1  }
0x8a: {  	s1 =	srdreg.scid  }
0x8b: {  	s0 =	sand.u32 $0x1, s1  }
0x8c: {  	s15 =	sshll.u32 s0, $0xA;
	s2 =	sadd.s32 s3, s2  }
0x8d: {  	s2 =	sadd.s32 s2, s15  }
0x8e: {  	[smem:$0x3FC0] =	sst s2  }
0x8f: {  	_ = 	snop  }
0x90: {  	s2 =	sld [smem:$0x3FD0];
	_ =	sdelay $0x2  }
0x91: {  	s16 =	simm.s32 $0xC;
	s4 =	simm.s32 $0x10  }
0x92: {  	[smem:s4], [sflag:s16] =	dma.local [hbm:s2], $0x1  }
0x93: {  	_ =	swait.eq [sflag:s16], $0x1  }
0x94: {  	[sflag:s16] =	ssyncset.done $0x0  }
0x95: {  	[sflag:s16] =	ssyncadd.s32 $0xFFFFFFFF  }
0x96: {  	s17 =	sld [smem:$0x12];
	(tm) =	ssettm $0x1  }
0x97: {  	s18 =	sld [smem:$0x3FFB];
	_ =	sdelay $0x3  }
0x98: {  	_ =	strace s18  }
0x99: {  	s2 =	sld [smem:$0x3FFC];
	_ =	sdelay $0x3  }
0x9a: {  	_ =	strace s2  }
0x9b: {  	s2 =	sld [smem:$0x3FFD];
	_ =	sdelay $0x3  }
0x9c: {  	_ =	strace s2  }
0x9d: {  	_ =	strace $0x8FFFFFFF  }
0x9e: {  	s19 =	sld [smem:$0x3FDB];
	_ =	sdelay $0x1  }
0x9f: {  	s20 =	simm.s32 $_scs_section_size  }
0xa0: {  	s5 =	simm.s32 $_size__tile_overlayer_lowered;
	s6 =	simm.s32 $_tile_overlayer_lowered  }
0xa1: {  	s7 =	simm.s32 $0x1BFF;
	s21 =	sshll.u32 s6, $0x1;
	s4 =	sadd.s32 s20, s19  }
0xa2: {  	s22 =	simm.s32 $0x0;
	s5 =	sshll.u32 s5, $0x1;
	s6 =	sadd.s32 s21, s4  }
0xa3: {  	[timem:s22], [sflag:s7] =	dma.local [hbm:s6], s5  }
0xa4: {  	_ =	swait.ge [sflag:s7], s5  }
0xa5: {  	s5 =	ssub.s32 $0x0, s5;
	[sflag:s7] =	ssyncset.done $0x0  }
0xa6: {  	[sflag:s7] =	ssyncadd.s32 s5;
	_ =	sdelay $0x1  }
0xa7: {  	s23 =	simm.s32 $0x1B8B  }
0xa8: {  	_ =	swait.ge [sflag:s23], $0x1  }
0xa9: {  	[sflag:s23] =	ssyncset.done $0x0  }
0xaa: {  	[sflag:s23] =	ssyncadd.s32 $0xFFFFFFFF  }
0xab: {  	s5 =	sld [smem:$0x0]  }
0xac: {  	s6 =	sand.u32 $0xFFFFFFFE, s1  }
0xad: {  	p0 =	sne.s32 s1, s6  }
0xae: {  	s6 =	sshll.u32 @p0 s6, $0xE  }
0xaf: {  	s6 =	sadd.s32 @p0 $0x11B8D, s6;
	s7 =	sshll.u32 @p0 s5, $0x11  }
0xb0: {  	s6 =	sor.u32 @p0 s7, s6  }
0xb1: {  	[sflag:s6] =	ssyncadd.remote.s32 @p0 $0x1;
	_ =	sdelay $0x1  }
0xb2: {  	s6 =	simm.s32 @p0 $0x1B8D  }
0xb3: {  	_ =	swait.eq @p0 [sflag:s6], $0x1  }
0xb4: {  	[sflag:s6] =	ssyncadd.s32 @p0 $0xFFFFFFFF  }
0xb5: {  	s7 =	sshll.u32 @!p0 s1, $0xE  }
0xb6: {  	s7 =	sor.u32 @!p0 $0x4000, s7;
	s6 =	simm.s32 @!p0 $0x1B8D  }
0xb7: {  	s5 =	sshll.u32 @!p0 s5, $0x11;
	s7 =	sadd.s32 @!p0 $0x11B8D, s7;
	_ =	swait.eq @!p0 [sflag:s6], $0x1  }
0xb8: {  	s5 =	sor.u32 @!p0 s5, s7;
	[sflag:s6] =	ssyncadd.s32 @!p0 $0xFFFFFFFF  }
0xb9: {  	s25 =	simm.s32 $0x1B8E;
	s24 =	sld [smem:$0x3FFE];
	[sflag:s5] =	ssyncadd.remote.s32 @!p0 $0x1  }
0xba: {  	s26 =	simm.s32 $execute0_lowered;
	[smem:$0x3FD2] =	sst s25  }
0xbb: {  	s6 =	sshll.u32 s26, $0x1;
	_ =	strace $0x8000006A;
	[dreg:$0x1] =	wrdreg $0xFFFFFFFF  }
0xbc: {  	s28 =	simm.s32 $_size_execute0_lowered;
	s4 =	sadd.s32 s4, s6;
	[dreg:$0x0] =	wrdreg $0x0  }
0xbd: {  	s6 =	sshll.u32 s28, $0x1;
	[dreg:$0x2] =	wrdreg s4  }
0xbe: {  	[dreg:$0x3] =	wrdreg s6  }
0xbf: {  	[dreg:$0x4] =	wrdreg $0xC0  }
0xc0: {  	_ =	task [dreg:s22], $0x5FFFF  }
0xc1: {  	[dreg:$0x1] =	wrdreg $0xFFFFFFFF  }
0xc2: {  	[dreg:$0x0] =	wrdreg $0x60  }
0xc3: {  	[dreg:$0x2] =	wrdreg s24  }
0xc4: {  	[dreg:$0x3] =	wrdreg s17  }
0xc5: {  	[dreg:$0x4] =	wrdreg $0xB  }
0xc6: {  	_ =	task.clear_ibuf [dreg:s22], $0x5FFFF;
	_ =	strace $0x9000006A  }
0xc7: {  	s29 =	simm.s32 $0xB;
	_ =	strace $0x8000006C  }
0xc8: {  	_ =	swait.ge [sflag:s29], $0x1  }
0xc9: {  	[sflag:s29] =	ssyncadd.s32 $0xFFFFFFFF  }
0xca: {  	_ =	strace $0x9000006C  }
0xcb: {  	_ =	sfence  }
0xcc: {  	s30 =	sld [smem:$0x0];
	_ =	sdelay $0x2  }
0xcd: {  	s31 =	sshll.u32 s1, $0xD;
	s1 =	sshrl.u32 s1, $0x2  }
0xce: {  	s4 =	sand.u32 $0x4000, s31;
	s1 =	sadd.s32 s1, s30  }
0xcf: {  	s0 =	sor.u32 s4, s0;
	s1 =	sshll.u32 s1, $0x11  }
0xd0: {  	s0 =	sor.u32 s1, s0  }
0xd1: {  	s0 =	sadd.s32 $0x8F2B, s0  }
0xd2: {  	[sflag:s0] =	ssyncadd.remote.s32 $0x1  }
0xd3: {  	_ =	sfence.sel $0xFFFF  }
0xd4: {  	[dreg:$0x0] =	wrdreg $0xFFFFFFFF;
	(pc) =	sbr.abs _section_cstart, $3  }
0xd5: {  	[dreg:$0x1] =	wrdreg $0xFFFFFFFF  }
0xd6: {  	_ =	task.clear_ibuf [dreg:s22], $0x2FFFF;
	_ =	strace $0x9FFFFFFF  }
0xd7: {  	(tm) =	ssettm $0x7FFFFFFF  }
tec
execute0_lowered:
.L_overlay_start_1:
0x0: {  	(tag) =	ssettag $0x1  }
0x1: {  	s1 =	srdreg.scid;
	s5 =	rddreg [dreg:$0x0]  }
0x2: {  	s0 =	stileid.u32;
	s2 =	rddreg [dreg:$0x1];
	s6 =	simm.s32 $0x1  }
0x3: {  	s9 =	simm.s32 $0x1;
	s10 =	simm.s32 $0x3;
	s1 =	sshll.u32 s1, $0x6  }
0x4: {  	s13 =	simm.s32 $0x0;
	s3 =	sshll.u32 s0, $0x7;
	s4 =	sand.u32 $0x40, s1  }
0x5: {  	s12 =	simm.s32 $0x0;
	s1 =	rddreg [dreg:$0x2];
	s3 =	sor.u32 s3, s4  }
0x6: {  	_ =	strace $0x8000006B;
	s4 =	sadd.s32 $0x3DC00, s5;
	s8 =	ssub.s32 $0x1000, s3  }
.Ltmp0:
0x7: {  	s5 =	sadd.s32 $0xCE00, s5;
	s7 =	sand.u32 $0x7C0, s8;
	(pc) =	sbr.rel .LBB2_1-.Ltmp0, $4  }
0x8: {  	[sflag:s6] =	ssyncpa.u1 $0x0;
	s11 =	smov.u32 s3;
	p0 =	sne.s32 s7, $0x0  }
0x9: {  	s8 =	sshrl.u32 s8, $0xB;
	s7 =	simm.s32 $0x2;
	s9 =	simm.s32 @!p0 $0x0  }
0xa: {  	[sflag:s7] =	ssyncpa.u1 $0x0;
	p0 =	por $0x0, $0x0;
	s8 =	sadd.s32 s9, s8  }
0xb: {  	vm0 =	vmmov $0xffff;
	[sflag:s10] =	ssyncpa.u1 $0x0;
	s10 =	simm.s32 $0x0;
	s9 =	sadd.s32 $0x1, s8  }
.LBB2_4:
0xc: {  	v2 =	vnsel vm1, $0x0, v2  }
0xd: {  	vm1 =	vgt.s32 v0, $0x0;
	v2 =	vmin.u32 v2, $0x40000  }
0xe: {  	v0 =	vnsel vm1, $0x0, v0  }
0xf: {  	v0 =	vmin.u32 v0, $0x40000  }
0x10: {  	[tilespmem:s15], [sflag:$0x1] =	stream.indirect_vreg.gather [hbm4b:s4+s10], $0x1, v1, vm0, $0x4038;
	[tilespmem:$0x100] =	vst v63  }
0x11: {  	(ifvalue) =	ssetifvalue $0x7FFFFFFF  }
0x12: {  	[tilespmem:s16], [sflag:$0x1] =	stream.indirect_vreg.gather [hbm4b:s4+s10], $0x1, v2, vm0, $0x4038;
	[tilespmem:$0x100] =	vst v63  }
0x13: {  	s29 =	sadd.s32 $0x10, s16;
	(ifvalue) =	ssetifvalue $0x7FFFFFFF  }
0x14: {  	[tilespmem:s29], [sflag:$0x1] =	stream.indirect_vreg.gather [hbm4b:s4+s10], $0x1, v0, vm0, $0x4038;
	[tilespmem:$0x100] =	vst v63  }
0x15: {  	_ =	swait.ge [sflag:s6], $0x40  }
0x16: {  	s30 =	sshrl.u32 s13, $0x3;
	[sflag:s6] =	ssyncset.done $0x0  }
0x17: {  	s31 =	sand.u32 $0x7, s13;
	s15 =	sadd.s32 s2, s30;
	[sflag:s6] =	ssyncadd.s32 $0xFFFFFFC0  }
0x18: {  	[hbm4b:s15+s31] =	stream.linear.scatter [tilespmem:s14], [sflag:$0x3], $0x40, $0x38;
	[tilespmem:$0x100] =	vst v63  }
.LBB2_5:
0x19: {  	s15 =	sadd.s32 $0x800, s11  }
0x1a: {  	p2 =	sgt.s32 s15, $0xFFF  }
0x1b: {  	s15 =	smov.u32 @p2 s3;
	p2 =	sne.s32 s12, s9  }
.Ltmp1:
0x1c: {  	p1 =	slt.u32 s12, $0x2;
	(pc) =	sbr.rel @!p2 .LBB2_6-.Ltmp1, $4  }
0x1d: {  	s14 =	simm.s32 @!p1 $0x3  }
0x1e: {  	s16 =	sadd.s32 $0x1, s12;
	_ =	swait.ge @!p1 [sflag:s14], $0x40  }
0x1f: {  	s13 =	smov.u32 s11;
	p0 =	por !p0, !p0;
	[sflag:s14] =	ssyncset.done @!p1 $0x0  }
0x20: {  	s12 =	smov.u32 s16;
	s11 =	smov.u32 s15;
	[sflag:s14] =	ssyncadd.s32 @!p1 $0xFFFFFFC0  }
.LBB2_1:
0x21: {  	p1 =	sge.u32 s12, s8  }
0x22: {  	s14 =	sxor.u32 @!p1 $0xFFFFFFFF, s12  }
0x23: {  	s31 =	sadd.s32 $0xFFFFFFFF, s12;
	s15 =	sshrl.u32 @!p1 s11, $0x3;
	s14 =	sshll.u32 @!p1 s14, $0x6  }
0x24: {  	s16 =	sand.u32 @!p1 $0x7, s11;
	s15 =	sadd.s32 @!p1 s5, s15;
	s14 =	sand.u32 @!p1 $0x40, s14  }
0x25: {  	[tilespmem:s14], [sflag:$0x2] =	stream.linear.gather @!p1 [hbm4b:s15+s16], $0x40, $0x38;
	[tilespmem:$0x100] =	vst v63  }
0x26: {  	p1 =	sge.u32 s31, s8  }
.Ltmp2:
0x27: {  	_ = 	snop;
	(pc) =	sbr.rel @p1 .LBB2_5-.Ltmp2, $1  }
0x28: {  	_ =	sdelay $0x3  }
0x29: {  	s14 =	simm.s32 $0x1  }
0x2a: {  	_ =	swait.ge [sflag:s7], $0x40;
	s14 =	simm.s32 @!p0 $0x0  }
0x2b: {  	[sflag:s7] =	ssyncset.done $0x0;
	s14 =	sshll.u32 s14, $0x6  }
0x2c: {  	[sflag:s7] =	ssyncadd.s32 $0xFFFFFFC0;
	(ifvalue) =	ssetifvalue $0x7FFFFFFF;
	v0 =	vld.msk [tilespmem:s14+$0x0 ss:$0x1], $0xffff;
	_ =	sdelay $0x4  }
0x2d: {  	s15 =	sadd.s32 $0x10, s14;
	vm1 =	vgt.s32 v0, $0x0  }
0x2e: {  	v2 =	vld.msk [tilespmem:s15+$0x0 ss:$0x1], $0xffff;
	v1 =	vnsel vm1, $0x0, v0  }
0x2f: {  	v1 =	vmin.u32 v1, $0x40000;
	_ =	sdelay $0x1  }
0x30: {  	s16 =	sshll.u32 s12, $0x6;
	s18 =	simm.s32 $0x20  }
0x31: {  	s16 =	sand.u32 $0x40, s16;
	s17 =	sadd.s32 $0x10, s15;
	s15 =	sor.u32 $0x80, s14  }
0x32: {  	s14 =	sor.u32 $0x80, s16;
	s16 =	sadd.s32 $0x10, s15;
	v0 =	vld.msk [tilespmem:s17+$0x0 ss:$0x1], $0xffff;
	vm1 =	vgt.s32 v2, $0x0;
	(ifvalue) =	ssetifvalue $0x7FFFFFFF  }
.LBB2_3:
0x33: {  	[tilespmem:s15], [sflag:$0x1] =	stream.indirect_vreg.gather [hbm4b:s4+s10], $0x1, v1, vm0, $0x4038;
	[tilespmem:$0x100] =	vst v63  }
0x34: {  	s18 =	sadd.s32 $0x10, s18  }
0x35: {  	v2 =	vnsel vm1, $0x0, v2;
	p1 =	slt.u32 s18, $0x30  }
.Ltmp3:
0x36: {  	s15 =	smov.u32 s16;
	v1 =	vmin.u32 v2, $0x40000;
	(pc) =	sbr.rel @p1 .LBB2_3-.Ltmp3, $3  }
0x37: {  	_ =	sdelay $0x1  }
0x38: {  	s17 =	sadd.s32 $0x10, s17  }
0x39: {  	vm1 =	vgt.s32 v0, $0x0;
	s16 =	sadd.s32 $0x10, s16;
	v2 =	vmov v0;
	(ifvalue) =	ssetifvalue $0x7FFFFFFF;
	v0 =	vld.msk [tilespmem:s17+$0x0 ss:$0x1], $0xffff  }
.Ltmp4:
0x3a: {  	_ = 	snop;
	(pc) =	sbr.rel .LBB2_4-.Ltmp4, $1  }
0x3b: {  	_ =	sdelay $0x3  }
.LBB2_6:
0x3c: {  	_ =	sfence.sel $0x180000  }
0x3d: {  	s2 =	simm.s32 $0x2;
	[bflag:$0x0] =	sbarrier.arrive $0xFFFF  }
0x3e: {  	s30 =	simm.s32 $0x3;
	[sflag:s2] =	ssyncpa.u1 $0x1  }
0x3f: {  	s31 =	simm.s32 $0x1;
	[sflag:s30] =	ssyncpa.u1 $0x1  }
0x40: {  	[sflag:s31] =	ssyncpa.u1 $0x1  }
0x41: {  	p0 =	sne.s32 s0, $0x0;
	_ =	strace $0x9000006B  }
0x42: {  	s0 =	sadd.s32 @!p0 $0x100000, s1;
	[bflag:$0x2] =	sbarrier.arrive $0xFFFF  }
0x43: {  	[sflag:s0] =	ssyncadd.tile.s32 @!p0 $0x1;
	_ =	shalt  }
.Lfunc_end2:
_tile_overlayer_lowered:
.L_overlay_start_2:
0x44: {  	(tag) =	ssettag $0x2  }
0x45: {  	s0 =	rddreg [dreg:$0x0];
	s2 =	stileid.u32  }
0x46: {  	s1 =	rddreg [dreg:$0x1];
	p0 =	sne.s32 s2, $0x0  }
0x47: {  	s3 =	rddreg [dreg:$0x2];
	[bflag:$0x3] =	sbarrier.arrive $0xFFFF;
	s2 =	simm.s32 @!p0 $0x1C01  }
0x48: {  	[timem:s3], [sflag:s2] =	dma.local @!p0 [hbm:s0], s1  }
0x49: {  	s0 =	simm.s32 @!p0 $0x1  }
0x4a: {  	_ =	swait.ge @!p0 [sflag:s0], s1  }
0x4b: {  	s1 =	ssub.s32 @!p0 $0x0, s1;
	[sflag:s0] =	ssyncset.done @!p0 $0x0  }
0x4c: {  	[sflag:s0] =	ssyncadd.s32 @!p0 s1  }
0x4d: {  	[bflag:$0x3] =	sbarrier.arrive $0xFFFF  }
0x4e: {  	_ =	shalt  }

// kernel: gather_offload_async_start.16
scs
__scs_entry_jumppad:
0x0: {  	(pc) =	sbr.rel $0x88, $3  }
0x1: {  	(tag) =	ssettag $0x0;
	lr =	simm.s32 $0x1  }
0x2: {  	[smem:$0x3F99] =	sst lr;
	_ =	strace $0xD0000000  }
0x3: {  	_ = 	snop  }
0x4: {  	_ = 	snop  }
0x5: {  	_ = 	snop  }
0x6: {  	_ = 	snop  }
0x7: {  	_ = 	snop  }
__scs_overlays_trampoline_lowered:
0x8: {  	[smem:$0x3FA8] =	sst s0  }
0x9: {  	[smem:$0x3FA9] =	sst s1  }
0xa: {  	[smem:$0x3FAA] =	sst s2  }
0xb: {  	[smem:$0x3FAB] =	sst s3  }
0xc: {  	[smem:$0x3FAC] =	sst s4  }
0xd: {  	[smem:$0x3FAD] =	sst s5  }
0xe: {  	[smem:$0x3FAE] =	sst s6  }
0xf: {  	[smem:$0x3FAF] =	sst s7  }
0x10: {  	[smem:$0x3FB0] =	sst s8  }
0x11: {  	[smem:$0x3FB1] =	sst s9;
	s0 =	simm.s32 @!p0 $0x0  }
0x12: {  	s1 =	sld [smem:$0x3F97];
	s0 =	simm.s32 @p0 $0x1  }
0x13: {  	[smem:$0x3FB2] =	sst s0;
	s0 =	simm.s32 @!p1 $0x0  }
0x14: {  	s2 =	sld [smem:$0x3F96];
	s0 =	simm.s32 @p1 $0x1  }
0x15: {  	[smem:$0x3FB3] =	sst s0;
	s0 =	simm.s32 @!p2 $0x0  }
0x16: {  	s3 =	sld [smem:$0x3FDB];
	s0 =	simm.s32 @p2 $0x1  }
0x17: {  	s4 =	simm.s32 $0x1BF5;
	[smem:$0x3FB5] =	sst s0  }
0x18: {  	s0 =	sld [smem:$0x3F98];
	_ =	swait.ge [sflag:s4], $0x0  }
0x19: {  	s7 =	sld [smem:$0x3F99]  }
0x1a: {  	s8 =	sadd.s32 $0xFFFFE003, lr  }
0x1b: {  	s9 =	sadd.s32 $0xFFFFFEF7, lr;
	s5 =	simm.s32 $0xFFFFFFFF;
	p2 =	slt.u32 s8, $0xFFFFF086  }
0x1c: {  	p1 =	slt.u32 s9, $0xF7A;
	s5 =	simm.s32 @!p2 $0x0  }
0x1d: {  	s5 =	simm.s32 @p1 $0x1;
	p0 =	seq.s32 s7, s2  }
0x1e: {  	s7 =	smul.u32 @!p0 $0xF7A, s2;
	p2 =	seq.s32 @!p0 s5, $0x0  }
0x1f: {  	s9 =	smul.u32 $0xF7A, s1;
	s8 =	simm.s32 @!p0 $0x1BF5;
	p2 =	por !p2, p0  }
0x20: {  	[sflag:s8] =	ssyncset.s32 @!p0 $0xFFFFF086;
	s6 =	sadd.s32 @!p0 s3, s7;
	s7 =	simm.s32 @!p0 $0x108  }
0x21: {  	s3 =	sadd.s32 s3, s9;
	s6 =	sadd.s32 @!p0 $0x88, s6;
	s7 =	simm.s32 @p2 $0x1082  }
0x22: {  	[simem:s7], [sflag:s8] =	dma.local @!p0 [hbm:s6], $0xF7A  }
0x23: {  	s9 =	sor.u32 $0xD0000000, s2;
	s6 =	simm.s32 $0x108;
	_ =	swait.ge @!p0 [sflag:s8], $0x0  }
0x24: {  	s3 =	sadd.s32 $0x88, s3;
	s6 =	simm.s32 @!p1 $0x1082;
	[sflag:s4] =	ssyncset.s32 $0xFFFFF086  }
0x25: {  	[simem:s6], [sflag:s4] =	dma.local [hbm:s3], $0xF7A  }
0x26: {  	[smem:$0x3F99] =	sst s1;
	(tag) =	ssettag s2;
	_ =	strace s9  }
0x27: {  	s1 =	sld [smem:$0x3FA9]  }
0x28: {  	s2 =	sld [smem:$0x3FAA]  }
0x29: {  	s4 =	sld [smem:$0x3FAC]  }
0x2a: {  	p0 =	seq.s32 s5, $0x0;
	s5 =	sld [smem:$0x3FAD]  }
0x2b: {  	s6 =	sld [smem:$0x3FAE]  }
0x2c: {  	s7 =	sld [smem:$0x3FAF]  }
0x2d: {  	s3 =	simm.s32 $0x108;
	s8 =	sld [smem:$0x3FB0]  }
0x2e: {  	s3 =	simm.s32 @!p0 $0x1082;
	s9 =	sld [smem:$0x3FB1]  }
0x2f: {  	lr =	sadd.s32 s0, s3;
	s0 =	sld [smem:$0x3FA8]  }
0x30: {  	s3 =	sld [smem:$0x3FAB]  }
0x31: {  	[smem:$0x3FB4] =	sst s10  }
0x32: {  	s10 =	sld [smem:$0x3FB2];
	_ =	sdelay $0x3  }
0x33: {  	p0 =	seq.s32 s10, $0x1;
	s10 =	sld [smem:$0x3FB4];
	_ =	sdelay $0x3  }
0x34: {  	[smem:$0x3FB4] =	sst s10  }
0x35: {  	s10 =	sld [smem:$0x3FB3];
	_ =	sdelay $0x3  }
0x36: {  	p1 =	seq.s32 s10, $0x1;
	s10 =	sld [smem:$0x3FB4];
	_ =	sdelay $0x3  }
0x37: {  	[smem:$0x3FB4] =	sst s10  }
0x38: {  	s10 =	sld [smem:$0x3FB5]  }
0x39: {  	_ = 	snop;
	(pc) =	sbr.ind lr, $3  }
0x3a: {  	_ = 	snop  }
0x3b: {  	_ = 	snop  }
0x3c: {  	p2 =	seq.s32 s10, $0x1;
	s10 =	sld [smem:$0x3FB4]  }
0x3d: {  	_ =	shalt  }
0x3e: {  	_ =	shalt  }
0x3f: {  	_ =	shalt  }
0x40: {  	_ =	shalt  }
0x41: {  	_ =	shalt  }
0x42: {  	_ =	shalt  }
0x43: {  	_ =	shalt  }
0x44: {  	_ =	shalt  }
0x45: {  	_ =	shalt  }
0x46: {  	_ =	shalt  }
0x47: {  	_ =	shalt  }
0x48: {  	_ =	shalt  }
0x49: {  	_ =	shalt  }
0x4a: {  	_ =	shalt  }
0x4b: {  	_ =	shalt  }
0x4c: {  	_ =	shalt  }
0x4d: {  	_ =	shalt  }
0x4e: {  	_ =	shalt  }
0x4f: {  	_ =	shalt  }
0x50: {  	_ =	shalt  }
0x51: {  	_ =	shalt  }
0x52: {  	_ =	shalt  }
0x53: {  	_ =	shalt  }
0x54: {  	_ =	shalt  }
0x55: {  	_ =	shalt  }
0x56: {  	_ =	shalt  }
0x57: {  	_ =	shalt  }
0x58: {  	_ =	shalt  }
0x59: {  	_ =	shalt  }
0x5a: {  	_ =	shalt  }
0x5b: {  	_ =	shalt  }
0x5c: {  	_ =	shalt  }
0x5d: {  	_ =	shalt  }
0x5e: {  	_ =	shalt  }
0x5f: {  	_ =	shalt  }
0x60: {  	_ =	shalt  }
0x61: {  	_ =	shalt  }
0x62: {  	_ =	shalt  }
0x63: {  	_ =	shalt  }
0x64: {  	_ =	shalt  }
0x65: {  	_ =	shalt  }
0x66: {  	_ =	shalt  }
0x67: {  	_ =	shalt  }
0x68: {  	_ =	shalt  }
0x69: {  	_ =	shalt  }
0x6a: {  	_ =	shalt  }
0x6b: {  	_ =	shalt  }
0x6c: {  	_ =	shalt  }
0x6d: {  	_ =	shalt  }
0x6e: {  	_ =	shalt  }
0x6f: {  	_ =	shalt  }
0x70: {  	_ =	shalt  }
0x71: {  	_ =	shalt  }
0x72: {  	_ =	shalt  }
0x73: {  	_ =	shalt  }
0x74: {  	_ =	shalt  }
0x75: {  	_ =	shalt  }
0x76: {  	_ =	shalt  }
0x77: {  	_ =	shalt  }
0x78: {  	_ =	shalt  }
0x79: {  	_ =	shalt  }
0x7a: {  	_ =	shalt  }
0x7b: {  	_ =	shalt  }
0x7c: {  	_ =	shalt  }
0x7d: {  	_ =	shalt  }
0x7e: {  	_ =	shalt  }
0x7f: {  	_ =	shalt  }
0x80: {  	_ =	shalt  }
0x81: {  	_ =	shalt  }
0x82: {  	_ =	shalt  }
0x83: {  	_ =	shalt  }
0x84: {  	_ =	shalt  }
0x85: {  	_ =	shalt  }
0x86: {  	_ =	shalt  }
0x87: {  	_ =	shalt  }
.Lfunc_end0:
.L_simem_size_0:
called_computation.16_lowered:
.L_overlay_start_0:
0x88: {  	s2 =	sld [smem:$0x3FD9]  }
0x89: {  	s3 =	sld [smem:$0x3FFE];
	_ =	sdelay $0x1  }
0x8a: {  	s1 =	srdreg.scid  }
0x8b: {  	s0 =	sand.u32 $0x1, s1  }
0x8c: {  	s14 =	sshll.u32 s0, $0xA;
	s2 =	sadd.s32 s3, s2  }
0x8d: {  	s2 =	sadd.s32 s2, s14  }
0x8e: {  	[smem:$0x3FC0] =	sst s2  }
0x8f: {  	_ = 	snop  }
0x90: {  	s2 =	sld [smem:$0x3FD0];
	_ =	sdelay $0x2  }
0x91: {  	s15 =	simm.s32 $0xC;
	s4 =	simm.s32 $0x10  }
0x92: {  	[smem:s4], [sflag:s15] =	dma.local [hbm:s2], $0x1  }
0x93: {  	_ =	swait.eq [sflag:s15], $0x1  }
0x94: {  	[sflag:s15] =	ssyncset.done $0x0  }
0x95: {  	[sflag:s15] =	ssyncadd.s32 $0xFFFFFFFF  }
0x96: {  	s16 =	sld [smem:$0x13];
	(tm) =	ssettm $0x1  }
0x97: {  	s17 =	sld [smem:$0x3FFB];
	_ =	sdelay $0x3  }
0x98: {  	_ =	strace s17  }
0x99: {  	s3 =	sld [smem:$0x3FFC];
	_ =	sdelay $0x3  }
0x9a: {  	_ =	strace s3  }
0x9b: {  	s3 =	sld [smem:$0x3FFD];
	_ =	sdelay $0x3  }
0x9c: {  	_ =	strace s3  }
0x9d: {  	_ =	strace $0x8FFFFFFF  }
0x9e: {  	s18 =	sld [smem:$0x3FDB];
	_ =	sdelay $0x1  }
0x9f: {  	s19 =	simm.s32 $_scs_section_size  }
0xa0: {  	s5 =	simm.s32 $_size__tile_overlayer_lowered;
	s6 =	simm.s32 $_tile_overlayer_lowered  }
0xa1: {  	s22 =	simm.s32 $0x1BFF;
	s21 =	sshll.u32 s6, $0x1;
	s3 =	sadd.s32 s19, s18  }
0xa2: {  	s7 =	simm.s32 $0x0;
	s20 =	sshll.u32 s5, $0x1;
	s5 =	sadd.s32 s21, s3  }
0xa3: {  	[timem:s7], [sflag:s22] =	dma.local [hbm:s5], s20  }
0xa4: {  	_ =	swait.ge [sflag:s22], s20  }
0xa5: {  	s4 =	ssub.s32 $0x0, s20;
	[sflag:s22] =	ssyncset.done $0x0  }
0xa6: {  	[sflag:s22] =	ssyncadd.s32 s4;
	_ =	sdelay $0x1  }
0xa7: {  	s23 =	simm.s32 $0x1B8B  }
0xa8: {  	_ =	swait.ge [sflag:s23], $0x1  }
0xa9: {  	[sflag:s23] =	ssyncset.done $0x0  }
0xaa: {  	s25 =	simm.s32 $0x1B8E;
	s24 =	sld [smem:$0x3FFE];
	[sflag:s23] =	ssyncadd.s32 $0xFFFFFFFF  }
0xab: {  	s26 =	simm.s32 $execute0_lowered;
	[smem:$0x3FD2] =	sst s25  }
0xac: {  	s5 =	sshll.u32 s26, $0x1;
	_ =	strace $0x80000061;
	[dreg:$0x1] =	wrdreg $0xFFFFFFFF  }
0xad: {  	s28 =	simm.s32 $_size_execute0_lowered;
	s3 =	sadd.s32 s3, s5;
	[dreg:$0x0] =	wrdreg $0x0  }
0xae: {  	s5 =	sshll.u32 s28, $0x1;
	[dreg:$0x2] =	wrdreg s3  }
0xaf: {  	[dreg:$0x3] =	wrdreg s5  }
0xb0: {  	[dreg:$0x4] =	wrdreg $0xC0  }
0xb1: {  	_ =	task [dreg:s7], $0x5FFFF  }
0xb2: {  	[dreg:$0x1] =	wrdreg $0xFFFFFFFF  }
0xb3: {  	[dreg:$0x0] =	wrdreg $0x60  }
0xb4: {  	[dreg:$0x2] =	wrdreg s24  }
0xb5: {  	[dreg:$0x3] =	wrdreg s16  }
0xb6: {  	[dreg:$0x4] =	wrdreg $0xA  }
0xb7: {  	_ =	task.clear_ibuf [dreg:s7], $0x5FFFF;
	_ =	strace $0x90000061  }
0xb8: {  	s29 =	simm.s32 $0xA;
	_ =	strace $0x80000063  }
0xb9: {  	_ =	swait.ge [sflag:s29], $0x1  }
0xba: {  	[sflag:s29] =	ssyncadd.s32 $0xFFFFFFFF  }
0xbb: {  	_ =	strace $0x90000063  }
0xbc: {  	_ =	sfence  }
0xbd: {  	s30 =	sld [smem:$0x0];
	_ =	sdelay $0x2  }
0xbe: {  	s31 =	sshll.u32 s1, $0xD;
	s1 =	sshrl.u32 s1, $0x2  }
0xbf: {  	s3 =	sand.u32 $0x4000, s31;
	s1 =	sadd.s32 s1, s30  }
0xc0: {  	s0 =	sor.u32 s3, s0;
	s1 =	sshll.u32 s1, $0x11  }
0xc1: {  	s0 =	sor.u32 s1, s0  }
0xc2: {  	s0 =	sadd.s32 $0x8F2B, s0  }
0xc3: {  	[sflag:s0] =	ssyncadd.remote.s32 $0x1  }
0xc4: {  	_ =	sfence.sel $0xFFFF  }
0xc5: {  	[dreg:$0x0] =	wrdreg $0xFFFFFFFF;
	(pc) =	sbr.abs _section_cstart, $3  }
0xc6: {  	[dreg:$0x1] =	wrdreg $0xFFFFFFFF  }
0xc7: {  	_ =	task.clear_ibuf [dreg:s7], $0x2FFFF;
	_ =	strace $0x9FFFFFFF  }
0xc8: {  	(tm) =	ssettm $0x7FFFFFFF  }
0xc9: {  	_ =	shalt  }
tec
execute0_lowered:
.L_overlay_start_1:
0x0: {  	(tag) =	ssettag $0x1  }
0x1: {  	s1 =	srdreg.scid;
	s5 =	rddreg [dreg:$0x0]  }
0x2: {  	s0 =	stileid.u32;
	s2 =	rddreg [dreg:$0x1];
	s6 =	simm.s32 $0x1  }
0x3: {  	s9 =	simm.s32 $0x1;
	s10 =	simm.s32 $0x3;
	s1 =	sshll.u32 s1, $0x6  }
0x4: {  	s13 =	simm.s32 $0x0;
	s3 =	sshll.u32 s0, $0x7;
	s4 =	sand.u32 $0x40, s1  }
0x5: {  	s12 =	simm.s32 $0x0;
	s1 =	rddreg [dreg:$0x2];
	s3 =	sor.u32 s3, s4  }
0x6: {  	_ =	strace $0x80000062;
	s4 =	sadd.s32 $0x2D800, s5;
	s8 =	ssub.s32 $0x1000, s3  }
.Ltmp0:
0x7: {  	s5 =	sadd.s32 $0x4E00, s5;
	s7 =	sand.u32 $0x7C0, s8;
	(pc) =	sbr.rel .LBB2_1-.Ltmp0, $4  }
0x8: {  	[sflag:s6] =	ssyncpa.u1 $0x0;
	s11 =	smov.u32 s3;
	p0 =	sne.s32 s7, $0x0  }
0x9: {  	s8 =	sshrl.u32 s8, $0xB;
	s7 =	simm.s32 $0x2;
	s9 =	simm.s32 @!p0 $0x0  }
0xa: {  	[sflag:s7] =	ssyncpa.u1 $0x0;
	p0 =	por $0x0, $0x0;
	s8 =	sadd.s32 s9, s8  }
0xb: {  	vm0 =	vmmov $0xffff;
	[sflag:s10] =	ssyncpa.u1 $0x0;
	s10 =	simm.s32 $0x0;
	s9 =	sadd.s32 $0x1, s8  }
.LBB2_4:
0xc: {  	v2 =	vnsel vm1, $0x0, v2  }
0xd: {  	vm1 =	vgt.s32 v0, $0x0;
	v2 =	vmin.u32 v2, $0x40000  }
0xe: {  	v0 =	vnsel vm1, $0x0, v0  }
0xf: {  	v0 =	vmin.u32 v0, $0x40000  }
0x10: {  	[tilespmem:s15], [sflag:$0x1] =	stream.indirect_vreg.gather [hbm4b:s4+s10], $0x1, v1, vm0, $0x4038;
	[tilespmem:$0x100] =	vst v63  }
0x11: {  	(ifvalue) =	ssetifvalue $0x7FFFFFFF  }
0x12: {  	[tilespmem:s16], [sflag:$0x1] =	stream.indirect_vreg.gather [hbm4b:s4+s10], $0x1, v2, vm0, $0x4038;
	[tilespmem:$0x100] =	vst v63  }
0x13: {  	s29 =	sadd.s32 $0x10, s16;
	(ifvalue) =	ssetifvalue $0x7FFFFFFF  }
0x14: {  	[tilespmem:s29], [sflag:$0x1] =	stream.indirect_vreg.gather [hbm4b:s4+s10], $0x1, v0, vm0, $0x4038;
	[tilespmem:$0x100] =	vst v63  }
0x15: {  	_ =	swait.ge [sflag:s6], $0x40  }
0x16: {  	s30 =	sshrl.u32 s13, $0x3;
	[sflag:s6] =	ssyncset.done $0x0  }
0x17: {  	s31 =	sand.u32 $0x7, s13;
	s15 =	sadd.s32 s5, s30;
	[sflag:s6] =	ssyncadd.s32 $0xFFFFFFC0  }
0x18: {  	[hbm4b:s15+s31] =	stream.linear.scatter [tilespmem:s14], [sflag:$0x3], $0x40, $0x38;
	[tilespmem:$0x100] =	vst v63  }
.LBB2_5:
0x19: {  	s15 =	sadd.s32 $0x800, s11  }
0x1a: {  	p2 =	sgt.s32 s15, $0xFFF  }
0x1b: {  	s15 =	smov.u32 @p2 s3;
	p2 =	sne.s32 s12, s9  }
.Ltmp1:
0x1c: {  	p1 =	slt.u32 s12, $0x2;
	(pc) =	sbr.rel @!p2 .LBB2_6-.Ltmp1, $4  }
0x1d: {  	s14 =	simm.s32 @!p1 $0x3  }
0x1e: {  	s16 =	sadd.s32 $0x1, s12;
	_ =	swait.ge @!p1 [sflag:s14], $0x40  }
0x1f: {  	s13 =	smov.u32 s11;
	p0 =	por !p0, !p0;
	[sflag:s14] =	ssyncset.done @!p1 $0x0  }
0x20: {  	s12 =	smov.u32 s16;
	s11 =	smov.u32 s15;
	[sflag:s14] =	ssyncadd.s32 @!p1 $0xFFFFFFC0  }
.LBB2_1:
0x21: {  	p1 =	sge.u32 s12, s8  }
0x22: {  	s14 =	sxor.u32 @!p1 $0xFFFFFFFF, s12  }
0x23: {  	s31 =	sadd.s32 $0xFFFFFFFF, s12;
	s15 =	sshrl.u32 @!p1 s11, $0x3;
	s14 =	sshll.u32 @!p1 s14, $0x6  }
0x24: {  	s16 =	sand.u32 @!p1 $0x7, s11;
	s15 =	sadd.s32 @!p1 s2, s15;
	s14 =	sand.u32 @!p1 $0x40, s14  }
0x25: {  	[tilespmem:s14], [sflag:$0x2] =	stream.linear.gather @!p1 [hbm4b:s15+s16], $0x40, $0x38;
	[tilespmem:$0x100] =	vst v63  }
0x26: {  	p1 =	sge.u32 s31, s8  }
.Ltmp2:
0x27: {  	_ = 	snop;
	(pc) =	sbr.rel @p1 .LBB2_5-.Ltmp2, $1  }
0x28: {  	_ =	sdelay $0x3  }
0x29: {  	s14 =	simm.s32 $0x1  }
0x2a: {  	_ =	swait.ge [sflag:s7], $0x40;
	s14 =	simm.s32 @!p0 $0x0  }
0x2b: {  	[sflag:s7] =	ssyncset.done $0x0;
	s14 =	sshll.u32 s14, $0x6  }
0x2c: {  	[sflag:s7] =	ssyncadd.s32 $0xFFFFFFC0;
	(ifvalue) =	ssetifvalue $0x7FFFFFFF;
	v0 =	vld.msk [tilespmem:s14+$0x0 ss:$0x1], $0xffff;
	_ =	sdelay $0x4  }
0x2d: {  	s15 =	sadd.s32 $0x10, s14;
	vm1 =	vgt.s32 v0, $0x0  }
0x2e: {  	v2 =	vld.msk [tilespmem:s15+$0x0 ss:$0x1], $0xffff;
	v1 =	vnsel vm1, $0x0, v0  }
0x2f: {  	v1 =	vmin.u32 v1, $0x40000;
	_ =	sdelay $0x1  }
0x30: {  	s16 =	sshll.u32 s12, $0x6;
	s18 =	simm.s32 $0x20  }
0x31: {  	s16 =	sand.u32 $0x40, s16;
	s17 =	sadd.s32 $0x10, s15;
	s15 =	sor.u32 $0x80, s14  }
0x32: {  	s14 =	sor.u32 $0x80, s16;
	s16 =	sadd.s32 $0x10, s15;
	v0 =	vld.msk [tilespmem:s17+$0x0 ss:$0x1], $0xffff;
	vm1 =	vgt.s32 v2, $0x0;
	(ifvalue) =	ssetifvalue $0x7FFFFFFF  }
.LBB2_3:
0x33: {  	[tilespmem:s15], [sflag:$0x1] =	stream.indirect_vreg.gather [hbm4b:s4+s10], $0x1, v1, vm0, $0x4038;
	[tilespmem:$0x100] =	vst v63  }
0x34: {  	s18 =	sadd.s32 $0x10, s18  }
0x35: {  	v2 =	vnsel vm1, $0x0, v2;
	p1 =	slt.u32 s18, $0x30  }
.Ltmp3:
0x36: {  	s15 =	smov.u32 s16;
	v1 =	vmin.u32 v2, $0x40000;
	(pc) =	sbr.rel @p1 .LBB2_3-.Ltmp3, $3  }
0x37: {  	_ =	sdelay $0x1  }
0x38: {  	s17 =	sadd.s32 $0x10, s17  }
0x39: {  	vm1 =	vgt.s32 v0, $0x0;
	s16 =	sadd.s32 $0x10, s16;
	v2 =	vmov v0;
	(ifvalue) =	ssetifvalue $0x7FFFFFFF;
	v0 =	vld.msk [tilespmem:s17+$0x0 ss:$0x1], $0xffff  }
.Ltmp4:
0x3a: {  	_ = 	snop;
	(pc) =	sbr.rel .LBB2_4-.Ltmp4, $1  }
0x3b: {  	_ =	sdelay $0x3  }
.LBB2_6:
0x3c: {  	_ =	sfence.sel $0x180000  }
0x3d: {  	s2 =	simm.s32 $0x2;
	[bflag:$0x0] =	sbarrier.arrive $0xFFFF  }
0x3e: {  	s30 =	simm.s32 $0x3;
	[sflag:s2] =	ssyncpa.u1 $0x1  }
0x3f: {  	s31 =	simm.s32 $0x1;
	[sflag:s30] =	ssyncpa.u1 $0x1  }
0x40: {  	[sflag:s31] =	ssyncpa.u1 $0x1  }
0x41: {  	p0 =	sne.s32 s0, $0x0;
	_ =	strace $0x90000062  }
0x42: {  	s0 =	sadd.s32 @!p0 $0x100000, s1;
	[bflag:$0x2] =	sbarrier.arrive $0xFFFF  }
0x43: {  	[sflag:s0] =	ssyncadd.tile.s32 @!p0 $0x1;
	_ =	shalt  }
.Lfunc_end2:
_tile_overlayer_lowered:
.L_overlay_start_2:
0x44: {  	(tag) =	ssettag $0x2  }
0x45: {  	s0 =	rddreg [dreg:$0x0];
	s2 =	stileid.u32  }
0x46: {  	s1 =	rddreg [dreg:$0x1];
	p0 =	sne.s32 s2, $0x0  }
0x47: {  	s3 =	rddreg [dreg:$0x2];
	[bflag:$0x3] =	sbarrier.arrive $0xFFFF;
	s2 =	simm.s32 @!p0 $0x1C01  }
0x48: {  	[timem:s3], [sflag:s2] =	dma.local @!p0 [hbm:s0], s1  }
0x49: {  	s0 =	simm.s32 @!p0 $0x1  }
0x4a: {  	_ =	swait.ge @!p0 [sflag:s0], s1  }
0x4b: {  	s1 =	ssub.s32 @!p0 $0x0, s1;
	[sflag:s0] =	ssyncset.done @!p0 $0x0  }
0x4c: {  	[sflag:s0] =	ssyncadd.s32 @!p0 s1  }
0x4d: {  	[bflag:$0x3] =	sbarrier.arrive $0xFFFF  }
0x4e: {  	_ =	shalt  }

// kernel: gather_offload_async_start.17
scs
__scs_entry_jumppad:
0x0: {  	(pc) =	sbr.rel $0x88, $3  }
0x1: {  	(tag) =	ssettag $0x0;
	lr =	simm.s32 $0x1  }
0x2: {  	[smem:$0x3F99] =	sst lr;
	_ =	strace $0xD0000000  }
0x3: {  	_ = 	snop  }
0x4: {  	_ = 	snop  }
0x5: {  	_ = 	snop  }
0x6: {  	_ = 	snop  }
0x7: {  	_ = 	snop  }
__scs_overlays_trampoline_lowered:
0x8: {  	[smem:$0x3FA8] =	sst s0  }
0x9: {  	[smem:$0x3FA9] =	sst s1  }
0xa: {  	[smem:$0x3FAA] =	sst s2  }
0xb: {  	[smem:$0x3FAB] =	sst s3  }
0xc: {  	[smem:$0x3FAC] =	sst s4  }
0xd: {  	[smem:$0x3FAD] =	sst s5  }
0xe: {  	[smem:$0x3FAE] =	sst s6  }
0xf: {  	[smem:$0x3FAF] =	sst s7  }
0x10: {  	[smem:$0x3FB0] =	sst s8  }
0x11: {  	[smem:$0x3FB1] =	sst s9;
	s0 =	simm.s32 @!p0 $0x0  }
0x12: {  	s1 =	sld [smem:$0x3F97];
	s0 =	simm.s32 @p0 $0x1  }
0x13: {  	[smem:$0x3FB2] =	sst s0;
	s0 =	simm.s32 @!p1 $0x0  }
0x14: {  	s2 =	sld [smem:$0x3F96];
	s0 =	simm.s32 @p1 $0x1  }
0x15: {  	[smem:$0x3FB3] =	sst s0;
	s0 =	simm.s32 @!p2 $0x0  }
0x16: {  	s3 =	sld [smem:$0x3FDB];
	s0 =	simm.s32 @p2 $0x1  }
0x17: {  	s4 =	simm.s32 $0x1BF5;
	[smem:$0x3FB5] =	sst s0  }
0x18: {  	s0 =	sld [smem:$0x3F98];
	_ =	swait.ge [sflag:s4], $0x0  }
0x19: {  	s7 =	sld [smem:$0x3F99]  }
0x1a: {  	s8 =	sadd.s32 $0xFFFFE003, lr  }
0x1b: {  	s9 =	sadd.s32 $0xFFFFFEF7, lr;
	s5 =	simm.s32 $0xFFFFFFFF;
	p2 =	slt.u32 s8, $0xFFFFF086  }
0x1c: {  	p1 =	slt.u32 s9, $0xF7A;
	s5 =	simm.s32 @!p2 $0x0  }
0x1d: {  	s5 =	simm.s32 @p1 $0x1;
	p0 =	seq.s32 s7, s2  }
0x1e: {  	s7 =	smul.u32 @!p0 $0xF7A, s2;
	p2 =	seq.s32 @!p0 s5, $0x0  }
0x1f: {  	s9 =	smul.u32 $0xF7A, s1;
	s8 =	simm.s32 @!p0 $0x1BF5;
	p2 =	por !p2, p0  }
0x20: {  	[sflag:s8] =	ssyncset.s32 @!p0 $0xFFFFF086;
	s6 =	sadd.s32 @!p0 s3, s7;
	s7 =	simm.s32 @!p0 $0x108  }
0x21: {  	s3 =	sadd.s32 s3, s9;
	s6 =	sadd.s32 @!p0 $0x88, s6;
	s7 =	simm.s32 @p2 $0x1082  }
0x22: {  	[simem:s7], [sflag:s8] =	dma.local @!p0 [hbm:s6], $0xF7A  }
0x23: {  	s9 =	sor.u32 $0xD0000000, s2;
	s6 =	simm.s32 $0x108;
	_ =	swait.ge @!p0 [sflag:s8], $0x0  }
0x24: {  	s3 =	sadd.s32 $0x88, s3;
	s6 =	simm.s32 @!p1 $0x1082;
	[sflag:s4] =	ssyncset.s32 $0xFFFFF086  }
0x25: {  	[simem:s6], [sflag:s4] =	dma.local [hbm:s3], $0xF7A  }
0x26: {  	[smem:$0x3F99] =	sst s1;
	(tag) =	ssettag s2;
	_ =	strace s9  }
0x27: {  	s1 =	sld [smem:$0x3FA9]  }
0x28: {  	s2 =	sld [smem:$0x3FAA]  }
0x29: {  	s4 =	sld [smem:$0x3FAC]  }
0x2a: {  	p0 =	seq.s32 s5, $0x0;
	s5 =	sld [smem:$0x3FAD]  }
0x2b: {  	s6 =	sld [smem:$0x3FAE]  }
0x2c: {  	s7 =	sld [smem:$0x3FAF]  }
0x2d: {  	s3 =	simm.s32 $0x108;
	s8 =	sld [smem:$0x3FB0]  }
0x2e: {  	s3 =	simm.s32 @!p0 $0x1082;
	s9 =	sld [smem:$0x3FB1]  }
0x2f: {  	lr =	sadd.s32 s0, s3;
	s0 =	sld [smem:$0x3FA8]  }
0x30: {  	s3 =	sld [smem:$0x3FAB]  }
0x31: {  	[smem:$0x3FB4] =	sst s10  }
0x32: {  	s10 =	sld [smem:$0x3FB2];
	_ =	sdelay $0x3  }
0x33: {  	p0 =	seq.s32 s10, $0x1;
	s10 =	sld [smem:$0x3FB4];
	_ =	sdelay $0x3  }
0x34: {  	[smem:$0x3FB4] =	sst s10  }
0x35: {  	s10 =	sld [smem:$0x3FB3];
	_ =	sdelay $0x3  }
0x36: {  	p1 =	seq.s32 s10, $0x1;
	s10 =	sld [smem:$0x3FB4];
	_ =	sdelay $0x3  }
0x37: {  	[smem:$0x3FB4] =	sst s10  }
0x38: {  	s10 =	sld [smem:$0x3FB5]  }
0x39: {  	_ = 	snop;
	(pc) =	sbr.ind lr, $3  }
0x3a: {  	_ = 	snop  }
0x3b: {  	_ = 	snop  }
0x3c: {  	p2 =	seq.s32 s10, $0x1;
	s10 =	sld [smem:$0x3FB4]  }
0x3d: {  	_ =	shalt  }
0x3e: {  	_ =	shalt  }
0x3f: {  	_ =	shalt  }
0x40: {  	_ =	shalt  }
0x41: {  	_ =	shalt  }
0x42: {  	_ =	shalt  }
0x43: {  	_ =	shalt  }
0x44: {  	_ =	shalt  }
0x45: {  	_ =	shalt  }
0x46: {  	_ =	shalt  }
0x47: {  	_ =	shalt  }
0x48: {  	_ =	shalt  }
0x49: {  	_ =	shalt  }
0x4a: {  	_ =	shalt  }
0x4b: {  	_ =	shalt  }
0x4c: {  	_ =	shalt  }
0x4d: {  	_ =	shalt  }
0x4e: {  	_ =	shalt  }
0x4f: {  	_ =	shalt  }
0x50: {  	_ =	shalt  }
0x51: {  	_ =	shalt  }
0x52: {  	_ =	shalt  }
0x53: {  	_ =	shalt  }
0x54: {  	_ =	shalt  }
0x55: {  	_ =	shalt  }
0x56: {  	_ =	shalt  }
0x57: {  	_ =	shalt  }
0x58: {  	_ =	shalt  }
0x59: {  	_ =	shalt  }
0x5a: {  	_ =	shalt  }
0x5b: {  	_ =	shalt  }
0x5c: {  	_ =	shalt  }
0x5d: {  	_ =	shalt  }
0x5e: {  	_ =	shalt  }
0x5f: {  	_ =	shalt  }
0x60: {  	_ =	shalt  }
0x61: {  	_ =	shalt  }
0x62: {  	_ =	shalt  }
0x63: {  	_ =	shalt  }
0x64: {  	_ =	shalt  }
0x65: {  	_ =	shalt  }
0x66: {  	_ =	shalt  }
0x67: {  	_ =	shalt  }
0x68: {  	_ =	shalt  }
0x69: {  	_ =	shalt  }
0x6a: {  	_ =	shalt  }
0x6b: {  	_ =	shalt  }
0x6c: {  	_ =	shalt  }
0x6d: {  	_ =	shalt  }
0x6e: {  	_ =	shalt  }
0x6f: {  	_ =	shalt  }
0x70: {  	_ =	shalt  }
0x71: {  	_ =	shalt  }
0x72: {  	_ =	shalt  }
0x73: {  	_ =	shalt  }
0x74: {  	_ =	shalt  }
0x75: {  	_ =	shalt  }
0x76: {  	_ =	shalt  }
0x77: {  	_ =	shalt  }
0x78: {  	_ =	shalt  }
0x79: {  	_ =	shalt  }
0x7a: {  	_ =	shalt  }
0x7b: {  	_ =	shalt  }
0x7c: {  	_ =	shalt  }
0x7d: {  	_ =	shalt  }
0x7e: {  	_ =	shalt  }
0x7f: {  	_ =	shalt  }
0x80: {  	_ =	shalt  }
0x81: {  	_ =	shalt  }
0x82: {  	_ =	shalt  }
0x83: {  	_ =	shalt  }
0x84: {  	_ =	shalt  }
0x85: {  	_ =	shalt  }
0x86: {  	_ =	shalt  }
0x87: {  	_ =	shalt  }
.Lfunc_end0:
.L_simem_size_0:
called_computation.17_lowered:
.L_overlay_start_0:
0x88: {  	s2 =	sld [smem:$0x3FD9]  }
0x89: {  	s3 =	sld [smem:$0x3FFE];
	_ =	sdelay $0x1  }
0x8a: {  	s1 =	srdreg.scid  }
0x8b: {  	s0 =	sand.u32 $0x1, s1  }
0x8c: {  	s15 =	sshll.u32 s0, $0xA;
	s2 =	sadd.s32 s3, s2  }
0x8d: {  	s2 =	sadd.s32 s2, s15  }
0x8e: {  	[smem:$0x3FC0] =	sst s2  }
0x8f: {  	_ = 	snop  }
0x90: {  	s2 =	sld [smem:$0x3FD0];
	_ =	sdelay $0x2  }
0x91: {  	s16 =	simm.s32 $0xC;
	s4 =	simm.s32 $0x10  }
0x92: {  	[smem:s4], [sflag:s16] =	dma.local [hbm:s2], $0x1  }
0x93: {  	_ =	swait.eq [sflag:s16], $0x1  }
0x94: {  	[sflag:s16] =	ssyncset.done $0x0  }
0x95: {  	[sflag:s16] =	ssyncadd.s32 $0xFFFFFFFF  }
0x96: {  	s17 =	sld [smem:$0x12];
	(tm) =	ssettm $0x1  }
0x97: {  	s18 =	sld [smem:$0x3FFB];
	_ =	sdelay $0x3  }
0x98: {  	_ =	strace s18  }
0x99: {  	s2 =	sld [smem:$0x3FFC];
	_ =	sdelay $0x3  }
0x9a: {  	_ =	strace s2  }
0x9b: {  	s2 =	sld [smem:$0x3FFD];
	_ =	sdelay $0x3  }
0x9c: {  	_ =	strace s2  }
0x9d: {  	_ =	strace $0x8FFFFFFF  }
0x9e: {  	s19 =	sld [smem:$0x3FDB];
	_ =	sdelay $0x1  }
0x9f: {  	s20 =	simm.s32 $_scs_section_size  }
0xa0: {  	s5 =	simm.s32 $_size__tile_overlayer_lowered;
	s6 =	simm.s32 $_tile_overlayer_lowered  }
0xa1: {  	s7 =	simm.s32 $0x1BFF;
	s21 =	sshll.u32 s6, $0x1;
	s4 =	sadd.s32 s20, s19  }
0xa2: {  	s22 =	simm.s32 $0x0;
	s5 =	sshll.u32 s5, $0x1;
	s6 =	sadd.s32 s21, s4  }
0xa3: {  	[timem:s22], [sflag:s7] =	dma.local [hbm:s6], s5  }
0xa4: {  	_ =	swait.ge [sflag:s7], s5  }
0xa5: {  	s5 =	ssub.s32 $0x0, s5;
	[sflag:s7] =	ssyncset.done $0x0  }
0xa6: {  	[sflag:s7] =	ssyncadd.s32 s5;
	_ =	sdelay $0x1  }
0xa7: {  	s23 =	simm.s32 $0x1B8B  }
0xa8: {  	_ =	swait.ge [sflag:s23], $0x1  }
0xa9: {  	[sflag:s23] =	ssyncset.done $0x0  }
0xaa: {  	[sflag:s23] =	ssyncadd.s32 $0xFFFFFFFF  }
0xab: {  	s5 =	sld [smem:$0x0]  }
0xac: {  	s6 =	sand.u32 $0xFFFFFFFE, s1  }
0xad: {  	p0 =	sne.s32 s1, s6  }
0xae: {  	s6 =	sshll.u32 @p0 s6, $0xE  }
0xaf: {  	s6 =	sadd.s32 @p0 $0x11B8D, s6;
	s7 =	sshll.u32 @p0 s5, $0x11  }
0xb0: {  	s6 =	sor.u32 @p0 s7, s6  }
0xb1: {  	[sflag:s6] =	ssyncadd.remote.s32 @p0 $0x1;
	_ =	sdelay $0x1  }
0xb2: {  	s6 =	simm.s32 @p0 $0x1B8D  }
0xb3: {  	_ =	swait.eq @p0 [sflag:s6], $0x1  }
0xb4: {  	[sflag:s6] =	ssyncadd.s32 @p0 $0xFFFFFFFF  }
0xb5: {  	s7 =	sshll.u32 @!p0 s1, $0xE  }
0xb6: {  	s7 =	sor.u32 @!p0 $0x4000, s7;
	s6 =	simm.s32 @!p0 $0x1B8D  }
0xb7: {  	s5 =	sshll.u32 @!p0 s5, $0x11;
	s7 =	sadd.s32 @!p0 $0x11B8D, s7;
	_ =	swait.eq @!p0 [sflag:s6], $0x1  }
0xb8: {  	s5 =	sor.u32 @!p0 s5, s7;
	[sflag:s6] =	ssyncadd.s32 @!p0 $0xFFFFFFFF  }
0xb9: {  	s25 =	simm.s32 $0x1B8E;
	s24 =	sld [smem:$0x3FFE];
	[sflag:s5] =	ssyncadd.remote.s32 @!p0 $0x1  }
0xba: {  	s26 =	simm.s32 $execute0_lowered;
	[smem:$0x3FD2] =	sst s25  }
0xbb: {  	s6 =	sshll.u32 s26, $0x1;
	_ =	strace $0x80000064;
	[dreg:$0x1] =	wrdreg $0xFFFFFFFF  }
0xbc: {  	s28 =	simm.s32 $_size_execute0_lowered;
	s4 =	sadd.s32 s4, s6;
	[dreg:$0x0] =	wrdreg $0x0  }
0xbd: {  	s6 =	sshll.u32 s28, $0x1;
	[dreg:$0x2] =	wrdreg s4  }
0xbe: {  	[dreg:$0x3] =	wrdreg s6  }
0xbf: {  	[dreg:$0x4] =	wrdreg $0xC0  }
0xc0: {  	_ =	task [dreg:s22], $0x5FFFF  }
0xc1: {  	[dreg:$0x1] =	wrdreg $0xFFFFFFFF  }
0xc2: {  	[dreg:$0x0] =	wrdreg $0x60  }
0xc3: {  	[dreg:$0x2] =	wrdreg s24  }
0xc4: {  	[dreg:$0x3] =	wrdreg s17  }
0xc5: {  	[dreg:$0x4] =	wrdreg $0xB  }
0xc6: {  	_ =	task.clear_ibuf [dreg:s22], $0x5FFFF;
	_ =	strace $0x90000064  }
0xc7: {  	s29 =	simm.s32 $0xB;
	_ =	strace $0x80000066  }
0xc8: {  	_ =	swait.ge [sflag:s29], $0x1  }
0xc9: {  	[sflag:s29] =	ssyncadd.s32 $0xFFFFFFFF  }
0xca: {  	_ =	strace $0x90000066  }
0xcb: {  	_ =	sfence  }
0xcc: {  	s30 =	sld [smem:$0x0];
	_ =	sdelay $0x2  }
0xcd: {  	s31 =	sshll.u32 s1, $0xD;
	s1 =	sshrl.u32 s1, $0x2  }
0xce: {  	s4 =	sand.u32 $0x4000, s31;
	s1 =	sadd.s32 s1, s30  }
0xcf: {  	s0 =	sor.u32 s4, s0;
	s1 =	sshll.u32 s1, $0x11  }
0xd0: {  	s0 =	sor.u32 s1, s0  }
0xd1: {  	s0 =	sadd.s32 $0x8F2B, s0  }
0xd2: {  	[sflag:s0] =	ssyncadd.remote.s32 $0x1  }
0xd3: {  	_ =	sfence.sel $0xFFFF  }
0xd4: {  	[dreg:$0x0] =	wrdreg $0xFFFFFFFF;
	(pc) =	sbr.abs _section_cstart, $3  }
0xd5: {  	[dreg:$0x1] =	wrdreg $0xFFFFFFFF  }
0xd6: {  	_ =	task.clear_ibuf [dreg:s22], $0x2FFFF;
	_ =	strace $0x9FFFFFFF  }
0xd7: {  	(tm) =	ssettm $0x7FFFFFFF  }
tec
execute0_lowered:
.L_overlay_start_1:
0x0: {  	(tag) =	ssettag $0x1  }
0x1: {  	s1 =	srdreg.scid;
	s5 =	rddreg [dreg:$0x0]  }
0x2: {  	s0 =	stileid.u32;
	s2 =	rddreg [dreg:$0x1];
	s6 =	simm.s32 $0x1  }
0x3: {  	s9 =	simm.s32 $0x1;
	s10 =	simm.s32 $0x3;
	s1 =	sshll.u32 s1, $0x6  }
0x4: {  	s13 =	simm.s32 $0x0;
	s3 =	sshll.u32 s0, $0x7;
	s4 =	sand.u32 $0x40, s1  }
0x5: {  	s12 =	simm.s32 $0x0;
	s1 =	rddreg [dreg:$0x2];
	s3 =	sor.u32 s3, s4  }
0x6: {  	_ =	strace $0x80000065;
	s4 =	sadd.s32 $0x2D800, s5;
	s8 =	ssub.s32 $0x1000, s3  }
.Ltmp0:
0x7: {  	s5 =	sadd.s32 $0xCE00, s5;
	s7 =	sand.u32 $0x7C0, s8;
	(pc) =	sbr.rel .LBB2_1-.Ltmp0, $4  }
0x8: {  	[sflag:s6] =	ssyncpa.u1 $0x0;
	s11 =	smov.u32 s3;
	p0 =	sne.s32 s7, $0x0  }
0x9: {  	s8 =	sshrl.u32 s8, $0xB;
	s7 =	simm.s32 $0x2;
	s9 =	simm.s32 @!p0 $0x0  }
0xa: {  	[sflag:s7] =	ssyncpa.u1 $0x0;
	p0 =	por $0x0, $0x0;
	s8 =	sadd.s32 s9, s8  }
0xb: {  	vm0 =	vmmov $0xffff;
	[sflag:s10] =	ssyncpa.u1 $0x0;
	s10 =	simm.s32 $0x0;
	s9 =	sadd.s32 $0x1, s8  }
.LBB2_4:
0xc: {  	v2 =	vnsel vm1, $0x0, v2  }
0xd: {  	vm1 =	vgt.s32 v0, $0x0;
	v2 =	vmin.u32 v2, $0x40000  }
0xe: {  	v0 =	vnsel vm1, $0x0, v0  }
0xf: {  	v0 =	vmin.u32 v0, $0x40000  }
0x10: {  	[tilespmem:s15], [sflag:$0x1] =	stream.indirect_vreg.gather [hbm4b:s4+s10], $0x1, v1, vm0, $0x4038;
	[tilespmem:$0x100] =	vst v63  }
0x11: {  	(ifvalue) =	ssetifvalue $0x7FFFFFFF  }
0x12: {  	[tilespmem:s16], [sflag:$0x1] =	stream.indirect_vreg.gather [hbm4b:s4+s10], $0x1, v2, vm0, $0x4038;
	[tilespmem:$0x100] =	vst v63  }
0x13: {  	s29 =	sadd.s32 $0x10, s16;
	(ifvalue) =	ssetifvalue $0x7FFFFFFF  }
0x14: {  	[tilespmem:s29], [sflag:$0x1] =	stream.indirect_vreg.gather [hbm4b:s4+s10], $0x1, v0, vm0, $0x4038;
	[tilespmem:$0x100] =	vst v63  }
0x15: {  	_ =	swait.ge [sflag:s6], $0x40  }
0x16: {  	s30 =	sshrl.u32 s13, $0x3;
	[sflag:s6] =	ssyncset.done $0x0  }
0x17: {  	s31 =	sand.u32 $0x7, s13;
	s15 =	sadd.s32 s2, s30;
	[sflag:s6] =	ssyncadd.s32 $0xFFFFFFC0  }
0x18: {  	[hbm4b:s15+s31] =	stream.linear.scatter [tilespmem:s14], [sflag:$0x3], $0x40, $0x38;
	[tilespmem:$0x100] =	vst v63  }
.LBB2_5:
0x19: {  	s15 =	sadd.s32 $0x800, s11  }
0x1a: {  	p2 =	sgt.s32 s15, $0xFFF  }
0x1b: {  	s15 =	smov.u32 @p2 s3;
	p2 =	sne.s32 s12, s9  }
.Ltmp1:
0x1c: {  	p1 =	slt.u32 s12, $0x2;
	(pc) =	sbr.rel @!p2 .LBB2_6-.Ltmp1, $4  }
0x1d: {  	s14 =	simm.s32 @!p1 $0x3  }
0x1e: {  	s16 =	sadd.s32 $0x1, s12;
	_ =	swait.ge @!p1 [sflag:s14], $0x40  }
0x1f: {  	s13 =	smov.u32 s11;
	p0 =	por !p0, !p0;
	[sflag:s14] =	ssyncset.done @!p1 $0x0  }
0x20: {  	s12 =	smov.u32 s16;
	s11 =	smov.u32 s15;
	[sflag:s14] =	ssyncadd.s32 @!p1 $0xFFFFFFC0  }
.LBB2_1:
0x21: {  	p1 =	sge.u32 s12, s8  }
0x22: {  	s14 =	sxor.u32 @!p1 $0xFFFFFFFF, s12  }
0x23: {  	s31 =	sadd.s32 $0xFFFFFFFF, s12;
	s15 =	sshrl.u32 @!p1 s11, $0x3;
	s14 =	sshll.u32 @!p1 s14, $0x6  }
0x24: {  	s16 =	sand.u32 @!p1 $0x7, s11;
	s15 =	sadd.s32 @!p1 s5, s15;
	s14 =	sand.u32 @!p1 $0x40, s14  }
0x25: {  	[tilespmem:s14], [sflag:$0x2] =	stream.linear.gather @!p1 [hbm4b:s15+s16], $0x40, $0x38;
	[tilespmem:$0x100] =	vst v63  }
0x26: {  	p1 =	sge.u32 s31, s8  }
.Ltmp2:
0x27: {  	_ = 	snop;
	(pc) =	sbr.rel @p1 .LBB2_5-.Ltmp2, $1  }
0x28: {  	_ =	sdelay $0x3  }
0x29: {  	s14 =	simm.s32 $0x1  }
0x2a: {  	_ =	swait.ge [sflag:s7], $0x40;
	s14 =	simm.s32 @!p0 $0x0  }
0x2b: {  	[sflag:s7] =	ssyncset.done $0x0;
	s14 =	sshll.u32 s14, $0x6  }
0x2c: {  	[sflag:s7] =	ssyncadd.s32 $0xFFFFFFC0;
	(ifvalue) =	ssetifvalue $0x7FFFFFFF;
	v0 =	vld.msk [tilespmem:s14+$0x0 ss:$0x1], $0xffff;
	_ =	sdelay $0x4  }
0x2d: {  	s15 =	sadd.s32 $0x10, s14;
	vm1 =	vgt.s32 v0, $0x0  }
0x2e: {  	v2 =	vld.msk [tilespmem:s15+$0x0 ss:$0x1], $0xffff;
	v1 =	vnsel vm1, $0x0, v0  }
0x2f: {  	v1 =	vmin.u32 v1, $0x40000;
	_ =	sdelay $0x1  }
0x30: {  	s16 =	sshll.u32 s12, $0x6;
	s18 =	simm.s32 $0x20  }
0x31: {  	s16 =	sand.u32 $0x40, s16;
	s17 =	sadd.s32 $0x10, s15;
	s15 =	sor.u32 $0x80, s14  }
0x32: {  	s14 =	sor.u32 $0x80, s16;
	s16 =	sadd.s32 $0x10, s15;
	v0 =	vld.msk [tilespmem:s17+$0x0 ss:$0x1], $0xffff;
	vm1 =	vgt.s32 v2, $0x0;
	(ifvalue) =	ssetifvalue $0x7FFFFFFF  }
.LBB2_3:
0x33: {  	[tilespmem:s15], [sflag:$0x1] =	stream.indirect_vreg.gather [hbm4b:s4+s10], $0x1, v1, vm0, $0x4038;
	[tilespmem:$0x100] =	vst v63  }
0x34: {  	s18 =	sadd.s32 $0x10, s18  }
0x35: {  	v2 =	vnsel vm1, $0x0, v2;
	p1 =	slt.u32 s18, $0x30  }
.Ltmp3:
0x36: {  	s15 =	smov.u32 s16;
	v1 =	vmin.u32 v2, $0x40000;
	(pc) =	sbr.rel @p1 .LBB2_3-.Ltmp3, $3  }
0x37: {  	_ =	sdelay $0x1  }
0x38: {  	s17 =	sadd.s32 $0x10, s17  }
0x39: {  	vm1 =	vgt.s32 v0, $0x0;
	s16 =	sadd.s32 $0x10, s16;
	v2 =	vmov v0;
	(ifvalue) =	ssetifvalue $0x7FFFFFFF;
	v0 =	vld.msk [tilespmem:s17+$0x0 ss:$0x1], $0xffff  }
.Ltmp4:
0x3a: {  	_ = 	snop;
	(pc) =	sbr.rel .LBB2_4-.Ltmp4, $1  }
0x3b: {  	_ =	sdelay $0x3  }
.LBB2_6:
0x3c: {  	_ =	sfence.sel $0x180000  }
0x3d: {  	s2 =	simm.s32 $0x2;
	[bflag:$0x0] =	sbarrier.arrive $0xFFFF  }
0x3e: {  	s30 =	simm.s32 $0x3;
	[sflag:s2] =	ssyncpa.u1 $0x1  }
0x3f: {  	s31 =	simm.s32 $0x1;
	[sflag:s30] =	ssyncpa.u1 $0x1  }
0x40: {  	[sflag:s31] =	ssyncpa.u1 $0x1  }
0x41: {  	p0 =	sne.s32 s0, $0x0;
	_ =	strace $0x90000065  }
0x42: {  	s0 =	sadd.s32 @!p0 $0x100000, s1;
	[bflag:$0x2] =	sbarrier.arrive $0xFFFF  }
0x43: {  	[sflag:s0] =	ssyncadd.tile.s32 @!p0 $0x1;
	_ =	shalt  }
.Lfunc_end2:
_tile_overlayer_lowered:
.L_overlay_start_2:
0x44: {  	(tag) =	ssettag $0x2  }
0x45: {  	s0 =	rddreg [dreg:$0x0];
	s2 =	stileid.u32  }
0x46: {  	s1 =	rddreg [dreg:$0x1];
	p0 =	sne.s32 s2, $0x0  }
0x47: {  	s3 =	rddreg [dreg:$0x2];
	[bflag:$0x3] =	sbarrier.arrive $0xFFFF;
	s2 =	simm.s32 @!p0 $0x1C01  }
0x48: {  	[timem:s3], [sflag:s2] =	dma.local @!p0 [hbm:s0], s1  }
0x49: {  	s0 =	simm.s32 @!p0 $0x1  }
0x4a: {  	_ =	swait.ge @!p0 [sflag:s0], s1  }
0x4b: {  	s1 =	ssub.s32 @!p0 $0x0, s1;
	[sflag:s0] =	ssyncset.done @!p0 $0x0  }
0x4c: {  	[sflag:s0] =	ssyncadd.s32 @!p0 s1  }
0x4d: {  	[bflag:$0x3] =	sbarrier.arrive $0xFFFF  }
0x4e: {  	_ =	shalt  }

// kernel: gather_offload_async_start.1
scs
__scs_entry_jumppad:
0x0: {  	(pc) =	sbr.rel $0x88, $3  }
0x1: {  	(tag) =	ssettag $0x0;
	lr =	simm.s32 $0x1  }
0x2: {  	[smem:$0x3F99] =	sst lr;
	_ =	strace $0xD0000000  }
0x3: {  	_ = 	snop  }
0x4: {  	_ = 	snop  }
0x5: {  	_ = 	snop  }
0x6: {  	_ = 	snop  }
0x7: {  	_ = 	snop  }
__scs_overlays_trampoline_lowered:
0x8: {  	[smem:$0x3FA8] =	sst s0  }
0x9: {  	[smem:$0x3FA9] =	sst s1  }
0xa: {  	[smem:$0x3FAA] =	sst s2  }
0xb: {  	[smem:$0x3FAB] =	sst s3  }
0xc: {  	[smem:$0x3FAC] =	sst s4  }
0xd: {  	[smem:$0x3FAD] =	sst s5  }
0xe: {  	[smem:$0x3FAE] =	sst s6  }
0xf: {  	[smem:$0x3FAF] =	sst s7  }
0x10: {  	[smem:$0x3FB0] =	sst s8  }
0x11: {  	[smem:$0x3FB1] =	sst s9;
	s0 =	simm.s32 @!p0 $0x0  }
0x12: {  	s1 =	sld [smem:$0x3F97];
	s0 =	simm.s32 @p0 $0x1  }
0x13: {  	[smem:$0x3FB2] =	sst s0;
	s0 =	simm.s32 @!p1 $0x0  }
0x14: {  	s2 =	sld [smem:$0x3F96];
	s0 =	simm.s32 @p1 $0x1  }
0x15: {  	[smem:$0x3FB3] =	sst s0;
	s0 =	simm.s32 @!p2 $0x0  }
0x16: {  	s3 =	sld [smem:$0x3FDB];
	s0 =	simm.s32 @p2 $0x1  }
0x17: {  	s4 =	simm.s32 $0x1BF5;
	[smem:$0x3FB5] =	sst s0  }
0x18: {  	s0 =	sld [smem:$0x3F98];
	_ =	swait.ge [sflag:s4], $0x0  }
0x19: {  	s7 =	sld [smem:$0x3F99]  }
0x1a: {  	s8 =	sadd.s32 $0xFFFFE003, lr  }
0x1b: {  	s9 =	sadd.s32 $0xFFFFFEF7, lr;
	s5 =	simm.s32 $0xFFFFFFFF;
	p2 =	slt.u32 s8, $0xFFFFF086  }
0x1c: {  	p1 =	slt.u32 s9, $0xF7A;
	s5 =	simm.s32 @!p2 $0x0  }
0x1d: {  	s5 =	simm.s32 @p1 $0x1;
	p0 =	seq.s32 s7, s2  }
0x1e: {  	s7 =	smul.u32 @!p0 $0xF7A, s2;
	p2 =	seq.s32 @!p0 s5, $0x0  }
0x1f: {  	s9 =	smul.u32 $0xF7A, s1;
	s8 =	simm.s32 @!p0 $0x1BF5;
	p2 =	por !p2, p0  }
0x20: {  	[sflag:s8] =	ssyncset.s32 @!p0 $0xFFFFF086;
	s6 =	sadd.s32 @!p0 s3, s7;
	s7 =	simm.s32 @!p0 $0x108  }
0x21: {  	s3 =	sadd.s32 s3, s9;
	s6 =	sadd.s32 @!p0 $0x88, s6;
	s7 =	simm.s32 @p2 $0x1082  }
0x22: {  	[simem:s7], [sflag:s8] =	dma.local @!p0 [hbm:s6], $0xF7A  }
0x23: {  	s9 =	sor.u32 $0xD0000000, s2;
	s6 =	simm.s32 $0x108;
	_ =	swait.ge @!p0 [sflag:s8], $0x0  }
0x24: {  	s3 =	sadd.s32 $0x88, s3;
	s6 =	simm.s32 @!p1 $0x1082;
	[sflag:s4] =	ssyncset.s32 $0xFFFFF086  }
0x25: {  	[simem:s6], [sflag:s4] =	dma.local [hbm:s3], $0xF7A  }
0x26: {  	[smem:$0x3F99] =	sst s1;
	(tag) =	ssettag s2;
	_ =	strace s9  }
0x27: {  	s1 =	sld [smem:$0x3FA9]  }
0x28: {  	s2 =	sld [smem:$0x3FAA]  }
0x29: {  	s4 =	sld [smem:$0x3FAC]  }
0x2a: {  	p0 =	seq.s32 s5, $0x0;
	s5 =	sld [smem:$0x3FAD]  }
0x2b: {  	s6 =	sld [smem:$0x3FAE]  }
0x2c: {  	s7 =	sld [smem:$0x3FAF]  }
0x2d: {  	s3 =	simm.s32 $0x108;
	s8 =	sld [smem:$0x3FB0]  }
0x2e: {  	s3 =	simm.s32 @!p0 $0x1082;
	s9 =	sld [smem:$0x3FB1]  }
0x2f: {  	lr =	sadd.s32 s0, s3;
	s0 =	sld [smem:$0x3FA8]  }
0x30: {  	s3 =	sld [smem:$0x3FAB]  }
0x31: {  	[smem:$0x3FB4] =	sst s10  }
0x32: {  	s10 =	sld [smem:$0x3FB2];
	_ =	sdelay $0x3  }
0x33: {  	p0 =	seq.s32 s10, $0x1;
	s10 =	sld [smem:$0x3FB4];
	_ =	sdelay $0x3  }
0x34: {  	[smem:$0x3FB4] =	sst s10  }
0x35: {  	s10 =	sld [smem:$0x3FB3];
	_ =	sdelay $0x3  }
0x36: {  	p1 =	seq.s32 s10, $0x1;
	s10 =	sld [smem:$0x3FB4];
	_ =	sdelay $0x3  }
0x37: {  	[smem:$0x3FB4] =	sst s10  }
0x38: {  	s10 =	sld [smem:$0x3FB5]  }
0x39: {  	_ = 	snop;
	(pc) =	sbr.ind lr, $3  }
0x3a: {  	_ = 	snop  }
0x3b: {  	_ = 	snop  }
0x3c: {  	p2 =	seq.s32 s10, $0x1;
	s10 =	sld [smem:$0x3FB4]  }
0x3d: {  	_ =	shalt  }
0x3e: {  	_ =	shalt  }
0x3f: {  	_ =	shalt  }
0x40: {  	_ =	shalt  }
0x41: {  	_ =	shalt  }
0x42: {  	_ =	shalt  }
0x43: {  	_ =	shalt  }
0x44: {  	_ =	shalt  }
0x45: {  	_ =	shalt  }
0x46: {  	_ =	shalt  }
0x47: {  	_ =	shalt  }
0x48: {  	_ =	shalt  }
0x49: {  	_ =	shalt  }
0x4a: {  	_ =	shalt  }
0x4b: {  	_ =	shalt  }
0x4c: {  	_ =	shalt  }
0x4d: {  	_ =	shalt  }
0x4e: {  	_ =	shalt  }
0x4f: {  	_ =	shalt  }
0x50: {  	_ =	shalt  }
0x51: {  	_ =	shalt  }
0x52: {  	_ =	shalt  }
0x53: {  	_ =	shalt  }
0x54: {  	_ =	shalt  }
0x55: {  	_ =	shalt  }
0x56: {  	_ =	shalt  }
0x57: {  	_ =	shalt  }
0x58: {  	_ =	shalt  }
0x59: {  	_ =	shalt  }
0x5a: {  	_ =	shalt  }
0x5b: {  	_ =	shalt  }
0x5c: {  	_ =	shalt  }
0x5d: {  	_ =	shalt  }
0x5e: {  	_ =	shalt  }
0x5f: {  	_ =	shalt  }
0x60: {  	_ =	shalt  }
0x61: {  	_ =	shalt  }
0x62: {  	_ =	shalt  }
0x63: {  	_ =	shalt  }
0x64: {  	_ =	shalt  }
0x65: {  	_ =	shalt  }
0x66: {  	_ =	shalt  }
0x67: {  	_ =	shalt  }
0x68: {  	_ =	shalt  }
0x69: {  	_ =	shalt  }
0x6a: {  	_ =	shalt  }
0x6b: {  	_ =	shalt  }
0x6c: {  	_ =	shalt  }
0x6d: {  	_ =	shalt  }
0x6e: {  	_ =	shalt  }
0x6f: {  	_ =	shalt  }
0x70: {  	_ =	shalt  }
0x71: {  	_ =	shalt  }
0x72: {  	_ =	shalt  }
0x73: {  	_ =	shalt  }
0x74: {  	_ =	shalt  }
0x75: {  	_ =	shalt  }
0x76: {  	_ =	shalt  }
0x77: {  	_ =	shalt  }
0x78: {  	_ =	shalt  }
0x79: {  	_ =	shalt  }
0x7a: {  	_ =	shalt  }
0x7b: {  	_ =	shalt  }
0x7c: {  	_ =	shalt  }
0x7d: {  	_ =	shalt  }
0x7e: {  	_ =	shalt  }
0x7f: {  	_ =	shalt  }
0x80: {  	_ =	shalt  }
0x81: {  	_ =	shalt  }
0x82: {  	_ =	shalt  }
0x83: {  	_ =	shalt  }
0x84: {  	_ =	shalt  }
0x85: {  	_ =	shalt  }
0x86: {  	_ =	shalt  }
0x87: {  	_ =	shalt  }
.Lfunc_end0:
.L_simem_size_0:
called_computation.1_lowered:
.L_overlay_start_0:
0x88: {  	s2 =	sld [smem:$0x3FD9]  }
0x89: {  	s3 =	sld [smem:$0x3FFE];
	_ =	sdelay $0x1  }
0x8a: {  	s1 =	srdreg.scid  }
0x8b: {  	s0 =	sand.u32 $0x1, s1  }
0x8c: {  	s15 =	sshll.u32 s0, $0xA;
	s2 =	sadd.s32 s3, s2  }
0x8d: {  	s2 =	sadd.s32 s2, s15  }
0x8e: {  	[smem:$0x3FC0] =	sst s2  }
0x8f: {  	_ = 	snop  }
0x90: {  	s2 =	sld [smem:$0x3FD0];
	_ =	sdelay $0x2  }
0x91: {  	s4 =	simm.s32 $0xC;
	s5 =	simm.s32 $0x10;
	s16 =	sld [smem:$0x3FC4]  }
0x92: {  	[smem:s5], [sflag:s4] =	dma.local [hbm:s2], $0x1  }
0x93: {  	_ =	swait.eq [sflag:s4], $0x1  }
0x94: {  	[sflag:s4] =	ssyncset.done $0x0  }
0x95: {  	s17 =	sld [smem:$0x11];
	[sflag:s4] =	ssyncadd.s32 $0xFFFFFFFF  }
0x96: {  	s18 =	sld [smem:$0x13];
	(tm) =	ssettm $0x1  }
0x97: {  	s19 =	sld [smem:$0x3FFB];
	_ =	sdelay $0x3  }
0x98: {  	_ =	strace s19  }
0x99: {  	s5 =	sld [smem:$0x3FFC];
	_ =	sdelay $0x3  }
0x9a: {  	_ =	strace s5  }
0x9b: {  	s5 =	sld [smem:$0x3FFD];
	_ =	sdelay $0x3  }
0x9c: {  	_ =	strace s5  }
0x9d: {  	_ =	strace $0x8FFFFFFF  }
0x9e: {  	s20 =	sld [smem:$0x3FDB];
	_ =	sdelay $0x1  }
0x9f: {  	s6 =	simm.s32 $_scs_section_size  }
0xa0: {  	s7 =	simm.s32 $_size__tile_overlayer_lowered;
	s8 =	simm.s32 $_tile_overlayer_lowered  }
0xa1: {  	s23 =	simm.s32 $0x1BFF;
	s22 =	sshll.u32 s8, $0x1;
	s5 =	sadd.s32 s6, s20  }
0xa2: {  	s9 =	simm.s32 $0x0;
	s21 =	sshll.u32 s7, $0x1;
	s7 =	sadd.s32 s22, s5  }
0xa3: {  	[timem:s9], [sflag:s23] =	dma.local [hbm:s7], s21  }
0xa4: {  	_ =	swait.ge [sflag:s23], s21  }
0xa5: {  	s6 =	ssub.s32 $0x0, s21;
	[sflag:s23] =	ssyncset.done $0x0  }
0xa6: {  	[sflag:s23] =	ssyncadd.s32 s6;
	_ =	sdelay $0x1  }
0xa7: {  	s24 =	simm.s32 $0x1B8B  }
0xa8: {  	_ =	swait.ge [sflag:s24], $0x1  }
0xa9: {  	[sflag:s24] =	ssyncset.done $0x0  }
0xaa: {  	s25 =	simm.s32 $0x1B8E;
	[sflag:s24] =	ssyncadd.s32 $0xFFFFFFFF  }
0xab: {  	s26 =	simm.s32 $execute0_lowered;
	[smem:$0x3FD2] =	sst s25  }
0xac: {  	s6 =	sshll.u32 s26, $0x1;
	_ =	strace $0x8000007C;
	[dreg:$0x1] =	wrdreg $0xFFFFFFFF  }
0xad: {  	s28 =	simm.s32 $_size_execute0_lowered;
	s5 =	sadd.s32 s5, s6;
	[dreg:$0x0] =	wrdreg $0x0  }
0xae: {  	s6 =	sshll.u32 s28, $0x1;
	[dreg:$0x2] =	wrdreg s5  }
0xaf: {  	[dreg:$0x3] =	wrdreg s6  }
0xb0: {  	[dreg:$0x4] =	wrdreg $0xC0  }
0xb1: {  	_ =	task [dreg:s9], $0x5FFFF  }
0xb2: {  	[dreg:$0x1] =	wrdreg $0xFFFFFFFF  }
0xb3: {  	[dreg:$0x0] =	wrdreg $0x60  }
0xb4: {  	[dreg:$0x2] =	wrdreg s16  }
0xb5: {  	[dreg:$0x3] =	wrdreg s18  }
0xb6: {  	[dreg:$0x4] =	wrdreg s17  }
0xb7: {  	[dreg:$0x5] =	wrdreg $0x9  }
0xb8: {  	_ =	task.clear_ibuf [dreg:s9], $0x6FFFF;
	_ =	strace $0x9000007C  }
0xb9: {  	s29 =	simm.s32 $0x9;
	_ =	strace $0x8000007E  }
0xba: {  	_ =	swait.ge [sflag:s29], $0x1  }
0xbb: {  	[sflag:s29] =	ssyncadd.s32 $0xFFFFFFFF  }
0xbc: {  	_ =	strace $0x9000007E  }
0xbd: {  	_ =	sfence  }
0xbe: {  	s30 =	sld [smem:$0x0];
	_ =	sdelay $0x2  }
0xbf: {  	s31 =	sshll.u32 s1, $0xD;
	s1 =	sshrl.u32 s1, $0x2  }
0xc0: {  	s3 =	sand.u32 $0x4000, s31;
	s1 =	sadd.s32 s1, s30  }
0xc1: {  	s0 =	sor.u32 s3, s0;
	s1 =	sshll.u32 s1, $0x11  }
0xc2: {  	s0 =	sor.u32 s1, s0  }
0xc3: {  	s0 =	sadd.s32 $0x8F2B, s0  }
0xc4: {  	[sflag:s0] =	ssyncadd.remote.s32 $0x1  }
0xc5: {  	_ =	sfence.sel $0xFFFF  }
0xc6: {  	[dreg:$0x0] =	wrdreg $0xFFFFFFFF;
	(pc) =	sbr.abs _section_cstart, $3  }
0xc7: {  	[dreg:$0x1] =	wrdreg $0xFFFFFFFF  }
0xc8: {  	_ =	task.clear_ibuf [dreg:s9], $0x2FFFF;
	_ =	strace $0x9FFFFFFF  }
0xc9: {  	(tm) =	ssettm $0x7FFFFFFF  }
tec
execute0_lowered:
.L_overlay_start_1:
0x0: {  	(tag) =	ssettag $0x1  }
0x1: {  	s1 =	srdreg.scid;
	s2 =	rddreg [dreg:$0x0]  }
0x2: {  	s0 =	stileid.u32;
	s3 =	rddreg [dreg:$0x1]  }
0x3: {  	s4 =	rddreg [dreg:$0x2];
	s6 =	simm.s32 $0x1;
	s1 =	sshll.u32 s1, $0x6  }
0x4: {  	s9 =	simm.s32 $0x1;
	s5 =	sshll.u32 s0, $0x7;
	s1 =	sand.u32 $0x40, s1  }
0x5: {  	s10 =	simm.s32 $0x3;
	s13 =	simm.s32 $0x0;
	s5 =	sor.u32 s5, s1  }
0x6: {  	s12 =	simm.s32 $0x0;
	s1 =	rddreg [dreg:$0x3];
	s8 =	ssub.s32 $0x1000, s5  }
.Ltmp0:
0x7: {  	_ =	strace $0x8000007D;
	s7 =	sand.u32 $0x7C0, s8;
	(pc) =	sbr.rel .LBB2_1-.Ltmp0, $4  }
0x8: {  	[sflag:s6] =	ssyncpa.u1 $0x0;
	s11 =	smov.u32 s5;
	p0 =	sne.s32 s7, $0x0  }
0x9: {  	s8 =	sshrl.u32 s8, $0xB;
	s7 =	simm.s32 $0x2;
	s9 =	simm.s32 @!p0 $0x0  }
0xa: {  	[sflag:s7] =	ssyncpa.u1 $0x0;
	p0 =	por $0x0, $0x0;
	s8 =	sadd.s32 s9, s8  }
0xb: {  	vm0 =	vmmov $0xffff;
	[sflag:s10] =	ssyncpa.u1 $0x0;
	s10 =	simm.s32 $0x0;
	s9 =	sadd.s32 $0x1, s8  }
.LBB2_4:
0xc: {  	v2 =	vnsel vm1, $0x0, v2  }
0xd: {  	vm1 =	vgt.s32 v0, $0x0;
	v2 =	vmin.u32 v2, $0x3FFFF  }
0xe: {  	v0 =	vnsel vm1, $0x0, v0  }
0xf: {  	v0 =	vmin.u32 v0, $0x3FFFF  }
0x10: {  	[tilespmem:s15], [sflag:$0x1] =	stream.indirect_vreg.gather [hbm4b:s2+s10], $0x1, v1, vm0, $0x4038;
	[tilespmem:$0x100] =	vst v63  }
0x11: {  	(ifvalue) =	ssetifvalue $0x7FFFFFFF  }
0x12: {  	[tilespmem:s16], [sflag:$0x1] =	stream.indirect_vreg.gather [hbm4b:s2+s10], $0x1, v2, vm0, $0x4038;
	[tilespmem:$0x100] =	vst v63  }
0x13: {  	s29 =	sadd.s32 $0x10, s16;
	(ifvalue) =	ssetifvalue $0x7FFFFFFF  }
0x14: {  	[tilespmem:s29], [sflag:$0x1] =	stream.indirect_vreg.gather [hbm4b:s2+s10], $0x1, v0, vm0, $0x4038;
	[tilespmem:$0x100] =	vst v63  }
0x15: {  	_ =	swait.ge [sflag:s6], $0x40  }
0x16: {  	s30 =	sshrl.u32 s13, $0x3;
	[sflag:s6] =	ssyncset.done $0x0  }
0x17: {  	s31 =	sand.u32 $0x7, s13;
	s15 =	sadd.s32 s4, s30;
	[sflag:s6] =	ssyncadd.s32 $0xFFFFFFC0  }
0x18: {  	[hbm4b:s15+s31] =	stream.linear.scatter [tilespmem:s14], [sflag:$0x3], $0x40, $0x38;
	[tilespmem:$0x100] =	vst v63  }
.LBB2_5:
0x19: {  	s15 =	sadd.s32 $0x800, s11  }
0x1a: {  	p2 =	sgt.s32 s15, $0xFFF  }
0x1b: {  	s15 =	smov.u32 @p2 s5;
	p2 =	sne.s32 s12, s9  }
.Ltmp1:
0x1c: {  	p1 =	slt.u32 s12, $0x2;
	(pc) =	sbr.rel @!p2 .LBB2_6-.Ltmp1, $4  }
0x1d: {  	s14 =	simm.s32 @!p1 $0x3  }
0x1e: {  	s16 =	sadd.s32 $0x1, s12;
	_ =	swait.ge @!p1 [sflag:s14], $0x40  }
0x1f: {  	s13 =	smov.u32 s11;
	p0 =	por !p0, !p0;
	[sflag:s14] =	ssyncset.done @!p1 $0x0  }
0x20: {  	s12 =	smov.u32 s16;
	s11 =	smov.u32 s15;
	[sflag:s14] =	ssyncadd.s32 @!p1 $0xFFFFFFC0  }
.LBB2_1:
0x21: {  	p1 =	sge.u32 s12, s8  }
0x22: {  	s14 =	sxor.u32 @!p1 $0xFFFFFFFF, s12  }
0x23: {  	s31 =	sadd.s32 $0xFFFFFFFF, s12;
	s15 =	sshrl.u32 @!p1 s11, $0x3;
	s14 =	sshll.u32 @!p1 s14, $0x6  }
0x24: {  	s16 =	sand.u32 @!p1 $0x7, s11;
	s15 =	sadd.s32 @!p1 s3, s15;
	s14 =	sand.u32 @!p1 $0x40, s14  }
0x25: {  	[tilespmem:s14], [sflag:$0x2] =	stream.linear.gather @!p1 [hbm4b:s15+s16], $0x40, $0x38;
	[tilespmem:$0x100] =	vst v63  }
0x26: {  	p1 =	sge.u32 s31, s8  }
.Ltmp2:
0x27: {  	_ = 	snop;
	(pc) =	sbr.rel @p1 .LBB2_5-.Ltmp2, $1  }
0x28: {  	_ =	sdelay $0x3  }
0x29: {  	s14 =	simm.s32 $0x1  }
0x2a: {  	_ =	swait.ge [sflag:s7], $0x40;
	s14 =	simm.s32 @!p0 $0x0  }
0x2b: {  	[sflag:s7] =	ssyncset.done $0x0;
	s14 =	sshll.u32 s14, $0x6  }
0x2c: {  	[sflag:s7] =	ssyncadd.s32 $0xFFFFFFC0;
	(ifvalue) =	ssetifvalue $0x7FFFFFFF;
	v0 =	vld.msk [tilespmem:s14+$0x0 ss:$0x1], $0xffff;
	_ =	sdelay $0x4  }
0x2d: {  	s15 =	sadd.s32 $0x10, s14;
	vm1 =	vgt.s32 v0, $0x0  }
0x2e: {  	v2 =	vld.msk [tilespmem:s15+$0x0 ss:$0x1], $0xffff;
	v1 =	vnsel vm1, $0x0, v0  }
0x2f: {  	v1 =	vmin.u32 v1, $0x3FFFF;
	_ =	sdelay $0x1  }
0x30: {  	s16 =	sshll.u32 s12, $0x6;
	s18 =	simm.s32 $0x20  }
0x31: {  	s16 =	sand.u32 $0x40, s16;
	s17 =	sadd.s32 $0x10, s15;
	s15 =	sor.u32 $0x80, s14  }
0x32: {  	s14 =	sor.u32 $0x80, s16;
	s16 =	sadd.s32 $0x10, s15;
	v0 =	vld.msk [tilespmem:s17+$0x0 ss:$0x1], $0xffff;
	vm1 =	vgt.s32 v2, $0x0;
	(ifvalue) =	ssetifvalue $0x7FFFFFFF  }
.LBB2_3:
0x33: {  	[tilespmem:s15], [sflag:$0x1] =	stream.indirect_vreg.gather [hbm4b:s2+s10], $0x1, v1, vm0, $0x4038;
	[tilespmem:$0x100] =	vst v63  }
0x34: {  	s18 =	sadd.s32 $0x10, s18  }
0x35: {  	v2 =	vnsel vm1, $0x0, v2;
	p1 =	slt.u32 s18, $0x30  }
.Ltmp3:
0x36: {  	s15 =	smov.u32 s16;
	v1 =	vmin.u32 v2, $0x3FFFF;
	(pc) =	sbr.rel @p1 .LBB2_3-.Ltmp3, $3  }
0x37: {  	_ =	sdelay $0x1  }
0x38: {  	s17 =	sadd.s32 $0x10, s17  }
0x39: {  	vm1 =	vgt.s32 v0, $0x0;
	s16 =	sadd.s32 $0x10, s16;
	v2 =	vmov v0;
	(ifvalue) =	ssetifvalue $0x7FFFFFFF;
	v0 =	vld.msk [tilespmem:s17+$0x0 ss:$0x1], $0xffff  }
.Ltmp4:
0x3a: {  	_ = 	snop;
	(pc) =	sbr.rel .LBB2_4-.Ltmp4, $1  }
0x3b: {  	_ =	sdelay $0x3  }
.LBB2_6:
0x3c: {  	_ =	sfence.sel $0x180000  }
0x3d: {  	s2 =	simm.s32 $0x2;
	[bflag:$0x0] =	sbarrier.arrive $0xFFFF  }
0x3e: {  	s30 =	simm.s32 $0x3;
	[sflag:s2] =	ssyncpa.u1 $0x1  }
0x3f: {  	s31 =	simm.s32 $0x1;
	[sflag:s30] =	ssyncpa.u1 $0x1  }
0x40: {  	[sflag:s31] =	ssyncpa.u1 $0x1  }
0x41: {  	p0 =	sne.s32 s0, $0x0;
	_ =	strace $0x9000007D  }
0x42: {  	s0 =	sadd.s32 @!p0 $0x100000, s1;
	[bflag:$0x2] =	sbarrier.arrive $0xFFFF  }
0x43: {  	[sflag:s0] =	ssyncadd.tile.s32 @!p0 $0x1;
	_ =	shalt  }
.Lfunc_end2:
_tile_overlayer_lowered:
.L_overlay_start_2:
0x44: {  	(tag) =	ssettag $0x2  }
0x45: {  	s0 =	rddreg [dreg:$0x0];
	s2 =	stileid.u32  }
0x46: {  	s1 =	rddreg [dreg:$0x1];
	p0 =	sne.s32 s2, $0x0  }
0x47: {  	s3 =	rddreg [dreg:$0x2];
	[bflag:$0x3] =	sbarrier.arrive $0xFFFF;
	s2 =	simm.s32 @!p0 $0x1C01  }
0x48: {  	[timem:s3], [sflag:s2] =	dma.local @!p0 [hbm:s0], s1  }
0x49: {  	s0 =	simm.s32 @!p0 $0x1  }
0x4a: {  	_ =	swait.ge @!p0 [sflag:s0], s1  }
0x4b: {  	s1 =	ssub.s32 @!p0 $0x0, s1;
	[sflag:s0] =	ssyncset.done @!p0 $0x0  }
0x4c: {  	[sflag:s0] =	ssyncadd.s32 @!p0 s1  }
0x4d: {  	[bflag:$0x3] =	sbarrier.arrive $0xFFFF  }
0x4e: {  	_ =	shalt  }

// kernel: gather_offload_async_start.2
scs
__scs_entry_jumppad:
0x0: {  	(pc) =	sbr.rel $0x88, $3  }
0x1: {  	(tag) =	ssettag $0x0;
	lr =	simm.s32 $0x1  }
0x2: {  	[smem:$0x3F99] =	sst lr;
	_ =	strace $0xD0000000  }
0x3: {  	_ = 	snop  }
0x4: {  	_ = 	snop  }
0x5: {  	_ = 	snop  }
0x6: {  	_ = 	snop  }
0x7: {  	_ = 	snop  }
__scs_overlays_trampoline_lowered:
0x8: {  	[smem:$0x3FA8] =	sst s0  }
0x9: {  	[smem:$0x3FA9] =	sst s1  }
0xa: {  	[smem:$0x3FAA] =	sst s2  }
0xb: {  	[smem:$0x3FAB] =	sst s3  }
0xc: {  	[smem:$0x3FAC] =	sst s4  }
0xd: {  	[smem:$0x3FAD] =	sst s5  }
0xe: {  	[smem:$0x3FAE] =	sst s6  }
0xf: {  	[smem:$0x3FAF] =	sst s7  }
0x10: {  	[smem:$0x3FB0] =	sst s8  }
0x11: {  	[smem:$0x3FB1] =	sst s9;
	s0 =	simm.s32 @!p0 $0x0  }
0x12: {  	s1 =	sld [smem:$0x3F97];
	s0 =	simm.s32 @p0 $0x1  }
0x13: {  	[smem:$0x3FB2] =	sst s0;
	s0 =	simm.s32 @!p1 $0x0  }
0x14: {  	s2 =	sld [smem:$0x3F96];
	s0 =	simm.s32 @p1 $0x1  }
0x15: {  	[smem:$0x3FB3] =	sst s0;
	s0 =	simm.s32 @!p2 $0x0  }
0x16: {  	s3 =	sld [smem:$0x3FDB];
	s0 =	simm.s32 @p2 $0x1  }
0x17: {  	s4 =	simm.s32 $0x1BF5;
	[smem:$0x3FB5] =	sst s0  }
0x18: {  	s0 =	sld [smem:$0x3F98];
	_ =	swait.ge [sflag:s4], $0x0  }
0x19: {  	s7 =	sld [smem:$0x3F99]  }
0x1a: {  	s8 =	sadd.s32 $0xFFFFE003, lr  }
0x1b: {  	s9 =	sadd.s32 $0xFFFFFEF7, lr;
	s5 =	simm.s32 $0xFFFFFFFF;
	p2 =	slt.u32 s8, $0xFFFFF086  }
0x1c: {  	p1 =	slt.u32 s9, $0xF7A;
	s5 =	simm.s32 @!p2 $0x0  }
0x1d: {  	s5 =	simm.s32 @p1 $0x1;
	p0 =	seq.s32 s7, s2  }
0x1e: {  	s7 =	smul.u32 @!p0 $0xF7A, s2;
	p2 =	seq.s32 @!p0 s5, $0x0  }
0x1f: {  	s9 =	smul.u32 $0xF7A, s1;
	s8 =	simm.s32 @!p0 $0x1BF5;
	p2 =	por !p2, p0  }
0x20: {  	[sflag:s8] =	ssyncset.s32 @!p0 $0xFFFFF086;
	s6 =	sadd.s32 @!p0 s3, s7;
	s7 =	simm.s32 @!p0 $0x108  }
0x21: {  	s3 =	sadd.s32 s3, s9;
	s6 =	sadd.s32 @!p0 $0x88, s6;
	s7 =	simm.s32 @p2 $0x1082  }
0x22: {  	[simem:s7], [sflag:s8] =	dma.local @!p0 [hbm:s6], $0xF7A  }
0x23: {  	s9 =	sor.u32 $0xD0000000, s2;
	s6 =	simm.s32 $0x108;
	_ =	swait.ge @!p0 [sflag:s8], $0x0  }
0x24: {  	s3 =	sadd.s32 $0x88, s3;
	s6 =	simm.s32 @!p1 $0x1082;
	[sflag:s4] =	ssyncset.s32 $0xFFFFF086  }
0x25: {  	[simem:s6], [sflag:s4] =	dma.local [hbm:s3], $0xF7A  }
0x26: {  	[smem:$0x3F99] =	sst s1;
	(tag) =	ssettag s2;
	_ =	strace s9  }
0x27: {  	s1 =	sld [smem:$0x3FA9]  }
0x28: {  	s2 =	sld [smem:$0x3FAA]  }
0x29: {  	s4 =	sld [smem:$0x3FAC]  }
0x2a: {  	p0 =	seq.s32 s5, $0x0;
	s5 =	sld [smem:$0x3FAD]  }
0x2b: {  	s6 =	sld [smem:$0x3FAE]  }
0x2c: {  	s7 =	sld [smem:$0x3FAF]  }
0x2d: {  	s3 =	simm.s32 $0x108;
	s8 =	sld [smem:$0x3FB0]  }
0x2e: {  	s3 =	simm.s32 @!p0 $0x1082;
	s9 =	sld [smem:$0x3FB1]  }
0x2f: {  	lr =	sadd.s32 s0, s3;
	s0 =	sld [smem:$0x3FA8]  }
0x30: {  	s3 =	sld [smem:$0x3FAB]  }
0x31: {  	[smem:$0x3FB4] =	sst s10  }
0x32: {  	s10 =	sld [smem:$0x3FB2];
	_ =	sdelay $0x3  }
0x33: {  	p0 =	seq.s32 s10, $0x1;
	s10 =	sld [smem:$0x3FB4];
	_ =	sdelay $0x3  }
0x34: {  	[smem:$0x3FB4] =	sst s10  }
0x35: {  	s10 =	sld [smem:$0x3FB3];
	_ =	sdelay $0x3  }
0x36: {  	p1 =	seq.s32 s10, $0x1;
	s10 =	sld [smem:$0x3FB4];
	_ =	sdelay $0x3  }
0x37: {  	[smem:$0x3FB4] =	sst s10  }
0x38: {  	s10 =	sld [smem:$0x3FB5]  }
0x39: {  	_ = 	snop;
	(pc) =	sbr.ind lr, $3  }
0x3a: {  	_ = 	snop  }
0x3b: {  	_ = 	snop  }
0x3c: {  	p2 =	seq.s32 s10, $0x1;
	s10 =	sld [smem:$0x3FB4]  }
0x3d: {  	_ =	shalt  }
0x3e: {  	_ =	shalt  }
0x3f: {  	_ =	shalt  }
0x40: {  	_ =	shalt  }
0x41: {  	_ =	shalt  }
0x42: {  	_ =	shalt  }
0x43: {  	_ =	shalt  }
0x44: {  	_ =	shalt  }
0x45: {  	_ =	shalt  }
0x46: {  	_ =	shalt  }
0x47: {  	_ =	shalt  }
0x48: {  	_ =	shalt  }
0x49: {  	_ =	shalt  }
0x4a: {  	_ =	shalt  }
0x4b: {  	_ =	shalt  }
0x4c: {  	_ =	shalt  }
0x4d: {  	_ =	shalt  }
0x4e: {  	_ =	shalt  }
0x4f: {  	_ =	shalt  }
0x50: {  	_ =	shalt  }
0x51: {  	_ =	shalt  }
0x52: {  	_ =	shalt  }
0x53: {  	_ =	shalt  }
0x54: {  	_ =	shalt  }
0x55: {  	_ =	shalt  }
0x56: {  	_ =	shalt  }
0x57: {  	_ =	shalt  }
0x58: {  	_ =	shalt  }
0x59: {  	_ =	shalt  }
0x5a: {  	_ =	shalt  }
0x5b: {  	_ =	shalt  }
0x5c: {  	_ =	shalt  }
0x5d: {  	_ =	shalt  }
0x5e: {  	_ =	shalt  }
0x5f: {  	_ =	shalt  }
0x60: {  	_ =	shalt  }
0x61: {  	_ =	shalt  }
0x62: {  	_ =	shalt  }
0x63: {  	_ =	shalt  }
0x64: {  	_ =	shalt  }
0x65: {  	_ =	shalt  }
0x66: {  	_ =	shalt  }
0x67: {  	_ =	shalt  }
0x68: {  	_ =	shalt  }
0x69: {  	_ =	shalt  }
0x6a: {  	_ =	shalt  }
0x6b: {  	_ =	shalt  }
0x6c: {  	_ =	shalt  }
0x6d: {  	_ =	shalt  }
0x6e: {  	_ =	shalt  }
0x6f: {  	_ =	shalt  }
0x70: {  	_ =	shalt  }
0x71: {  	_ =	shalt  }
0x72: {  	_ =	shalt  }
0x73: {  	_ =	shalt  }
0x74: {  	_ =	shalt  }
0x75: {  	_ =	shalt  }
0x76: {  	_ =	shalt  }
0x77: {  	_ =	shalt  }
0x78: {  	_ =	shalt  }
0x79: {  	_ =	shalt  }
0x7a: {  	_ =	shalt  }
0x7b: {  	_ =	shalt  }
0x7c: {  	_ =	shalt  }
0x7d: {  	_ =	shalt  }
0x7e: {  	_ =	shalt  }
0x7f: {  	_ =	shalt  }
0x80: {  	_ =	shalt  }
0x81: {  	_ =	shalt  }
0x82: {  	_ =	shalt  }
0x83: {  	_ =	shalt  }
0x84: {  	_ =	shalt  }
0x85: {  	_ =	shalt  }
0x86: {  	_ =	shalt  }
0x87: {  	_ =	shalt  }
.Lfunc_end0:
.L_simem_size_0:
called_computation.2_lowered:
.L_overlay_start_0:
0x88: {  	s2 =	sld [smem:$0x3FD9]  }
0x89: {  	s3 =	sld [smem:$0x3FFE];
	_ =	sdelay $0x1  }
0x8a: {  	s1 =	srdreg.scid  }
0x8b: {  	s0 =	sand.u32 $0x1, s1  }
0x8c: {  	s14 =	sshll.u32 s0, $0xA;
	s2 =	sadd.s32 s3, s2  }
0x8d: {  	s2 =	sadd.s32 s2, s14  }
0x8e: {  	[smem:$0x3FC0] =	sst s2  }
0x8f: {  	_ = 	snop  }
0x90: {  	s2 =	sld [smem:$0x3FD0];
	_ =	sdelay $0x2  }
0x91: {  	s15 =	simm.s32 $0xC;
	s4 =	simm.s32 $0x10  }
0x92: {  	[smem:s4], [sflag:s15] =	dma.local [hbm:s2], $0x1  }
0x93: {  	_ =	swait.eq [sflag:s15], $0x1  }
0x94: {  	[sflag:s15] =	ssyncset.done $0x0  }
0x95: {  	[sflag:s15] =	ssyncadd.s32 $0xFFFFFFFF  }
0x96: {  	s16 =	sld [smem:$0x13];
	(tm) =	ssettm $0x1  }
0x97: {  	s17 =	sld [smem:$0x3FFB];
	_ =	sdelay $0x3  }
0x98: {  	_ =	strace s17  }
0x99: {  	s3 =	sld [smem:$0x3FFC];
	_ =	sdelay $0x3  }
0x9a: {  	_ =	strace s3  }
0x9b: {  	s3 =	sld [smem:$0x3FFD];
	_ =	sdelay $0x3  }
0x9c: {  	_ =	strace s3  }
0x9d: {  	_ =	strace $0x8FFFFFFF  }
0x9e: {  	s18 =	sld [smem:$0x3FDB];
	_ =	sdelay $0x1  }
0x9f: {  	s19 =	simm.s32 $_scs_section_size  }
0xa0: {  	s5 =	simm.s32 $_size__tile_overlayer_lowered;
	s6 =	simm.s32 $_tile_overlayer_lowered  }
0xa1: {  	s22 =	simm.s32 $0x1BFF;
	s21 =	sshll.u32 s6, $0x1;
	s3 =	sadd.s32 s19, s18  }
0xa2: {  	s7 =	simm.s32 $0x0;
	s20 =	sshll.u32 s5, $0x1;
	s5 =	sadd.s32 s21, s3  }
0xa3: {  	[timem:s7], [sflag:s22] =	dma.local [hbm:s5], s20  }
0xa4: {  	_ =	swait.ge [sflag:s22], s20  }
0xa5: {  	s4 =	ssub.s32 $0x0, s20;
	[sflag:s22] =	ssyncset.done $0x0  }
0xa6: {  	[sflag:s22] =	ssyncadd.s32 s4;
	_ =	sdelay $0x1  }
0xa7: {  	s23 =	simm.s32 $0x1B8B  }
0xa8: {  	_ =	swait.ge [sflag:s23], $0x1  }
0xa9: {  	[sflag:s23] =	ssyncset.done $0x0  }
0xaa: {  	s25 =	simm.s32 $0x1B8E;
	s24 =	sld [smem:$0x3FFE];
	[sflag:s23] =	ssyncadd.s32 $0xFFFFFFFF  }
0xab: {  	s26 =	simm.s32 $execute0_lowered;
	[smem:$0x3FD2] =	sst s25  }
0xac: {  	s5 =	sshll.u32 s26, $0x1;
	_ =	strace $0x80000073;
	[dreg:$0x1] =	wrdreg $0xFFFFFFFF  }
0xad: {  	s28 =	simm.s32 $_size_execute0_lowered;
	s3 =	sadd.s32 s3, s5;
	[dreg:$0x0] =	wrdreg $0x0  }
0xae: {  	s5 =	sshll.u32 s28, $0x1;
	[dreg:$0x2] =	wrdreg s3  }
0xaf: {  	[dreg:$0x3] =	wrdreg s5  }
0xb0: {  	[dreg:$0x4] =	wrdreg $0xC0  }
0xb1: {  	_ =	task [dreg:s7], $0x5FFFF  }
0xb2: {  	[dreg:$0x1] =	wrdreg $0xFFFFFFFF  }
0xb3: {  	[dreg:$0x0] =	wrdreg $0x60  }
0xb4: {  	[dreg:$0x2] =	wrdreg s24  }
0xb5: {  	[dreg:$0x3] =	wrdreg s16  }
0xb6: {  	[dreg:$0x4] =	wrdreg $0x9  }
0xb7: {  	_ =	task.clear_ibuf [dreg:s7], $0x5FFFF;
	_ =	strace $0x90000073  }
0xb8: {  	s29 =	simm.s32 $0x9;
	_ =	strace $0x80000075  }
0xb9: {  	_ =	swait.ge [sflag:s29], $0x1  }
0xba: {  	[sflag:s29] =	ssyncadd.s32 $0xFFFFFFFF  }
0xbb: {  	_ =	strace $0x90000075  }
0xbc: {  	_ =	sfence  }
0xbd: {  	s30 =	sld [smem:$0x0];
	_ =	sdelay $0x2  }
0xbe: {  	s31 =	sshll.u32 s1, $0xD;
	s1 =	sshrl.u32 s1, $0x2  }
0xbf: {  	s3 =	sand.u32 $0x4000, s31;
	s1 =	sadd.s32 s1, s30  }
0xc0: {  	s0 =	sor.u32 s3, s0;
	s1 =	sshll.u32 s1, $0x11  }
0xc1: {  	s0 =	sor.u32 s1, s0  }
0xc2: {  	s0 =	sadd.s32 $0x8F2B, s0  }
0xc3: {  	[sflag:s0] =	ssyncadd.remote.s32 $0x1  }
0xc4: {  	_ =	sfence.sel $0xFFFF  }
0xc5: {  	[dreg:$0x0] =	wrdreg $0xFFFFFFFF;
	(pc) =	sbr.abs _section_cstart, $3  }
0xc6: {  	[dreg:$0x1] =	wrdreg $0xFFFFFFFF  }
0xc7: {  	_ =	task.clear_ibuf [dreg:s7], $0x2FFFF;
	_ =	strace $0x9FFFFFFF  }
0xc8: {  	(tm) =	ssettm $0x7FFFFFFF  }
0xc9: {  	_ =	shalt  }
tec
execute0_lowered:
.L_overlay_start_1:
0x0: {  	(tag) =	ssettag $0x1  }
0x1: {  	s1 =	srdreg.scid;
	s5 =	rddreg [dreg:$0x0]  }
0x2: {  	s0 =	stileid.u32;
	s2 =	rddreg [dreg:$0x1];
	s6 =	simm.s32 $0x1  }
0x3: {  	s9 =	simm.s32 $0x1;
	s10 =	simm.s32 $0x3;
	s1 =	sshll.u32 s1, $0x6  }
0x4: {  	s13 =	simm.s32 $0x0;
	s3 =	sshll.u32 s0, $0x7;
	s4 =	sand.u32 $0x40, s1  }
0x5: {  	s12 =	simm.s32 $0x0;
	s1 =	rddreg [dreg:$0x2];
	s3 =	sor.u32 s3, s4  }
0x6: {  	_ =	strace $0x80000074;
	s4 =	sadd.s32 $0x35A00, s5;
	s8 =	ssub.s32 $0x1000, s3  }
.Ltmp0:
0x7: {  	s5 =	sadd.s32 $0x4E00, s5;
	s7 =	sand.u32 $0x7C0, s8;
	(pc) =	sbr.rel .LBB2_1-.Ltmp0, $4  }
0x8: {  	[sflag:s6] =	ssyncpa.u1 $0x0;
	s11 =	smov.u32 s3;
	p0 =	sne.s32 s7, $0x0  }
0x9: {  	s8 =	sshrl.u32 s8, $0xB;
	s7 =	simm.s32 $0x2;
	s9 =	simm.s32 @!p0 $0x0  }
0xa: {  	[sflag:s7] =	ssyncpa.u1 $0x0;
	p0 =	por $0x0, $0x0;
	s8 =	sadd.s32 s9, s8  }
0xb: {  	vm0 =	vmmov $0xffff;
	[sflag:s10] =	ssyncpa.u1 $0x0;
	s10 =	simm.s32 $0x0;
	s9 =	sadd.s32 $0x1, s8  }
.LBB2_4:
0xc: {  	v2 =	vnsel vm1, $0x0, v2  }
0xd: {  	vm1 =	vgt.s32 v0, $0x0;
	v2 =	vmin.u32 v2, $0x40000  }
0xe: {  	v0 =	vnsel vm1, $0x0, v0  }
0xf: {  	v0 =	vmin.u32 v0, $0x40000  }
0x10: {  	[tilespmem:s15], [sflag:$0x1] =	stream.indirect_vreg.gather [hbm4b:s4+s10], $0x1, v1, vm0, $0x4038;
	[tilespmem:$0x100] =	vst v63  }
0x11: {  	(ifvalue) =	ssetifvalue $0x7FFFFFFF  }
0x12: {  	[tilespmem:s16], [sflag:$0x1] =	stream.indirect_vreg.gather [hbm4b:s4+s10], $0x1, v2, vm0, $0x4038;
	[tilespmem:$0x100] =	vst v63  }
0x13: {  	s29 =	sadd.s32 $0x10, s16;
	(ifvalue) =	ssetifvalue $0x7FFFFFFF  }
0x14: {  	[tilespmem:s29], [sflag:$0x1] =	stream.indirect_vreg.gather [hbm4b:s4+s10], $0x1, v0, vm0, $0x4038;
	[tilespmem:$0x100] =	vst v63  }
0x15: {  	_ =	swait.ge [sflag:s6], $0x40  }
0x16: {  	s30 =	sshrl.u32 s13, $0x3;
	[sflag:s6] =	ssyncset.done $0x0  }
0x17: {  	s31 =	sand.u32 $0x7, s13;
	s15 =	sadd.s32 s5, s30;
	[sflag:s6] =	ssyncadd.s32 $0xFFFFFFC0  }
0x18: {  	[hbm4b:s15+s31] =	stream.linear.scatter [tilespmem:s14], [sflag:$0x3], $0x40, $0x38;
	[tilespmem:$0x100] =	vst v63  }
.LBB2_5:
0x19: {  	s15 =	sadd.s32 $0x800, s11  }
0x1a: {  	p2 =	sgt.s32 s15, $0xFFF  }
0x1b: {  	s15 =	smov.u32 @p2 s3;
	p2 =	sne.s32 s12, s9  }
.Ltmp1:
0x1c: {  	p1 =	slt.u32 s12, $0x2;
	(pc) =	sbr.rel @!p2 .LBB2_6-.Ltmp1, $4  }
0x1d: {  	s14 =	simm.s32 @!p1 $0x3  }
0x1e: {  	s16 =	sadd.s32 $0x1, s12;
	_ =	swait.ge @!p1 [sflag:s14], $0x40  }
0x1f: {  	s13 =	smov.u32 s11;
	p0 =	por !p0, !p0;
	[sflag:s14] =	ssyncset.done @!p1 $0x0  }
0x20: {  	s12 =	smov.u32 s16;
	s11 =	smov.u32 s15;
	[sflag:s14] =	ssyncadd.s32 @!p1 $0xFFFFFFC0  }
.LBB2_1:
0x21: {  	p1 =	sge.u32 s12, s8  }
0x22: {  	s14 =	sxor.u32 @!p1 $0xFFFFFFFF, s12  }
0x23: {  	s31 =	sadd.s32 $0xFFFFFFFF, s12;
	s15 =	sshrl.u32 @!p1 s11, $0x3;
	s14 =	sshll.u32 @!p1 s14, $0x6  }
0x24: {  	s16 =	sand.u32 @!p1 $0x7, s11;
	s15 =	sadd.s32 @!p1 s2, s15;
	s14 =	sand.u32 @!p1 $0x40, s14  }
0x25: {  	[tilespmem:s14], [sflag:$0x2] =	stream.linear.gather @!p1 [hbm4b:s15+s16], $0x40, $0x38;
	[tilespmem:$0x100] =	vst v63  }
0x26: {  	p1 =	sge.u32 s31, s8  }
.Ltmp2:
0x27: {  	_ = 	snop;
	(pc) =	sbr.rel @p1 .LBB2_5-.Ltmp2, $1  }
0x28: {  	_ =	sdelay $0x3  }
0x29: {  	s14 =	simm.s32 $0x1  }
0x2a: {  	_ =	swait.ge [sflag:s7], $0x40;
	s14 =	simm.s32 @!p0 $0x0  }
0x2b: {  	[sflag:s7] =	ssyncset.done $0x0;
	s14 =	sshll.u32 s14, $0x6  }
0x2c: {  	[sflag:s7] =	ssyncadd.s32 $0xFFFFFFC0;
	(ifvalue) =	ssetifvalue $0x7FFFFFFF;
	v0 =	vld.msk [tilespmem:s14+$0x0 ss:$0x1], $0xffff;
	_ =	sdelay $0x4  }
0x2d: {  	s15 =	sadd.s32 $0x10, s14;
	vm1 =	vgt.s32 v0, $0x0  }
0x2e: {  	v2 =	vld.msk [tilespmem:s15+$0x0 ss:$0x1], $0xffff;
	v1 =	vnsel vm1, $0x0, v0  }
0x2f: {  	v1 =	vmin.u32 v1, $0x40000;
	_ =	sdelay $0x1  }
0x30: {  	s16 =	sshll.u32 s12, $0x6;
	s18 =	simm.s32 $0x20  }
0x31: {  	s16 =	sand.u32 $0x40, s16;
	s17 =	sadd.s32 $0x10, s15;
	s15 =	sor.u32 $0x80, s14  }
0x32: {  	s14 =	sor.u32 $0x80, s16;
	s16 =	sadd.s32 $0x10, s15;
	v0 =	vld.msk [tilespmem:s17+$0x0 ss:$0x1], $0xffff;
	vm1 =	vgt.s32 v2, $0x0;
	(ifvalue) =	ssetifvalue $0x7FFFFFFF  }
.LBB2_3:
0x33: {  	[tilespmem:s15], [sflag:$0x1] =	stream.indirect_vreg.gather [hbm4b:s4+s10], $0x1, v1, vm0, $0x4038;
	[tilespmem:$0x100] =	vst v63  }
0x34: {  	s18 =	sadd.s32 $0x10, s18  }
0x35: {  	v2 =	vnsel vm1, $0x0, v2;
	p1 =	slt.u32 s18, $0x30  }
.Ltmp3:
0x36: {  	s15 =	smov.u32 s16;
	v1 =	vmin.u32 v2, $0x40000;
	(pc) =	sbr.rel @p1 .LBB2_3-.Ltmp3, $3  }
0x37: {  	_ =	sdelay $0x1  }
0x38: {  	s17 =	sadd.s32 $0x10, s17  }
0x39: {  	vm1 =	vgt.s32 v0, $0x0;
	s16 =	sadd.s32 $0x10, s16;
	v2 =	vmov v0;
	(ifvalue) =	ssetifvalue $0x7FFFFFFF;
	v0 =	vld.msk [tilespmem:s17+$0x0 ss:$0x1], $0xffff  }
.Ltmp4:
0x3a: {  	_ = 	snop;
	(pc) =	sbr.rel .LBB2_4-.Ltmp4, $1  }
0x3b: {  	_ =	sdelay $0x3  }
.LBB2_6:
0x3c: {  	_ =	sfence.sel $0x180000  }
0x3d: {  	s2 =	simm.s32 $0x2;
	[bflag:$0x0] =	sbarrier.arrive $0xFFFF  }
0x3e: {  	s30 =	simm.s32 $0x3;
	[sflag:s2] =	ssyncpa.u1 $0x1  }
0x3f: {  	s31 =	simm.s32 $0x1;
	[sflag:s30] =	ssyncpa.u1 $0x1  }
0x40: {  	[sflag:s31] =	ssyncpa.u1 $0x1  }
0x41: {  	p0 =	sne.s32 s0, $0x0;
	_ =	strace $0x90000074  }
0x42: {  	s0 =	sadd.s32 @!p0 $0x100000, s1;
	[bflag:$0x2] =	sbarrier.arrive $0xFFFF  }
0x43: {  	[sflag:s0] =	ssyncadd.tile.s32 @!p0 $0x1;
	_ =	shalt  }
.Lfunc_end2:
_tile_overlayer_lowered:
.L_overlay_start_2:
0x44: {  	(tag) =	ssettag $0x2  }
0x45: {  	s0 =	rddreg [dreg:$0x0];
	s2 =	stileid.u32  }
0x46: {  	s1 =	rddreg [dreg:$0x1];
	p0 =	sne.s32 s2, $0x0  }
0x47: {  	s3 =	rddreg [dreg:$0x2];
	[bflag:$0x3] =	sbarrier.arrive $0xFFFF;
	s2 =	simm.s32 @!p0 $0x1C01  }
0x48: {  	[timem:s3], [sflag:s2] =	dma.local @!p0 [hbm:s0], s1  }
0x49: {  	s0 =	simm.s32 @!p0 $0x1  }
0x4a: {  	_ =	swait.ge @!p0 [sflag:s0], s1  }
0x4b: {  	s1 =	ssub.s32 @!p0 $0x0, s1;
	[sflag:s0] =	ssyncset.done @!p0 $0x0  }
0x4c: {  	[sflag:s0] =	ssyncadd.s32 @!p0 s1  }
0x4d: {  	[bflag:$0x3] =	sbarrier.arrive $0xFFFF  }
0x4e: {  	_ =	shalt  }

// kernel: gather_offload_async_start.3
scs
__scs_entry_jumppad:
0x0: {  	(pc) =	sbr.rel $0x88, $3  }
0x1: {  	(tag) =	ssettag $0x0;
	lr =	simm.s32 $0x1  }
0x2: {  	[smem:$0x3F99] =	sst lr;
	_ =	strace $0xD0000000  }
0x3: {  	_ = 	snop  }
0x4: {  	_ = 	snop  }
0x5: {  	_ = 	snop  }
0x6: {  	_ = 	snop  }
0x7: {  	_ = 	snop  }
__scs_overlays_trampoline_lowered:
0x8: {  	[smem:$0x3FA8] =	sst s0  }
0x9: {  	[smem:$0x3FA9] =	sst s1  }
0xa: {  	[smem:$0x3FAA] =	sst s2  }
0xb: {  	[smem:$0x3FAB] =	sst s3  }
0xc: {  	[smem:$0x3FAC] =	sst s4  }
0xd: {  	[smem:$0x3FAD] =	sst s5  }
0xe: {  	[smem:$0x3FAE] =	sst s6  }
0xf: {  	[smem:$0x3FAF] =	sst s7  }
0x10: {  	[smem:$0x3FB0] =	sst s8  }
0x11: {  	[smem:$0x3FB1] =	sst s9;
	s0 =	simm.s32 @!p0 $0x0  }
0x12: {  	s1 =	sld [smem:$0x3F97];
	s0 =	simm.s32 @p0 $0x1  }
0x13: {  	[smem:$0x3FB2] =	sst s0;
	s0 =	simm.s32 @!p1 $0x0  }
0x14: {  	s2 =	sld [smem:$0x3F96];
	s0 =	simm.s32 @p1 $0x1  }
0x15: {  	[smem:$0x3FB3] =	sst s0;
	s0 =	simm.s32 @!p2 $0x0  }
0x16: {  	s3 =	sld [smem:$0x3FDB];
	s0 =	simm.s32 @p2 $0x1  }
0x17: {  	s4 =	simm.s32 $0x1BF5;
	[smem:$0x3FB5] =	sst s0  }
0x18: {  	s0 =	sld [smem:$0x3F98];
	_ =	swait.ge [sflag:s4], $0x0  }
0x19: {  	s7 =	sld [smem:$0x3F99]  }
0x1a: {  	s8 =	sadd.s32 $0xFFFFE003, lr  }
0x1b: {  	s9 =	sadd.s32 $0xFFFFFEF7, lr;
	s5 =	simm.s32 $0xFFFFFFFF;
	p2 =	slt.u32 s8, $0xFFFFF086  }
0x1c: {  	p1 =	slt.u32 s9, $0xF7A;
	s5 =	simm.s32 @!p2 $0x0  }
0x1d: {  	s5 =	simm.s32 @p1 $0x1;
	p0 =	seq.s32 s7, s2  }
0x1e: {  	s7 =	smul.u32 @!p0 $0xF7A, s2;
	p2 =	seq.s32 @!p0 s5, $0x0  }
0x1f: {  	s9 =	smul.u32 $0xF7A, s1;
	s8 =	simm.s32 @!p0 $0x1BF5;
	p2 =	por !p2, p0  }
0x20: {  	[sflag:s8] =	ssyncset.s32 @!p0 $0xFFFFF086;
	s6 =	sadd.s32 @!p0 s3, s7;
	s7 =	simm.s32 @!p0 $0x108  }
0x21: {  	s3 =	sadd.s32 s3, s9;
	s6 =	sadd.s32 @!p0 $0x88, s6;
	s7 =	simm.s32 @p2 $0x1082  }
0x22: {  	[simem:s7], [sflag:s8] =	dma.local @!p0 [hbm:s6], $0xF7A  }
0x23: {  	s9 =	sor.u32 $0xD0000000, s2;
	s6 =	simm.s32 $0x108;
	_ =	swait.ge @!p0 [sflag:s8], $0x0  }
0x24: {  	s3 =	sadd.s32 $0x88, s3;
	s6 =	simm.s32 @!p1 $0x1082;
	[sflag:s4] =	ssyncset.s32 $0xFFFFF086  }
0x25: {  	[simem:s6], [sflag:s4] =	dma.local [hbm:s3], $0xF7A  }
0x26: {  	[smem:$0x3F99] =	sst s1;
	(tag) =	ssettag s2;
	_ =	strace s9  }
0x27: {  	s1 =	sld [smem:$0x3FA9]  }
0x28: {  	s2 =	sld [smem:$0x3FAA]  }
0x29: {  	s4 =	sld [smem:$0x3FAC]  }
0x2a: {  	p0 =	seq.s32 s5, $0x0;
	s5 =	sld [smem:$0x3FAD]  }
0x2b: {  	s6 =	sld [smem:$0x3FAE]  }
0x2c: {  	s7 =	sld [smem:$0x3FAF]  }
0x2d: {  	s3 =	simm.s32 $0x108;
	s8 =	sld [smem:$0x3FB0]  }
0x2e: {  	s3 =	simm.s32 @!p0 $0x1082;
	s9 =	sld [smem:$0x3FB1]  }
0x2f: {  	lr =	sadd.s32 s0, s3;
	s0 =	sld [smem:$0x3FA8]  }
0x30: {  	s3 =	sld [smem:$0x3FAB]  }
0x31: {  	[smem:$0x3FB4] =	sst s10  }
0x32: {  	s10 =	sld [smem:$0x3FB2];
	_ =	sdelay $0x3  }
0x33: {  	p0 =	seq.s32 s10, $0x1;
	s10 =	sld [smem:$0x3FB4];
	_ =	sdelay $0x3  }
0x34: {  	[smem:$0x3FB4] =	sst s10  }
0x35: {  	s10 =	sld [smem:$0x3FB3];
	_ =	sdelay $0x3  }
0x36: {  	p1 =	seq.s32 s10, $0x1;
	s10 =	sld [smem:$0x3FB4];
	_ =	sdelay $0x3  }
0x37: {  	[smem:$0x3FB4] =	sst s10  }
0x38: {  	s10 =	sld [smem:$0x3FB5]  }
0x39: {  	_ = 	snop;
	(pc) =	sbr.ind lr, $3  }
0x3a: {  	_ = 	snop  }
0x3b: {  	_ = 	snop  }
0x3c: {  	p2 =	seq.s32 s10, $0x1;
	s10 =	sld [smem:$0x3FB4]  }
0x3d: {  	_ =	shalt  }
0x3e: {  	_ =	shalt  }
0x3f: {  	_ =	shalt  }
0x40: {  	_ =	shalt  }
0x41: {  	_ =	shalt  }
0x42: {  	_ =	shalt  }
0x43: {  	_ =	shalt  }
0x44: {  	_ =	shalt  }
0x45: {  	_ =	shalt  }
0x46: {  	_ =	shalt  }
0x47: {  	_ =	shalt  }
0x48: {  	_ =	shalt  }
0x49: {  	_ =	shalt  }
0x4a: {  	_ =	shalt  }
0x4b: {  	_ =	shalt  }
0x4c: {  	_ =	shalt  }
0x4d: {  	_ =	shalt  }
0x4e: {  	_ =	shalt  }
0x4f: {  	_ =	shalt  }
0x50: {  	_ =	shalt  }
0x51: {  	_ =	shalt  }
0x52: {  	_ =	shalt  }
0x53: {  	_ =	shalt  }
0x54: {  	_ =	shalt  }
0x55: {  	_ =	shalt  }
0x56: {  	_ =	shalt  }
0x57: {  	_ =	shalt  }
0x58: {  	_ =	shalt  }
0x59: {  	_ =	shalt  }
0x5a: {  	_ =	shalt  }
0x5b: {  	_ =	shalt  }
0x5c: {  	_ =	shalt  }
0x5d: {  	_ =	shalt  }
0x5e: {  	_ =	shalt  }
0x5f: {  	_ =	shalt  }
0x60: {  	_ =	shalt  }
0x61: {  	_ =	shalt  }
0x62: {  	_ =	shalt  }
0x63: {  	_ =	shalt  }
0x64: {  	_ =	shalt  }
0x65: {  	_ =	shalt  }
0x66: {  	_ =	shalt  }
0x67: {  	_ =	shalt  }
0x68: {  	_ =	shalt  }
0x69: {  	_ =	shalt  }
0x6a: {  	_ =	shalt  }
0x6b: {  	_ =	shalt  }
0x6c: {  	_ =	shalt  }
0x6d: {  	_ =	shalt  }
0x6e: {  	_ =	shalt  }
0x6f: {  	_ =	shalt  }
0x70: {  	_ =	shalt  }
0x71: {  	_ =	shalt  }
0x72: {  	_ =	shalt  }
0x73: {  	_ =	shalt  }
0x74: {  	_ =	shalt  }
0x75: {  	_ =	shalt  }
0x76: {  	_ =	shalt  }
0x77: {  	_ =	shalt  }
0x78: {  	_ =	shalt  }
0x79: {  	_ =	shalt  }
0x7a: {  	_ =	shalt  }
0x7b: {  	_ =	shalt  }
0x7c: {  	_ =	shalt  }
0x7d: {  	_ =	shalt  }
0x7e: {  	_ =	shalt  }
0x7f: {  	_ =	shalt  }
0x80: {  	_ =	shalt  }
0x81: {  	_ =	shalt  }
0x82: {  	_ =	shalt  }
0x83: {  	_ =	shalt  }
0x84: {  	_ =	shalt  }
0x85: {  	_ =	shalt  }
0x86: {  	_ =	shalt  }
0x87: {  	_ =	shalt  }
.Lfunc_end0:
.L_simem_size_0:
called_computation.3_lowered:
.L_overlay_start_0:
0x88: {  	s2 =	sld [smem:$0x3FD9]  }
0x89: {  	s3 =	sld [smem:$0x3FFE];
	_ =	sdelay $0x1  }
0x8a: {  	s1 =	srdreg.scid  }
0x8b: {  	s0 =	sand.u32 $0x1, s1  }
0x8c: {  	s17 =	sshll.u32 s0, $0xA;
	s2 =	sadd.s32 s3, s2  }
0x8d: {  	s2 =	sadd.s32 s2, s17  }
0x8e: {  	[smem:$0x3FC0] =	sst s2  }
0x8f: {  	_ = 	snop  }
0x90: {  	(tm) =	ssettm $0x1  }
0x91: {  	s18 =	sld [smem:$0x3FFB];
	_ =	sdelay $0x3  }
0x92: {  	_ =	strace s18  }
0x93: {  	s2 =	sld [smem:$0x3FFC];
	_ =	sdelay $0x3  }
0x94: {  	_ =	strace s2  }
0x95: {  	s2 =	sld [smem:$0x3FFD];
	_ =	sdelay $0x3  }
0x96: {  	_ =	strace s2  }
0x97: {  	_ =	strace $0x8FFFFFFF  }
0x98: {  	s19 =	sld [smem:$0x3FDB];
	_ =	sdelay $0x1  }
0x99: {  	s20 =	simm.s32 $_scs_section_size  }
0x9a: {  	s4 =	simm.s32 $_size__tile_overlayer_lowered;
	s5 =	simm.s32 $_tile_overlayer_lowered  }
0x9b: {  	s6 =	simm.s32 $0x1BFF;
	s21 =	sshll.u32 s5, $0x1;
	s3 =	sadd.s32 s20, s19  }
0x9c: {  	s22 =	simm.s32 $0x0;
	s4 =	sshll.u32 s4, $0x1;
	s5 =	sadd.s32 s21, s3  }
0x9d: {  	[timem:s22], [sflag:s6] =	dma.local [hbm:s5], s4  }
0x9e: {  	_ =	swait.ge [sflag:s6], s4  }
0x9f: {  	s4 =	ssub.s32 $0x0, s4;
	[sflag:s6] =	ssyncset.done $0x0  }
0xa0: {  	[sflag:s6] =	ssyncadd.s32 s4;
	_ =	sdelay $0x1  }
0xa1: {  	s23 =	simm.s32 $0x1B8B  }
0xa2: {  	_ =	swait.ge [sflag:s23], $0x1  }
0xa3: {  	[sflag:s23] =	ssyncset.done $0x0  }
0xa4: {  	[sflag:s23] =	ssyncadd.s32 $0xFFFFFFFF  }
0xa5: {  	s4 =	sld [smem:$0x0]  }
0xa6: {  	s5 =	sand.u32 $0xFFFFFFFE, s1  }
0xa7: {  	p0 =	sne.s32 s1, s5  }
0xa8: {  	s5 =	sshll.u32 @p0 s5, $0xE  }
0xa9: {  	s5 =	sadd.s32 @p0 $0x11B8D, s5;
	s6 =	sshll.u32 @p0 s4, $0x11  }
0xaa: {  	s5 =	sor.u32 @p0 s6, s5  }
0xab: {  	[sflag:s5] =	ssyncadd.remote.s32 @p0 $0x1;
	_ =	sdelay $0x1  }
0xac: {  	s5 =	simm.s32 @p0 $0x1B8D  }
0xad: {  	_ =	swait.eq @p0 [sflag:s5], $0x1  }
0xae: {  	[sflag:s5] =	ssyncadd.s32 @p0 $0xFFFFFFFF  }
0xaf: {  	s6 =	sshll.u32 @!p0 s1, $0xE  }
0xb0: {  	s6 =	sor.u32 @!p0 $0x4000, s6;
	s5 =	simm.s32 @!p0 $0x1B8D  }
0xb1: {  	s4 =	sshll.u32 @!p0 s4, $0x11;
	s6 =	sadd.s32 @!p0 $0x11B8D, s6;
	_ =	swait.eq @!p0 [sflag:s5], $0x1  }
0xb2: {  	s4 =	sor.u32 @!p0 s4, s6;
	[sflag:s5] =	ssyncadd.s32 @!p0 $0xFFFFFFFF  }
0xb3: {  	s25 =	simm.s32 $0x1B8E;
	s24 =	sld [smem:$0x3FFE];
	[sflag:s4] =	ssyncadd.remote.s32 @!p0 $0x1  }
0xb4: {  	s26 =	simm.s32 $execute0_lowered;
	[smem:$0x3FD2] =	sst s25  }
0xb5: {  	s5 =	sshll.u32 s26, $0x1;
	_ =	strace $0x80000076;
	[dreg:$0x1] =	wrdreg $0xFFFFFFFF  }
0xb6: {  	s28 =	simm.s32 $_size_execute0_lowered;
	s3 =	sadd.s32 s3, s5;
	[dreg:$0x0] =	wrdreg $0x0  }
0xb7: {  	s5 =	sshll.u32 s28, $0x1;
	[dreg:$0x2] =	wrdreg s3  }
0xb8: {  	[dreg:$0x3] =	wrdreg s5  }
0xb9: {  	[dreg:$0x4] =	wrdreg $0xC0  }
0xba: {  	_ =	task [dreg:s22], $0x5FFFF  }
0xbb: {  	[dreg:$0x1] =	wrdreg $0xFFFFFFFF  }
0xbc: {  	[dreg:$0x0] =	wrdreg $0x60  }
0xbd: {  	[dreg:$0x2] =	wrdreg s24  }
0xbe: {  	[dreg:$0x3] =	wrdreg $0xA  }
0xbf: {  	_ =	task.clear_ibuf [dreg:s22], $0x4FFFF;
	_ =	strace $0x90000076  }
0xc0: {  	s29 =	simm.s32 $0xA;
	_ =	strace $0x80000078  }
0xc1: {  	_ =	swait.ge [sflag:s29], $0x1  }
0xc2: {  	[sflag:s29] =	ssyncadd.s32 $0xFFFFFFFF  }
0xc3: {  	_ =	strace $0x90000078  }
0xc4: {  	_ =	sfence  }
0xc5: {  	s30 =	sld [smem:$0x0];
	_ =	sdelay $0x2  }
0xc6: {  	s31 =	sshll.u32 s1, $0xD;
	s1 =	sshrl.u32 s1, $0x2  }
0xc7: {  	s4 =	sand.u32 $0x4000, s31;
	s1 =	sadd.s32 s1, s30  }
0xc8: {  	s0 =	sor.u32 s4, s0;
	s1 =	sshll.u32 s1, $0x11  }
0xc9: {  	s0 =	sor.u32 s1, s0  }
0xca: {  	s0 =	sadd.s32 $0x8F2B, s0  }
0xcb: {  	[sflag:s0] =	ssyncadd.remote.s32 $0x1  }
0xcc: {  	_ =	sfence.sel $0xFFFF  }
0xcd: {  	[dreg:$0x0] =	wrdreg $0xFFFFFFFF;
	(pc) =	sbr.abs _section_cstart, $3  }
0xce: {  	[dreg:$0x1] =	wrdreg $0xFFFFFFFF  }
0xcf: {  	_ =	task.clear_ibuf [dreg:s22], $0x2FFFF;
	_ =	strace $0x9FFFFFFF  }
0xd0: {  	(tm) =	ssettm $0x7FFFFFFF  }
0xd1: {  	_ =	shalt  }
tec
execute0_lowered:
.L_overlay_start_1:
0x0: {  	(tag) =	ssettag $0x1  }
0x1: {  	s0 =	srdreg.scid;
	s5 =	rddreg [dreg:$0x0]  }
0x2: {  	s1 =	stileid.u32;
	s6 =	simm.s32 $0x1;
	s9 =	simm.s32 $0x1  }
0x3: {  	s10 =	simm.s32 $0x3;
	s13 =	simm.s32 $0x0;
	s2 =	sshll.u32 s0, $0x6  }
0x4: {  	s12 =	simm.s32 $0x0;
	s3 =	sshll.u32 s1, $0x7;
	s2 =	sand.u32 $0x40, s2  }
0x5: {  	s0 =	rddreg [dreg:$0x1];
	_ =	strace $0x80000077;
	s2 =	sor.u32 s3, s2  }
0x6: {  	s4 =	sadd.s32 $0xCE00, s5;
	[sflag:s6] =	ssyncpa.u1 $0x0;
	s8 =	ssub.s32 $0x1000, s2  }
.Ltmp0:
0x7: {  	s3 =	sadd.s32 $0x35A00, s5;
	s7 =	sand.u32 $0x7C0, s8;
	(pc) =	sbr.rel .LBB2_1-.Ltmp0, $4  }
0x8: {  	s5 =	sadd.s32 $0x5000, s5;
	s11 =	smov.u32 s2;
	p0 =	sne.s32 s7, $0x0  }
0x9: {  	s8 =	sshrl.u32 s8, $0xB;
	s7 =	simm.s32 $0x2;
	s9 =	simm.s32 @!p0 $0x0  }
0xa: {  	[sflag:s7] =	ssyncpa.u1 $0x0;
	p0 =	por $0x0, $0x0;
	s8 =	sadd.s32 s9, s8  }
0xb: {  	vm0 =	vmmov $0xffff;
	[sflag:s10] =	ssyncpa.u1 $0x0;
	s10 =	simm.s32 $0x0;
	s9 =	sadd.s32 $0x1, s8  }
.LBB2_4:
0xc: {  	v2 =	vnsel vm1, $0x0, v2  }
0xd: {  	vm1 =	vgt.s32 v0, $0x0;
	v2 =	vmin.u32 v2, $0x40000  }
0xe: {  	v0 =	vnsel vm1, $0x0, v0  }
0xf: {  	v0 =	vmin.u32 v0, $0x40000  }
0x10: {  	[tilespmem:s15], [sflag:$0x1] =	stream.indirect_vreg.gather [hbm4b:s3+s10], $0x1, v1, vm0, $0x4038;
	[tilespmem:$0x100] =	vst v63  }
0x11: {  	(ifvalue) =	ssetifvalue $0x7FFFFFFF  }
0x12: {  	[tilespmem:s16], [sflag:$0x1] =	stream.indirect_vreg.gather [hbm4b:s3+s10], $0x1, v2, vm0, $0x4038;
	[tilespmem:$0x100] =	vst v63  }
0x13: {  	s29 =	sadd.s32 $0x10, s16;
	(ifvalue) =	ssetifvalue $0x7FFFFFFF  }
0x14: {  	[tilespmem:s29], [sflag:$0x1] =	stream.indirect_vreg.gather [hbm4b:s3+s10], $0x1, v0, vm0, $0x4038;
	[tilespmem:$0x100] =	vst v63  }
0x15: {  	_ =	swait.ge [sflag:s6], $0x40  }
0x16: {  	s30 =	sshrl.u32 s13, $0x3;
	[sflag:s6] =	ssyncset.done $0x0  }
0x17: {  	s31 =	sand.u32 $0x7, s13;
	s15 =	sadd.s32 s5, s30;
	[sflag:s6] =	ssyncadd.s32 $0xFFFFFFC0  }
0x18: {  	[hbm4b:s15+s31] =	stream.linear.scatter [tilespmem:s14], [sflag:$0x3], $0x40, $0x38;
	[tilespmem:$0x100] =	vst v63  }
.LBB2_5:
0x19: {  	s15 =	sadd.s32 $0x800, s11  }
0x1a: {  	p2 =	sgt.s32 s15, $0xFFF  }
0x1b: {  	s15 =	smov.u32 @p2 s2;
	p2 =	sne.s32 s12, s9  }
.Ltmp1:
0x1c: {  	p1 =	slt.u32 s12, $0x2;
	(pc) =	sbr.rel @!p2 .LBB2_6-.Ltmp1, $4  }
0x1d: {  	s14 =	simm.s32 @!p1 $0x3  }
0x1e: {  	s16 =	sadd.s32 $0x1, s12;
	_ =	swait.ge @!p1 [sflag:s14], $0x40  }
0x1f: {  	s13 =	smov.u32 s11;
	p0 =	por !p0, !p0;
	[sflag:s14] =	ssyncset.done @!p1 $0x0  }
0x20: {  	s12 =	smov.u32 s16;
	s11 =	smov.u32 s15;
	[sflag:s14] =	ssyncadd.s32 @!p1 $0xFFFFFFC0  }
.LBB2_1:
0x21: {  	p1 =	sge.u32 s12, s8  }
0x22: {  	s14 =	sxor.u32 @!p1 $0xFFFFFFFF, s12  }
0x23: {  	s31 =	sadd.s32 $0xFFFFFFFF, s12;
	s15 =	sshrl.u32 @!p1 s11, $0x3;
	s14 =	sshll.u32 @!p1 s14, $0x6  }
0x24: {  	s16 =	sand.u32 @!p1 $0x7, s11;
	s15 =	sadd.s32 @!p1 s4, s15;
	s14 =	sand.u32 @!p1 $0x40, s14  }
0x25: {  	[tilespmem:s14], [sflag:$0x2] =	stream.linear.gather @!p1 [hbm4b:s15+s16], $0x40, $0x38;
	[tilespmem:$0x100] =	vst v63  }
0x26: {  	p1 =	sge.u32 s31, s8  }
.Ltmp2:
0x27: {  	_ = 	snop;
	(pc) =	sbr.rel @p1 .LBB2_5-.Ltmp2, $1  }
0x28: {  	_ =	sdelay $0x3  }
0x29: {  	s14 =	simm.s32 $0x1  }
0x2a: {  	_ =	swait.ge [sflag:s7], $0x40;
	s14 =	simm.s32 @!p0 $0x0  }
0x2b: {  	[sflag:s7] =	ssyncset.done $0x0;
	s14 =	sshll.u32 s14, $0x6  }
0x2c: {  	[sflag:s7] =	ssyncadd.s32 $0xFFFFFFC0;
	(ifvalue) =	ssetifvalue $0x7FFFFFFF;
	v0 =	vld.msk [tilespmem:s14+$0x0 ss:$0x1], $0xffff;
	_ =	sdelay $0x4  }
0x2d: {  	s15 =	sadd.s32 $0x10, s14;
	vm1 =	vgt.s32 v0, $0x0  }
0x2e: {  	v2 =	vld.msk [tilespmem:s15+$0x0 ss:$0x1], $0xffff;
	v1 =	vnsel vm1, $0x0, v0  }
0x2f: {  	v1 =	vmin.u32 v1, $0x40000;
	_ =	sdelay $0x1  }
0x30: {  	s16 =	sshll.u32 s12, $0x6;
	s18 =	simm.s32 $0x20  }
0x31: {  	s16 =	sand.u32 $0x40, s16;
	s17 =	sadd.s32 $0x10, s15;
	s15 =	sor.u32 $0x80, s14  }
0x32: {  	s14 =	sor.u32 $0x80, s16;
	s16 =	sadd.s32 $0x10, s15;
	v0 =	vld.msk [tilespmem:s17+$0x0 ss:$0x1], $0xffff;
	vm1 =	vgt.s32 v2, $0x0;
	(ifvalue) =	ssetifvalue $0x7FFFFFFF  }
.LBB2_3:
0x33: {  	[tilespmem:s15], [sflag:$0x1] =	stream.indirect_vreg.gather [hbm4b:s3+s10], $0x1, v1, vm0, $0x4038;
	[tilespmem:$0x100] =	vst v63  }
0x34: {  	s18 =	sadd.s32 $0x10, s18  }
0x35: {  	v2 =	vnsel vm1, $0x0, v2;
	p1 =	slt.u32 s18, $0x30  }
.Ltmp3:
0x36: {  	s15 =	smov.u32 s16;
	v1 =	vmin.u32 v2, $0x40000;
	(pc) =	sbr.rel @p1 .LBB2_3-.Ltmp3, $3  }
0x37: {  	_ =	sdelay $0x1  }
0x38: {  	s17 =	sadd.s32 $0x10, s17  }
0x39: {  	vm1 =	vgt.s32 v0, $0x0;
	s16 =	sadd.s32 $0x10, s16;
	v2 =	vmov v0;
	(ifvalue) =	ssetifvalue $0x7FFFFFFF;
	v0 =	vld.msk [tilespmem:s17+$0x0 ss:$0x1], $0xffff  }
.Ltmp4:
0x3a: {  	_ = 	snop;
	(pc) =	sbr.rel .LBB2_4-.Ltmp4, $1  }
0x3b: {  	_ =	sdelay $0x3  }
.LBB2_6:
0x3c: {  	_ =	sfence.sel $0x180000  }
0x3d: {  	s2 =	simm.s32 $0x2;
	[bflag:$0x0] =	sbarrier.arrive $0xFFFF  }
0x3e: {  	s30 =	simm.s32 $0x3;
	[sflag:s2] =	ssyncpa.u1 $0x1  }
0x3f: {  	s31 =	simm.s32 $0x1;
	[sflag:s30] =	ssyncpa.u1 $0x1  }
0x40: {  	[sflag:s31] =	ssyncpa.u1 $0x1  }
0x41: {  	p0 =	sne.s32 s1, $0x0;
	_ =	strace $0x90000077  }
0x42: {  	s0 =	sadd.s32 @!p0 $0x100000, s0;
	[bflag:$0x2] =	sbarrier.arrive $0xFFFF  }
0x43: {  	[sflag:s0] =	ssyncadd.tile.s32 @!p0 $0x1;
	_ =	shalt  }
.Lfunc_end2:
_tile_overlayer_lowered:
.L_overlay_start_2:
0x44: {  	(tag) =	ssettag $0x2  }
0x45: {  	s0 =	rddreg [dreg:$0x0];
	s2 =	stileid.u32  }
0x46: {  	s1 =	rddreg [dreg:$0x1];
	p0 =	sne.s32 s2, $0x0  }
0x47: {  	s3 =	rddreg [dreg:$0x2];
	[bflag:$0x3] =	sbarrier.arrive $0xFFFF;
	s2 =	simm.s32 @!p0 $0x1C01  }
0x48: {  	[timem:s3], [sflag:s2] =	dma.local @!p0 [hbm:s0], s1  }
0x49: {  	s0 =	simm.s32 @!p0 $0x1  }
0x4a: {  	_ =	swait.ge @!p0 [sflag:s0], s1  }
0x4b: {  	s1 =	ssub.s32 @!p0 $0x0, s1;
	[sflag:s0] =	ssyncset.done @!p0 $0x0  }
0x4c: {  	[sflag:s0] =	ssyncadd.s32 @!p0 s1  }
0x4d: {  	[bflag:$0x3] =	sbarrier.arrive $0xFFFF  }
0x4e: {  	_ =	shalt  }

// kernel: gather_offload_async_start.4
scs
__scs_entry_jumppad:
0x0: {  	(pc) =	sbr.rel $0x88, $3  }
0x1: {  	(tag) =	ssettag $0x0;
	lr =	simm.s32 $0x1  }
0x2: {  	[smem:$0x3F99] =	sst lr;
	_ =	strace $0xD0000000  }
0x3: {  	_ = 	snop  }
0x4: {  	_ = 	snop  }
0x5: {  	_ = 	snop  }
0x6: {  	_ = 	snop  }
0x7: {  	_ = 	snop  }
__scs_overlays_trampoline_lowered:
0x8: {  	[smem:$0x3FA8] =	sst s0  }
0x9: {  	[smem:$0x3FA9] =	sst s1  }
0xa: {  	[smem:$0x3FAA] =	sst s2  }
0xb: {  	[smem:$0x3FAB] =	sst s3  }
0xc: {  	[smem:$0x3FAC] =	sst s4  }
0xd: {  	[smem:$0x3FAD] =	sst s5  }
0xe: {  	[smem:$0x3FAE] =	sst s6  }
0xf: {  	[smem:$0x3FAF] =	sst s7  }
0x10: {  	[smem:$0x3FB0] =	sst s8  }
0x11: {  	[smem:$0x3FB1] =	sst s9;
	s0 =	simm.s32 @!p0 $0x0  }
0x12: {  	s1 =	sld [smem:$0x3F97];
	s0 =	simm.s32 @p0 $0x1  }
0x13: {  	[smem:$0x3FB2] =	sst s0;
	s0 =	simm.s32 @!p1 $0x0  }
0x14: {  	s2 =	sld [smem:$0x3F96];
	s0 =	simm.s32 @p1 $0x1  }
0x15: {  	[smem:$0x3FB3] =	sst s0;
	s0 =	simm.s32 @!p2 $0x0  }
0x16: {  	s3 =	sld [smem:$0x3FDB];
	s0 =	simm.s32 @p2 $0x1  }
0x17: {  	s4 =	simm.s32 $0x1BF5;
	[smem:$0x3FB5] =	sst s0  }
0x18: {  	s0 =	sld [smem:$0x3F98];
	_ =	swait.ge [sflag:s4], $0x0  }
0x19: {  	s7 =	sld [smem:$0x3F99]  }
0x1a: {  	s8 =	sadd.s32 $0xFFFFE003, lr  }
0x1b: {  	s9 =	sadd.s32 $0xFFFFFEF7, lr;
	s5 =	simm.s32 $0xFFFFFFFF;
	p2 =	slt.u32 s8, $0xFFFFF086  }
0x1c: {  	p1 =	slt.u32 s9, $0xF7A;
	s5 =	simm.s32 @!p2 $0x0  }
0x1d: {  	s5 =	simm.s32 @p1 $0x1;
	p0 =	seq.s32 s7, s2  }
0x1e: {  	s7 =	smul.u32 @!p0 $0xF7A, s2;
	p2 =	seq.s32 @!p0 s5, $0x0  }
0x1f: {  	s9 =	smul.u32 $0xF7A, s1;
	s8 =	simm.s32 @!p0 $0x1BF5;
	p2 =	por !p2, p0  }
0x20: {  	[sflag:s8] =	ssyncset.s32 @!p0 $0xFFFFF086;
	s6 =	sadd.s32 @!p0 s3, s7;
	s7 =	simm.s32 @!p0 $0x108  }
0x21: {  	s3 =	sadd.s32 s3, s9;
	s6 =	sadd.s32 @!p0 $0x88, s6;
	s7 =	simm.s32 @p2 $0x1082  }
0x22: {  	[simem:s7], [sflag:s8] =	dma.local @!p0 [hbm:s6], $0xF7A  }
0x23: {  	s9 =	sor.u32 $0xD0000000, s2;
	s6 =	simm.s32 $0x108;
	_ =	swait.ge @!p0 [sflag:s8], $0x0  }
0x24: {  	s3 =	sadd.s32 $0x88, s3;
	s6 =	simm.s32 @!p1 $0x1082;
	[sflag:s4] =	ssyncset.s32 $0xFFFFF086  }
0x25: {  	[simem:s6], [sflag:s4] =	dma.local [hbm:s3], $0xF7A  }
0x26: {  	[smem:$0x3F99] =	sst s1;
	(tag) =	ssettag s2;
	_ =	strace s9  }
0x27: {  	s1 =	sld [smem:$0x3FA9]  }
0x28: {  	s2 =	sld [smem:$0x3FAA]  }
0x29: {  	s4 =	sld [smem:$0x3FAC]  }
0x2a: {  	p0 =	seq.s32 s5, $0x0;
	s5 =	sld [smem:$0x3FAD]  }
0x2b: {  	s6 =	sld [smem:$0x3FAE]  }
0x2c: {  	s7 =	sld [smem:$0x3FAF]  }
0x2d: {  	s3 =	simm.s32 $0x108;
	s8 =	sld [smem:$0x3FB0]  }
0x2e: {  	s3 =	simm.s32 @!p0 $0x1082;
	s9 =	sld [smem:$0x3FB1]  }
0x2f: {  	lr =	sadd.s32 s0, s3;
	s0 =	sld [smem:$0x3FA8]  }
0x30: {  	s3 =	sld [smem:$0x3FAB]  }
0x31: {  	[smem:$0x3FB4] =	sst s10  }
0x32: {  	s10 =	sld [smem:$0x3FB2];
	_ =	sdelay $0x3  }
0x33: {  	p0 =	seq.s32 s10, $0x1;
	s10 =	sld [smem:$0x3FB4];
	_ =	sdelay $0x3  }
0x34: {  	[smem:$0x3FB4] =	sst s10  }
0x35: {  	s10 =	sld [smem:$0x3FB3];
	_ =	sdelay $0x3  }
0x36: {  	p1 =	seq.s32 s10, $0x1;
	s10 =	sld [smem:$0x3FB4];
	_ =	sdelay $0x3  }
0x37: {  	[smem:$0x3FB4] =	sst s10  }
0x38: {  	s10 =	sld [smem:$0x3FB5]  }
0x39: {  	_ = 	snop;
	(pc) =	sbr.ind lr, $3  }
0x3a: {  	_ = 	snop  }
0x3b: {  	_ = 	snop  }
0x3c: {  	p2 =	seq.s32 s10, $0x1;
	s10 =	sld [smem:$0x3FB4]  }
0x3d: {  	_ =	shalt  }
0x3e: {  	_ =	shalt  }
0x3f: {  	_ =	shalt  }
0x40: {  	_ =	shalt  }
0x41: {  	_ =	shalt  }
0x42: {  	_ =	shalt  }
0x43: {  	_ =	shalt  }
0x44: {  	_ =	shalt  }
0x45: {  	_ =	shalt  }
0x46: {  	_ =	shalt  }
0x47: {  	_ =	shalt  }
0x48: {  	_ =	shalt  }
0x49: {  	_ =	shalt  }
0x4a: {  	_ =	shalt  }
0x4b: {  	_ =	shalt  }
0x4c: {  	_ =	shalt  }
0x4d: {  	_ =	shalt  }
0x4e: {  	_ =	shalt  }
0x4f: {  	_ =	shalt  }
0x50: {  	_ =	shalt  }
0x51: {  	_ =	shalt  }
0x52: {  	_ =	shalt  }
0x53: {  	_ =	shalt  }
0x54: {  	_ =	shalt  }
0x55: {  	_ =	shalt  }
0x56: {  	_ =	shalt  }
0x57: {  	_ =	shalt  }
0x58: {  	_ =	shalt  }
0x59: {  	_ =	shalt  }
0x5a: {  	_ =	shalt  }
0x5b: {  	_ =	shalt  }
0x5c: {  	_ =	shalt  }
0x5d: {  	_ =	shalt  }
0x5e: {  	_ =	shalt  }
0x5f: {  	_ =	shalt  }
0x60: {  	_ =	shalt  }
0x61: {  	_ =	shalt  }
0x62: {  	_ =	shalt  }
0x63: {  	_ =	shalt  }
0x64: {  	_ =	shalt  }
0x65: {  	_ =	shalt  }
0x66: {  	_ =	shalt  }
0x67: {  	_ =	shalt  }
0x68: {  	_ =	shalt  }
0x69: {  	_ =	shalt  }
0x6a: {  	_ =	shalt  }
0x6b: {  	_ =	shalt  }
0x6c: {  	_ =	shalt  }
0x6d: {  	_ =	shalt  }
0x6e: {  	_ =	shalt  }
0x6f: {  	_ =	shalt  }
0x70: {  	_ =	shalt  }
0x71: {  	_ =	shalt  }
0x72: {  	_ =	shalt  }
0x73: {  	_ =	shalt  }
0x74: {  	_ =	shalt  }
0x75: {  	_ =	shalt  }
0x76: {  	_ =	shalt  }
0x77: {  	_ =	shalt  }
0x78: {  	_ =	shalt  }
0x79: {  	_ =	shalt  }
0x7a: {  	_ =	shalt  }
0x7b: {  	_ =	shalt  }
0x7c: {  	_ =	shalt  }
0x7d: {  	_ =	shalt  }
0x7e: {  	_ =	shalt  }
0x7f: {  	_ =	shalt  }
0x80: {  	_ =	shalt  }
0x81: {  	_ =	shalt  }
0x82: {  	_ =	shalt  }
0x83: {  	_ =	shalt  }
0x84: {  	_ =	shalt  }
0x85: {  	_ =	shalt  }
0x86: {  	_ =	shalt  }
0x87: {  	_ =	shalt  }
.Lfunc_end0:
.L_simem_size_0:
called_computation.4_lowered:
.L_overlay_start_0:
0x88: {  	s2 =	sld [smem:$0x3FD9]  }
0x89: {  	s3 =	sld [smem:$0x3FFE];
	_ =	sdelay $0x1  }
0x8a: {  	s1 =	srdreg.scid  }
0x8b: {  	s0 =	sand.u32 $0x1, s1  }
0x8c: {  	s15 =	sshll.u32 s0, $0xA;
	s2 =	sadd.s32 s3, s2  }
0x8d: {  	s2 =	sadd.s32 s2, s15  }
0x8e: {  	[smem:$0x3FC0] =	sst s2  }
0x8f: {  	_ = 	snop  }
0x90: {  	s2 =	sld [smem:$0x3FD0];
	_ =	sdelay $0x2  }
0x91: {  	s4 =	simm.s32 $0xC;
	s16 =	simm.s32 $0x10  }
0x92: {  	[smem:s16], [sflag:s4] =	dma.local [hbm:s2], $0x1  }
0x93: {  	_ =	swait.eq [sflag:s4], $0x1  }
0x94: {  	[sflag:s4] =	ssyncset.done $0x0  }
0x95: {  	s17 =	sld [smem:$0x13];
	[sflag:s4] =	ssyncadd.s32 $0xFFFFFFFF  }
0x96: {  	s18 =	sld [smem:$0x15];
	(tm) =	ssettm $0x1  }
0x97: {  	s19 =	sld [smem:$0x3FFB];
	_ =	sdelay $0x3  }
0x98: {  	_ =	strace s19  }
0x99: {  	s2 =	sld [smem:$0x3FFC];
	_ =	sdelay $0x3  }
0x9a: {  	_ =	strace s2  }
0x9b: {  	s2 =	sld [smem:$0x3FFD];
	_ =	sdelay $0x3  }
0x9c: {  	_ =	strace s2  }
0x9d: {  	_ =	strace $0x8FFFFFFF  }
0x9e: {  	s20 =	sld [smem:$0x3FDB];
	_ =	sdelay $0x1  }
0x9f: {  	s5 =	simm.s32 $_scs_section_size  }
0xa0: {  	s6 =	simm.s32 $_size__tile_overlayer_lowered;
	s7 =	simm.s32 $_tile_overlayer_lowered  }
0xa1: {  	s8 =	simm.s32 $0x1BFF;
	s21 =	sshll.u32 s7, $0x1;
	s5 =	sadd.s32 s5, s20  }
0xa2: {  	s22 =	simm.s32 $0x0;
	s6 =	sshll.u32 s6, $0x1;
	s7 =	sadd.s32 s21, s5  }
0xa3: {  	[timem:s22], [sflag:s8] =	dma.local [hbm:s7], s6  }
0xa4: {  	_ =	swait.ge [sflag:s8], s6  }
0xa5: {  	s6 =	ssub.s32 $0x0, s6;
	[sflag:s8] =	ssyncset.done $0x0  }
0xa6: {  	[sflag:s8] =	ssyncadd.s32 s6;
	_ =	sdelay $0x1  }
0xa7: {  	s23 =	simm.s32 $0x1B8B  }
0xa8: {  	_ =	swait.ge [sflag:s23], $0x1  }
0xa9: {  	[sflag:s23] =	ssyncset.done $0x0  }
0xaa: {  	[sflag:s23] =	ssyncadd.s32 $0xFFFFFFFF  }
0xab: {  	s6 =	sld [smem:$0x0]  }
0xac: {  	s7 =	sand.u32 $0xFFFFFFFE, s1  }
0xad: {  	p0 =	sne.s32 s1, s7  }
0xae: {  	s7 =	sshll.u32 @p0 s7, $0xE  }
0xaf: {  	s7 =	sadd.s32 @p0 $0x11B8D, s7;
	s8 =	sshll.u32 @p0 s6, $0x11  }
0xb0: {  	s7 =	sor.u32 @p0 s8, s7  }
0xb1: {  	[sflag:s7] =	ssyncadd.remote.s32 @p0 $0x1;
	_ =	sdelay $0x1  }
0xb2: {  	s7 =	simm.s32 @p0 $0x1B8D  }
0xb3: {  	_ =	swait.eq @p0 [sflag:s7], $0x1  }
0xb4: {  	[sflag:s7] =	ssyncadd.s32 @p0 $0xFFFFFFFF  }
0xb5: {  	s8 =	sshll.u32 @!p0 s1, $0xE  }
0xb6: {  	s8 =	sor.u32 @!p0 $0x4000, s8;
	s7 =	simm.s32 @!p0 $0x1B8D  }
0xb7: {  	s6 =	sshll.u32 @!p0 s6, $0x11;
	s8 =	sadd.s32 @!p0 $0x11B8D, s8;
	_ =	swait.eq @!p0 [sflag:s7], $0x1  }
0xb8: {  	s6 =	sor.u32 @!p0 s6, s8;
	[sflag:s7] =	ssyncadd.s32 @!p0 $0xFFFFFFFF  }
0xb9: {  	s25 =	simm.s32 $0x1B8E;
	s24 =	sld [smem:$0x3FFE];
	[sflag:s6] =	ssyncadd.remote.s32 @!p0 $0x1  }
0xba: {  	s26 =	simm.s32 $execute0_lowered;
	[smem:$0x3FD2] =	sst s25  }
0xbb: {  	s7 =	sshll.u32 s26, $0x1;
	_ =	strace $0x80000055;
	[dreg:$0x1] =	wrdreg $0xFFFFFFFF  }
0xbc: {  	s28 =	simm.s32 $_size_execute0_lowered;
	s5 =	sadd.s32 s5, s7;
	[dreg:$0x0] =	wrdreg $0x0  }
0xbd: {  	s7 =	sshll.u32 s28, $0x1;
	[dreg:$0x2] =	wrdreg s5  }
0xbe: {  	[dreg:$0x3] =	wrdreg s7  }
0xbf: {  	[dreg:$0x4] =	wrdreg $0xC0  }
0xc0: {  	_ =	task [dreg:s22], $0x5FFFF  }
0xc1: {  	[dreg:$0x1] =	wrdreg $0xFFFFFFFF  }
0xc2: {  	[dreg:$0x0] =	wrdreg $0x60  }
0xc3: {  	[dreg:$0x2] =	wrdreg s24  }
0xc4: {  	[dreg:$0x3] =	wrdreg s17  }
0xc5: {  	[dreg:$0x4] =	wrdreg s18  }
0xc6: {  	[dreg:$0x5] =	wrdreg $0xA  }
0xc7: {  	_ =	task.clear_ibuf [dreg:s22], $0x6FFFF;
	_ =	strace $0x90000055  }
0xc8: {  	s29 =	simm.s32 $0xA;
	_ =	strace $0x80000057  }
0xc9: {  	_ =	swait.ge [sflag:s29], $0x1  }
0xca: {  	[sflag:s29] =	ssyncadd.s32 $0xFFFFFFFF  }
0xcb: {  	_ =	strace $0x90000057  }
0xcc: {  	_ =	sfence  }
0xcd: {  	s30 =	sld [smem:$0x0];
	_ =	sdelay $0x2  }
0xce: {  	s31 =	sshll.u32 s1, $0xD;
	s1 =	sshrl.u32 s1, $0x2  }
0xcf: {  	s4 =	sand.u32 $0x4000, s31;
	s1 =	sadd.s32 s1, s30  }
0xd0: {  	s0 =	sor.u32 s4, s0;
	s1 =	sshll.u32 s1, $0x11  }
0xd1: {  	s0 =	sor.u32 s1, s0  }
0xd2: {  	s0 =	sadd.s32 $0x8F2B, s0  }
0xd3: {  	[sflag:s0] =	ssyncadd.remote.s32 $0x1  }
0xd4: {  	_ =	sfence.sel $0xFFFF  }
0xd5: {  	[dreg:$0x0] =	wrdreg $0xFFFFFFFF;
	(pc) =	sbr.abs _section_cstart, $3  }
0xd6: {  	[dreg:$0x1] =	wrdreg $0xFFFFFFFF  }
0xd7: {  	_ =	task.clear_ibuf [dreg:s22], $0x2FFFF;
	_ =	strace $0x9FFFFFFF  }
0xd8: {  	(tm) =	ssettm $0x7FFFFFFF  }
0xd9: {  	_ =	shalt  }
tec
execute0_lowered:
.L_overlay_start_1:
0x0: {  	(tag) =	ssettag $0x1  }
0x1: {  	s5 =	rddreg [dreg:$0x0]  }
0x2: {  	s1 =	srdreg.scid;
	s2 =	rddreg [dreg:$0x1]  }
0x3: {  	s0 =	stileid.u32;
	s3 =	rddreg [dreg:$0x2]  }
0x4: {  	s9 =	simm.s32 $0x1;
	s10 =	simm.s32 $0x3;
	s1 =	sshll.u32 s1, $0x6  }
0x5: {  	s13 =	simm.s32 $0x0;
	s4 =	sshll.u32 s0, $0x7;
	s6 =	sand.u32 $0x40, s1  }
0x6: {  	s12 =	simm.s32 $0x0;
	s5 =	sadd.s32 $0x25600, s5;
	s4 =	sor.u32 s4, s6  }
0x7: {  	s1 =	rddreg [dreg:$0x3];
	_ =	strace $0x80000056;
	s8 =	ssub.s32 $0x1000, s4  }
.Ltmp0:
0x8: {  	s6 =	simm.s32 $0x1;
	s7 =	sand.u32 $0x7C0, s8;
	(pc) =	sbr.rel .LBB2_1-.Ltmp0, $4  }
0x9: {  	[sflag:s6] =	ssyncpa.u1 $0x0;
	s11 =	smov.u32 s4;
	p0 =	sne.s32 s7, $0x0  }
0xa: {  	s8 =	sshrl.u32 s8, $0xB;
	s7 =	simm.s32 $0x2;
	s9 =	simm.s32 @!p0 $0x0  }
0xb: {  	[sflag:s7] =	ssyncpa.u1 $0x0;
	p0 =	por $0x0, $0x0;
	s8 =	sadd.s32 s9, s8  }
0xc: {  	vm0 =	vmmov $0xffff;
	[sflag:s10] =	ssyncpa.u1 $0x0;
	s10 =	simm.s32 $0x0;
	s9 =	sadd.s32 $0x1, s8  }
.LBB2_4:
0xd: {  	v2 =	vnsel vm1, $0x0, v2  }
0xe: {  	vm1 =	vgt.s32 v0, $0x0;
	v2 =	vmin.u32 v2, $0x40000  }
0xf: {  	v0 =	vnsel vm1, $0x0, v0  }
0x10: {  	v0 =	vmin.u32 v0, $0x40000  }
0x11: {  	[tilespmem:s15], [sflag:$0x1] =	stream.indirect_vreg.gather [hbm4b:s5+s10], $0x1, v1, vm0, $0x4038;
	[tilespmem:$0x100] =	vst v63  }
0x12: {  	(ifvalue) =	ssetifvalue $0x7FFFFFFF  }
0x13: {  	[tilespmem:s16], [sflag:$0x1] =	stream.indirect_vreg.gather [hbm4b:s5+s10], $0x1, v2, vm0, $0x4038;
	[tilespmem:$0x100] =	vst v63  }
0x14: {  	s29 =	sadd.s32 $0x10, s16;
	(ifvalue) =	ssetifvalue $0x7FFFFFFF  }
0x15: {  	[tilespmem:s29], [sflag:$0x1] =	stream.indirect_vreg.gather [hbm4b:s5+s10], $0x1, v0, vm0, $0x4038;
	[tilespmem:$0x100] =	vst v63  }
0x16: {  	_ =	swait.ge [sflag:s6], $0x40  }
0x17: {  	s30 =	sshrl.u32 s13, $0x3;
	[sflag:s6] =	ssyncset.done $0x0  }
0x18: {  	s31 =	sand.u32 $0x7, s13;
	s15 =	sadd.s32 s3, s30;
	[sflag:s6] =	ssyncadd.s32 $0xFFFFFFC0  }
0x19: {  	[hbm4b:s15+s31] =	stream.linear.scatter [tilespmem:s14], [sflag:$0x3], $0x40, $0x38;
	[tilespmem:$0x100] =	vst v63  }
.LBB2_5:
0x1a: {  	s15 =	sadd.s32 $0x800, s11  }
0x1b: {  	p2 =	sgt.s32 s15, $0xFFF  }
0x1c: {  	s15 =	smov.u32 @p2 s4;
	p2 =	sne.s32 s12, s9  }
.Ltmp1:
0x1d: {  	p1 =	slt.u32 s12, $0x2;
	(pc) =	sbr.rel @!p2 .LBB2_6-.Ltmp1, $4  }
0x1e: {  	s14 =	simm.s32 @!p1 $0x3  }
0x1f: {  	s16 =	sadd.s32 $0x1, s12;
	_ =	swait.ge @!p1 [sflag:s14], $0x40  }
0x20: {  	s13 =	smov.u32 s11;
	p0 =	por !p0, !p0;
	[sflag:s14] =	ssyncset.done @!p1 $0x0  }
0x21: {  	s12 =	smov.u32 s16;
	s11 =	smov.u32 s15;
	[sflag:s14] =	ssyncadd.s32 @!p1 $0xFFFFFFC0  }
.LBB2_1:
0x22: {  	p1 =	sge.u32 s12, s8  }
0x23: {  	s14 =	sxor.u32 @!p1 $0xFFFFFFFF, s12  }
0x24: {  	s31 =	sadd.s32 $0xFFFFFFFF, s12;
	s15 =	sshrl.u32 @!p1 s11, $0x3;
	s14 =	sshll.u32 @!p1 s14, $0x6  }
0x25: {  	s16 =	sand.u32 @!p1 $0x7, s11;
	s15 =	sadd.s32 @!p1 s2, s15;
	s14 =	sand.u32 @!p1 $0x40, s14  }
0x26: {  	[tilespmem:s14], [sflag:$0x2] =	stream.linear.gather @!p1 [hbm4b:s15+s16], $0x40, $0x38;
	[tilespmem:$0x100] =	vst v63  }
0x27: {  	p1 =	sge.u32 s31, s8  }
.Ltmp2:
0x28: {  	_ = 	snop;
	(pc) =	sbr.rel @p1 .LBB2_5-.Ltmp2, $1  }
0x29: {  	_ =	sdelay $0x3  }
0x2a: {  	s14 =	simm.s32 $0x1  }
0x2b: {  	_ =	swait.ge [sflag:s7], $0x40;
	s14 =	simm.s32 @!p0 $0x0  }
0x2c: {  	[sflag:s7] =	ssyncset.done $0x0;
	s14 =	sshll.u32 s14, $0x6  }
0x2d: {  	[sflag:s7] =	ssyncadd.s32 $0xFFFFFFC0;
	(ifvalue) =	ssetifvalue $0x7FFFFFFF;
	v0 =	vld.msk [tilespmem:s14+$0x0 ss:$0x1], $0xffff;
	_ =	sdelay $0x4  }
0x2e: {  	s15 =	sadd.s32 $0x10, s14;
	vm1 =	vgt.s32 v0, $0x0  }
0x2f: {  	v2 =	vld.msk [tilespmem:s15+$0x0 ss:$0x1], $0xffff;
	v1 =	vnsel vm1, $0x0, v0  }
0x30: {  	v1 =	vmin.u32 v1, $0x40000;
	_ =	sdelay $0x1  }
0x31: {  	s16 =	sshll.u32 s12, $0x6;
	s18 =	simm.s32 $0x20  }
0x32: {  	s16 =	sand.u32 $0x40, s16;
	s17 =	sadd.s32 $0x10, s15;
	s15 =	sor.u32 $0x80, s14  }
0x33: {  	s14 =	sor.u32 $0x80, s16;
	s16 =	sadd.s32 $0x10, s15;
	v0 =	vld.msk [tilespmem:s17+$0x0 ss:$0x1], $0xffff;
	vm1 =	vgt.s32 v2, $0x0;
	(ifvalue) =	ssetifvalue $0x7FFFFFFF  }
.LBB2_3:
0x34: {  	[tilespmem:s15], [sflag:$0x1] =	stream.indirect_vreg.gather [hbm4b:s5+s10], $0x1, v1, vm0, $0x4038;
	[tilespmem:$0x100] =	vst v63  }
0x35: {  	s18 =	sadd.s32 $0x10, s18  }
0x36: {  	v2 =	vnsel vm1, $0x0, v2;
	p1 =	slt.u32 s18, $0x30  }
.Ltmp3:
0x37: {  	s15 =	smov.u32 s16;
	v1 =	vmin.u32 v2, $0x40000;
	(pc) =	sbr.rel @p1 .LBB2_3-.Ltmp3, $3  }
0x38: {  	_ =	sdelay $0x1  }
0x39: {  	s17 =	sadd.s32 $0x10, s17  }
0x3a: {  	vm1 =	vgt.s32 v0, $0x0;
	s16 =	sadd.s32 $0x10, s16;
	v2 =	vmov v0;
	(ifvalue) =	ssetifvalue $0x7FFFFFFF;
	v0 =	vld.msk [tilespmem:s17+$0x0 ss:$0x1], $0xffff  }
.Ltmp4:
0x3b: {  	_ = 	snop;
	(pc) =	sbr.rel .LBB2_4-.Ltmp4, $1  }
0x3c: {  	_ =	sdelay $0x3  }
.LBB2_6:
0x3d: {  	_ =	sfence.sel $0x180000  }
0x3e: {  	s2 =	simm.s32 $0x2;
	[bflag:$0x0] =	sbarrier.arrive $0xFFFF  }
0x3f: {  	s30 =	simm.s32 $0x3;
	[sflag:s2] =	ssyncpa.u1 $0x1  }
0x40: {  	s31 =	simm.s32 $0x1;
	[sflag:s30] =	ssyncpa.u1 $0x1  }
0x41: {  	[sflag:s31] =	ssyncpa.u1 $0x1  }
0x42: {  	p0 =	sne.s32 s0, $0x0;
	_ =	strace $0x90000056  }
0x43: {  	s0 =	sadd.s32 @!p0 $0x100000, s1;
	[bflag:$0x2] =	sbarrier.arrive $0xFFFF  }
0x44: {  	[sflag:s0] =	ssyncadd.tile.s32 @!p0 $0x1;
	_ =	shalt  }
.Lfunc_end2:
_tile_overlayer_lowered:
.L_overlay_start_2:
0x45: {  	(tag) =	ssettag $0x2  }
0x46: {  	s0 =	rddreg [dreg:$0x0];
	s2 =	stileid.u32  }
0x47: {  	s1 =	rddreg [dreg:$0x1];
	p0 =	sne.s32 s2, $0x0  }
0x48: {  	s3 =	rddreg [dreg:$0x2];
	[bflag:$0x3] =	sbarrier.arrive $0xFFFF;
	s2 =	simm.s32 @!p0 $0x1C01  }
0x49: {  	[timem:s3], [sflag:s2] =	dma.local @!p0 [hbm:s0], s1  }
0x4a: {  	s0 =	simm.s32 @!p0 $0x1  }
0x4b: {  	_ =	swait.ge @!p0 [sflag:s0], s1  }
0x4c: {  	s1 =	ssub.s32 @!p0 $0x0, s1;
	[sflag:s0] =	ssyncset.done @!p0 $0x0  }
0x4d: {  	[sflag:s0] =	ssyncadd.s32 @!p0 s1  }
0x4e: {  	[bflag:$0x3] =	sbarrier.arrive $0xFFFF  }
0x4f: {  	_ =	shalt  }

// kernel: gather_offload_async_start.5
scs
__scs_entry_jumppad:
0x0: {  	(pc) =	sbr.rel $0x88, $3  }
0x1: {  	(tag) =	ssettag $0x0;
	lr =	simm.s32 $0x1  }
0x2: {  	[smem:$0x3F99] =	sst lr;
	_ =	strace $0xD0000000  }
0x3: {  	_ = 	snop  }
0x4: {  	_ = 	snop  }
0x5: {  	_ = 	snop  }
0x6: {  	_ = 	snop  }
0x7: {  	_ = 	snop  }
__scs_overlays_trampoline_lowered:
0x8: {  	[smem:$0x3FA8] =	sst s0  }
0x9: {  	[smem:$0x3FA9] =	sst s1  }
0xa: {  	[smem:$0x3FAA] =	sst s2  }
0xb: {  	[smem:$0x3FAB] =	sst s3  }
0xc: {  	[smem:$0x3FAC] =	sst s4  }
0xd: {  	[smem:$0x3FAD] =	sst s5  }
0xe: {  	[smem:$0x3FAE] =	sst s6  }
0xf: {  	[smem:$0x3FAF] =	sst s7  }
0x10: {  	[smem:$0x3FB0] =	sst s8  }
0x11: {  	[smem:$0x3FB1] =	sst s9;
	s0 =	simm.s32 @!p0 $0x0  }
0x12: {  	s1 =	sld [smem:$0x3F97];
	s0 =	simm.s32 @p0 $0x1  }
0x13: {  	[smem:$0x3FB2] =	sst s0;
	s0 =	simm.s32 @!p1 $0x0  }
0x14: {  	s2 =	sld [smem:$0x3F96];
	s0 =	simm.s32 @p1 $0x1  }
0x15: {  	[smem:$0x3FB3] =	sst s0;
	s0 =	simm.s32 @!p2 $0x0  }
0x16: {  	s3 =	sld [smem:$0x3FDB];
	s0 =	simm.s32 @p2 $0x1  }
0x17: {  	s4 =	simm.s32 $0x1BF5;
	[smem:$0x3FB5] =	sst s0  }
0x18: {  	s0 =	sld [smem:$0x3F98];
	_ =	swait.ge [sflag:s4], $0x0  }
0x19: {  	s7 =	sld [smem:$0x3F99]  }
0x1a: {  	s8 =	sadd.s32 $0xFFFFE003, lr  }
0x1b: {  	s9 =	sadd.s32 $0xFFFFFEF7, lr;
	s5 =	simm.s32 $0xFFFFFFFF;
	p2 =	slt.u32 s8, $0xFFFFF086  }
0x1c: {  	p1 =	slt.u32 s9, $0xF7A;
	s5 =	simm.s32 @!p2 $0x0  }
0x1d: {  	s5 =	simm.s32 @p1 $0x1;
	p0 =	seq.s32 s7, s2  }
0x1e: {  	s7 =	smul.u32 @!p0 $0xF7A, s2;
	p2 =	seq.s32 @!p0 s5, $0x0  }
0x1f: {  	s9 =	smul.u32 $0xF7A, s1;
	s8 =	simm.s32 @!p0 $0x1BF5;
	p2 =	por !p2, p0  }
0x20: {  	[sflag:s8] =	ssyncset.s32 @!p0 $0xFFFFF086;
	s6 =	sadd.s32 @!p0 s3, s7;
	s7 =	simm.s32 @!p0 $0x108  }
0x21: {  	s3 =	sadd.s32 s3, s9;
	s6 =	sadd.s32 @!p0 $0x88, s6;
	s7 =	simm.s32 @p2 $0x1082  }
0x22: {  	[simem:s7], [sflag:s8] =	dma.local @!p0 [hbm:s6], $0xF7A  }
0x23: {  	s9 =	sor.u32 $0xD0000000, s2;
	s6 =	simm.s32 $0x108;
	_ =	swait.ge @!p0 [sflag:s8], $0x0  }
0x24: {  	s3 =	sadd.s32 $0x88, s3;
	s6 =	simm.s32 @!p1 $0x1082;
	[sflag:s4] =	ssyncset.s32 $0xFFFFF086  }
0x25: {  	[simem:s6], [sflag:s4] =	dma.local [hbm:s3], $0xF7A  }
0x26: {  	[smem:$0x3F99] =	sst s1;
	(tag) =	ssettag s2;
	_ =	strace s9  }
0x27: {  	s1 =	sld [smem:$0x3FA9]  }
0x28: {  	s2 =	sld [smem:$0x3FAA]  }
0x29: {  	s4 =	sld [smem:$0x3FAC]  }
0x2a: {  	p0 =	seq.s32 s5, $0x0;
	s5 =	sld [smem:$0x3FAD]  }
0x2b: {  	s6 =	sld [smem:$0x3FAE]  }
0x2c: {  	s7 =	sld [smem:$0x3FAF]  }
0x2d: {  	s3 =	simm.s32 $0x108;
	s8 =	sld [smem:$0x3FB0]  }
0x2e: {  	s3 =	simm.s32 @!p0 $0x1082;
	s9 =	sld [smem:$0x3FB1]  }
0x2f: {  	lr =	sadd.s32 s0, s3;
	s0 =	sld [smem:$0x3FA8]  }
0x30: {  	s3 =	sld [smem:$0x3FAB]  }
0x31: {  	[smem:$0x3FB4] =	sst s10  }
0x32: {  	s10 =	sld [smem:$0x3FB2];
	_ =	sdelay $0x3  }
0x33: {  	p0 =	seq.s32 s10, $0x1;
	s10 =	sld [smem:$0x3FB4];
	_ =	sdelay $0x3  }
0x34: {  	[smem:$0x3FB4] =	sst s10  }
0x35: {  	s10 =	sld [smem:$0x3FB3];
	_ =	sdelay $0x3  }
0x36: {  	p1 =	seq.s32 s10, $0x1;
	s10 =	sld [smem:$0x3FB4];
	_ =	sdelay $0x3  }
0x37: {  	[smem:$0x3FB4] =	sst s10  }
0x38: {  	s10 =	sld [smem:$0x3FB5]  }
0x39: {  	_ = 	snop;
	(pc) =	sbr.ind lr, $3  }
0x3a: {  	_ = 	snop  }
0x3b: {  	_ = 	snop  }
0x3c: {  	p2 =	seq.s32 s10, $0x1;
	s10 =	sld [smem:$0x3FB4]  }
0x3d: {  	_ =	shalt  }
0x3e: {  	_ =	shalt  }
0x3f: {  	_ =	shalt  }
0x40: {  	_ =	shalt  }
0x41: {  	_ =	shalt  }
0x42: {  	_ =	shalt  }
0x43: {  	_ =	shalt  }
0x44: {  	_ =	shalt  }
0x45: {  	_ =	shalt  }
0x46: {  	_ =	shalt  }
0x47: {  	_ =	shalt  }
0x48: {  	_ =	shalt  }
0x49: {  	_ =	shalt  }
0x4a: {  	_ =	shalt  }
0x4b: {  	_ =	shalt  }
0x4c: {  	_ =	shalt  }
0x4d: {  	_ =	shalt  }
0x4e: {  	_ =	shalt  }
0x4f: {  	_ =	shalt  }
0x50: {  	_ =	shalt  }
0x51: {  	_ =	shalt  }
0x52: {  	_ =	shalt  }
0x53: {  	_ =	shalt  }
0x54: {  	_ =	shalt  }
0x55: {  	_ =	shalt  }
0x56: {  	_ =	shalt  }
0x57: {  	_ =	shalt  }
0x58: {  	_ =	shalt  }
0x59: {  	_ =	shalt  }
0x5a: {  	_ =	shalt  }
0x5b: {  	_ =	shalt  }
0x5c: {  	_ =	shalt  }
0x5d: {  	_ =	shalt  }
0x5e: {  	_ =	shalt  }
0x5f: {  	_ =	shalt  }
0x60: {  	_ =	shalt  }
0x61: {  	_ =	shalt  }
0x62: {  	_ =	shalt  }
0x63: {  	_ =	shalt  }
0x64: {  	_ =	shalt  }
0x65: {  	_ =	shalt  }
0x66: {  	_ =	shalt  }
0x67: {  	_ =	shalt  }
0x68: {  	_ =	shalt  }
0x69: {  	_ =	shalt  }
0x6a: {  	_ =	shalt  }
0x6b: {  	_ =	shalt  }
0x6c: {  	_ =	shalt  }
0x6d: {  	_ =	shalt  }
0x6e: {  	_ =	shalt  }
0x6f: {  	_ =	shalt  }
0x70: {  	_ =	shalt  }
0x71: {  	_ =	shalt  }
0x72: {  	_ =	shalt  }
0x73: {  	_ =	shalt  }
0x74: {  	_ =	shalt  }
0x75: {  	_ =	shalt  }
0x76: {  	_ =	shalt  }
0x77: {  	_ =	shalt  }
0x78: {  	_ =	shalt  }
0x79: {  	_ =	shalt  }
0x7a: {  	_ =	shalt  }
0x7b: {  	_ =	shalt  }
0x7c: {  	_ =	shalt  }
0x7d: {  	_ =	shalt  }
0x7e: {  	_ =	shalt  }
0x7f: {  	_ =	shalt  }
0x80: {  	_ =	shalt  }
0x81: {  	_ =	shalt  }
0x82: {  	_ =	shalt  }
0x83: {  	_ =	shalt  }
0x84: {  	_ =	shalt  }
0x85: {  	_ =	shalt  }
0x86: {  	_ =	shalt  }
0x87: {  	_ =	shalt  }
.Lfunc_end0:
.L_simem_size_0:
called_computation.5_lowered:
.L_overlay_start_0:
0x88: {  	s2 =	sld [smem:$0x3FD9]  }
0x89: {  	s3 =	sld [smem:$0x3FFE];
	_ =	sdelay $0x1  }
0x8a: {  	s1 =	srdreg.scid  }
0x8b: {  	s0 =	sand.u32 $0x1, s1  }
0x8c: {  	s15 =	sshll.u32 s0, $0xA;
	s2 =	sadd.s32 s3, s2  }
0x8d: {  	s2 =	sadd.s32 s2, s15  }
0x8e: {  	[smem:$0x3FC0] =	sst s2  }
0x8f: {  	_ = 	snop  }
0x90: {  	s2 =	sld [smem:$0x3FD0];
	_ =	sdelay $0x2  }
0x91: {  	s16 =	simm.s32 $0xC;
	s4 =	simm.s32 $0x10  }
0x92: {  	[smem:s4], [sflag:s16] =	dma.local [hbm:s2], $0x1  }
0x93: {  	_ =	swait.eq [sflag:s16], $0x1  }
0x94: {  	[sflag:s16] =	ssyncset.done $0x0  }
0x95: {  	[sflag:s16] =	ssyncadd.s32 $0xFFFFFFFF  }
0x96: {  	s17 =	sld [smem:$0x11];
	(tm) =	ssettm $0x1  }
0x97: {  	s18 =	sld [smem:$0x3FFB];
	_ =	sdelay $0x3  }
0x98: {  	_ =	strace s18  }
0x99: {  	s2 =	sld [smem:$0x3FFC];
	_ =	sdelay $0x3  }
0x9a: {  	_ =	strace s2  }
0x9b: {  	s2 =	sld [smem:$0x3FFD];
	_ =	sdelay $0x3  }
0x9c: {  	_ =	strace s2  }
0x9d: {  	_ =	strace $0x8FFFFFFF  }
0x9e: {  	s19 =	sld [smem:$0x3FDB];
	_ =	sdelay $0x1  }
0x9f: {  	s20 =	simm.s32 $_scs_section_size  }
0xa0: {  	s5 =	simm.s32 $_size__tile_overlayer_lowered;
	s6 =	simm.s32 $_tile_overlayer_lowered  }
0xa1: {  	s7 =	simm.s32 $0x1BFF;
	s21 =	sshll.u32 s6, $0x1;
	s4 =	sadd.s32 s20, s19  }
0xa2: {  	s22 =	simm.s32 $0x0;
	s5 =	sshll.u32 s5, $0x1;
	s6 =	sadd.s32 s21, s4  }
0xa3: {  	[timem:s22], [sflag:s7] =	dma.local [hbm:s6], s5  }
0xa4: {  	_ =	swait.ge [sflag:s7], s5  }
0xa5: {  	s5 =	ssub.s32 $0x0, s5;
	[sflag:s7] =	ssyncset.done $0x0  }
0xa6: {  	[sflag:s7] =	ssyncadd.s32 s5;
	_ =	sdelay $0x1  }
0xa7: {  	s23 =	simm.s32 $0x1B8B  }
0xa8: {  	_ =	swait.ge [sflag:s23], $0x1  }
0xa9: {  	[sflag:s23] =	ssyncset.done $0x0  }
0xaa: {  	[sflag:s23] =	ssyncadd.s32 $0xFFFFFFFF  }
0xab: {  	s5 =	sld [smem:$0x0]  }
0xac: {  	s6 =	sand.u32 $0xFFFFFFFE, s1  }
0xad: {  	p0 =	sne.s32 s1, s6  }
0xae: {  	s6 =	sshll.u32 @p0 s6, $0xE  }
0xaf: {  	s6 =	sadd.s32 @p0 $0x11B8D, s6;
	s7 =	sshll.u32 @p0 s5, $0x11  }
0xb0: {  	s6 =	sor.u32 @p0 s7, s6  }
0xb1: {  	[sflag:s6] =	ssyncadd.remote.s32 @p0 $0x1;
	_ =	sdelay $0x1  }
0xb2: {  	s6 =	simm.s32 @p0 $0x1B8D  }
0xb3: {  	_ =	swait.eq @p0 [sflag:s6], $0x1  }
0xb4: {  	[sflag:s6] =	ssyncadd.s32 @p0 $0xFFFFFFFF  }
0xb5: {  	s7 =	sshll.u32 @!p0 s1, $0xE  }
0xb6: {  	s7 =	sor.u32 @!p0 $0x4000, s7;
	s6 =	simm.s32 @!p0 $0x1B8D  }
0xb7: {  	s5 =	sshll.u32 @!p0 s5, $0x11;
	s7 =	sadd.s32 @!p0 $0x11B8D, s7;
	_ =	swait.eq @!p0 [sflag:s6], $0x1  }
0xb8: {  	s5 =	sor.u32 @!p0 s5, s7;
	[sflag:s6] =	ssyncadd.s32 @!p0 $0xFFFFFFFF  }
0xb9: {  	s25 =	simm.s32 $0x1B8E;
	s24 =	sld [smem:$0x3FFE];
	[sflag:s5] =	ssyncadd.remote.s32 @!p0 $0x1  }
0xba: {  	s26 =	simm.s32 $execute0_lowered;
	[smem:$0x3FD2] =	sst s25  }
0xbb: {  	s6 =	sshll.u32 s26, $0x1;
	_ =	strace $0x80000058;
	[dreg:$0x1] =	wrdreg $0xFFFFFFFF  }
0xbc: {  	s28 =	simm.s32 $_size_execute0_lowered;
	s4 =	sadd.s32 s4, s6;
	[dreg:$0x0] =	wrdreg $0x0  }
0xbd: {  	s6 =	sshll.u32 s28, $0x1;
	[dreg:$0x2] =	wrdreg s4  }
0xbe: {  	[dreg:$0x3] =	wrdreg s6  }
0xbf: {  	[dreg:$0x4] =	wrdreg $0xC0  }
0xc0: {  	_ =	task [dreg:s22], $0x5FFFF  }
0xc1: {  	[dreg:$0x1] =	wrdreg $0xFFFFFFFF  }
0xc2: {  	[dreg:$0x0] =	wrdreg $0x60  }
0xc3: {  	[dreg:$0x2] =	wrdreg s24  }
0xc4: {  	[dreg:$0x3] =	wrdreg s17  }
0xc5: {  	[dreg:$0x4] =	wrdreg $0x9  }
0xc6: {  	_ =	task.clear_ibuf [dreg:s22], $0x5FFFF;
	_ =	strace $0x90000058  }
0xc7: {  	s29 =	simm.s32 $0x9;
	_ =	strace $0x8000005A  }
0xc8: {  	_ =	swait.ge [sflag:s29], $0x1  }
0xc9: {  	[sflag:s29] =	ssyncadd.s32 $0xFFFFFFFF  }
0xca: {  	_ =	strace $0x9000005A  }
0xcb: {  	_ =	sfence  }
0xcc: {  	s30 =	sld [smem:$0x0];
	_ =	sdelay $0x2  }
0xcd: {  	s31 =	sshll.u32 s1, $0xD;
	s1 =	sshrl.u32 s1, $0x2  }
0xce: {  	s4 =	sand.u32 $0x4000, s31;
	s1 =	sadd.s32 s1, s30  }
0xcf: {  	s0 =	sor.u32 s4, s0;
	s1 =	sshll.u32 s1, $0x11  }
0xd0: {  	s0 =	sor.u32 s1, s0  }
0xd1: {  	s0 =	sadd.s32 $0x8F2B, s0  }
0xd2: {  	[sflag:s0] =	ssyncadd.remote.s32 $0x1  }
0xd3: {  	_ =	sfence.sel $0xFFFF  }
0xd4: {  	[dreg:$0x0] =	wrdreg $0xFFFFFFFF;
	(pc) =	sbr.abs _section_cstart, $3  }
0xd5: {  	[dreg:$0x1] =	wrdreg $0xFFFFFFFF  }
0xd6: {  	_ =	task.clear_ibuf [dreg:s22], $0x2FFFF;
	_ =	strace $0x9FFFFFFF  }
0xd7: {  	(tm) =	ssettm $0x7FFFFFFF  }
tec
execute0_lowered:
.L_overlay_start_1:
0x0: {  	(tag) =	ssettag $0x1  }
0x1: {  	s1 =	srdreg.scid;
	s5 =	rddreg [dreg:$0x0]  }
0x2: {  	s0 =	stileid.u32;
	s2 =	rddreg [dreg:$0x1];
	s6 =	simm.s32 $0x1  }
0x3: {  	s9 =	simm.s32 $0x1;
	s10 =	simm.s32 $0x3;
	s1 =	sshll.u32 s1, $0x6  }
0x4: {  	s13 =	simm.s32 $0x0;
	s3 =	sshll.u32 s0, $0x7;
	s4 =	sand.u32 $0x40, s1  }
0x5: {  	s12 =	simm.s32 $0x0;
	s1 =	rddreg [dreg:$0x2];
	s3 =	sor.u32 s3, s4  }
0x6: {  	_ =	strace $0x80000059;
	s4 =	sadd.s32 $0x25600, s5;
	s8 =	ssub.s32 $0x1000, s3  }
.Ltmp0:
0x7: {  	s5 =	sadd.s32 $0xCE00, s5;
	s7 =	sand.u32 $0x7C0, s8;
	(pc) =	sbr.rel .LBB2_1-.Ltmp0, $4  }
0x8: {  	[sflag:s6] =	ssyncpa.u1 $0x0;
	s11 =	smov.u32 s3;
	p0 =	sne.s32 s7, $0x0  }
0x9: {  	s8 =	sshrl.u32 s8, $0xB;
	s7 =	simm.s32 $0x2;
	s9 =	simm.s32 @!p0 $0x0  }
0xa: {  	[sflag:s7] =	ssyncpa.u1 $0x0;
	p0 =	por $0x0, $0x0;
	s8 =	sadd.s32 s9, s8  }
0xb: {  	vm0 =	vmmov $0xffff;
	[sflag:s10] =	ssyncpa.u1 $0x0;
	s10 =	simm.s32 $0x0;
	s9 =	sadd.s32 $0x1, s8  }
.LBB2_4:
0xc: {  	v2 =	vnsel vm1, $0x0, v2  }
0xd: {  	vm1 =	vgt.s32 v0, $0x0;
	v2 =	vmin.u32 v2, $0x40000  }
0xe: {  	v0 =	vnsel vm1, $0x0, v0  }
0xf: {  	v0 =	vmin.u32 v0, $0x40000  }
0x10: {  	[tilespmem:s15], [sflag:$0x1] =	stream.indirect_vreg.gather [hbm4b:s4+s10], $0x1, v1, vm0, $0x4038;
	[tilespmem:$0x100] =	vst v63  }
0x11: {  	(ifvalue) =	ssetifvalue $0x7FFFFFFF  }
0x12: {  	[tilespmem:s16], [sflag:$0x1] =	stream.indirect_vreg.gather [hbm4b:s4+s10], $0x1, v2, vm0, $0x4038;
	[tilespmem:$0x100] =	vst v63  }
0x13: {  	s29 =	sadd.s32 $0x10, s16;
	(ifvalue) =	ssetifvalue $0x7FFFFFFF  }
0x14: {  	[tilespmem:s29], [sflag:$0x1] =	stream.indirect_vreg.gather [hbm4b:s4+s10], $0x1, v0, vm0, $0x4038;
	[tilespmem:$0x100] =	vst v63  }
0x15: {  	_ =	swait.ge [sflag:s6], $0x40  }
0x16: {  	s30 =	sshrl.u32 s13, $0x3;
	[sflag:s6] =	ssyncset.done $0x0  }
0x17: {  	s31 =	sand.u32 $0x7, s13;
	s15 =	sadd.s32 s2, s30;
	[sflag:s6] =	ssyncadd.s32 $0xFFFFFFC0  }
0x18: {  	[hbm4b:s15+s31] =	stream.linear.scatter [tilespmem:s14], [sflag:$0x3], $0x40, $0x38;
	[tilespmem:$0x100] =	vst v63  }
.LBB2_5:
0x19: {  	s15 =	sadd.s32 $0x800, s11  }
0x1a: {  	p2 =	sgt.s32 s15, $0xFFF  }
0x1b: {  	s15 =	smov.u32 @p2 s3;
	p2 =	sne.s32 s12, s9  }
.Ltmp1:
0x1c: {  	p1 =	slt.u32 s12, $0x2;
	(pc) =	sbr.rel @!p2 .LBB2_6-.Ltmp1, $4  }
0x1d: {  	s14 =	simm.s32 @!p1 $0x3  }
0x1e: {  	s16 =	sadd.s32 $0x1, s12;
	_ =	swait.ge @!p1 [sflag:s14], $0x40  }
0x1f: {  	s13 =	smov.u32 s11;
	p0 =	por !p0, !p0;
	[sflag:s14] =	ssyncset.done @!p1 $0x0  }
0x20: {  	s12 =	smov.u32 s16;
	s11 =	smov.u32 s15;
	[sflag:s14] =	ssyncadd.s32 @!p1 $0xFFFFFFC0  }
.LBB2_1:
0x21: {  	p1 =	sge.u32 s12, s8  }
0x22: {  	s14 =	sxor.u32 @!p1 $0xFFFFFFFF, s12  }
0x23: {  	s31 =	sadd.s32 $0xFFFFFFFF, s12;
	s15 =	sshrl.u32 @!p1 s11, $0x3;
	s14 =	sshll.u32 @!p1 s14, $0x6  }
0x24: {  	s16 =	sand.u32 @!p1 $0x7, s11;
	s15 =	sadd.s32 @!p1 s5, s15;
	s14 =	sand.u32 @!p1 $0x40, s14  }
0x25: {  	[tilespmem:s14], [sflag:$0x2] =	stream.linear.gather @!p1 [hbm4b:s15+s16], $0x40, $0x38;
	[tilespmem:$0x100] =	vst v63  }
0x26: {  	p1 =	sge.u32 s31, s8  }
.Ltmp2:
0x27: {  	_ = 	snop;
	(pc) =	sbr.rel @p1 .LBB2_5-.Ltmp2, $1  }
0x28: {  	_ =	sdelay $0x3  }
0x29: {  	s14 =	simm.s32 $0x1  }
0x2a: {  	_ =	swait.ge [sflag:s7], $0x40;
	s14 =	simm.s32 @!p0 $0x0  }
0x2b: {  	[sflag:s7] =	ssyncset.done $0x0;
	s14 =	sshll.u32 s14, $0x6  }
0x2c: {  	[sflag:s7] =	ssyncadd.s32 $0xFFFFFFC0;
	(ifvalue) =	ssetifvalue $0x7FFFFFFF;
	v0 =	vld.msk [tilespmem:s14+$0x0 ss:$0x1], $0xffff;
	_ =	sdelay $0x4  }
0x2d: {  	s15 =	sadd.s32 $0x10, s14;
	vm1 =	vgt.s32 v0, $0x0  }
0x2e: {  	v2 =	vld.msk [tilespmem:s15+$0x0 ss:$0x1], $0xffff;
	v1 =	vnsel vm1, $0x0, v0  }
0x2f: {  	v1 =	vmin.u32 v1, $0x40000;
	_ =	sdelay $0x1  }
0x30: {  	s16 =	sshll.u32 s12, $0x6;
	s18 =	simm.s32 $0x20  }
0x31: {  	s16 =	sand.u32 $0x40, s16;
	s17 =	sadd.s32 $0x10, s15;
	s15 =	sor.u32 $0x80, s14  }
0x32: {  	s14 =	sor.u32 $0x80, s16;
	s16 =	sadd.s32 $0x10, s15;
	v0 =	vld.msk [tilespmem:s17+$0x0 ss:$0x1], $0xffff;
	vm1 =	vgt.s32 v2, $0x0;
	(ifvalue) =	ssetifvalue $0x7FFFFFFF  }
.LBB2_3:
0x33: {  	[tilespmem:s15], [sflag:$0x1] =	stream.indirect_vreg.gather [hbm4b:s4+s10], $0x1, v1, vm0, $0x4038;
	[tilespmem:$0x100] =	vst v63  }
0x34: {  	s18 =	sadd.s32 $0x10, s18  }
0x35: {  	v2 =	vnsel vm1, $0x0, v2;
	p1 =	slt.u32 s18, $0x30  }
.Ltmp3:
0x36: {  	s15 =	smov.u32 s16;
	v1 =	vmin.u32 v2, $0x40000;
	(pc) =	sbr.rel @p1 .LBB2_3-.Ltmp3, $3  }
0x37: {  	_ =	sdelay $0x1  }
0x38: {  	s17 =	sadd.s32 $0x10, s17  }
0x39: {  	vm1 =	vgt.s32 v0, $0x0;
	s16 =	sadd.s32 $0x10, s16;
	v2 =	vmov v0;
	(ifvalue) =	ssetifvalue $0x7FFFFFFF;
	v0 =	vld.msk [tilespmem:s17+$0x0 ss:$0x1], $0xffff  }
.Ltmp4:
0x3a: {  	_ = 	snop;
	(pc) =	sbr.rel .LBB2_4-.Ltmp4, $1  }
0x3b: {  	_ =	sdelay $0x3  }
.LBB2_6:
0x3c: {  	_ =	sfence.sel $0x180000  }
0x3d: {  	s2 =	simm.s32 $0x2;
	[bflag:$0x0] =	sbarrier.arrive $0xFFFF  }
0x3e: {  	s30 =	simm.s32 $0x3;
	[sflag:s2] =	ssyncpa.u1 $0x1  }
0x3f: {  	s31 =	simm.s32 $0x1;
	[sflag:s30] =	ssyncpa.u1 $0x1  }
0x40: {  	[sflag:s31] =	ssyncpa.u1 $0x1  }
0x41: {  	p0 =	sne.s32 s0, $0x0;
	_ =	strace $0x90000059  }
0x42: {  	s0 =	sadd.s32 @!p0 $0x100000, s1;
	[bflag:$0x2] =	sbarrier.arrive $0xFFFF  }
0x43: {  	[sflag:s0] =	ssyncadd.tile.s32 @!p0 $0x1;
	_ =	shalt  }
.Lfunc_end2:
_tile_overlayer_lowered:
.L_overlay_start_2:
0x44: {  	(tag) =	ssettag $0x2  }
0x45: {  	s0 =	rddreg [dreg:$0x0];
	s2 =	stileid.u32  }
0x46: {  	s1 =	rddreg [dreg:$0x1];
	p0 =	sne.s32 s2, $0x0  }
0x47: {  	s3 =	rddreg [dreg:$0x2];
	[bflag:$0x3] =	sbarrier.arrive $0xFFFF;
	s2 =	simm.s32 @!p0 $0x1C01  }
0x48: {  	[timem:s3], [sflag:s2] =	dma.local @!p0 [hbm:s0], s1  }
0x49: {  	s0 =	simm.s32 @!p0 $0x1  }
0x4a: {  	_ =	swait.ge @!p0 [sflag:s0], s1  }
0x4b: {  	s1 =	ssub.s32 @!p0 $0x0, s1;
	[sflag:s0] =	ssyncset.done @!p0 $0x0  }
0x4c: {  	[sflag:s0] =	ssyncadd.s32 @!p0 s1  }
0x4d: {  	[bflag:$0x3] =	sbarrier.arrive $0xFFFF  }
0x4e: {  	_ =	shalt  }

// kernel: gather_offload_async_start.6
scs
__scs_entry_jumppad:
0x0: {  	(pc) =	sbr.rel $0x88, $3  }
0x1: {  	(tag) =	ssettag $0x0;
	lr =	simm.s32 $0x1  }
0x2: {  	[smem:$0x3F99] =	sst lr;
	_ =	strace $0xD0000000  }
0x3: {  	_ = 	snop  }
0x4: {  	_ = 	snop  }
0x5: {  	_ = 	snop  }
0x6: {  	_ = 	snop  }
0x7: {  	_ = 	snop  }
__scs_overlays_trampoline_lowered:
0x8: {  	[smem:$0x3FA8] =	sst s0  }
0x9: {  	[smem:$0x3FA9] =	sst s1  }
0xa: {  	[smem:$0x3FAA] =	sst s2  }
0xb: {  	[smem:$0x3FAB] =	sst s3  }
0xc: {  	[smem:$0x3FAC] =	sst s4  }
0xd: {  	[smem:$0x3FAD] =	sst s5  }
0xe: {  	[smem:$0x3FAE] =	sst s6  }
0xf: {  	[smem:$0x3FAF] =	sst s7  }
0x10: {  	[smem:$0x3FB0] =	sst s8  }
0x11: {  	[smem:$0x3FB1] =	sst s9;
	s0 =	simm.s32 @!p0 $0x0  }
0x12: {  	s1 =	sld [smem:$0x3F97];
	s0 =	simm.s32 @p0 $0x1  }
0x13: {  	[smem:$0x3FB2] =	sst s0;
	s0 =	simm.s32 @!p1 $0x0  }
0x14: {  	s2 =	sld [smem:$0x3F96];
	s0 =	simm.s32 @p1 $0x1  }
0x15: {  	[smem:$0x3FB3] =	sst s0;
	s0 =	simm.s32 @!p2 $0x0  }
0x16: {  	s3 =	sld [smem:$0x3FDB];
	s0 =	simm.s32 @p2 $0x1  }
0x17: {  	s4 =	simm.s32 $0x1BF5;
	[smem:$0x3FB5] =	sst s0  }
0x18: {  	s0 =	sld [smem:$0x3F98];
	_ =	swait.ge [sflag:s4], $0x0  }
0x19: {  	s7 =	sld [smem:$0x3F99]  }
0x1a: {  	s8 =	sadd.s32 $0xFFFFE003, lr  }
0x1b: {  	s9 =	sadd.s32 $0xFFFFFEF7, lr;
	s5 =	simm.s32 $0xFFFFFFFF;
	p2 =	slt.u32 s8, $0xFFFFF086  }
0x1c: {  	p1 =	slt.u32 s9, $0xF7A;
	s5 =	simm.s32 @!p2 $0x0  }
0x1d: {  	s5 =	simm.s32 @p1 $0x1;
	p0 =	seq.s32 s7, s2  }
0x1e: {  	s7 =	smul.u32 @!p0 $0xF7A, s2;
	p2 =	seq.s32 @!p0 s5, $0x0  }
0x1f: {  	s9 =	smul.u32 $0xF7A, s1;
	s8 =	simm.s32 @!p0 $0x1BF5;
	p2 =	por !p2, p0  }
0x20: {  	[sflag:s8] =	ssyncset.s32 @!p0 $0xFFFFF086;
	s6 =	sadd.s32 @!p0 s3, s7;
	s7 =	simm.s32 @!p0 $0x108  }
0x21: {  	s3 =	sadd.s32 s3, s9;
	s6 =	sadd.s32 @!p0 $0x88, s6;
	s7 =	simm.s32 @p2 $0x1082  }
0x22: {  	[simem:s7], [sflag:s8] =	dma.local @!p0 [hbm:s6], $0xF7A  }
0x23: {  	s9 =	sor.u32 $0xD0000000, s2;
	s6 =	simm.s32 $0x108;
	_ =	swait.ge @!p0 [sflag:s8], $0x0  }
0x24: {  	s3 =	sadd.s32 $0x88, s3;
	s6 =	simm.s32 @!p1 $0x1082;
	[sflag:s4] =	ssyncset.s32 $0xFFFFF086  }
0x25: {  	[simem:s6], [sflag:s4] =	dma.local [hbm:s3], $0xF7A  }
0x26: {  	[smem:$0x3F99] =	sst s1;
	(tag) =	ssettag s2;
	_ =	strace s9  }
0x27: {  	s1 =	sld [smem:$0x3FA9]  }
0x28: {  	s2 =	sld [smem:$0x3FAA]  }
0x29: {  	s4 =	sld [smem:$0x3FAC]  }
0x2a: {  	p0 =	seq.s32 s5, $0x0;
	s5 =	sld [smem:$0x3FAD]  }
0x2b: {  	s6 =	sld [smem:$0x3FAE]  }
0x2c: {  	s7 =	sld [smem:$0x3FAF]  }
0x2d: {  	s3 =	simm.s32 $0x108;
	s8 =	sld [smem:$0x3FB0]  }
0x2e: {  	s3 =	simm.s32 @!p0 $0x1082;
	s9 =	sld [smem:$0x3FB1]  }
0x2f: {  	lr =	sadd.s32 s0, s3;
	s0 =	sld [smem:$0x3FA8]  }
0x30: {  	s3 =	sld [smem:$0x3FAB]  }
0x31: {  	[smem:$0x3FB4] =	sst s10  }
0x32: {  	s10 =	sld [smem:$0x3FB2];
	_ =	sdelay $0x3  }
0x33: {  	p0 =	seq.s32 s10, $0x1;
	s10 =	sld [smem:$0x3FB4];
	_ =	sdelay $0x3  }
0x34: {  	[smem:$0x3FB4] =	sst s10  }
0x35: {  	s10 =	sld [smem:$0x3FB3];
	_ =	sdelay $0x3  }
0x36: {  	p1 =	seq.s32 s10, $0x1;
	s10 =	sld [smem:$0x3FB4];
	_ =	sdelay $0x3  }
0x37: {  	[smem:$0x3FB4] =	sst s10  }
0x38: {  	s10 =	sld [smem:$0x3FB5]  }
0x39: {  	_ = 	snop;
	(pc) =	sbr.ind lr, $3  }
0x3a: {  	_ = 	snop  }
0x3b: {  	_ = 	snop  }
0x3c: {  	p2 =	seq.s32 s10, $0x1;
	s10 =	sld [smem:$0x3FB4]  }
0x3d: {  	_ =	shalt  }
0x3e: {  	_ =	shalt  }
0x3f: {  	_ =	shalt  }
0x40: {  	_ =	shalt  }
0x41: {  	_ =	shalt  }
0x42: {  	_ =	shalt  }
0x43: {  	_ =	shalt  }
0x44: {  	_ =	shalt  }
0x45: {  	_ =	shalt  }
0x46: {  	_ =	shalt  }
0x47: {  	_ =	shalt  }
0x48: {  	_ =	shalt  }
0x49: {  	_ =	shalt  }
0x4a: {  	_ =	shalt  }
0x4b: {  	_ =	shalt  }
0x4c: {  	_ =	shalt  }
0x4d: {  	_ =	shalt  }
0x4e: {  	_ =	shalt  }
0x4f: {  	_ =	shalt  }
0x50: {  	_ =	shalt  }
0x51: {  	_ =	shalt  }
0x52: {  	_ =	shalt  }
0x53: {  	_ =	shalt  }
0x54: {  	_ =	shalt  }
0x55: {  	_ =	shalt  }
0x56: {  	_ =	shalt  }
0x57: {  	_ =	shalt  }
0x58: {  	_ =	shalt  }
0x59: {  	_ =	shalt  }
0x5a: {  	_ =	shalt  }
0x5b: {  	_ =	shalt  }
0x5c: {  	_ =	shalt  }
0x5d: {  	_ =	shalt  }
0x5e: {  	_ =	shalt  }
0x5f: {  	_ =	shalt  }
0x60: {  	_ =	shalt  }
0x61: {  	_ =	shalt  }
0x62: {  	_ =	shalt  }
0x63: {  	_ =	shalt  }
0x64: {  	_ =	shalt  }
0x65: {  	_ =	shalt  }
0x66: {  	_ =	shalt  }
0x67: {  	_ =	shalt  }
0x68: {  	_ =	shalt  }
0x69: {  	_ =	shalt  }
0x6a: {  	_ =	shalt  }
0x6b: {  	_ =	shalt  }
0x6c: {  	_ =	shalt  }
0x6d: {  	_ =	shalt  }
0x6e: {  	_ =	shalt  }
0x6f: {  	_ =	shalt  }
0x70: {  	_ =	shalt  }
0x71: {  	_ =	shalt  }
0x72: {  	_ =	shalt  }
0x73: {  	_ =	shalt  }
0x74: {  	_ =	shalt  }
0x75: {  	_ =	shalt  }
0x76: {  	_ =	shalt  }
0x77: {  	_ =	shalt  }
0x78: {  	_ =	shalt  }
0x79: {  	_ =	shalt  }
0x7a: {  	_ =	shalt  }
0x7b: {  	_ =	shalt  }
0x7c: {  	_ =	shalt  }
0x7d: {  	_ =	shalt  }
0x7e: {  	_ =	shalt  }
0x7f: {  	_ =	shalt  }
0x80: {  	_ =	shalt  }
0x81: {  	_ =	shalt  }
0x82: {  	_ =	shalt  }
0x83: {  	_ =	shalt  }
0x84: {  	_ =	shalt  }
0x85: {  	_ =	shalt  }
0x86: {  	_ =	shalt  }
0x87: {  	_ =	shalt  }
.Lfunc_end0:
.L_simem_size_0:
called_computation.6_lowered:
.L_overlay_start_0:
0x88: {  	s2 =	sld [smem:$0x3FD9]  }
0x89: {  	s3 =	sld [smem:$0x3FFE];
	_ =	sdelay $0x1  }
0x8a: {  	s1 =	srdreg.scid  }
0x8b: {  	s0 =	sand.u32 $0x1, s1  }
0x8c: {  	s15 =	sshll.u32 s0, $0xA;
	s2 =	sadd.s32 s3, s2  }
0x8d: {  	s2 =	sadd.s32 s2, s15  }
0x8e: {  	[smem:$0x3FC0] =	sst s2  }
0x8f: {  	_ = 	snop  }
0x90: {  	s2 =	sld [smem:$0x3FD0];
	_ =	sdelay $0x2  }
0x91: {  	s4 =	simm.s32 $0xC;
	s16 =	simm.s32 $0x10  }
0x92: {  	[smem:s16], [sflag:s4] =	dma.local [hbm:s2], $0x1  }
0x93: {  	_ =	swait.eq [sflag:s4], $0x1  }
0x94: {  	[sflag:s4] =	ssyncset.done $0x0  }
0x95: {  	s17 =	sld [smem:$0x13];
	[sflag:s4] =	ssyncadd.s32 $0xFFFFFFFF  }
0x96: {  	s18 =	sld [smem:$0x16];
	(tm) =	ssettm $0x1  }
0x97: {  	s19 =	sld [smem:$0x3FFB];
	_ =	sdelay $0x3  }
0x98: {  	_ =	strace s19  }
0x99: {  	s2 =	sld [smem:$0x3FFC];
	_ =	sdelay $0x3  }
0x9a: {  	_ =	strace s2  }
0x9b: {  	s2 =	sld [smem:$0x3FFD];
	_ =	sdelay $0x3  }
0x9c: {  	_ =	strace s2  }
0x9d: {  	_ =	strace $0x8FFFFFFF  }
0x9e: {  	s20 =	sld [smem:$0x3FDB];
	_ =	sdelay $0x1  }
0x9f: {  	s5 =	simm.s32 $_scs_section_size  }
0xa0: {  	s6 =	simm.s32 $_size__tile_overlayer_lowered;
	s7 =	simm.s32 $_tile_overlayer_lowered  }
0xa1: {  	s8 =	simm.s32 $0x1BFF;
	s21 =	sshll.u32 s7, $0x1;
	s5 =	sadd.s32 s5, s20  }
0xa2: {  	s22 =	simm.s32 $0x0;
	s6 =	sshll.u32 s6, $0x1;
	s7 =	sadd.s32 s21, s5  }
0xa3: {  	[timem:s22], [sflag:s8] =	dma.local [hbm:s7], s6  }
0xa4: {  	_ =	swait.ge [sflag:s8], s6  }
0xa5: {  	s6 =	ssub.s32 $0x0, s6;
	[sflag:s8] =	ssyncset.done $0x0  }
0xa6: {  	[sflag:s8] =	ssyncadd.s32 s6;
	_ =	sdelay $0x1  }
0xa7: {  	s23 =	simm.s32 $0x1B8B  }
0xa8: {  	_ =	swait.ge [sflag:s23], $0x1  }
0xa9: {  	[sflag:s23] =	ssyncset.done $0x0  }
0xaa: {  	[sflag:s23] =	ssyncadd.s32 $0xFFFFFFFF  }
0xab: {  	s6 =	sld [smem:$0x0]  }
0xac: {  	s7 =	sand.u32 $0xFFFFFFFE, s1  }
0xad: {  	p0 =	sne.s32 s1, s7  }
0xae: {  	s7 =	sshll.u32 @p0 s7, $0xE  }
0xaf: {  	s7 =	sadd.s32 @p0 $0x11B8D, s7;
	s8 =	sshll.u32 @p0 s6, $0x11  }
0xb0: {  	s7 =	sor.u32 @p0 s8, s7  }
0xb1: {  	[sflag:s7] =	ssyncadd.remote.s32 @p0 $0x1;
	_ =	sdelay $0x1  }
0xb2: {  	s7 =	simm.s32 @p0 $0x1B8D  }
0xb3: {  	_ =	swait.eq @p0 [sflag:s7], $0x1  }
0xb4: {  	[sflag:s7] =	ssyncadd.s32 @p0 $0xFFFFFFFF  }
0xb5: {  	s8 =	sshll.u32 @!p0 s1, $0xE  }
0xb6: {  	s8 =	sor.u32 @!p0 $0x4000, s8;
	s7 =	simm.s32 @!p0 $0x1B8D  }
0xb7: {  	s6 =	sshll.u32 @!p0 s6, $0x11;
	s8 =	sadd.s32 @!p0 $0x11B8D, s8;
	_ =	swait.eq @!p0 [sflag:s7], $0x1  }
0xb8: {  	s6 =	sor.u32 @!p0 s6, s8;
	[sflag:s7] =	ssyncadd.s32 @!p0 $0xFFFFFFFF  }
0xb9: {  	s25 =	simm.s32 $0x1B8E;
	s24 =	sld [smem:$0x3FFE];
	[sflag:s6] =	ssyncadd.remote.s32 @!p0 $0x1  }
0xba: {  	s26 =	simm.s32 $execute0_lowered;
	[smem:$0x3FD2] =	sst s25  }
0xbb: {  	s7 =	sshll.u32 s26, $0x1;
	_ =	strace $0x8000004F;
	[dreg:$0x1] =	wrdreg $0xFFFFFFFF  }
0xbc: {  	s28 =	simm.s32 $_size_execute0_lowered;
	s5 =	sadd.s32 s5, s7;
	[dreg:$0x0] =	wrdreg $0x0  }
0xbd: {  	s7 =	sshll.u32 s28, $0x1;
	[dreg:$0x2] =	wrdreg s5  }
0xbe: {  	[dreg:$0x3] =	wrdreg s7  }
0xbf: {  	[dreg:$0x4] =	wrdreg $0xC0  }
0xc0: {  	_ =	task [dreg:s22], $0x5FFFF  }
0xc1: {  	[dreg:$0x1] =	wrdreg $0xFFFFFFFF  }
0xc2: {  	[dreg:$0x0] =	wrdreg $0x60  }
0xc3: {  	[dreg:$0x2] =	wrdreg s24  }
0xc4: {  	[dreg:$0x3] =	wrdreg s17  }
0xc5: {  	[dreg:$0x4] =	wrdreg s18  }
0xc6: {  	[dreg:$0x5] =	wrdreg $0x9  }
0xc7: {  	_ =	task.clear_ibuf [dreg:s22], $0x6FFFF;
	_ =	strace $0x9000004F  }
0xc8: {  	s29 =	simm.s32 $0x9;
	_ =	strace $0x80000051  }
0xc9: {  	_ =	swait.ge [sflag:s29], $0x1  }
0xca: {  	[sflag:s29] =	ssyncadd.s32 $0xFFFFFFFF  }
0xcb: {  	_ =	strace $0x90000051  }
0xcc: {  	_ =	sfence  }
0xcd: {  	s30 =	sld [smem:$0x0];
	_ =	sdelay $0x2  }
0xce: {  	s31 =	sshll.u32 s1, $0xD;
	s1 =	sshrl.u32 s1, $0x2  }
0xcf: {  	s4 =	sand.u32 $0x4000, s31;
	s1 =	sadd.s32 s1, s30  }
0xd0: {  	s0 =	sor.u32 s4, s0;
	s1 =	sshll.u32 s1, $0x11  }
0xd1: {  	s0 =	sor.u32 s1, s0  }
0xd2: {  	s0 =	sadd.s32 $0x8F2B, s0  }
0xd3: {  	[sflag:s0] =	ssyncadd.remote.s32 $0x1  }
0xd4: {  	_ =	sfence.sel $0xFFFF  }
0xd5: {  	[dreg:$0x0] =	wrdreg $0xFFFFFFFF;
	(pc) =	sbr.abs _section_cstart, $3  }
0xd6: {  	[dreg:$0x1] =	wrdreg $0xFFFFFFFF  }
0xd7: {  	_ =	task.clear_ibuf [dreg:s22], $0x2FFFF;
	_ =	strace $0x9FFFFFFF  }
0xd8: {  	(tm) =	ssettm $0x7FFFFFFF  }
0xd9: {  	_ =	shalt  }
tec
execute0_lowered:
.L_overlay_start_1:
0x0: {  	(tag) =	ssettag $0x1  }
0x1: {  	s5 =	rddreg [dreg:$0x0]  }
0x2: {  	s1 =	srdreg.scid;
	s2 =	rddreg [dreg:$0x1]  }
0x3: {  	s0 =	stileid.u32;
	s3 =	rddreg [dreg:$0x2]  }
0x4: {  	s9 =	simm.s32 $0x1;
	s10 =	simm.s32 $0x3;
	s1 =	sshll.u32 s1, $0x6  }
0x5: {  	s13 =	simm.s32 $0x0;
	s4 =	sshll.u32 s0, $0x7;
	s6 =	sand.u32 $0x40, s1  }
0x6: {  	s12 =	simm.s32 $0x0;
	s5 =	sadd.s32 $0x1D400, s5;
	s4 =	sor.u32 s4, s6  }
0x7: {  	s1 =	rddreg [dreg:$0x3];
	_ =	strace $0x80000050;
	s8 =	ssub.s32 $0x1000, s4  }
.Ltmp0:
0x8: {  	s6 =	simm.s32 $0x1;
	s7 =	sand.u32 $0x7C0, s8;
	(pc) =	sbr.rel .LBB2_1-.Ltmp0, $4  }
0x9: {  	[sflag:s6] =	ssyncpa.u1 $0x0;
	s11 =	smov.u32 s4;
	p0 =	sne.s32 s7, $0x0  }
0xa: {  	s8 =	sshrl.u32 s8, $0xB;
	s7 =	simm.s32 $0x2;
	s9 =	simm.s32 @!p0 $0x0  }
0xb: {  	[sflag:s7] =	ssyncpa.u1 $0x0;
	p0 =	por $0x0, $0x0;
	s8 =	sadd.s32 s9, s8  }
0xc: {  	vm0 =	vmmov $0xffff;
	[sflag:s10] =	ssyncpa.u1 $0x0;
	s10 =	simm.s32 $0x0;
	s9 =	sadd.s32 $0x1, s8  }
.LBB2_4:
0xd: {  	v2 =	vnsel vm1, $0x0, v2  }
0xe: {  	vm1 =	vgt.s32 v0, $0x0;
	v2 =	vmin.u32 v2, $0x40000  }
0xf: {  	v0 =	vnsel vm1, $0x0, v0  }
0x10: {  	v0 =	vmin.u32 v0, $0x40000  }
0x11: {  	[tilespmem:s15], [sflag:$0x1] =	stream.indirect_vreg.gather [hbm4b:s5+s10], $0x1, v1, vm0, $0x4038;
	[tilespmem:$0x100] =	vst v63  }
0x12: {  	(ifvalue) =	ssetifvalue $0x7FFFFFFF  }
0x13: {  	[tilespmem:s16], [sflag:$0x1] =	stream.indirect_vreg.gather [hbm4b:s5+s10], $0x1, v2, vm0, $0x4038;
	[tilespmem:$0x100] =	vst v63  }
0x14: {  	s29 =	sadd.s32 $0x10, s16;
	(ifvalue) =	ssetifvalue $0x7FFFFFFF  }
0x15: {  	[tilespmem:s29], [sflag:$0x1] =	stream.indirect_vreg.gather [hbm4b:s5+s10], $0x1, v0, vm0, $0x4038;
	[tilespmem:$0x100] =	vst v63  }
0x16: {  	_ =	swait.ge [sflag:s6], $0x40  }
0x17: {  	s30 =	sshrl.u32 s13, $0x3;
	[sflag:s6] =	ssyncset.done $0x0  }
0x18: {  	s31 =	sand.u32 $0x7, s13;
	s15 =	sadd.s32 s3, s30;
	[sflag:s6] =	ssyncadd.s32 $0xFFFFFFC0  }
0x19: {  	[hbm4b:s15+s31] =	stream.linear.scatter [tilespmem:s14], [sflag:$0x3], $0x40, $0x38;
	[tilespmem:$0x100] =	vst v63  }
.LBB2_5:
0x1a: {  	s15 =	sadd.s32 $0x800, s11  }
0x1b: {  	p2 =	sgt.s32 s15, $0xFFF  }
0x1c: {  	s15 =	smov.u32 @p2 s4;
	p2 =	sne.s32 s12, s9  }
.Ltmp1:
0x1d: {  	p1 =	slt.u32 s12, $0x2;
	(pc) =	sbr.rel @!p2 .LBB2_6-.Ltmp1, $4  }
0x1e: {  	s14 =	simm.s32 @!p1 $0x3  }
0x1f: {  	s16 =	sadd.s32 $0x1, s12;
	_ =	swait.ge @!p1 [sflag:s14], $0x40  }
0x20: {  	s13 =	smov.u32 s11;
	p0 =	por !p0, !p0;
	[sflag:s14] =	ssyncset.done @!p1 $0x0  }
0x21: {  	s12 =	smov.u32 s16;
	s11 =	smov.u32 s15;
	[sflag:s14] =	ssyncadd.s32 @!p1 $0xFFFFFFC0  }
.LBB2_1:
0x22: {  	p1 =	sge.u32 s12, s8  }
0x23: {  	s14 =	sxor.u32 @!p1 $0xFFFFFFFF, s12  }
0x24: {  	s31 =	sadd.s32 $0xFFFFFFFF, s12;
	s15 =	sshrl.u32 @!p1 s11, $0x3;
	s14 =	sshll.u32 @!p1 s14, $0x6  }
0x25: {  	s16 =	sand.u32 @!p1 $0x7, s11;
	s15 =	sadd.s32 @!p1 s2, s15;
	s14 =	sand.u32 @!p1 $0x40, s14  }
0x26: {  	[tilespmem:s14], [sflag:$0x2] =	stream.linear.gather @!p1 [hbm4b:s15+s16], $0x40, $0x38;
	[tilespmem:$0x100] =	vst v63  }
0x27: {  	p1 =	sge.u32 s31, s8  }
.Ltmp2:
0x28: {  	_ = 	snop;
	(pc) =	sbr.rel @p1 .LBB2_5-.Ltmp2, $1  }
0x29: {  	_ =	sdelay $0x3  }
0x2a: {  	s14 =	simm.s32 $0x1  }
0x2b: {  	_ =	swait.ge [sflag:s7], $0x40;
	s14 =	simm.s32 @!p0 $0x0  }
0x2c: {  	[sflag:s7] =	ssyncset.done $0x0;
	s14 =	sshll.u32 s14, $0x6  }
0x2d: {  	[sflag:s7] =	ssyncadd.s32 $0xFFFFFFC0;
	(ifvalue) =	ssetifvalue $0x7FFFFFFF;
	v0 =	vld.msk [tilespmem:s14+$0x0 ss:$0x1], $0xffff;
	_ =	sdelay $0x4  }
0x2e: {  	s15 =	sadd.s32 $0x10, s14;
	vm1 =	vgt.s32 v0, $0x0  }
0x2f: {  	v2 =	vld.msk [tilespmem:s15+$0x0 ss:$0x1], $0xffff;
	v1 =	vnsel vm1, $0x0, v0  }
0x30: {  	v1 =	vmin.u32 v1, $0x40000;
	_ =	sdelay $0x1  }
0x31: {  	s16 =	sshll.u32 s12, $0x6;
	s18 =	simm.s32 $0x20  }
0x32: {  	s16 =	sand.u32 $0x40, s16;
	s17 =	sadd.s32 $0x10, s15;
	s15 =	sor.u32 $0x80, s14  }
0x33: {  	s14 =	sor.u32 $0x80, s16;
	s16 =	sadd.s32 $0x10, s15;
	v0 =	vld.msk [tilespmem:s17+$0x0 ss:$0x1], $0xffff;
	vm1 =	vgt.s32 v2, $0x0;
	(ifvalue) =	ssetifvalue $0x7FFFFFFF  }
.LBB2_3:
0x34: {  	[tilespmem:s15], [sflag:$0x1] =	stream.indirect_vreg.gather [hbm4b:s5+s10], $0x1, v1, vm0, $0x4038;
	[tilespmem:$0x100] =	vst v63  }
0x35: {  	s18 =	sadd.s32 $0x10, s18  }
0x36: {  	v2 =	vnsel vm1, $0x0, v2;
	p1 =	slt.u32 s18, $0x30  }
.Ltmp3:
0x37: {  	s15 =	smov.u32 s16;
	v1 =	vmin.u32 v2, $0x40000;
	(pc) =	sbr.rel @p1 .LBB2_3-.Ltmp3, $3  }
0x38: {  	_ =	sdelay $0x1  }
0x39: {  	s17 =	sadd.s32 $0x10, s17  }
0x3a: {  	vm1 =	vgt.s32 v0, $0x0;
	s16 =	sadd.s32 $0x10, s16;
	v2 =	vmov v0;
	(ifvalue) =	ssetifvalue $0x7FFFFFFF;
	v0 =	vld.msk [tilespmem:s17+$0x0 ss:$0x1], $0xffff  }
.Ltmp4:
0x3b: {  	_ = 	snop;
	(pc) =	sbr.rel .LBB2_4-.Ltmp4, $1  }
0x3c: {  	_ =	sdelay $0x3  }
.LBB2_6:
0x3d: {  	_ =	sfence.sel $0x180000  }
0x3e: {  	s2 =	simm.s32 $0x2;
	[bflag:$0x0] =	sbarrier.arrive $0xFFFF  }
0x3f: {  	s30 =	simm.s32 $0x3;
	[sflag:s2] =	ssyncpa.u1 $0x1  }
0x40: {  	s31 =	simm.s32 $0x1;
	[sflag:s30] =	ssyncpa.u1 $0x1  }
0x41: {  	[sflag:s31] =	ssyncpa.u1 $0x1  }
0x42: {  	p0 =	sne.s32 s0, $0x0;
	_ =	strace $0x90000050  }
0x43: {  	s0 =	sadd.s32 @!p0 $0x100000, s1;
	[bflag:$0x2] =	sbarrier.arrive $0xFFFF  }
0x44: {  	[sflag:s0] =	ssyncadd.tile.s32 @!p0 $0x1;
	_ =	shalt  }
.Lfunc_end2:
_tile_overlayer_lowered:
.L_overlay_start_2:
0x45: {  	(tag) =	ssettag $0x2  }
0x46: {  	s0 =	rddreg [dreg:$0x0];
	s2 =	stileid.u32  }
0x47: {  	s1 =	rddreg [dreg:$0x1];
	p0 =	sne.s32 s2, $0x0  }
0x48: {  	s3 =	rddreg [dreg:$0x2];
	[bflag:$0x3] =	sbarrier.arrive $0xFFFF;
	s2 =	simm.s32 @!p0 $0x1C01  }
0x49: {  	[timem:s3], [sflag:s2] =	dma.local @!p0 [hbm:s0], s1  }
0x4a: {  	s0 =	simm.s32 @!p0 $0x1  }
0x4b: {  	_ =	swait.ge @!p0 [sflag:s0], s1  }
0x4c: {  	s1 =	ssub.s32 @!p0 $0x0, s1;
	[sflag:s0] =	ssyncset.done @!p0 $0x0  }
0x4d: {  	[sflag:s0] =	ssyncadd.s32 @!p0 s1  }
0x4e: {  	[bflag:$0x3] =	sbarrier.arrive $0xFFFF  }
0x4f: {  	_ =	shalt  }

// kernel: gather_offload_async_start.7
scs
__scs_entry_jumppad:
0x0: {  	(pc) =	sbr.rel $0x88, $3  }
0x1: {  	(tag) =	ssettag $0x0;
	lr =	simm.s32 $0x1  }
0x2: {  	[smem:$0x3F99] =	sst lr;
	_ =	strace $0xD0000000  }
0x3: {  	_ = 	snop  }
0x4: {  	_ = 	snop  }
0x5: {  	_ = 	snop  }
0x6: {  	_ = 	snop  }
0x7: {  	_ = 	snop  }
__scs_overlays_trampoline_lowered:
0x8: {  	[smem:$0x3FA8] =	sst s0  }
0x9: {  	[smem:$0x3FA9] =	sst s1  }
0xa: {  	[smem:$0x3FAA] =	sst s2  }
0xb: {  	[smem:$0x3FAB] =	sst s3  }
0xc: {  	[smem:$0x3FAC] =	sst s4  }
0xd: {  	[smem:$0x3FAD] =	sst s5  }
0xe: {  	[smem:$0x3FAE] =	sst s6  }
0xf: {  	[smem:$0x3FAF] =	sst s7  }
0x10: {  	[smem:$0x3FB0] =	sst s8  }
0x11: {  	[smem:$0x3FB1] =	sst s9;
	s0 =	simm.s32 @!p0 $0x0  }
0x12: {  	s1 =	sld [smem:$0x3F97];
	s0 =	simm.s32 @p0 $0x1  }
0x13: {  	[smem:$0x3FB2] =	sst s0;
	s0 =	simm.s32 @!p1 $0x0  }
0x14: {  	s2 =	sld [smem:$0x3F96];
	s0 =	simm.s32 @p1 $0x1  }
0x15: {  	[smem:$0x3FB3] =	sst s0;
	s0 =	simm.s32 @!p2 $0x0  }
0x16: {  	s3 =	sld [smem:$0x3FDB];
	s0 =	simm.s32 @p2 $0x1  }
0x17: {  	s4 =	simm.s32 $0x1BF5;
	[smem:$0x3FB5] =	sst s0  }
0x18: {  	s0 =	sld [smem:$0x3F98];
	_ =	swait.ge [sflag:s4], $0x0  }
0x19: {  	s7 =	sld [smem:$0x3F99]  }
0x1a: {  	s8 =	sadd.s32 $0xFFFFE003, lr  }
0x1b: {  	s9 =	sadd.s32 $0xFFFFFEF7, lr;
	s5 =	simm.s32 $0xFFFFFFFF;
	p2 =	slt.u32 s8, $0xFFFFF086  }
0x1c: {  	p1 =	slt.u32 s9, $0xF7A;
	s5 =	simm.s32 @!p2 $0x0  }
0x1d: {  	s5 =	simm.s32 @p1 $0x1;
	p0 =	seq.s32 s7, s2  }
0x1e: {  	s7 =	smul.u32 @!p0 $0xF7A, s2;
	p2 =	seq.s32 @!p0 s5, $0x0  }
0x1f: {  	s9 =	smul.u32 $0xF7A, s1;
	s8 =	simm.s32 @!p0 $0x1BF5;
	p2 =	por !p2, p0  }
0x20: {  	[sflag:s8] =	ssyncset.s32 @!p0 $0xFFFFF086;
	s6 =	sadd.s32 @!p0 s3, s7;
	s7 =	simm.s32 @!p0 $0x108  }
0x21: {  	s3 =	sadd.s32 s3, s9;
	s6 =	sadd.s32 @!p0 $0x88, s6;
	s7 =	simm.s32 @p2 $0x1082  }
0x22: {  	[simem:s7], [sflag:s8] =	dma.local @!p0 [hbm:s6], $0xF7A  }
0x23: {  	s9 =	sor.u32 $0xD0000000, s2;
	s6 =	simm.s32 $0x108;
	_ =	swait.ge @!p0 [sflag:s8], $0x0  }
0x24: {  	s3 =	sadd.s32 $0x88, s3;
	s6 =	simm.s32 @!p1 $0x1082;
	[sflag:s4] =	ssyncset.s32 $0xFFFFF086  }
0x25: {  	[simem:s6], [sflag:s4] =	dma.local [hbm:s3], $0xF7A  }
0x26: {  	[smem:$0x3F99] =	sst s1;
	(tag) =	ssettag s2;
	_ =	strace s9  }
0x27: {  	s1 =	sld [smem:$0x3FA9]  }
0x28: {  	s2 =	sld [smem:$0x3FAA]  }
0x29: {  	s4 =	sld [smem:$0x3FAC]  }
0x2a: {  	p0 =	seq.s32 s5, $0x0;
	s5 =	sld [smem:$0x3FAD]  }
0x2b: {  	s6 =	sld [smem:$0x3FAE]  }
0x2c: {  	s7 =	sld [smem:$0x3FAF]  }
0x2d: {  	s3 =	simm.s32 $0x108;
	s8 =	sld [smem:$0x3FB0]  }
0x2e: {  	s3 =	simm.s32 @!p0 $0x1082;
	s9 =	sld [smem:$0x3FB1]  }
0x2f: {  	lr =	sadd.s32 s0, s3;
	s0 =	sld [smem:$0x3FA8]  }
0x30: {  	s3 =	sld [smem:$0x3FAB]  }
0x31: {  	[smem:$0x3FB4] =	sst s10  }
0x32: {  	s10 =	sld [smem:$0x3FB2];
	_ =	sdelay $0x3  }
0x33: {  	p0 =	seq.s32 s10, $0x1;
	s10 =	sld [smem:$0x3FB4];
	_ =	sdelay $0x3  }
0x34: {  	[smem:$0x3FB4] =	sst s10  }
0x35: {  	s10 =	sld [smem:$0x3FB3];
	_ =	sdelay $0x3  }
0x36: {  	p1 =	seq.s32 s10, $0x1;
	s10 =	sld [smem:$0x3FB4];
	_ =	sdelay $0x3  }
0x37: {  	[smem:$0x3FB4] =	sst s10  }
0x38: {  	s10 =	sld [smem:$0x3FB5]  }
0x39: {  	_ = 	snop;
	(pc) =	sbr.ind lr, $3  }
0x3a: {  	_ = 	snop  }
0x3b: {  	_ = 	snop  }
0x3c: {  	p2 =	seq.s32 s10, $0x1;
	s10 =	sld [smem:$0x3FB4]  }
0x3d: {  	_ =	shalt  }
0x3e: {  	_ =	shalt  }
0x3f: {  	_ =	shalt  }
0x40: {  	_ =	shalt  }
0x41: {  	_ =	shalt  }
0x42: {  	_ =	shalt  }
0x43: {  	_ =	shalt  }
0x44: {  	_ =	shalt  }
0x45: {  	_ =	shalt  }
0x46: {  	_ =	shalt  }
0x47: {  	_ =	shalt  }
0x48: {  	_ =	shalt  }
0x49: {  	_ =	shalt  }
0x4a: {  	_ =	shalt  }
0x4b: {  	_ =	shalt  }
0x4c: {  	_ =	shalt  }
0x4d: {  	_ =	shalt  }
0x4e: {  	_ =	shalt  }
0x4f: {  	_ =	shalt  }
0x50: {  	_ =	shalt  }
0x51: {  	_ =	shalt  }
0x52: {  	_ =	shalt  }
0x53: {  	_ =	shalt  }
0x54: {  	_ =	shalt  }
0x55: {  	_ =	shalt  }
0x56: {  	_ =	shalt  }
0x57: {  	_ =	shalt  }
0x58: {  	_ =	shalt  }
0x59: {  	_ =	shalt  }
0x5a: {  	_ =	shalt  }
0x5b: {  	_ =	shalt  }
0x5c: {  	_ =	shalt  }
0x5d: {  	_ =	shalt  }
0x5e: {  	_ =	shalt  }
0x5f: {  	_ =	shalt  }
0x60: {  	_ =	shalt  }
0x61: {  	_ =	shalt  }
0x62: {  	_ =	shalt  }
0x63: {  	_ =	shalt  }
0x64: {  	_ =	shalt  }
0x65: {  	_ =	shalt  }
0x66: {  	_ =	shalt  }
0x67: {  	_ =	shalt  }
0x68: {  	_ =	shalt  }
0x69: {  	_ =	shalt  }
0x6a: {  	_ =	shalt  }
0x6b: {  	_ =	shalt  }
0x6c: {  	_ =	shalt  }
0x6d: {  	_ =	shalt  }
0x6e: {  	_ =	shalt  }
0x6f: {  	_ =	shalt  }
0x70: {  	_ =	shalt  }
0x71: {  	_ =	shalt  }
0x72: {  	_ =	shalt  }
0x73: {  	_ =	shalt  }
0x74: {  	_ =	shalt  }
0x75: {  	_ =	shalt  }
0x76: {  	_ =	shalt  }
0x77: {  	_ =	shalt  }
0x78: {  	_ =	shalt  }
0x79: {  	_ =	shalt  }
0x7a: {  	_ =	shalt  }
0x7b: {  	_ =	shalt  }
0x7c: {  	_ =	shalt  }
0x7d: {  	_ =	shalt  }
0x7e: {  	_ =	shalt  }
0x7f: {  	_ =	shalt  }
0x80: {  	_ =	shalt  }
0x81: {  	_ =	shalt  }
0x82: {  	_ =	shalt  }
0x83: {  	_ =	shalt  }
0x84: {  	_ =	shalt  }
0x85: {  	_ =	shalt  }
0x86: {  	_ =	shalt  }
0x87: {  	_ =	shalt  }
.Lfunc_end0:
.L_simem_size_0:
called_computation.7_lowered:
.L_overlay_start_0:
0x88: {  	s2 =	sld [smem:$0x3FD9]  }
0x89: {  	s3 =	sld [smem:$0x3FFE];
	_ =	sdelay $0x1  }
0x8a: {  	s1 =	srdreg.scid  }
0x8b: {  	s0 =	sand.u32 $0x1, s1  }
0x8c: {  	s15 =	sshll.u32 s0, $0xA;
	s2 =	sadd.s32 s3, s2  }
0x8d: {  	s2 =	sadd.s32 s2, s15  }
0x8e: {  	[smem:$0x3FC0] =	sst s2  }
0x8f: {  	_ = 	snop  }
0x90: {  	s2 =	sld [smem:$0x3FD0];
	_ =	sdelay $0x2  }
0x91: {  	s16 =	simm.s32 $0xC;
	s4 =	simm.s32 $0x10  }
0x92: {  	[smem:s4], [sflag:s16] =	dma.local [hbm:s2], $0x1  }
0x93: {  	_ =	swait.eq [sflag:s16], $0x1  }
0x94: {  	[sflag:s16] =	ssyncset.done $0x0  }
0x95: {  	[sflag:s16] =	ssyncadd.s32 $0xFFFFFFFF  }
0x96: {  	s17 =	sld [smem:$0x11];
	(tm) =	ssettm $0x1  }
0x97: {  	s18 =	sld [smem:$0x3FFB];
	_ =	sdelay $0x3  }
0x98: {  	_ =	strace s18  }
0x99: {  	s2 =	sld [smem:$0x3FFC];
	_ =	sdelay $0x3  }
0x9a: {  	_ =	strace s2  }
0x9b: {  	s2 =	sld [smem:$0x3FFD];
	_ =	sdelay $0x3  }
0x9c: {  	_ =	strace s2  }
0x9d: {  	_ =	strace $0x8FFFFFFF  }
0x9e: {  	s19 =	sld [smem:$0x3FDB];
	_ =	sdelay $0x1  }
0x9f: {  	s20 =	simm.s32 $_scs_section_size  }
0xa0: {  	s5 =	simm.s32 $_size__tile_overlayer_lowered;
	s6 =	simm.s32 $_tile_overlayer_lowered  }
0xa1: {  	s7 =	simm.s32 $0x1BFF;
	s21 =	sshll.u32 s6, $0x1;
	s4 =	sadd.s32 s20, s19  }
0xa2: {  	s22 =	simm.s32 $0x0;
	s5 =	sshll.u32 s5, $0x1;
	s6 =	sadd.s32 s21, s4  }
0xa3: {  	[timem:s22], [sflag:s7] =	dma.local [hbm:s6], s5  }
0xa4: {  	_ =	swait.ge [sflag:s7], s5  }
0xa5: {  	s5 =	ssub.s32 $0x0, s5;
	[sflag:s7] =	ssyncset.done $0x0  }
0xa6: {  	[sflag:s7] =	ssyncadd.s32 s5;
	_ =	sdelay $0x1  }
0xa7: {  	s23 =	simm.s32 $0x1B8B  }
0xa8: {  	_ =	swait.ge [sflag:s23], $0x1  }
0xa9: {  	[sflag:s23] =	ssyncset.done $0x0  }
0xaa: {  	[sflag:s23] =	ssyncadd.s32 $0xFFFFFFFF  }
0xab: {  	s5 =	sld [smem:$0x0]  }
0xac: {  	s6 =	sand.u32 $0xFFFFFFFE, s1  }
0xad: {  	p0 =	sne.s32 s1, s6  }
0xae: {  	s6 =	sshll.u32 @p0 s6, $0xE  }
0xaf: {  	s6 =	sadd.s32 @p0 $0x11B8D, s6;
	s7 =	sshll.u32 @p0 s5, $0x11  }
0xb0: {  	s6 =	sor.u32 @p0 s7, s6  }
0xb1: {  	[sflag:s6] =	ssyncadd.remote.s32 @p0 $0x1;
	_ =	sdelay $0x1  }
0xb2: {  	s6 =	simm.s32 @p0 $0x1B8D  }
0xb3: {  	_ =	swait.eq @p0 [sflag:s6], $0x1  }
0xb4: {  	[sflag:s6] =	ssyncadd.s32 @p0 $0xFFFFFFFF  }
0xb5: {  	s7 =	sshll.u32 @!p0 s1, $0xE  }
0xb6: {  	s7 =	sor.u32 @!p0 $0x4000, s7;
	s6 =	simm.s32 @!p0 $0x1B8D  }
0xb7: {  	s5 =	sshll.u32 @!p0 s5, $0x11;
	s7 =	sadd.s32 @!p0 $0x11B8D, s7;
	_ =	swait.eq @!p0 [sflag:s6], $0x1  }
0xb8: {  	s5 =	sor.u32 @!p0 s5, s7;
	[sflag:s6] =	ssyncadd.s32 @!p0 $0xFFFFFFFF  }
0xb9: {  	s25 =	simm.s32 $0x1B8E;
	s24 =	sld [smem:$0x3FFE];
	[sflag:s5] =	ssyncadd.remote.s32 @!p0 $0x1  }
0xba: {  	s26 =	simm.s32 $execute0_lowered;
	[smem:$0x3FD2] =	sst s25  }
0xbb: {  	s6 =	sshll.u32 s26, $0x1;
	_ =	strace $0x80000052;
	[dreg:$0x1] =	wrdreg $0xFFFFFFFF  }
0xbc: {  	s28 =	simm.s32 $_size_execute0_lowered;
	s4 =	sadd.s32 s4, s6;
	[dreg:$0x0] =	wrdreg $0x0  }
0xbd: {  	s6 =	sshll.u32 s28, $0x1;
	[dreg:$0x2] =	wrdreg s4  }
0xbe: {  	[dreg:$0x3] =	wrdreg s6  }
0xbf: {  	[dreg:$0x4] =	wrdreg $0xC0  }
0xc0: {  	_ =	task [dreg:s22], $0x5FFFF  }
0xc1: {  	[dreg:$0x1] =	wrdreg $0xFFFFFFFF  }
0xc2: {  	[dreg:$0x0] =	wrdreg $0x60  }
0xc3: {  	[dreg:$0x2] =	wrdreg s24  }
0xc4: {  	[dreg:$0x3] =	wrdreg s17  }
0xc5: {  	[dreg:$0x4] =	wrdreg $0xB  }
0xc6: {  	_ =	task.clear_ibuf [dreg:s22], $0x5FFFF;
	_ =	strace $0x90000052  }
0xc7: {  	s29 =	simm.s32 $0xB;
	_ =	strace $0x80000054  }
0xc8: {  	_ =	swait.ge [sflag:s29], $0x1  }
0xc9: {  	[sflag:s29] =	ssyncadd.s32 $0xFFFFFFFF  }
0xca: {  	_ =	strace $0x90000054  }
0xcb: {  	_ =	sfence  }
0xcc: {  	s30 =	sld [smem:$0x0];
	_ =	sdelay $0x2  }
0xcd: {  	s31 =	sshll.u32 s1, $0xD;
	s1 =	sshrl.u32 s1, $0x2  }
0xce: {  	s4 =	sand.u32 $0x4000, s31;
	s1 =	sadd.s32 s1, s30  }
0xcf: {  	s0 =	sor.u32 s4, s0;
	s1 =	sshll.u32 s1, $0x11  }
0xd0: {  	s0 =	sor.u32 s1, s0  }
0xd1: {  	s0 =	sadd.s32 $0x8F2B, s0  }
0xd2: {  	[sflag:s0] =	ssyncadd.remote.s32 $0x1  }
0xd3: {  	_ =	sfence.sel $0xFFFF  }
0xd4: {  	[dreg:$0x0] =	wrdreg $0xFFFFFFFF;
	(pc) =	sbr.abs _section_cstart, $3  }
0xd5: {  	[dreg:$0x1] =	wrdreg $0xFFFFFFFF  }
0xd6: {  	_ =	task.clear_ibuf [dreg:s22], $0x2FFFF;
	_ =	strace $0x9FFFFFFF  }
0xd7: {  	(tm) =	ssettm $0x7FFFFFFF  }
tec
execute0_lowered:
.L_overlay_start_1:
0x0: {  	(tag) =	ssettag $0x1  }
0x1: {  	s1 =	srdreg.scid;
	s5 =	rddreg [dreg:$0x0]  }
0x2: {  	s0 =	stileid.u32;
	s2 =	rddreg [dreg:$0x1];
	s6 =	simm.s32 $0x1  }
0x3: {  	s9 =	simm.s32 $0x1;
	s10 =	simm.s32 $0x3;
	s1 =	sshll.u32 s1, $0x6  }
0x4: {  	s13 =	simm.s32 $0x0;
	s3 =	sshll.u32 s0, $0x7;
	s4 =	sand.u32 $0x40, s1  }
0x5: {  	s12 =	simm.s32 $0x0;
	s1 =	rddreg [dreg:$0x2];
	s3 =	sor.u32 s3, s4  }
0x6: {  	_ =	strace $0x80000053;
	s4 =	sadd.s32 $0x1D400, s5;
	s8 =	ssub.s32 $0x1000, s3  }
.Ltmp0:
0x7: {  	s5 =	sadd.s32 $0xCE00, s5;
	s7 =	sand.u32 $0x7C0, s8;
	(pc) =	sbr.rel .LBB2_1-.Ltmp0, $4  }
0x8: {  	[sflag:s6] =	ssyncpa.u1 $0x0;
	s11 =	smov.u32 s3;
	p0 =	sne.s32 s7, $0x0  }
0x9: {  	s8 =	sshrl.u32 s8, $0xB;
	s7 =	simm.s32 $0x2;
	s9 =	simm.s32 @!p0 $0x0  }
0xa: {  	[sflag:s7] =	ssyncpa.u1 $0x0;
	p0 =	por $0x0, $0x0;
	s8 =	sadd.s32 s9, s8  }
0xb: {  	vm0 =	vmmov $0xffff;
	[sflag:s10] =	ssyncpa.u1 $0x0;
	s10 =	simm.s32 $0x0;
	s9 =	sadd.s32 $0x1, s8  }
.LBB2_4:
0xc: {  	v2 =	vnsel vm1, $0x0, v2  }
0xd: {  	vm1 =	vgt.s32 v0, $0x0;
	v2 =	vmin.u32 v2, $0x40000  }
0xe: {  	v0 =	vnsel vm1, $0x0, v0  }
0xf: {  	v0 =	vmin.u32 v0, $0x40000  }
0x10: {  	[tilespmem:s15], [sflag:$0x1] =	stream.indirect_vreg.gather [hbm4b:s4+s10], $0x1, v1, vm0, $0x4038;
	[tilespmem:$0x100] =	vst v63  }
0x11: {  	(ifvalue) =	ssetifvalue $0x7FFFFFFF  }
0x12: {  	[tilespmem:s16], [sflag:$0x1] =	stream.indirect_vreg.gather [hbm4b:s4+s10], $0x1, v2, vm0, $0x4038;
	[tilespmem:$0x100] =	vst v63  }
0x13: {  	s29 =	sadd.s32 $0x10, s16;
	(ifvalue) =	ssetifvalue $0x7FFFFFFF  }
0x14: {  	[tilespmem:s29], [sflag:$0x1] =	stream.indirect_vreg.gather [hbm4b:s4+s10], $0x1, v0, vm0, $0x4038;
	[tilespmem:$0x100] =	vst v63  }
0x15: {  	_ =	swait.ge [sflag:s6], $0x40  }
0x16: {  	s30 =	sshrl.u32 s13, $0x3;
	[sflag:s6] =	ssyncset.done $0x0  }
0x17: {  	s31 =	sand.u32 $0x7, s13;
	s15 =	sadd.s32 s2, s30;
	[sflag:s6] =	ssyncadd.s32 $0xFFFFFFC0  }
0x18: {  	[hbm4b:s15+s31] =	stream.linear.scatter [tilespmem:s14], [sflag:$0x3], $0x40, $0x38;
	[tilespmem:$0x100] =	vst v63  }
.LBB2_5:
0x19: {  	s15 =	sadd.s32 $0x800, s11  }
0x1a: {  	p2 =	sgt.s32 s15, $0xFFF  }
0x1b: {  	s15 =	smov.u32 @p2 s3;
	p2 =	sne.s32 s12, s9  }
.Ltmp1:
0x1c: {  	p1 =	slt.u32 s12, $0x2;
	(pc) =	sbr.rel @!p2 .LBB2_6-.Ltmp1, $4  }
0x1d: {  	s14 =	simm.s32 @!p1 $0x3  }
0x1e: {  	s16 =	sadd.s32 $0x1, s12;
	_ =	swait.ge @!p1 [sflag:s14], $0x40  }
0x1f: {  	s13 =	smov.u32 s11;
	p0 =	por !p0, !p0;
	[sflag:s14] =	ssyncset.done @!p1 $0x0  }
0x20: {  	s12 =	smov.u32 s16;
	s11 =	smov.u32 s15;
	[sflag:s14] =	ssyncadd.s32 @!p1 $0xFFFFFFC0  }
.LBB2_1:
0x21: {  	p1 =	sge.u32 s12, s8  }
0x22: {  	s14 =	sxor.u32 @!p1 $0xFFFFFFFF, s12  }
0x23: {  	s31 =	sadd.s32 $0xFFFFFFFF, s12;
	s15 =	sshrl.u32 @!p1 s11, $0x3;
	s14 =	sshll.u32 @!p1 s14, $0x6  }
0x24: {  	s16 =	sand.u32 @!p1 $0x7, s11;
	s15 =	sadd.s32 @!p1 s5, s15;
	s14 =	sand.u32 @!p1 $0x40, s14  }
0x25: {  	[tilespmem:s14], [sflag:$0x2] =	stream.linear.gather @!p1 [hbm4b:s15+s16], $0x40, $0x38;
	[tilespmem:$0x100] =	vst v63  }
0x26: {  	p1 =	sge.u32 s31, s8  }
.Ltmp2:
0x27: {  	_ = 	snop;
	(pc) =	sbr.rel @p1 .LBB2_5-.Ltmp2, $1  }
0x28: {  	_ =	sdelay $0x3  }
0x29: {  	s14 =	simm.s32 $0x1  }
0x2a: {  	_ =	swait.ge [sflag:s7], $0x40;
	s14 =	simm.s32 @!p0 $0x0  }
0x2b: {  	[sflag:s7] =	ssyncset.done $0x0;
	s14 =	sshll.u32 s14, $0x6  }
0x2c: {  	[sflag:s7] =	ssyncadd.s32 $0xFFFFFFC0;
	(ifvalue) =	ssetifvalue $0x7FFFFFFF;
	v0 =	vld.msk [tilespmem:s14+$0x0 ss:$0x1], $0xffff;
	_ =	sdelay $0x4  }
0x2d: {  	s15 =	sadd.s32 $0x10, s14;
	vm1 =	vgt.s32 v0, $0x0  }
0x2e: {  	v2 =	vld.msk [tilespmem:s15+$0x0 ss:$0x1], $0xffff;
	v1 =	vnsel vm1, $0x0, v0  }
0x2f: {  	v1 =	vmin.u32 v1, $0x40000;
	_ =	sdelay $0x1  }
0x30: {  	s16 =	sshll.u32 s12, $0x6;
	s18 =	simm.s32 $0x20  }
0x31: {  	s16 =	sand.u32 $0x40, s16;
	s17 =	sadd.s32 $0x10, s15;
	s15 =	sor.u32 $0x80, s14  }
0x32: {  	s14 =	sor.u32 $0x80, s16;
	s16 =	sadd.s32 $0x10, s15;
	v0 =	vld.msk [tilespmem:s17+$0x0 ss:$0x1], $0xffff;
	vm1 =	vgt.s32 v2, $0x0;
	(ifvalue) =	ssetifvalue $0x7FFFFFFF  }
.LBB2_3:
0x33: {  	[tilespmem:s15], [sflag:$0x1] =	stream.indirect_vreg.gather [hbm4b:s4+s10], $0x1, v1, vm0, $0x4038;
	[tilespmem:$0x100] =	vst v63  }
0x34: {  	s18 =	sadd.s32 $0x10, s18  }
0x35: {  	v2 =	vnsel vm1, $0x0, v2;
	p1 =	slt.u32 s18, $0x30  }
.Ltmp3:
0x36: {  	s15 =	smov.u32 s16;
	v1 =	vmin.u32 v2, $0x40000;
	(pc) =	sbr.rel @p1 .LBB2_3-.Ltmp3, $3  }
0x37: {  	_ =	sdelay $0x1  }
0x38: {  	s17 =	sadd.s32 $0x10, s17  }
0x39: {  	vm1 =	vgt.s32 v0, $0x0;
	s16 =	sadd.s32 $0x10, s16;
	v2 =	vmov v0;
	(ifvalue) =	ssetifvalue $0x7FFFFFFF;
	v0 =	vld.msk [tilespmem:s17+$0x0 ss:$0x1], $0xffff  }
.Ltmp4:
0x3a: {  	_ = 	snop;
	(pc) =	sbr.rel .LBB2_4-.Ltmp4, $1  }
0x3b: {  	_ =	sdelay $0x3  }
.LBB2_6:
0x3c: {  	_ =	sfence.sel $0x180000  }
0x3d: {  	s2 =	simm.s32 $0x2;
	[bflag:$0x0] =	sbarrier.arrive $0xFFFF  }
0x3e: {  	s30 =	simm.s32 $0x3;
	[sflag:s2] =	ssyncpa.u1 $0x1  }
0x3f: {  	s31 =	simm.s32 $0x1;
	[sflag:s30] =	ssyncpa.u1 $0x1  }
0x40: {  	[sflag:s31] =	ssyncpa.u1 $0x1  }
0x41: {  	p0 =	sne.s32 s0, $0x0;
	_ =	strace $0x90000053  }
0x42: {  	s0 =	sadd.s32 @!p0 $0x100000, s1;
	[bflag:$0x2] =	sbarrier.arrive $0xFFFF  }
0x43: {  	[sflag:s0] =	ssyncadd.tile.s32 @!p0 $0x1;
	_ =	shalt  }
.Lfunc_end2:
_tile_overlayer_lowered:
.L_overlay_start_2:
0x44: {  	(tag) =	ssettag $0x2  }
0x45: {  	s0 =	rddreg [dreg:$0x0];
	s2 =	stileid.u32  }
0x46: {  	s1 =	rddreg [dreg:$0x1];
	p0 =	sne.s32 s2, $0x0  }
0x47: {  	s3 =	rddreg [dreg:$0x2];
	[bflag:$0x3] =	sbarrier.arrive $0xFFFF;
	s2 =	simm.s32 @!p0 $0x1C01  }
0x48: {  	[timem:s3], [sflag:s2] =	dma.local @!p0 [hbm:s0], s1  }
0x49: {  	s0 =	simm.s32 @!p0 $0x1  }
0x4a: {  	_ =	swait.ge @!p0 [sflag:s0], s1  }
0x4b: {  	s1 =	ssub.s32 @!p0 $0x0, s1;
	[sflag:s0] =	ssyncset.done @!p0 $0x0  }
0x4c: {  	[sflag:s0] =	ssyncadd.s32 @!p0 s1  }
0x4d: {  	[bflag:$0x3] =	sbarrier.arrive $0xFFFF  }
0x4e: {  	_ =	shalt  }

// kernel: gather_offload_async_start.8
scs
__scs_entry_jumppad:
0x0: {  	(pc) =	sbr.rel $0x88, $3  }
0x1: {  	(tag) =	ssettag $0x0;
	lr =	simm.s32 $0x1  }
0x2: {  	[smem:$0x3F99] =	sst lr;
	_ =	strace $0xD0000000  }
0x3: {  	_ = 	snop  }
0x4: {  	_ = 	snop  }
0x5: {  	_ = 	snop  }
0x6: {  	_ = 	snop  }
0x7: {  	_ = 	snop  }
__scs_overlays_trampoline_lowered:
0x8: {  	[smem:$0x3FA8] =	sst s0  }
0x9: {  	[smem:$0x3FA9] =	sst s1  }
0xa: {  	[smem:$0x3FAA] =	sst s2  }
0xb: {  	[smem:$0x3FAB] =	sst s3  }
0xc: {  	[smem:$0x3FAC] =	sst s4  }
0xd: {  	[smem:$0x3FAD] =	sst s5  }
0xe: {  	[smem:$0x3FAE] =	sst s6  }
0xf: {  	[smem:$0x3FAF] =	sst s7  }
0x10: {  	[smem:$0x3FB0] =	sst s8  }
0x11: {  	[smem:$0x3FB1] =	sst s9;
	s0 =	simm.s32 @!p0 $0x0  }
0x12: {  	s1 =	sld [smem:$0x3F97];
	s0 =	simm.s32 @p0 $0x1  }
0x13: {  	[smem:$0x3FB2] =	sst s0;
	s0 =	simm.s32 @!p1 $0x0  }
0x14: {  	s2 =	sld [smem:$0x3F96];
	s0 =	simm.s32 @p1 $0x1  }
0x15: {  	[smem:$0x3FB3] =	sst s0;
	s0 =	simm.s32 @!p2 $0x0  }
0x16: {  	s3 =	sld [smem:$0x3FDB];
	s0 =	simm.s32 @p2 $0x1  }
0x17: {  	s4 =	simm.s32 $0x1BF5;
	[smem:$0x3FB5] =	sst s0  }
0x18: {  	s0 =	sld [smem:$0x3F98];
	_ =	swait.ge [sflag:s4], $0x0  }
0x19: {  	s7 =	sld [smem:$0x3F99]  }
0x1a: {  	s8 =	sadd.s32 $0xFFFFE003, lr  }
0x1b: {  	s9 =	sadd.s32 $0xFFFFFEF7, lr;
	s5 =	simm.s32 $0xFFFFFFFF;
	p2 =	slt.u32 s8, $0xFFFFF086  }
0x1c: {  	p1 =	slt.u32 s9, $0xF7A;
	s5 =	simm.s32 @!p2 $0x0  }
0x1d: {  	s5 =	simm.s32 @p1 $0x1;
	p0 =	seq.s32 s7, s2  }
0x1e: {  	s7 =	smul.u32 @!p0 $0xF7A, s2;
	p2 =	seq.s32 @!p0 s5, $0x0  }
0x1f: {  	s9 =	smul.u32 $0xF7A, s1;
	s8 =	simm.s32 @!p0 $0x1BF5;
	p2 =	por !p2, p0  }
0x20: {  	[sflag:s8] =	ssyncset.s32 @!p0 $0xFFFFF086;
	s6 =	sadd.s32 @!p0 s3, s7;
	s7 =	simm.s32 @!p0 $0x108  }
0x21: {  	s3 =	sadd.s32 s3, s9;
	s6 =	sadd.s32 @!p0 $0x88, s6;
	s7 =	simm.s32 @p2 $0x1082  }
0x22: {  	[simem:s7], [sflag:s8] =	dma.local @!p0 [hbm:s6], $0xF7A  }
0x23: {  	s9 =	sor.u32 $0xD0000000, s2;
	s6 =	simm.s32 $0x108;
	_ =	swait.ge @!p0 [sflag:s8], $0x0  }
0x24: {  	s3 =	sadd.s32 $0x88, s3;
	s6 =	simm.s32 @!p1 $0x1082;
	[sflag:s4] =	ssyncset.s32 $0xFFFFF086  }
0x25: {  	[simem:s6], [sflag:s4] =	dma.local [hbm:s3], $0xF7A  }
0x26: {  	[smem:$0x3F99] =	sst s1;
	(tag) =	ssettag s2;
	_ =	strace s9  }
0x27: {  	s1 =	sld [smem:$0x3FA9]  }
0x28: {  	s2 =	sld [smem:$0x3FAA]  }
0x29: {  	s4 =	sld [smem:$0x3FAC]  }
0x2a: {  	p0 =	seq.s32 s5, $0x0;
	s5 =	sld [smem:$0x3FAD]  }
0x2b: {  	s6 =	sld [smem:$0x3FAE]  }
0x2c: {  	s7 =	sld [smem:$0x3FAF]  }
0x2d: {  	s3 =	simm.s32 $0x108;
	s8 =	sld [smem:$0x3FB0]  }
0x2e: {  	s3 =	simm.s32 @!p0 $0x1082;
	s9 =	sld [smem:$0x3FB1]  }
0x2f: {  	lr =	sadd.s32 s0, s3;
	s0 =	sld [smem:$0x3FA8]  }
0x30: {  	s3 =	sld [smem:$0x3FAB]  }
0x31: {  	[smem:$0x3FB4] =	sst s10  }
0x32: {  	s10 =	sld [smem:$0x3FB2];
	_ =	sdelay $0x3  }
0x33: {  	p0 =	seq.s32 s10, $0x1;
	s10 =	sld [smem:$0x3FB4];
	_ =	sdelay $0x3  }
0x34: {  	[smem:$0x3FB4] =	sst s10  }
0x35: {  	s10 =	sld [smem:$0x3FB3];
	_ =	sdelay $0x3  }
0x36: {  	p1 =	seq.s32 s10, $0x1;
	s10 =	sld [smem:$0x3FB4];
	_ =	sdelay $0x3  }
0x37: {  	[smem:$0x3FB4] =	sst s10  }
0x38: {  	s10 =	sld [smem:$0x3FB5]  }
0x39: {  	_ = 	snop;
	(pc) =	sbr.ind lr, $3  }
0x3a: {  	_ = 	snop  }
0x3b: {  	_ = 	snop  }
0x3c: {  	p2 =	seq.s32 s10, $0x1;
	s10 =	sld [smem:$0x3FB4]  }
0x3d: {  	_ =	shalt  }
0x3e: {  	_ =	shalt  }
0x3f: {  	_ =	shalt  }
0x40: {  	_ =	shalt  }
0x41: {  	_ =	shalt  }
0x42: {  	_ =	shalt  }
0x43: {  	_ =	shalt  }
0x44: {  	_ =	shalt  }
0x45: {  	_ =	shalt  }
0x46: {  	_ =	shalt  }
0x47: {  	_ =	shalt  }
0x48: {  	_ =	shalt  }
0x49: {  	_ =	shalt  }
0x4a: {  	_ =	shalt  }
0x4b: {  	_ =	shalt  }
0x4c: {  	_ =	shalt  }
0x4d: {  	_ =	shalt  }
0x4e: {  	_ =	shalt  }
0x4f: {  	_ =	shalt  }
0x50: {  	_ =	shalt  }
0x51: {  	_ =	shalt  }
0x52: {  	_ =	shalt  }
0x53: {  	_ =	shalt  }
0x54: {  	_ =	shalt  }
0x55: {  	_ =	shalt  }
0x56: {  	_ =	shalt  }
0x57: {  	_ =	shalt  }
0x58: {  	_ =	shalt  }
0x59: {  	_ =	shalt  }
0x5a: {  	_ =	shalt  }
0x5b: {  	_ =	shalt  }
0x5c: {  	_ =	shalt  }
0x5d: {  	_ =	shalt  }
0x5e: {  	_ =	shalt  }
0x5f: {  	_ =	shalt  }
0x60: {  	_ =	shalt  }
0x61: {  	_ =	shalt  }
0x62: {  	_ =	shalt  }
0x63: {  	_ =	shalt  }
0x64: {  	_ =	shalt  }
0x65: {  	_ =	shalt  }
0x66: {  	_ =	shalt  }
0x67: {  	_ =	shalt  }
0x68: {  	_ =	shalt  }
0x69: {  	_ =	shalt  }
0x6a: {  	_ =	shalt  }
0x6b: {  	_ =	shalt  }
0x6c: {  	_ =	shalt  }
0x6d: {  	_ =	shalt  }
0x6e: {  	_ =	shalt  }
0x6f: {  	_ =	shalt  }
0x70: {  	_ =	shalt  }
0x71: {  	_ =	shalt  }
0x72: {  	_ =	shalt  }
0x73: {  	_ =	shalt  }
0x74: {  	_ =	shalt  }
0x75: {  	_ =	shalt  }
0x76: {  	_ =	shalt  }
0x77: {  	_ =	shalt  }
0x78: {  	_ =	shalt  }
0x79: {  	_ =	shalt  }
0x7a: {  	_ =	shalt  }
0x7b: {  	_ =	shalt  }
0x7c: {  	_ =	shalt  }
0x7d: {  	_ =	shalt  }
0x7e: {  	_ =	shalt  }
0x7f: {  	_ =	shalt  }
0x80: {  	_ =	shalt  }
0x81: {  	_ =	shalt  }
0x82: {  	_ =	shalt  }
0x83: {  	_ =	shalt  }
0x84: {  	_ =	shalt  }
0x85: {  	_ =	shalt  }
0x86: {  	_ =	shalt  }
0x87: {  	_ =	shalt  }
.Lfunc_end0:
.L_simem_size_0:
called_computation.8_lowered:
.L_overlay_start_0:
0x88: {  	s2 =	sld [smem:$0x3FD9]  }
0x89: {  	s3 =	sld [smem:$0x3FFE];
	_ =	sdelay $0x1  }
0x8a: {  	s1 =	srdreg.scid  }
0x8b: {  	s0 =	sand.u32 $0x1, s1  }
0x8c: {  	s14 =	sshll.u32 s0, $0xA;
	s2 =	sadd.s32 s3, s2  }
0x8d: {  	s2 =	sadd.s32 s2, s14  }
0x8e: {  	[smem:$0x3FC0] =	sst s2  }
0x8f: {  	_ = 	snop  }
0x90: {  	s2 =	sld [smem:$0x3FD0];
	_ =	sdelay $0x2  }
0x91: {  	s15 =	simm.s32 $0xC;
	s4 =	simm.s32 $0x10  }
0x92: {  	[smem:s4], [sflag:s15] =	dma.local [hbm:s2], $0x1  }
0x93: {  	_ =	swait.eq [sflag:s15], $0x1  }
0x94: {  	[sflag:s15] =	ssyncset.done $0x0  }
0x95: {  	s16 =	sld [smem:$0x13];
	[sflag:s15] =	ssyncadd.s32 $0xFFFFFFFF  }
0x96: {  	s17 =	sld [smem:$0x15];
	(tm) =	ssettm $0x1  }
0x97: {  	s18 =	sld [smem:$0x3FFB];
	_ =	sdelay $0x3  }
0x98: {  	_ =	strace s18  }
0x99: {  	s4 =	sld [smem:$0x3FFC];
	_ =	sdelay $0x3  }
0x9a: {  	_ =	strace s4  }
0x9b: {  	s4 =	sld [smem:$0x3FFD];
	_ =	sdelay $0x3  }
0x9c: {  	_ =	strace s4  }
0x9d: {  	_ =	strace $0x8FFFFFFF  }
0x9e: {  	s19 =	sld [smem:$0x3FDB];
	_ =	sdelay $0x1  }
0x9f: {  	s5 =	simm.s32 $_scs_section_size  }
0xa0: {  	s6 =	simm.s32 $_size__tile_overlayer_lowered;
	s7 =	simm.s32 $_tile_overlayer_lowered  }
0xa1: {  	s22 =	simm.s32 $0x1BFF;
	s21 =	sshll.u32 s7, $0x1;
	s4 =	sadd.s32 s5, s19  }
0xa2: {  	s8 =	simm.s32 $0x0;
	s20 =	sshll.u32 s6, $0x1;
	s6 =	sadd.s32 s21, s4  }
0xa3: {  	[timem:s8], [sflag:s22] =	dma.local [hbm:s6], s20  }
0xa4: {  	_ =	swait.ge [sflag:s22], s20  }
0xa5: {  	s5 =	ssub.s32 $0x0, s20;
	[sflag:s22] =	ssyncset.done $0x0  }
0xa6: {  	[sflag:s22] =	ssyncadd.s32 s5;
	_ =	sdelay $0x1  }
0xa7: {  	s23 =	simm.s32 $0x1B8B  }
0xa8: {  	_ =	swait.ge [sflag:s23], $0x1  }
0xa9: {  	[sflag:s23] =	ssyncset.done $0x0  }
0xaa: {  	s25 =	simm.s32 $0x1B8E;
	s24 =	sld [smem:$0x3FFE];
	[sflag:s23] =	ssyncadd.s32 $0xFFFFFFFF  }
0xab: {  	s26 =	simm.s32 $execute0_lowered;
	[smem:$0x3FD2] =	sst s25  }
0xac: {  	s6 =	sshll.u32 s26, $0x1;
	_ =	strace $0x80000049;
	[dreg:$0x1] =	wrdreg $0xFFFFFFFF  }
0xad: {  	s28 =	simm.s32 $_size_execute0_lowered;
	s4 =	sadd.s32 s4, s6;
	[dreg:$0x0] =	wrdreg $0x0  }
0xae: {  	s6 =	sshll.u32 s28, $0x1;
	[dreg:$0x2] =	wrdreg s4  }
0xaf: {  	[dreg:$0x3] =	wrdreg s6  }
0xb0: {  	[dreg:$0x4] =	wrdreg $0xC0  }
0xb1: {  	_ =	task [dreg:s8], $0x5FFFF  }
0xb2: {  	[dreg:$0x1] =	wrdreg $0xFFFFFFFF  }
0xb3: {  	[dreg:$0x0] =	wrdreg $0x60  }
0xb4: {  	[dreg:$0x2] =	wrdreg s24  }
0xb5: {  	[dreg:$0x3] =	wrdreg s16  }
0xb6: {  	[dreg:$0x4] =	wrdreg s17  }
0xb7: {  	[dreg:$0x5] =	wrdreg $0xA  }
0xb8: {  	_ =	task.clear_ibuf [dreg:s8], $0x6FFFF;
	_ =	strace $0x90000049  }
0xb9: {  	s29 =	simm.s32 $0xA;
	_ =	strace $0x8000004B  }
0xba: {  	_ =	swait.ge [sflag:s29], $0x1  }
0xbb: {  	[sflag:s29] =	ssyncadd.s32 $0xFFFFFFFF  }
0xbc: {  	_ =	strace $0x9000004B  }
0xbd: {  	_ =	sfence  }
0xbe: {  	s30 =	sld [smem:$0x0];
	_ =	sdelay $0x2  }
0xbf: {  	s31 =	sshll.u32 s1, $0xD;
	s1 =	sshrl.u32 s1, $0x2  }
0xc0: {  	s3 =	sand.u32 $0x4000, s31;
	s1 =	sadd.s32 s1, s30  }
0xc1: {  	s0 =	sor.u32 s3, s0;
	s1 =	sshll.u32 s1, $0x11  }
0xc2: {  	s0 =	sor.u32 s1, s0  }
0xc3: {  	s0 =	sadd.s32 $0x8F2B, s0  }
0xc4: {  	[sflag:s0] =	ssyncadd.remote.s32 $0x1  }
0xc5: {  	_ =	sfence.sel $0xFFFF  }
0xc6: {  	[dreg:$0x0] =	wrdreg $0xFFFFFFFF;
	(pc) =	sbr.abs _section_cstart, $3  }
0xc7: {  	[dreg:$0x1] =	wrdreg $0xFFFFFFFF  }
0xc8: {  	_ =	task.clear_ibuf [dreg:s8], $0x2FFFF;
	_ =	strace $0x9FFFFFFF  }
0xc9: {  	(tm) =	ssettm $0x7FFFFFFF  }
tec
execute0_lowered:
.L_overlay_start_1:
0x0: {  	(tag) =	ssettag $0x1  }
0x1: {  	s5 =	rddreg [dreg:$0x0]  }
0x2: {  	s1 =	srdreg.scid;
	s2 =	rddreg [dreg:$0x1]  }
0x3: {  	s0 =	stileid.u32;
	s3 =	rddreg [dreg:$0x2]  }
0x4: {  	s9 =	simm.s32 $0x1;
	s10 =	simm.s32 $0x3;
	s1 =	sshll.u32 s1, $0x6  }
0x5: {  	s13 =	simm.s32 $0x0;
	s4 =	sshll.u32 s0, $0x7;
	s6 =	sand.u32 $0x40, s1  }
0x6: {  	s12 =	simm.s32 $0x0;
	s5 =	sadd.s32 $0xD000, s5;
	s4 =	sor.u32 s4, s6  }
0x7: {  	s1 =	rddreg [dreg:$0x3];
	_ =	strace $0x8000004A;
	s8 =	ssub.s32 $0x1000, s4  }
.Ltmp0:
0x8: {  	s6 =	simm.s32 $0x1;
	s7 =	sand.u32 $0x7C0, s8;
	(pc) =	sbr.rel .LBB2_1-.Ltmp0, $4  }
0x9: {  	[sflag:s6] =	ssyncpa.u1 $0x0;
	s11 =	smov.u32 s4;
	p0 =	sne.s32 s7, $0x0  }
0xa: {  	s8 =	sshrl.u32 s8, $0xB;
	s7 =	simm.s32 $0x2;
	s9 =	simm.s32 @!p0 $0x0  }
0xb: {  	[sflag:s7] =	ssyncpa.u1 $0x0;
	p0 =	por $0x0, $0x0;
	s8 =	sadd.s32 s9, s8  }
0xc: {  	vm0 =	vmmov $0xffff;
	[sflag:s10] =	ssyncpa.u1 $0x0;
	s10 =	simm.s32 $0x0;
	s9 =	sadd.s32 $0x1, s8  }
.LBB2_4:
0xd: {  	v2 =	vnsel vm1, $0x0, v2  }
0xe: {  	vm1 =	vgt.s32 v0, $0x0;
	v2 =	vmin.u32 v2, $0x40000  }
0xf: {  	v0 =	vnsel vm1, $0x0, v0  }
0x10: {  	v0 =	vmin.u32 v0, $0x40000  }
0x11: {  	[tilespmem:s15], [sflag:$0x1] =	stream.indirect_vreg.gather [hbm4b:s5+s10], $0x1, v1, vm0, $0x4038;
	[tilespmem:$0x100] =	vst v63  }
0x12: {  	(ifvalue) =	ssetifvalue $0x7FFFFFFF  }
0x13: {  	[tilespmem:s16], [sflag:$0x1] =	stream.indirect_vreg.gather [hbm4b:s5+s10], $0x1, v2, vm0, $0x4038;
	[tilespmem:$0x100] =	vst v63  }
0x14: {  	s29 =	sadd.s32 $0x10, s16;
	(ifvalue) =	ssetifvalue $0x7FFFFFFF  }
0x15: {  	[tilespmem:s29], [sflag:$0x1] =	stream.indirect_vreg.gather [hbm4b:s5+s10], $0x1, v0, vm0, $0x4038;
	[tilespmem:$0x100] =	vst v63  }
0x16: {  	_ =	swait.ge [sflag:s6], $0x40  }
0x17: {  	s30 =	sshrl.u32 s13, $0x3;
	[sflag:s6] =	ssyncset.done $0x0  }
0x18: {  	s31 =	sand.u32 $0x7, s13;
	s15 =	sadd.s32 s3, s30;
	[sflag:s6] =	ssyncadd.s32 $0xFFFFFFC0  }
0x19: {  	[hbm4b:s15+s31] =	stream.linear.scatter [tilespmem:s14], [sflag:$0x3], $0x40, $0x38;
	[tilespmem:$0x100] =	vst v63  }
.LBB2_5:
0x1a: {  	s15 =	sadd.s32 $0x800, s11  }
0x1b: {  	p2 =	sgt.s32 s15, $0xFFF  }
0x1c: {  	s15 =	smov.u32 @p2 s4;
	p2 =	sne.s32 s12, s9  }
.Ltmp1:
0x1d: {  	p1 =	slt.u32 s12, $0x2;
	(pc) =	sbr.rel @!p2 .LBB2_6-.Ltmp1, $4  }
0x1e: {  	s14 =	simm.s32 @!p1 $0x3  }
0x1f: {  	s16 =	sadd.s32 $0x1, s12;
	_ =	swait.ge @!p1 [sflag:s14], $0x40  }
0x20: {  	s13 =	smov.u32 s11;
	p0 =	por !p0, !p0;
	[sflag:s14] =	ssyncset.done @!p1 $0x0  }
0x21: {  	s12 =	smov.u32 s16;
	s11 =	smov.u32 s15;
	[sflag:s14] =	ssyncadd.s32 @!p1 $0xFFFFFFC0  }
.LBB2_1:
0x22: {  	p1 =	sge.u32 s12, s8  }
0x23: {  	s14 =	sxor.u32 @!p1 $0xFFFFFFFF, s12  }
0x24: {  	s31 =	sadd.s32 $0xFFFFFFFF, s12;
	s15 =	sshrl.u32 @!p1 s11, $0x3;
	s14 =	sshll.u32 @!p1 s14, $0x6  }
0x25: {  	s16 =	sand.u32 @!p1 $0x7, s11;
	s15 =	sadd.s32 @!p1 s2, s15;
	s14 =	sand.u32 @!p1 $0x40, s14  }
0x26: {  	[tilespmem:s14], [sflag:$0x2] =	stream.linear.gather @!p1 [hbm4b:s15+s16], $0x40, $0x38;
	[tilespmem:$0x100] =	vst v63  }
0x27: {  	p1 =	sge.u32 s31, s8  }
.Ltmp2:
0x28: {  	_ = 	snop;
	(pc) =	sbr.rel @p1 .LBB2_5-.Ltmp2, $1  }
0x29: {  	_ =	sdelay $0x3  }
0x2a: {  	s14 =	simm.s32 $0x1  }
0x2b: {  	_ =	swait.ge [sflag:s7], $0x40;
	s14 =	simm.s32 @!p0 $0x0  }
0x2c: {  	[sflag:s7] =	ssyncset.done $0x0;
	s14 =	sshll.u32 s14, $0x6  }
0x2d: {  	[sflag:s7] =	ssyncadd.s32 $0xFFFFFFC0;
	(ifvalue) =	ssetifvalue $0x7FFFFFFF;
	v0 =	vld.msk [tilespmem:s14+$0x0 ss:$0x1], $0xffff;
	_ =	sdelay $0x4  }
0x2e: {  	s15 =	sadd.s32 $0x10, s14;
	vm1 =	vgt.s32 v0, $0x0  }
0x2f: {  	v2 =	vld.msk [tilespmem:s15+$0x0 ss:$0x1], $0xffff;
	v1 =	vnsel vm1, $0x0, v0  }
0x30: {  	v1 =	vmin.u32 v1, $0x40000;
	_ =	sdelay $0x1  }
0x31: {  	s16 =	sshll.u32 s12, $0x6;
	s18 =	simm.s32 $0x20  }
0x32: {  	s16 =	sand.u32 $0x40, s16;
	s17 =	sadd.s32 $0x10, s15;
	s15 =	sor.u32 $0x80, s14  }
0x33: {  	s14 =	sor.u32 $0x80, s16;
	s16 =	sadd.s32 $0x10, s15;
	v0 =	vld.msk [tilespmem:s17+$0x0 ss:$0x1], $0xffff;
	vm1 =	vgt.s32 v2, $0x0;
	(ifvalue) =	ssetifvalue $0x7FFFFFFF  }
.LBB2_3:
0x34: {  	[tilespmem:s15], [sflag:$0x1] =	stream.indirect_vreg.gather [hbm4b:s5+s10], $0x1, v1, vm0, $0x4038;
	[tilespmem:$0x100] =	vst v63  }
0x35: {  	s18 =	sadd.s32 $0x10, s18  }
0x36: {  	v2 =	vnsel vm1, $0x0, v2;
	p1 =	slt.u32 s18, $0x30  }
.Ltmp3:
0x37: {  	s15 =	smov.u32 s16;
	v1 =	vmin.u32 v2, $0x40000;
	(pc) =	sbr.rel @p1 .LBB2_3-.Ltmp3, $3  }
0x38: {  	_ =	sdelay $0x1  }
0x39: {  	s17 =	sadd.s32 $0x10, s17  }
0x3a: {  	vm1 =	vgt.s32 v0, $0x0;
	s16 =	sadd.s32 $0x10, s16;
	v2 =	vmov v0;
	(ifvalue) =	ssetifvalue $0x7FFFFFFF;
	v0 =	vld.msk [tilespmem:s17+$0x0 ss:$0x1], $0xffff  }
.Ltmp4:
0x3b: {  	_ = 	snop;
	(pc) =	sbr.rel .LBB2_4-.Ltmp4, $1  }
0x3c: {  	_ =	sdelay $0x3  }
.LBB2_6:
0x3d: {  	_ =	sfence.sel $0x180000  }
0x3e: {  	s2 =	simm.s32 $0x2;
	[bflag:$0x0] =	sbarrier.arrive $0xFFFF  }
0x3f: {  	s30 =	simm.s32 $0x3;
	[sflag:s2] =	ssyncpa.u1 $0x1  }
0x40: {  	s31 =	simm.s32 $0x1;
	[sflag:s30] =	ssyncpa.u1 $0x1  }
0x41: {  	[sflag:s31] =	ssyncpa.u1 $0x1  }
0x42: {  	p0 =	sne.s32 s0, $0x0;
	_ =	strace $0x9000004A  }
0x43: {  	s0 =	sadd.s32 @!p0 $0x100000, s1;
	[bflag:$0x2] =	sbarrier.arrive $0xFFFF  }
0x44: {  	[sflag:s0] =	ssyncadd.tile.s32 @!p0 $0x1;
	_ =	shalt  }
.Lfunc_end2:
_tile_overlayer_lowered:
.L_overlay_start_2:
0x45: {  	(tag) =	ssettag $0x2  }
0x46: {  	s0 =	rddreg [dreg:$0x0];
	s2 =	stileid.u32  }
0x47: {  	s1 =	rddreg [dreg:$0x1];
	p0 =	sne.s32 s2, $0x0  }
0x48: {  	s3 =	rddreg [dreg:$0x2];
	[bflag:$0x3] =	sbarrier.arrive $0xFFFF;
	s2 =	simm.s32 @!p0 $0x1C01  }
0x49: {  	[timem:s3], [sflag:s2] =	dma.local @!p0 [hbm:s0], s1  }
0x4a: {  	s0 =	simm.s32 @!p0 $0x1  }
0x4b: {  	_ =	swait.ge @!p0 [sflag:s0], s1  }
0x4c: {  	s1 =	ssub.s32 @!p0 $0x0, s1;
	[sflag:s0] =	ssyncset.done @!p0 $0x0  }
0x4d: {  	[sflag:s0] =	ssyncadd.s32 @!p0 s1  }
0x4e: {  	[bflag:$0x3] =	sbarrier.arrive $0xFFFF  }
0x4f: {  	_ =	shalt  }

// kernel: gather_offload_async_start.9
scs
__scs_entry_jumppad:
0x0: {  	(pc) =	sbr.rel $0x88, $3  }
0x1: {  	(tag) =	ssettag $0x0;
	lr =	simm.s32 $0x1  }
0x2: {  	[smem:$0x3F99] =	sst lr;
	_ =	strace $0xD0000000  }
0x3: {  	_ = 	snop  }
0x4: {  	_ = 	snop  }
0x5: {  	_ = 	snop  }
0x6: {  	_ = 	snop  }
0x7: {  	_ = 	snop  }
__scs_overlays_trampoline_lowered:
0x8: {  	[smem:$0x3FA8] =	sst s0  }
0x9: {  	[smem:$0x3FA9] =	sst s1  }
0xa: {  	[smem:$0x3FAA] =	sst s2  }
0xb: {  	[smem:$0x3FAB] =	sst s3  }
0xc: {  	[smem:$0x3FAC] =	sst s4  }
0xd: {  	[smem:$0x3FAD] =	sst s5  }
0xe: {  	[smem:$0x3FAE] =	sst s6  }
0xf: {  	[smem:$0x3FAF] =	sst s7  }
0x10: {  	[smem:$0x3FB0] =	sst s8  }
0x11: {  	[smem:$0x3FB1] =	sst s9;
	s0 =	simm.s32 @!p0 $0x0  }
0x12: {  	s1 =	sld [smem:$0x3F97];
	s0 =	simm.s32 @p0 $0x1  }
0x13: {  	[smem:$0x3FB2] =	sst s0;
	s0 =	simm.s32 @!p1 $0x0  }
0x14: {  	s2 =	sld [smem:$0x3F96];
	s0 =	simm.s32 @p1 $0x1  }
0x15: {  	[smem:$0x3FB3] =	sst s0;
	s0 =	simm.s32 @!p2 $0x0  }
0x16: {  	s3 =	sld [smem:$0x3FDB];
	s0 =	simm.s32 @p2 $0x1  }
0x17: {  	s4 =	simm.s32 $0x1BF5;
	[smem:$0x3FB5] =	sst s0  }
0x18: {  	s0 =	sld [smem:$0x3F98];
	_ =	swait.ge [sflag:s4], $0x0  }
0x19: {  	s7 =	sld [smem:$0x3F99]  }
0x1a: {  	s8 =	sadd.s32 $0xFFFFE003, lr  }
0x1b: {  	s9 =	sadd.s32 $0xFFFFFEF7, lr;
	s5 =	simm.s32 $0xFFFFFFFF;
	p2 =	slt.u32 s8, $0xFFFFF086  }
0x1c: {  	p1 =	slt.u32 s9, $0xF7A;
	s5 =	simm.s32 @!p2 $0x0  }
0x1d: {  	s5 =	simm.s32 @p1 $0x1;
	p0 =	seq.s32 s7, s2  }
0x1e: {  	s7 =	smul.u32 @!p0 $0xF7A, s2;
	p2 =	seq.s32 @!p0 s5, $0x0  }
0x1f: {  	s9 =	smul.u32 $0xF7A, s1;
	s8 =	simm.s32 @!p0 $0x1BF5;
	p2 =	por !p2, p0  }
0x20: {  	[sflag:s8] =	ssyncset.s32 @!p0 $0xFFFFF086;
	s6 =	sadd.s32 @!p0 s3, s7;
	s7 =	simm.s32 @!p0 $0x108  }
0x21: {  	s3 =	sadd.s32 s3, s9;
	s6 =	sadd.s32 @!p0 $0x88, s6;
	s7 =	simm.s32 @p2 $0x1082  }
0x22: {  	[simem:s7], [sflag:s8] =	dma.local @!p0 [hbm:s6], $0xF7A  }
0x23: {  	s9 =	sor.u32 $0xD0000000, s2;
	s6 =	simm.s32 $0x108;
	_ =	swait.ge @!p0 [sflag:s8], $0x0  }
0x24: {  	s3 =	sadd.s32 $0x88, s3;
	s6 =	simm.s32 @!p1 $0x1082;
	[sflag:s4] =	ssyncset.s32 $0xFFFFF086  }
0x25: {  	[simem:s6], [sflag:s4] =	dma.local [hbm:s3], $0xF7A  }
0x26: {  	[smem:$0x3F99] =	sst s1;
	(tag) =	ssettag s2;
	_ =	strace s9  }
0x27: {  	s1 =	sld [smem:$0x3FA9]  }
0x28: {  	s2 =	sld [smem:$0x3FAA]  }
0x29: {  	s4 =	sld [smem:$0x3FAC]  }
0x2a: {  	p0 =	seq.s32 s5, $0x0;
	s5 =	sld [smem:$0x3FAD]  }
0x2b: {  	s6 =	sld [smem:$0x3FAE]  }
0x2c: {  	s7 =	sld [smem:$0x3FAF]  }
0x2d: {  	s3 =	simm.s32 $0x108;
	s8 =	sld [smem:$0x3FB0]  }
0x2e: {  	s3 =	simm.s32 @!p0 $0x1082;
	s9 =	sld [smem:$0x3FB1]  }
0x2f: {  	lr =	sadd.s32 s0, s3;
	s0 =	sld [smem:$0x3FA8]  }
0x30: {  	s3 =	sld [smem:$0x3FAB]  }
0x31: {  	[smem:$0x3FB4] =	sst s10  }
0x32: {  	s10 =	sld [smem:$0x3FB2];
	_ =	sdelay $0x3  }
0x33: {  	p0 =	seq.s32 s10, $0x1;
	s10 =	sld [smem:$0x3FB4];
	_ =	sdelay $0x3  }
0x34: {  	[smem:$0x3FB4] =	sst s10  }
0x35: {  	s10 =	sld [smem:$0x3FB3];
	_ =	sdelay $0x3  }
0x36: {  	p1 =	seq.s32 s10, $0x1;
	s10 =	sld [smem:$0x3FB4];
	_ =	sdelay $0x3  }
0x37: {  	[smem:$0x3FB4] =	sst s10  }
0x38: {  	s10 =	sld [smem:$0x3FB5]  }
0x39: {  	_ = 	snop;
	(pc) =	sbr.ind lr, $3  }
0x3a: {  	_ = 	snop  }
0x3b: {  	_ = 	snop  }
0x3c: {  	p2 =	seq.s32 s10, $0x1;
	s10 =	sld [smem:$0x3FB4]  }
0x3d: {  	_ =	shalt  }
0x3e: {  	_ =	shalt  }
0x3f: {  	_ =	shalt  }
0x40: {  	_ =	shalt  }
0x41: {  	_ =	shalt  }
0x42: {  	_ =	shalt  }
0x43: {  	_ =	shalt  }
0x44: {  	_ =	shalt  }
0x45: {  	_ =	shalt  }
0x46: {  	_ =	shalt  }
0x47: {  	_ =	shalt  }
0x48: {  	_ =	shalt  }
0x49: {  	_ =	shalt  }
0x4a: {  	_ =	shalt  }
0x4b: {  	_ =	shalt  }
0x4c: {  	_ =	shalt  }
0x4d: {  	_ =	shalt  }
0x4e: {  	_ =	shalt  }
0x4f: {  	_ =	shalt  }
0x50: {  	_ =	shalt  }
0x51: {  	_ =	shalt  }
0x52: {  	_ =	shalt  }
0x53: {  	_ =	shalt  }
0x54: {  	_ =	shalt  }
0x55: {  	_ =	shalt  }
0x56: {  	_ =	shalt  }
0x57: {  	_ =	shalt  }
0x58: {  	_ =	shalt  }
0x59: {  	_ =	shalt  }
0x5a: {  	_ =	shalt  }
0x5b: {  	_ =	shalt  }
0x5c: {  	_ =	shalt  }
0x5d: {  	_ =	shalt  }
0x5e: {  	_ =	shalt  }
0x5f: {  	_ =	shalt  }
0x60: {  	_ =	shalt  }
0x61: {  	_ =	shalt  }
0x62: {  	_ =	shalt  }
0x63: {  	_ =	shalt  }
0x64: {  	_ =	shalt  }
0x65: {  	_ =	shalt  }
0x66: {  	_ =	shalt  }
0x67: {  	_ =	shalt  }
0x68: {  	_ =	shalt  }
0x69: {  	_ =	shalt  }
0x6a: {  	_ =	shalt  }
0x6b: {  	_ =	shalt  }
0x6c: {  	_ =	shalt  }
0x6d: {  	_ =	shalt  }
0x6e: {  	_ =	shalt  }
0x6f: {  	_ =	shalt  }
0x70: {  	_ =	shalt  }
0x71: {  	_ =	shalt  }
0x72: {  	_ =	shalt  }
0x73: {  	_ =	shalt  }
0x74: {  	_ =	shalt  }
0x75: {  	_ =	shalt  }
0x76: {  	_ =	shalt  }
0x77: {  	_ =	shalt  }
0x78: {  	_ =	shalt  }
0x79: {  	_ =	shalt  }
0x7a: {  	_ =	shalt  }
0x7b: {  	_ =	shalt  }
0x7c: {  	_ =	shalt  }
0x7d: {  	_ =	shalt  }
0x7e: {  	_ =	shalt  }
0x7f: {  	_ =	shalt  }
0x80: {  	_ =	shalt  }
0x81: {  	_ =	shalt  }
0x82: {  	_ =	shalt  }
0x83: {  	_ =	shalt  }
0x84: {  	_ =	shalt  }
0x85: {  	_ =	shalt  }
0x86: {  	_ =	shalt  }
0x87: {  	_ =	shalt  }
.Lfunc_end0:
.L_simem_size_0:
called_computation.9_lowered:
.L_overlay_start_0:
0x88: {  	s2 =	sld [smem:$0x3FD9]  }
0x89: {  	s3 =	sld [smem:$0x3FFE];
	_ =	sdelay $0x1  }
0x8a: {  	s1 =	srdreg.scid  }
0x8b: {  	s0 =	sand.u32 $0x1, s1  }
0x8c: {  	s15 =	sshll.u32 s0, $0xA;
	s2 =	sadd.s32 s3, s2  }
0x8d: {  	s2 =	sadd.s32 s2, s15  }
0x8e: {  	[smem:$0x3FC0] =	sst s2  }
0x8f: {  	_ = 	snop  }
0x90: {  	s2 =	sld [smem:$0x3FD0];
	_ =	sdelay $0x2  }
0x91: {  	s16 =	simm.s32 $0xC;
	s4 =	simm.s32 $0x10  }
0x92: {  	[smem:s4], [sflag:s16] =	dma.local [hbm:s2], $0x1  }
0x93: {  	_ =	swait.eq [sflag:s16], $0x1  }
0x94: {  	[sflag:s16] =	ssyncset.done $0x0  }
0x95: {  	[sflag:s16] =	ssyncadd.s32 $0xFFFFFFFF  }
0x96: {  	s17 =	sld [smem:$0x11];
	(tm) =	ssettm $0x1  }
0x97: {  	s18 =	sld [smem:$0x3FFB];
	_ =	sdelay $0x3  }
0x98: {  	_ =	strace s18  }
0x99: {  	s2 =	sld [smem:$0x3FFC];
	_ =	sdelay $0x3  }
0x9a: {  	_ =	strace s2  }
0x9b: {  	s2 =	sld [smem:$0x3FFD];
	_ =	sdelay $0x3  }
0x9c: {  	_ =	strace s2  }
0x9d: {  	_ =	strace $0x8FFFFFFF  }
0x9e: {  	s19 =	sld [smem:$0x3FDB];
	_ =	sdelay $0x1  }
0x9f: {  	s20 =	simm.s32 $_scs_section_size  }
0xa0: {  	s5 =	simm.s32 $_size__tile_overlayer_lowered;
	s6 =	simm.s32 $_tile_overlayer_lowered  }
0xa1: {  	s7 =	simm.s32 $0x1BFF;
	s21 =	sshll.u32 s6, $0x1;
	s4 =	sadd.s32 s20, s19  }
0xa2: {  	s22 =	simm.s32 $0x0;
	s5 =	sshll.u32 s5, $0x1;
	s6 =	sadd.s32 s21, s4  }
0xa3: {  	[timem:s22], [sflag:s7] =	dma.local [hbm:s6], s5  }
0xa4: {  	_ =	swait.ge [sflag:s7], s5  }
0xa5: {  	s5 =	ssub.s32 $0x0, s5;
	[sflag:s7] =	ssyncset.done $0x0  }
0xa6: {  	[sflag:s7] =	ssyncadd.s32 s5;
	_ =	sdelay $0x1  }
0xa7: {  	s23 =	simm.s32 $0x1B8B  }
0xa8: {  	_ =	swait.ge [sflag:s23], $0x1  }
0xa9: {  	[sflag:s23] =	ssyncset.done $0x0  }
0xaa: {  	[sflag:s23] =	ssyncadd.s32 $0xFFFFFFFF  }
0xab: {  	s5 =	sld [smem:$0x0]  }
0xac: {  	s6 =	sand.u32 $0xFFFFFFFE, s1  }
0xad: {  	p0 =	sne.s32 s1, s6  }
0xae: {  	s6 =	sshll.u32 @p0 s6, $0xE  }
0xaf: {  	s6 =	sadd.s32 @p0 $0x11B8D, s6;
	s7 =	sshll.u32 @p0 s5, $0x11  }
0xb0: {  	s6 =	sor.u32 @p0 s7, s6  }
0xb1: {  	[sflag:s6] =	ssyncadd.remote.s32 @p0 $0x1;
	_ =	sdelay $0x1  }
0xb2: {  	s6 =	simm.s32 @p0 $0x1B8D  }
0xb3: {  	_ =	swait.eq @p0 [sflag:s6], $0x1  }
0xb4: {  	[sflag:s6] =	ssyncadd.s32 @p0 $0xFFFFFFFF  }
0xb5: {  	s7 =	sshll.u32 @!p0 s1, $0xE  }
0xb6: {  	s7 =	sor.u32 @!p0 $0x4000, s7;
	s6 =	simm.s32 @!p0 $0x1B8D  }
0xb7: {  	s5 =	sshll.u32 @!p0 s5, $0x11;
	s7 =	sadd.s32 @!p0 $0x11B8D, s7;
	_ =	swait.eq @!p0 [sflag:s6], $0x1  }
0xb8: {  	s5 =	sor.u32 @!p0 s5, s7;
	[sflag:s6] =	ssyncadd.s32 @!p0 $0xFFFFFFFF  }
0xb9: {  	s25 =	simm.s32 $0x1B8E;
	s24 =	sld [smem:$0x3FFE];
	[sflag:s5] =	ssyncadd.remote.s32 @!p0 $0x1  }
0xba: {  	s26 =	simm.s32 $execute0_lowered;
	[smem:$0x3FD2] =	sst s25  }
0xbb: {  	s6 =	sshll.u32 s26, $0x1;
	_ =	strace $0x8000004C;
	[dreg:$0x1] =	wrdreg $0xFFFFFFFF  }
0xbc: {  	s28 =	simm.s32 $_size_execute0_lowered;
	s4 =	sadd.s32 s4, s6;
	[dreg:$0x0] =	wrdreg $0x0  }
0xbd: {  	s6 =	sshll.u32 s28, $0x1;
	[dreg:$0x2] =	wrdreg s4  }
0xbe: {  	[dreg:$0x3] =	wrdreg s6  }
0xbf: {  	[dreg:$0x4] =	wrdreg $0xC0  }
0xc0: {  	_ =	task [dreg:s22], $0x5FFFF  }
0xc1: {  	[dreg:$0x1] =	wrdreg $0xFFFFFFFF  }
0xc2: {  	[dreg:$0x0] =	wrdreg $0x60  }
0xc3: {  	[dreg:$0x2] =	wrdreg s24  }
0xc4: {  	[dreg:$0x3] =	wrdreg s17  }
0xc5: {  	[dreg:$0x4] =	wrdreg $0xB  }
0xc6: {  	_ =	task.clear_ibuf [dreg:s22], $0x5FFFF;
	_ =	strace $0x9000004C  }
0xc7: {  	s29 =	simm.s32 $0xB;
	_ =	strace $0x8000004E  }
0xc8: {  	_ =	swait.ge [sflag:s29], $0x1  }
0xc9: {  	[sflag:s29] =	ssyncadd.s32 $0xFFFFFFFF  }
0xca: {  	_ =	strace $0x9000004E  }
0xcb: {  	_ =	sfence  }
0xcc: {  	s30 =	sld [smem:$0x0];
	_ =	sdelay $0x2  }
0xcd: {  	s31 =	sshll.u32 s1, $0xD;
	s1 =	sshrl.u32 s1, $0x2  }
0xce: {  	s4 =	sand.u32 $0x4000, s31;
	s1 =	sadd.s32 s1, s30  }
0xcf: {  	s0 =	sor.u32 s4, s0;
	s1 =	sshll.u32 s1, $0x11  }
0xd0: {  	s0 =	sor.u32 s1, s0  }
0xd1: {  	s0 =	sadd.s32 $0x8F2B, s0  }
0xd2: {  	[sflag:s0] =	ssyncadd.remote.s32 $0x1  }
0xd3: {  	_ =	sfence.sel $0xFFFF  }
0xd4: {  	[dreg:$0x0] =	wrdreg $0xFFFFFFFF;
	(pc) =	sbr.abs _section_cstart, $3  }
0xd5: {  	[dreg:$0x1] =	wrdreg $0xFFFFFFFF  }
0xd6: {  	_ =	task.clear_ibuf [dreg:s22], $0x2FFFF;
	_ =	strace $0x9FFFFFFF  }
0xd7: {  	(tm) =	ssettm $0x7FFFFFFF  }
tec
execute0_lowered:
.L_overlay_start_1:
0x0: {  	(tag) =	ssettag $0x1  }
0x1: {  	s1 =	srdreg.scid;
	s5 =	rddreg [dreg:$0x0]  }
0x2: {  	s0 =	stileid.u32;
	s2 =	rddreg [dreg:$0x1];
	s6 =	simm.s32 $0x1  }
0x3: {  	s9 =	simm.s32 $0x1;
	s10 =	simm.s32 $0x3;
	s1 =	sshll.u32 s1, $0x6  }
0x4: {  	s13 =	simm.s32 $0x0;
	s3 =	sshll.u32 s0, $0x7;
	s4 =	sand.u32 $0x40, s1  }
0x5: {  	s12 =	simm.s32 $0x0;
	s1 =	rddreg [dreg:$0x2];
	s3 =	sor.u32 s3, s4  }
0x6: {  	_ =	strace $0x8000004D;
	s4 =	sadd.s32 $0xD000, s5;
	s8 =	ssub.s32 $0x1000, s3  }
.Ltmp0:
0x7: {  	s5 =	sadd.s32 $0xCE00, s5;
	s7 =	sand.u32 $0x7C0, s8;
	(pc) =	sbr.rel .LBB2_1-.Ltmp0, $4  }
0x8: {  	[sflag:s6] =	ssyncpa.u1 $0x0;
	s11 =	smov.u32 s3;
	p0 =	sne.s32 s7, $0x0  }
0x9: {  	s8 =	sshrl.u32 s8, $0xB;
	s7 =	simm.s32 $0x2;
	s9 =	simm.s32 @!p0 $0x0  }
0xa: {  	[sflag:s7] =	ssyncpa.u1 $0x0;
	p0 =	por $0x0, $0x0;
	s8 =	sadd.s32 s9, s8  }
0xb: {  	vm0 =	vmmov $0xffff;
	[sflag:s10] =	ssyncpa.u1 $0x0;
	s10 =	simm.s32 $0x0;
	s9 =	sadd.s32 $0x1, s8  }
.LBB2_4:
0xc: {  	v2 =	vnsel vm1, $0x0, v2  }
0xd: {  	vm1 =	vgt.s32 v0, $0x0;
	v2 =	vmin.u32 v2, $0x40000  }
0xe: {  	v0 =	vnsel vm1, $0x0, v0  }
0xf: {  	v0 =	vmin.u32 v0, $0x40000  }
0x10: {  	[tilespmem:s15], [sflag:$0x1] =	stream.indirect_vreg.gather [hbm4b:s4+s10], $0x1, v1, vm0, $0x4038;
	[tilespmem:$0x100] =	vst v63  }
0x11: {  	(ifvalue) =	ssetifvalue $0x7FFFFFFF  }
0x12: {  	[tilespmem:s16], [sflag:$0x1] =	stream.indirect_vreg.gather [hbm4b:s4+s10], $0x1, v2, vm0, $0x4038;
	[tilespmem:$0x100] =	vst v63  }
0x13: {  	s29 =	sadd.s32 $0x10, s16;
	(ifvalue) =	ssetifvalue $0x7FFFFFFF  }
0x14: {  	[tilespmem:s29], [sflag:$0x1] =	stream.indirect_vreg.gather [hbm4b:s4+s10], $0x1, v0, vm0, $0x4038;
	[tilespmem:$0x100] =	vst v63  }
0x15: {  	_ =	swait.ge [sflag:s6], $0x40  }
0x16: {  	s30 =	sshrl.u32 s13, $0x3;
	[sflag:s6] =	ssyncset.done $0x0  }
0x17: {  	s31 =	sand.u32 $0x7, s13;
	s15 =	sadd.s32 s2, s30;
	[sflag:s6] =	ssyncadd.s32 $0xFFFFFFC0  }
0x18: {  	[hbm4b:s15+s31] =	stream.linear.scatter [tilespmem:s14], [sflag:$0x3], $0x40, $0x38;
	[tilespmem:$0x100] =	vst v63  }
.LBB2_5:
0x19: {  	s15 =	sadd.s32 $0x800, s11  }
0x1a: {  	p2 =	sgt.s32 s15, $0xFFF  }
0x1b: {  	s15 =	smov.u32 @p2 s3;
	p2 =	sne.s32 s12, s9  }
.Ltmp1:
0x1c: {  	p1 =	slt.u32 s12, $0x2;
	(pc) =	sbr.rel @!p2 .LBB2_6-.Ltmp1, $4  }
0x1d: {  	s14 =	simm.s32 @!p1 $0x3  }
0x1e: {  	s16 =	sadd.s32 $0x1, s12;
	_ =	swait.ge @!p1 [sflag:s14], $0x40  }
0x1f: {  	s13 =	smov.u32 s11;
	p0 =	por !p0, !p0;
	[sflag:s14] =	ssyncset.done @!p1 $0x0  }
0x20: {  	s12 =	smov.u32 s16;
	s11 =	smov.u32 s15;
	[sflag:s14] =	ssyncadd.s32 @!p1 $0xFFFFFFC0  }
.LBB2_1:
0x21: {  	p1 =	sge.u32 s12, s8  }
0x22: {  	s14 =	sxor.u32 @!p1 $0xFFFFFFFF, s12  }
0x23: {  	s31 =	sadd.s32 $0xFFFFFFFF, s12;
	s15 =	sshrl.u32 @!p1 s11, $0x3;
	s14 =	sshll.u32 @!p1 s14, $0x6  }
0x24: {  	s16 =	sand.u32 @!p1 $0x7, s11;
	s15 =	sadd.s32 @!p1 s5, s15;
	s14 =	sand.u32 @!p1 $0x40, s14  }
0x25: {  	[tilespmem:s14], [sflag:$0x2] =	stream.linear.gather @!p1 [hbm4b:s15+s16], $0x40, $0x38;
	[tilespmem:$0x100] =	vst v63  }
0x26: {  	p1 =	sge.u32 s31, s8  }
.Ltmp2:
0x27: {  	_ = 	snop;
	(pc) =	sbr.rel @p1 .LBB2_5-.Ltmp2, $1  }
0x28: {  	_ =	sdelay $0x3  }
0x29: {  	s14 =	simm.s32 $0x1  }
0x2a: {  	_ =	swait.ge [sflag:s7], $0x40;
	s14 =	simm.s32 @!p0 $0x0  }
0x2b: {  	[sflag:s7] =	ssyncset.done $0x0;
	s14 =	sshll.u32 s14, $0x6  }
0x2c: {  	[sflag:s7] =	ssyncadd.s32 $0xFFFFFFC0;
	(ifvalue) =	ssetifvalue $0x7FFFFFFF;
	v0 =	vld.msk [tilespmem:s14+$0x0 ss:$0x1], $0xffff;
	_ =	sdelay $0x4  }
0x2d: {  	s15 =	sadd.s32 $0x10, s14;
	vm1 =	vgt.s32 v0, $0x0  }
0x2e: {  	v2 =	vld.msk [tilespmem:s15+$0x0 ss:$0x1], $0xffff;
	v1 =	vnsel vm1, $0x0, v0  }
0x2f: {  	v1 =	vmin.u32 v1, $0x40000;
	_ =	sdelay $0x1  }
0x30: {  	s16 =	sshll.u32 s12, $0x6;
	s18 =	simm.s32 $0x20  }
0x31: {  	s16 =	sand.u32 $0x40, s16;
	s17 =	sadd.s32 $0x10, s15;
	s15 =	sor.u32 $0x80, s14  }
0x32: {  	s14 =	sor.u32 $0x80, s16;
	s16 =	sadd.s32 $0x10, s15;
	v0 =	vld.msk [tilespmem:s17+$0x0 ss:$0x1], $0xffff;
	vm1 =	vgt.s32 v2, $0x0;
	(ifvalue) =	ssetifvalue $0x7FFFFFFF  }
.LBB2_3:
0x33: {  	[tilespmem:s15], [sflag:$0x1] =	stream.indirect_vreg.gather [hbm4b:s4+s10], $0x1, v1, vm0, $0x4038;
	[tilespmem:$0x100] =	vst v63  }
0x34: {  	s18 =	sadd.s32 $0x10, s18  }
0x35: {  	v2 =	vnsel vm1, $0x0, v2;
	p1 =	slt.u32 s18, $0x30  }
.Ltmp3:
0x36: {  	s15 =	smov.u32 s16;
	v1 =	vmin.u32 v2, $0x40000;
	(pc) =	sbr.rel @p1 .LBB2_3-.Ltmp3, $3  }
0x37: {  	_ =	sdelay $0x1  }
0x38: {  	s17 =	sadd.s32 $0x10, s17  }
0x39: {  	vm1 =	vgt.s32 v0, $0x0;
	s16 =	sadd.s32 $0x10, s16;
	v2 =	vmov v0;
	(ifvalue) =	ssetifvalue $0x7FFFFFFF;
	v0 =	vld.msk [tilespmem:s17+$0x0 ss:$0x1], $0xffff  }
.Ltmp4:
0x3a: {  	_ = 	snop;
	(pc) =	sbr.rel .LBB2_4-.Ltmp4, $1  }
0x3b: {  	_ =	sdelay $0x3  }
.LBB2_6:
0x3c: {  	_ =	sfence.sel $0x180000  }
0x3d: {  	s2 =	simm.s32 $0x2;
	[bflag:$0x0] =	sbarrier.arrive $0xFFFF  }
0x3e: {  	s30 =	simm.s32 $0x3;
	[sflag:s2] =	ssyncpa.u1 $0x1  }
0x3f: {  	s31 =	simm.s32 $0x1;
	[sflag:s30] =	ssyncpa.u1 $0x1  }
0x40: {  	[sflag:s31] =	ssyncpa.u1 $0x1  }
0x41: {  	p0 =	sne.s32 s0, $0x0;
	_ =	strace $0x9000004D  }
0x42: {  	s0 =	sadd.s32 @!p0 $0x100000, s1;
	[bflag:$0x2] =	sbarrier.arrive $0xFFFF  }
0x43: {  	[sflag:s0] =	ssyncadd.tile.s32 @!p0 $0x1;
	_ =	shalt  }
.Lfunc_end2:
_tile_overlayer_lowered:
.L_overlay_start_2:
0x44: {  	(tag) =	ssettag $0x2  }
0x45: {  	s0 =	rddreg [dreg:$0x0];
	s2 =	stileid.u32  }
0x46: {  	s1 =	rddreg [dreg:$0x1];
	p0 =	sne.s32 s2, $0x0  }
0x47: {  	s3 =	rddreg [dreg:$0x2];
	[bflag:$0x3] =	sbarrier.arrive $0xFFFF;
	s2 =	simm.s32 @!p0 $0x1C01  }
0x48: {  	[timem:s3], [sflag:s2] =	dma.local @!p0 [hbm:s0], s1  }
0x49: {  	s0 =	simm.s32 @!p0 $0x1  }
0x4a: {  	_ =	swait.ge @!p0 [sflag:s0], s1  }
0x4b: {  	s1 =	ssub.s32 @!p0 $0x0, s1;
	[sflag:s0] =	ssyncset.done @!p0 $0x0  }
0x4c: {  	[sflag:s0] =	ssyncadd.s32 @!p0 s1  }
0x4d: {  	[bflag:$0x3] =	sbarrier.arrive $0xFFFF  }
0x4e: {  	_ =	shalt  }

// kernel: gather_offload_async_start
scs
__scs_entry_jumppad:
0x0: {  	(pc) =	sbr.rel $0x88, $3  }
0x1: {  	(tag) =	ssettag $0x0;
	lr =	simm.s32 $0x1  }
0x2: {  	[smem:$0x3F99] =	sst lr;
	_ =	strace $0xD0000000  }
0x3: {  	_ = 	snop  }
0x4: {  	_ = 	snop  }
0x5: {  	_ = 	snop  }
0x6: {  	_ = 	snop  }
0x7: {  	_ = 	snop  }
__scs_overlays_trampoline_lowered:
0x8: {  	[smem:$0x3FA8] =	sst s0  }
0x9: {  	[smem:$0x3FA9] =	sst s1  }
0xa: {  	[smem:$0x3FAA] =	sst s2  }
0xb: {  	[smem:$0x3FAB] =	sst s3  }
0xc: {  	[smem:$0x3FAC] =	sst s4  }
0xd: {  	[smem:$0x3FAD] =	sst s5  }
0xe: {  	[smem:$0x3FAE] =	sst s6  }
0xf: {  	[smem:$0x3FAF] =	sst s7  }
0x10: {  	[smem:$0x3FB0] =	sst s8  }
0x11: {  	[smem:$0x3FB1] =	sst s9;
	s0 =	simm.s32 @!p0 $0x0  }
0x12: {  	s1 =	sld [smem:$0x3F97];
	s0 =	simm.s32 @p0 $0x1  }
0x13: {  	[smem:$0x3FB2] =	sst s0;
	s0 =	simm.s32 @!p1 $0x0  }
0x14: {  	s2 =	sld [smem:$0x3F96];
	s0 =	simm.s32 @p1 $0x1  }
0x15: {  	[smem:$0x3FB3] =	sst s0;
	s0 =	simm.s32 @!p2 $0x0  }
0x16: {  	s3 =	sld [smem:$0x3FDB];
	s0 =	simm.s32 @p2 $0x1  }
0x17: {  	s4 =	simm.s32 $0x1BF5;
	[smem:$0x3FB5] =	sst s0  }
0x18: {  	s0 =	sld [smem:$0x3F98];
	_ =	swait.ge [sflag:s4], $0x0  }
0x19: {  	s7 =	sld [smem:$0x3F99]  }
0x1a: {  	s8 =	sadd.s32 $0xFFFFE003, lr  }
0x1b: {  	s9 =	sadd.s32 $0xFFFFFEF7, lr;
	s5 =	simm.s32 $0xFFFFFFFF;
	p2 =	slt.u32 s8, $0xFFFFF086  }
0x1c: {  	p1 =	slt.u32 s9, $0xF7A;
	s5 =	simm.s32 @!p2 $0x0  }
0x1d: {  	s5 =	simm.s32 @p1 $0x1;
	p0 =	seq.s32 s7, s2  }
0x1e: {  	s7 =	smul.u32 @!p0 $0xF7A, s2;
	p2 =	seq.s32 @!p0 s5, $0x0  }
0x1f: {  	s9 =	smul.u32 $0xF7A, s1;
	s8 =	simm.s32 @!p0 $0x1BF5;
	p2 =	por !p2, p0  }
0x20: {  	[sflag:s8] =	ssyncset.s32 @!p0 $0xFFFFF086;
	s6 =	sadd.s32 @!p0 s3, s7;
	s7 =	simm.s32 @!p0 $0x108  }
0x21: {  	s3 =	sadd.s32 s3, s9;
	s6 =	sadd.s32 @!p0 $0x88, s6;
	s7 =	simm.s32 @p2 $0x1082  }
0x22: {  	[simem:s7], [sflag:s8] =	dma.local @!p0 [hbm:s6], $0xF7A  }
0x23: {  	s9 =	sor.u32 $0xD0000000, s2;
	s6 =	simm.s32 $0x108;
	_ =	swait.ge @!p0 [sflag:s8], $0x0  }
0x24: {  	s3 =	sadd.s32 $0x88, s3;
	s6 =	simm.s32 @!p1 $0x1082;
	[sflag:s4] =	ssyncset.s32 $0xFFFFF086  }
0x25: {  	[simem:s6], [sflag:s4] =	dma.local [hbm:s3], $0xF7A  }
0x26: {  	[smem:$0x3F99] =	sst s1;
	(tag) =	ssettag s2;
	_ =	strace s9  }
0x27: {  	s1 =	sld [smem:$0x3FA9]  }
0x28: {  	s2 =	sld [smem:$0x3FAA]  }
0x29: {  	s4 =	sld [smem:$0x3FAC]  }
0x2a: {  	p0 =	seq.s32 s5, $0x0;
	s5 =	sld [smem:$0x3FAD]  }
0x2b: {  	s6 =	sld [smem:$0x3FAE]  }
0x2c: {  	s7 =	sld [smem:$0x3FAF]  }
0x2d: {  	s3 =	simm.s32 $0x108;
	s8 =	sld [smem:$0x3FB0]  }
0x2e: {  	s3 =	simm.s32 @!p0 $0x1082;
	s9 =	sld [smem:$0x3FB1]  }
0x2f: {  	lr =	sadd.s32 s0, s3;
	s0 =	sld [smem:$0x3FA8]  }
0x30: {  	s3 =	sld [smem:$0x3FAB]  }
0x31: {  	[smem:$0x3FB4] =	sst s10  }
0x32: {  	s10 =	sld [smem:$0x3FB2];
	_ =	sdelay $0x3  }
0x33: {  	p0 =	seq.s32 s10, $0x1;
	s10 =	sld [smem:$0x3FB4];
	_ =	sdelay $0x3  }
0x34: {  	[smem:$0x3FB4] =	sst s10  }
0x35: {  	s10 =	sld [smem:$0x3FB3];
	_ =	sdelay $0x3  }
0x36: {  	p1 =	seq.s32 s10, $0x1;
	s10 =	sld [smem:$0x3FB4];
	_ =	sdelay $0x3  }
0x37: {  	[smem:$0x3FB4] =	sst s10  }
0x38: {  	s10 =	sld [smem:$0x3FB5]  }
0x39: {  	_ = 	snop;
	(pc) =	sbr.ind lr, $3  }
0x3a: {  	_ = 	snop  }
0x3b: {  	_ = 	snop  }
0x3c: {  	p2 =	seq.s32 s10, $0x1;
	s10 =	sld [smem:$0x3FB4]  }
0x3d: {  	_ =	shalt  }
0x3e: {  	_ =	shalt  }
0x3f: {  	_ =	shalt  }
0x40: {  	_ =	shalt  }
0x41: {  	_ =	shalt  }
0x42: {  	_ =	shalt  }
0x43: {  	_ =	shalt  }
0x44: {  	_ =	shalt  }
0x45: {  	_ =	shalt  }
0x46: {  	_ =	shalt  }
0x47: {  	_ =	shalt  }
0x48: {  	_ =	shalt  }
0x49: {  	_ =	shalt  }
0x4a: {  	_ =	shalt  }
0x4b: {  	_ =	shalt  }
0x4c: {  	_ =	shalt  }
0x4d: {  	_ =	shalt  }
0x4e: {  	_ =	shalt  }
0x4f: {  	_ =	shalt  }
0x50: {  	_ =	shalt  }
0x51: {  	_ =	shalt  }
0x52: {  	_ =	shalt  }
0x53: {  	_ =	shalt  }
0x54: {  	_ =	shalt  }
0x55: {  	_ =	shalt  }
0x56: {  	_ =	shalt  }
0x57: {  	_ =	shalt  }
0x58: {  	_ =	shalt  }
0x59: {  	_ =	shalt  }
0x5a: {  	_ =	shalt  }
0x5b: {  	_ =	shalt  }
0x5c: {  	_ =	shalt  }
0x5d: {  	_ =	shalt  }
0x5e: {  	_ =	shalt  }
0x5f: {  	_ =	shalt  }
0x60: {  	_ =	shalt  }
0x61: {  	_ =	shalt  }
0x62: {  	_ =	shalt  }
0x63: {  	_ =	shalt  }
0x64: {  	_ =	shalt  }
0x65: {  	_ =	shalt  }
0x66: {  	_ =	shalt  }
0x67: {  	_ =	shalt  }
0x68: {  	_ =	shalt  }
0x69: {  	_ =	shalt  }
0x6a: {  	_ =	shalt  }
0x6b: {  	_ =	shalt  }
0x6c: {  	_ =	shalt  }
0x6d: {  	_ =	shalt  }
0x6e: {  	_ =	shalt  }
0x6f: {  	_ =	shalt  }
0x70: {  	_ =	shalt  }
0x71: {  	_ =	shalt  }
0x72: {  	_ =	shalt  }
0x73: {  	_ =	shalt  }
0x74: {  	_ =	shalt  }
0x75: {  	_ =	shalt  }
0x76: {  	_ =	shalt  }
0x77: {  	_ =	shalt  }
0x78: {  	_ =	shalt  }
0x79: {  	_ =	shalt  }
0x7a: {  	_ =	shalt  }
0x7b: {  	_ =	shalt  }
0x7c: {  	_ =	shalt  }
0x7d: {  	_ =	shalt  }
0x7e: {  	_ =	shalt  }
0x7f: {  	_ =	shalt  }
0x80: {  	_ =	shalt  }
0x81: {  	_ =	shalt  }
0x82: {  	_ =	shalt  }
0x83: {  	_ =	shalt  }
0x84: {  	_ =	shalt  }
0x85: {  	_ =	shalt  }
0x86: {  	_ =	shalt  }
0x87: {  	_ =	shalt  }
.Lfunc_end0:
.L_simem_size_0:
called_computation_lowered:
.L_overlay_start_0:
0x88: {  	s2 =	sld [smem:$0x3FD9]  }
0x89: {  	s3 =	sld [smem:$0x3FFE];
	_ =	sdelay $0x1  }
0x8a: {  	s1 =	srdreg.scid  }
0x8b: {  	s0 =	sand.u32 $0x1, s1  }
0x8c: {  	s15 =	sshll.u32 s0, $0xA;
	s2 =	sadd.s32 s3, s2  }
0x8d: {  	s2 =	sadd.s32 s2, s15  }
0x8e: {  	[smem:$0x3FC0] =	sst s2  }
0x8f: {  	_ = 	snop  }
0x90: {  	s2 =	sld [smem:$0x3FD0];
	_ =	sdelay $0x2  }
0x91: {  	s4 =	simm.s32 $0xC;
	s5 =	simm.s32 $0x10;
	s16 =	sld [smem:$0x3FC4]  }
0x92: {  	[smem:s5], [sflag:s4] =	dma.local [hbm:s2], $0x1  }
0x93: {  	_ =	swait.eq [sflag:s4], $0x1  }
0x94: {  	[sflag:s4] =	ssyncset.done $0x0  }
0x95: {  	s17 =	sld [smem:$0x11];
	[sflag:s4] =	ssyncadd.s32 $0xFFFFFFFF  }
0x96: {  	s18 =	sld [smem:$0x13];
	(tm) =	ssettm $0x1  }
0x97: {  	s19 =	sld [smem:$0x3FFB];
	_ =	sdelay $0x3  }
0x98: {  	_ =	strace s19  }
0x99: {  	s5 =	sld [smem:$0x3FFC];
	_ =	sdelay $0x3  }
0x9a: {  	_ =	strace s5  }
0x9b: {  	s5 =	sld [smem:$0x3FFD];
	_ =	sdelay $0x3  }
0x9c: {  	_ =	strace s5  }
0x9d: {  	_ =	strace $0x8FFFFFFF  }
0x9e: {  	s20 =	sld [smem:$0x3FDB];
	_ =	sdelay $0x1  }
0x9f: {  	s6 =	simm.s32 $_scs_section_size  }
0xa0: {  	s7 =	simm.s32 $_size__tile_overlayer_lowered;
	s8 =	simm.s32 $_tile_overlayer_lowered  }
0xa1: {  	s23 =	simm.s32 $0x1BFF;
	s22 =	sshll.u32 s8, $0x1;
	s5 =	sadd.s32 s6, s20  }
0xa2: {  	s9 =	simm.s32 $0x0;
	s21 =	sshll.u32 s7, $0x1;
	s7 =	sadd.s32 s22, s5  }
0xa3: {  	[timem:s9], [sflag:s23] =	dma.local [hbm:s7], s21  }
0xa4: {  	_ =	swait.ge [sflag:s23], s21  }
0xa5: {  	s6 =	ssub.s32 $0x0, s21;
	[sflag:s23] =	ssyncset.done $0x0  }
0xa6: {  	[sflag:s23] =	ssyncadd.s32 s6;
	_ =	sdelay $0x1  }
0xa7: {  	s24 =	simm.s32 $0x1B8B  }
0xa8: {  	_ =	swait.ge [sflag:s24], $0x1  }
0xa9: {  	[sflag:s24] =	ssyncset.done $0x0  }
0xaa: {  	s25 =	simm.s32 $0x1B8E;
	[sflag:s24] =	ssyncadd.s32 $0xFFFFFFFF  }
0xab: {  	s26 =	simm.s32 $execute0_lowered;
	[smem:$0x3FD2] =	sst s25  }
0xac: {  	s6 =	sshll.u32 s26, $0x1;
	_ =	strace $0x80000079;
	[dreg:$0x1] =	wrdreg $0xFFFFFFFF  }
0xad: {  	s28 =	simm.s32 $_size_execute0_lowered;
	s5 =	sadd.s32 s5, s6;
	[dreg:$0x0] =	wrdreg $0x0  }
0xae: {  	s6 =	sshll.u32 s28, $0x1;
	[dreg:$0x2] =	wrdreg s5  }
0xaf: {  	[dreg:$0x3] =	wrdreg s6  }
0xb0: {  	[dreg:$0x4] =	wrdreg $0xC0  }
0xb1: {  	_ =	task [dreg:s9], $0x5FFFF  }
0xb2: {  	[dreg:$0x1] =	wrdreg $0xFFFFFFFF  }
0xb3: {  	[dreg:$0x0] =	wrdreg $0x60  }
0xb4: {  	[dreg:$0x2] =	wrdreg s16  }
0xb5: {  	[dreg:$0x3] =	wrdreg s18  }
0xb6: {  	[dreg:$0x4] =	wrdreg s17  }
0xb7: {  	[dreg:$0x5] =	wrdreg $0x9  }
0xb8: {  	_ =	task.clear_ibuf [dreg:s9], $0x6FFFF;
	_ =	strace $0x90000079  }
0xb9: {  	s29 =	simm.s32 $0x9;
	_ =	strace $0x8000007B  }
0xba: {  	_ =	swait.ge [sflag:s29], $0x1  }
0xbb: {  	[sflag:s29] =	ssyncadd.s32 $0xFFFFFFFF  }
0xbc: {  	_ =	strace $0x9000007B  }
0xbd: {  	_ =	sfence  }
0xbe: {  	s30 =	sld [smem:$0x0];
	_ =	sdelay $0x2  }
0xbf: {  	s31 =	sshll.u32 s1, $0xD;
	s1 =	sshrl.u32 s1, $0x2  }
0xc0: {  	s3 =	sand.u32 $0x4000, s31;
	s1 =	sadd.s32 s1, s30  }
0xc1: {  	s0 =	sor.u32 s3, s0;
	s1 =	sshll.u32 s1, $0x11  }
0xc2: {  	s0 =	sor.u32 s1, s0  }
0xc3: {  	s0 =	sadd.s32 $0x8F2B, s0  }
0xc4: {  	[sflag:s0] =	ssyncadd.remote.s32 $0x1  }
0xc5: {  	_ =	sfence.sel $0xFFFF  }
0xc6: {  	[dreg:$0x0] =	wrdreg $0xFFFFFFFF;
	(pc) =	sbr.abs _section_cstart, $3  }
0xc7: {  	[dreg:$0x1] =	wrdreg $0xFFFFFFFF  }
0xc8: {  	_ =	task.clear_ibuf [dreg:s9], $0x2FFFF;
	_ =	strace $0x9FFFFFFF  }
0xc9: {  	(tm) =	ssettm $0x7FFFFFFF  }
tec
execute0_lowered:
.L_overlay_start_1:
0x0: {  	(tag) =	ssettag $0x1  }
0x1: {  	s1 =	srdreg.scid;
	s2 =	rddreg [dreg:$0x0]  }
0x2: {  	s0 =	stileid.u32;
	s3 =	rddreg [dreg:$0x1]  }
0x3: {  	s4 =	rddreg [dreg:$0x2];
	s6 =	simm.s32 $0x1;
	s1 =	sshll.u32 s1, $0x6  }
0x4: {  	s9 =	simm.s32 $0x1;
	s5 =	sshll.u32 s0, $0x7;
	s1 =	sand.u32 $0x40, s1  }
0x5: {  	s10 =	simm.s32 $0x3;
	s13 =	simm.s32 $0x0;
	s5 =	sor.u32 s5, s1  }
0x6: {  	s12 =	simm.s32 $0x0;
	s1 =	rddreg [dreg:$0x3];
	s8 =	ssub.s32 $0x1000, s5  }
.Ltmp0:
0x7: {  	_ =	strace $0x8000007A;
	s7 =	sand.u32 $0x7C0, s8;
	(pc) =	sbr.rel .LBB2_1-.Ltmp0, $4  }
0x8: {  	[sflag:s6] =	ssyncpa.u1 $0x0;
	s11 =	smov.u32 s5;
	p0 =	sne.s32 s7, $0x0  }
0x9: {  	s8 =	sshrl.u32 s8, $0xB;
	s7 =	simm.s32 $0x2;
	s9 =	simm.s32 @!p0 $0x0  }
0xa: {  	[sflag:s7] =	ssyncpa.u1 $0x0;
	p0 =	por $0x0, $0x0;
	s8 =	sadd.s32 s9, s8  }
0xb: {  	vm0 =	vmmov $0xffff;
	[sflag:s10] =	ssyncpa.u1 $0x0;
	s10 =	simm.s32 $0x0;
	s9 =	sadd.s32 $0x1, s8  }
.LBB2_4:
0xc: {  	v2 =	vnsel vm1, $0x0, v2  }
0xd: {  	vm1 =	vgt.s32 v0, $0x0;
	v2 =	vmin.u32 v2, $0x3FFFF  }
0xe: {  	v0 =	vnsel vm1, $0x0, v0  }
0xf: {  	v0 =	vmin.u32 v0, $0x3FFFF  }
0x10: {  	[tilespmem:s15], [sflag:$0x1] =	stream.indirect_vreg.gather [hbm4b:s2+s10], $0x1, v1, vm0, $0x4038;
	[tilespmem:$0x100] =	vst v63  }
0x11: {  	(ifvalue) =	ssetifvalue $0x7FFFFFFF  }
0x12: {  	[tilespmem:s16], [sflag:$0x1] =	stream.indirect_vreg.gather [hbm4b:s2+s10], $0x1, v2, vm0, $0x4038;
	[tilespmem:$0x100] =	vst v63  }
0x13: {  	s29 =	sadd.s32 $0x10, s16;
	(ifvalue) =	ssetifvalue $0x7FFFFFFF  }
0x14: {  	[tilespmem:s29], [sflag:$0x1] =	stream.indirect_vreg.gather [hbm4b:s2+s10], $0x1, v0, vm0, $0x4038;
	[tilespmem:$0x100] =	vst v63  }
0x15: {  	_ =	swait.ge [sflag:s6], $0x40  }
0x16: {  	s30 =	sshrl.u32 s13, $0x3;
	[sflag:s6] =	ssyncset.done $0x0  }
0x17: {  	s31 =	sand.u32 $0x7, s13;
	s15 =	sadd.s32 s4, s30;
	[sflag:s6] =	ssyncadd.s32 $0xFFFFFFC0  }
0x18: {  	[hbm4b:s15+s31] =	stream.linear.scatter [tilespmem:s14], [sflag:$0x3], $0x40, $0x38;
	[tilespmem:$0x100] =	vst v63  }
.LBB2_5:
0x19: {  	s15 =	sadd.s32 $0x800, s11  }
0x1a: {  	p2 =	sgt.s32 s15, $0xFFF  }
0x1b: {  	s15 =	smov.u32 @p2 s5;
	p2 =	sne.s32 s12, s9  }
.Ltmp1:
0x1c: {  	p1 =	slt.u32 s12, $0x2;
	(pc) =	sbr.rel @!p2 .LBB2_6-.Ltmp1, $4  }
0x1d: {  	s14 =	simm.s32 @!p1 $0x3  }
0x1e: {  	s16 =	sadd.s32 $0x1, s12;
	_ =	swait.ge @!p1 [sflag:s14], $0x40  }
0x1f: {  	s13 =	smov.u32 s11;
	p0 =	por !p0, !p0;
	[sflag:s14] =	ssyncset.done @!p1 $0x0  }
0x20: {  	s12 =	smov.u32 s16;
	s11 =	smov.u32 s15;
	[sflag:s14] =	ssyncadd.s32 @!p1 $0xFFFFFFC0  }
.LBB2_1:
0x21: {  	p1 =	sge.u32 s12, s8  }
0x22: {  	s14 =	sxor.u32 @!p1 $0xFFFFFFFF, s12  }
0x23: {  	s31 =	sadd.s32 $0xFFFFFFFF, s12;
	s15 =	sshrl.u32 @!p1 s11, $0x3;
	s14 =	sshll.u32 @!p1 s14, $0x6  }
0x24: {  	s16 =	sand.u32 @!p1 $0x7, s11;
	s15 =	sadd.s32 @!p1 s3, s15;
	s14 =	sand.u32 @!p1 $0x40, s14  }
0x25: {  	[tilespmem:s14], [sflag:$0x2] =	stream.linear.gather @!p1 [hbm4b:s15+s16], $0x40, $0x38;
	[tilespmem:$0x100] =	vst v63  }
0x26: {  	p1 =	sge.u32 s31, s8  }
.Ltmp2:
0x27: {  	_ = 	snop;
	(pc) =	sbr.rel @p1 .LBB2_5-.Ltmp2, $1  }
0x28: {  	_ =	sdelay $0x3  }
0x29: {  	s14 =	simm.s32 $0x1  }
0x2a: {  	_ =	swait.ge [sflag:s7], $0x40;
	s14 =	simm.s32 @!p0 $0x0  }
0x2b: {  	[sflag:s7] =	ssyncset.done $0x0;
	s14 =	sshll.u32 s14, $0x6  }
0x2c: {  	[sflag:s7] =	ssyncadd.s32 $0xFFFFFFC0;
	(ifvalue) =	ssetifvalue $0x7FFFFFFF;
	v0 =	vld.msk [tilespmem:s14+$0x0 ss:$0x1], $0xffff;
	_ =	sdelay $0x4  }
0x2d: {  	s15 =	sadd.s32 $0x10, s14;
	vm1 =	vgt.s32 v0, $0x0  }
0x2e: {  	v2 =	vld.msk [tilespmem:s15+$0x0 ss:$0x1], $0xffff;
	v1 =	vnsel vm1, $0x0, v0  }
0x2f: {  	v1 =	vmin.u32 v1, $0x3FFFF;
	_ =	sdelay $0x1  }
0x30: {  	s16 =	sshll.u32 s12, $0x6;
	s18 =	simm.s32 $0x20  }
0x31: {  	s16 =	sand.u32 $0x40, s16;
	s17 =	sadd.s32 $0x10, s15;
	s15 =	sor.u32 $0x80, s14  }
0x32: {  	s14 =	sor.u32 $0x80, s16;
	s16 =	sadd.s32 $0x10, s15;
	v0 =	vld.msk [tilespmem:s17+$0x0 ss:$0x1], $0xffff;
	vm1 =	vgt.s32 v2, $0x0;
	(ifvalue) =	ssetifvalue $0x7FFFFFFF  }
.LBB2_3:
0x33: {  	[tilespmem:s15], [sflag:$0x1] =	stream.indirect_vreg.gather [hbm4b:s2+s10], $0x1, v1, vm0, $0x4038;
	[tilespmem:$0x100] =	vst v63  }
0x34: {  	s18 =	sadd.s32 $0x10, s18  }
0x35: {  	v2 =	vnsel vm1, $0x0, v2;
	p1 =	slt.u32 s18, $0x30  }
.Ltmp3:
0x36: {  	s15 =	smov.u32 s16;
	v1 =	vmin.u32 v2, $0x3FFFF;
	(pc) =	sbr.rel @p1 .LBB2_3-.Ltmp3, $3  }
0x37: {  	_ =	sdelay $0x1  }
0x38: {  	s17 =	sadd.s32 $0x10, s17  }
0x39: {  	vm1 =	vgt.s32 v0, $0x0;
	s16 =	sadd.s32 $0x10, s16;
	v2 =	vmov v0;
	(ifvalue) =	ssetifvalue $0x7FFFFFFF;
	v0 =	vld.msk [tilespmem:s17+$0x0 ss:$0x1], $0xffff  }
.Ltmp4:
0x3a: {  	_ = 	snop;
	(pc) =	sbr.rel .LBB2_4-.Ltmp4, $1  }
0x3b: {  	_ =	sdelay $0x3  }
.LBB2_6:
0x3c: {  	_ =	sfence.sel $0x180000  }
0x3d: {  	s2 =	simm.s32 $0x2;
	[bflag:$0x0] =	sbarrier.arrive $0xFFFF  }
0x3e: {  	s30 =	simm.s32 $0x3;
	[sflag:s2] =	ssyncpa.u1 $0x1  }
0x3f: {  	s31 =	simm.s32 $0x1;
	[sflag:s30] =	ssyncpa.u1 $0x1  }
0x40: {  	[sflag:s31] =	ssyncpa.u1 $0x1  }
0x41: {  	p0 =	sne.s32 s0, $0x0;
	_ =	strace $0x9000007A  }
0x42: {  	s0 =	sadd.s32 @!p0 $0x100000, s1;
	[bflag:$0x2] =	sbarrier.arrive $0xFFFF  }
0x43: {  	[sflag:s0] =	ssyncadd.tile.s32 @!p0 $0x1;
	_ =	shalt  }
.Lfunc_end2:
_tile_overlayer_lowered:
.L_overlay_start_2:
0x44: {  	(tag) =	ssettag $0x2  }
0x45: {  	s0 =	rddreg [dreg:$0x0];
	s2 =	stileid.u32  }
0x46: {  	s1 =	rddreg [dreg:$0x1];
	p0 =	sne.s32 s2, $0x0  }
0x47: {  	s3 =	rddreg [dreg:$0x2];
	[bflag:$0x3] =	sbarrier.arrive $0xFFFF;
	s2 =	simm.s32 @!p0 $0x1C01  }
0x48: {  	[timem:s3], [sflag:s2] =	dma.local @!p0 [hbm:s0], s1  }
0x49: {  	s0 =	simm.s32 @!p0 $0x1  }
0x4a: {  	_ =	swait.ge @!p0 [sflag:s0], s1  }
0x4b: {  	s1 =	ssub.s32 @!p0 $0x0, s1;
	[sflag:s0] =	ssyncset.done @!p0 $0x0  }
0x4c: {  	[sflag:s0] =	ssyncadd.s32 @!p0 s1  }
0x4d: {  	[bflag:$0x3] =	sbarrier.arrive $0xFFFF  }
0x4e: {  	_ =	shalt  }

// kernel: kernel.5.cloned.1.call-start
scs
__scs_entry_jumppad:
0x0: {  	(pc) =	sbr.rel $0x88, $3  }
0x1: {  	(tag) =	ssettag $0x0;
	lr =	simm.s32 $0x1  }
0x2: {  	[smem:$0x3F99] =	sst lr;
	_ =	strace $0xD0000000  }
0x3: {  	_ = 	snop  }
0x4: {  	_ = 	snop  }
0x5: {  	_ = 	snop  }
0x6: {  	_ = 	snop  }
0x7: {  	_ = 	snop  }
__scs_overlays_trampoline_lowered:
0x8: {  	[smem:$0x3FA8] =	sst s0  }
0x9: {  	[smem:$0x3FA9] =	sst s1  }
0xa: {  	[smem:$0x3FAA] =	sst s2  }
0xb: {  	[smem:$0x3FAB] =	sst s3  }
0xc: {  	[smem:$0x3FAC] =	sst s4  }
0xd: {  	[smem:$0x3FAD] =	sst s5  }
0xe: {  	[smem:$0x3FAE] =	sst s6  }
0xf: {  	[smem:$0x3FAF] =	sst s7  }
0x10: {  	[smem:$0x3FB0] =	sst s8  }
0x11: {  	[smem:$0x3FB1] =	sst s9;
	s0 =	simm.s32 @!p0 $0x0  }
0x12: {  	s1 =	sld [smem:$0x3F97];
	s0 =	simm.s32 @p0 $0x1  }
0x13: {  	[smem:$0x3FB2] =	sst s0;
	s0 =	simm.s32 @!p1 $0x0  }
0x14: {  	s2 =	sld [smem:$0x3F96];
	s0 =	simm.s32 @p1 $0x1  }
0x15: {  	[smem:$0x3FB3] =	sst s0;
	s0 =	simm.s32 @!p2 $0x0  }
0x16: {  	s3 =	sld [smem:$0x3FDB];
	s0 =	simm.s32 @p2 $0x1  }
0x17: {  	s4 =	simm.s32 $0x1BF5;
	[smem:$0x3FB5] =	sst s0  }
0x18: {  	s0 =	sld [smem:$0x3F98];
	_ =	swait.ge [sflag:s4], $0x0  }
0x19: {  	s7 =	sld [smem:$0x3F99]  }
0x1a: {  	s8 =	sadd.s32 $0xFFFFE003, lr  }
0x1b: {  	s9 =	sadd.s32 $0xFFFFFEF7, lr;
	s5 =	simm.s32 $0xFFFFFFFF;
	p2 =	slt.u32 s8, $0xFFFFF086  }
0x1c: {  	p1 =	slt.u32 s9, $0xF7A;
	s5 =	simm.s32 @!p2 $0x0  }
0x1d: {  	s5 =	simm.s32 @p1 $0x1;
	p0 =	seq.s32 s7, s2  }
0x1e: {  	s7 =	smul.u32 @!p0 $0xF7A, s2;
	p2 =	seq.s32 @!p0 s5, $0x0  }
0x1f: {  	s9 =	smul.u32 $0xF7A, s1;
	s8 =	simm.s32 @!p0 $0x1BF5;
	p2 =	por !p2, p0  }
0x20: {  	[sflag:s8] =	ssyncset.s32 @!p0 $0xFFFFF086;
	s6 =	sadd.s32 @!p0 s3, s7;
	s7 =	simm.s32 @!p0 $0x108  }
0x21: {  	s3 =	sadd.s32 s3, s9;
	s6 =	sadd.s32 @!p0 $0x88, s6;
	s7 =	simm.s32 @p2 $0x1082  }
0x22: {  	[simem:s7], [sflag:s8] =	dma.local @!p0 [hbm:s6], $0xF7A  }
0x23: {  	s9 =	sor.u32 $0xD0000000, s2;
	s6 =	simm.s32 $0x108;
	_ =	swait.ge @!p0 [sflag:s8], $0x0  }
0x24: {  	s3 =	sadd.s32 $0x88, s3;
	s6 =	simm.s32 @!p1 $0x1082;
	[sflag:s4] =	ssyncset.s32 $0xFFFFF086  }
0x25: {  	[simem:s6], [sflag:s4] =	dma.local [hbm:s3], $0xF7A  }
0x26: {  	[smem:$0x3F99] =	sst s1;
	(tag) =	ssettag s2;
	_ =	strace s9  }
0x27: {  	s1 =	sld [smem:$0x3FA9]  }
0x28: {  	s2 =	sld [smem:$0x3FAA]  }
0x29: {  	s4 =	sld [smem:$0x3FAC]  }
0x2a: {  	p0 =	seq.s32 s5, $0x0;
	s5 =	sld [smem:$0x3FAD]  }
0x2b: {  	s6 =	sld [smem:$0x3FAE]  }
0x2c: {  	s7 =	sld [smem:$0x3FAF]  }
0x2d: {  	s3 =	simm.s32 $0x108;
	s8 =	sld [smem:$0x3FB0]  }
0x2e: {  	s3 =	simm.s32 @!p0 $0x1082;
	s9 =	sld [smem:$0x3FB1]  }
0x2f: {  	lr =	sadd.s32 s0, s3;
	s0 =	sld [smem:$0x3FA8]  }
0x30: {  	s3 =	sld [smem:$0x3FAB]  }
0x31: {  	[smem:$0x3FB4] =	sst s10  }
0x32: {  	s10 =	sld [smem:$0x3FB2];
	_ =	sdelay $0x3  }
0x33: {  	p0 =	seq.s32 s10, $0x1;
	s10 =	sld [smem:$0x3FB4];
	_ =	sdelay $0x3  }
0x34: {  	[smem:$0x3FB4] =	sst s10  }
0x35: {  	s10 =	sld [smem:$0x3FB3];
	_ =	sdelay $0x3  }
0x36: {  	p1 =	seq.s32 s10, $0x1;
	s10 =	sld [smem:$0x3FB4];
	_ =	sdelay $0x3  }
0x37: {  	[smem:$0x3FB4] =	sst s10  }
0x38: {  	s10 =	sld [smem:$0x3FB5]  }
0x39: {  	_ = 	snop;
	(pc) =	sbr.ind lr, $3  }
0x3a: {  	_ = 	snop  }
0x3b: {  	_ = 	snop  }
0x3c: {  	p2 =	seq.s32 s10, $0x1;
	s10 =	sld [smem:$0x3FB4]  }
0x3d: {  	_ =	shalt  }
0x3e: {  	_ =	shalt  }
0x3f: {  	_ =	shalt  }
0x40: {  	_ =	shalt  }
0x41: {  	_ =	shalt  }
0x42: {  	_ =	shalt  }
0x43: {  	_ =	shalt  }
0x44: {  	_ =	shalt  }
0x45: {  	_ =	shalt  }
0x46: {  	_ =	shalt  }
0x47: {  	_ =	shalt  }
0x48: {  	_ =	shalt  }
0x49: {  	_ =	shalt  }
0x4a: {  	_ =	shalt  }
0x4b: {  	_ =	shalt  }
0x4c: {  	_ =	shalt  }
0x4d: {  	_ =	shalt  }
0x4e: {  	_ =	shalt  }
0x4f: {  	_ =	shalt  }
0x50: {  	_ =	shalt  }
0x51: {  	_ =	shalt  }
0x52: {  	_ =	shalt  }
0x53: {  	_ =	shalt  }
0x54: {  	_ =	shalt  }
0x55: {  	_ =	shalt  }
0x56: {  	_ =	shalt  }
0x57: {  	_ =	shalt  }
0x58: {  	_ =	shalt  }
0x59: {  	_ =	shalt  }
0x5a: {  	_ =	shalt  }
0x5b: {  	_ =	shalt  }
0x5c: {  	_ =	shalt  }
0x5d: {  	_ =	shalt  }
0x5e: {  	_ =	shalt  }
0x5f: {  	_ =	shalt  }
0x60: {  	_ =	shalt  }
0x61: {  	_ =	shalt  }
0x62: {  	_ =	shalt  }
0x63: {  	_ =	shalt  }
0x64: {  	_ =	shalt  }
0x65: {  	_ =	shalt  }
0x66: {  	_ =	shalt  }
0x67: {  	_ =	shalt  }
0x68: {  	_ =	shalt  }
0x69: {  	_ =	shalt  }
0x6a: {  	_ =	shalt  }
0x6b: {  	_ =	shalt  }
0x6c: {  	_ =	shalt  }
0x6d: {  	_ =	shalt  }
0x6e: {  	_ =	shalt  }
0x6f: {  	_ =	shalt  }
0x70: {  	_ =	shalt  }
0x71: {  	_ =	shalt  }
0x72: {  	_ =	shalt  }
0x73: {  	_ =	shalt  }
0x74: {  	_ =	shalt  }
0x75: {  	_ =	shalt  }
0x76: {  	_ =	shalt  }
0x77: {  	_ =	shalt  }
0x78: {  	_ =	shalt  }
0x79: {  	_ =	shalt  }
0x7a: {  	_ =	shalt  }
0x7b: {  	_ =	shalt  }
0x7c: {  	_ =	shalt  }
0x7d: {  	_ =	shalt  }
0x7e: {  	_ =	shalt  }
0x7f: {  	_ =	shalt  }
0x80: {  	_ =	shalt  }
0x81: {  	_ =	shalt  }
0x82: {  	_ =	shalt  }
0x83: {  	_ =	shalt  }
0x84: {  	_ =	shalt  }
0x85: {  	_ =	shalt  }
0x86: {  	_ =	shalt  }
0x87: {  	_ =	shalt  }
.Lfunc_end0:
.L_simem_size_0:
called_computation.18_lowered:
.L_overlay_start_0:
0x88: {  	s2 =	sld [smem:$0x3FD9]  }
0x89: {  	s3 =	sld [smem:$0x3FFE];
	_ =	sdelay $0x1  }
0x8a: {  	s1 =	srdreg.scid  }
0x8b: {  	s0 =	sand.u32 $0x1, s1  }
0x8c: {  	s16 =	sshll.u32 s0, $0xA;
	s2 =	sadd.s32 s3, s2  }
0x8d: {  	s2 =	sadd.s32 s2, s16  }
0x8e: {  	[smem:$0x3FC0] =	sst s2  }
0x8f: {  	_ = 	snop  }
0x90: {  	(tm) =	ssettm $0x1  }
0x91: {  	s17 =	sld [smem:$0x3FFB];
	_ =	sdelay $0x3  }
0x92: {  	_ =	strace s17  }
0x93: {  	s2 =	sld [smem:$0x3FFC];
	_ =	sdelay $0x3  }
0x94: {  	_ =	strace s2  }
0x95: {  	s2 =	sld [smem:$0x3FFD];
	_ =	sdelay $0x3  }
0x96: {  	_ =	strace s2  }
0x97: {  	_ =	strace $0x8FFFFFFF  }
0x98: {  	s18 =	sld [smem:$0x3FDB];
	_ =	sdelay $0x1  }
0x99: {  	s19 =	simm.s32 $_scs_section_size  }
0x9a: {  	s4 =	simm.s32 $_size__tile_overlayer_lowered;
	s5 =	simm.s32 $_tile_overlayer_lowered  }
0x9b: {  	s22 =	simm.s32 $0x1BFF;
	s21 =	sshll.u32 s5, $0x1;
	s2 =	sadd.s32 s19, s18  }
0x9c: {  	s6 =	simm.s32 $0x0;
	s20 =	sshll.u32 s4, $0x1;
	s4 =	sadd.s32 s21, s2  }
0x9d: {  	[timem:s6], [sflag:s22] =	dma.local [hbm:s4], s20  }
0x9e: {  	_ =	swait.ge [sflag:s22], s20  }
0x9f: {  	s3 =	ssub.s32 $0x0, s20;
	[sflag:s22] =	ssyncset.done $0x0  }
0xa0: {  	[sflag:s22] =	ssyncadd.s32 s3;
	_ =	sdelay $0x1  }
0xa1: {  	s23 =	simm.s32 $0x1B8B  }
0xa2: {  	_ =	swait.ge [sflag:s23], $0x1  }
0xa3: {  	[sflag:s23] =	ssyncset.done $0x0  }
0xa4: {  	s25 =	simm.s32 $0x1B8E;
	s24 =	sld [smem:$0x3FFE];
	[sflag:s23] =	ssyncadd.s32 $0xFFFFFFFF  }
0xa5: {  	s26 =	simm.s32 $execute0_lowered;
	[smem:$0x3FD2] =	sst s25  }
0xa6: {  	s4 =	sshll.u32 s26, $0x1;
	_ =	strace $0x80000046;
	[dreg:$0x1] =	wrdreg $0xFFFFFFFF  }
0xa7: {  	s28 =	simm.s32 $_size_execute0_lowered;
	s2 =	sadd.s32 s2, s4;
	[dreg:$0x0] =	wrdreg $0x0  }
0xa8: {  	s4 =	sshll.u32 s28, $0x1;
	[dreg:$0x2] =	wrdreg s2  }
0xa9: {  	[dreg:$0x3] =	wrdreg s4  }
0xaa: {  	[dreg:$0x4] =	wrdreg $0xC0  }
0xab: {  	_ =	task [dreg:s6], $0x5FFFF  }
0xac: {  	[dreg:$0x1] =	wrdreg $0xFFFFFFFF  }
0xad: {  	[dreg:$0x0] =	wrdreg $0x60  }
0xae: {  	[dreg:$0x2] =	wrdreg s24  }
0xaf: {  	[dreg:$0x3] =	wrdreg $0x9  }
0xb0: {  	_ =	task.clear_ibuf [dreg:s6], $0x4FFFF;
	_ =	strace $0x90000046  }
0xb1: {  	s29 =	simm.s32 $0x9;
	_ =	strace $0x80000048  }
0xb2: {  	_ =	swait.ge [sflag:s29], $0x1  }
0xb3: {  	[sflag:s29] =	ssyncadd.s32 $0xFFFFFFFF  }
0xb4: {  	_ =	strace $0x90000048  }
0xb5: {  	_ =	sfence  }
0xb6: {  	s30 =	sld [smem:$0x0];
	_ =	sdelay $0x2  }
0xb7: {  	s31 =	sshll.u32 s1, $0xD;
	s1 =	sshrl.u32 s1, $0x2  }
0xb8: {  	s3 =	sand.u32 $0x4000, s31;
	s1 =	sadd.s32 s1, s30  }
0xb9: {  	s0 =	sor.u32 s3, s0;
	s1 =	sshll.u32 s1, $0x11  }
0xba: {  	s0 =	sor.u32 s1, s0  }
0xbb: {  	s0 =	sadd.s32 $0x8F2B, s0  }
0xbc: {  	[sflag:s0] =	ssyncadd.remote.s32 $0x1  }
0xbd: {  	_ =	sfence.sel $0xFFFF  }
0xbe: {  	[dreg:$0x0] =	wrdreg $0xFFFFFFFF;
	(pc) =	sbr.abs _section_cstart, $3  }
0xbf: {  	[dreg:$0x1] =	wrdreg $0xFFFFFFFF  }
0xc0: {  	_ =	task.clear_ibuf [dreg:s6], $0x2FFFF;
	_ =	strace $0x9FFFFFFF  }
0xc1: {  	(tm) =	ssettm $0x7FFFFFFF  }
tec
execute0_lowered:
.L_overlay_start_1:
0x0: {  	(tag) =	ssettag $0x1  }
0x1: {  	s4 =	rddreg [dreg:$0x0]  }
0x2: {  	s0 =	rddreg [dreg:$0x1];
	s1 =	simm.s32 $0x0  }
0x3: {  	s5 =	srdreg.scid;
	s2 =	stileid.u32;
	s9 =	simm.s32 $0x200  }
0x4: {  	s10 =	simm.s32 $0x4200;
	s11 =	simm.s32 $0x100;
	s12 =	simm.s32 $0x8200  }
0x5: {  	s13 =	simm.s32 $0x180;
	s14 =	simm.s32 $0xC200;
	s15 =	simm.s32 $0x1  }
0x6: {  	s16 =	simm.s32 $0x0;
	[smem:$0x7FF] =	sst s1;
	s3 =	sadd.s32 $0x4F14E00, s4  }
0x7: {  	s5 =	sand.u32 $0x1, s5;
	s6 =	sshll.u32 s2, $0xE;
	s7 =	sshll.u32 s2, $0x15  }
0x8: {  	_ =	strace $0x80000047;
	s8 =	ssub.s32 $0x2, s5;
	s6 =	sadd.s32 s6, s4  }
0x9: {  	s7 =	sadd.s32 s7, s4;
	s31 =	sshll.u32 s5, $0x14;
	s5 =	sshll.u32 s5, $0xD  }
0xa: {  	s30 =	sshrl.u32 s8, $0x1;
	s7 =	sadd.s32 s31, s7;
	s6 =	sadd.s32 s5, s6  }
0xb: {  	s4 =	ssub.s32 s8, s30;
	s5 =	sadd.s32 $0x844E00, s7;
	s6 =	sadd.s32 $0x804E00, s6  }
0xc: {  	s7 =	simm.s32 $0x2;
	s8 =	simm.s32 $0x80;
	s4 =	smax.u32 s4, $0x1  }
.LBB2_1:
0xd: {  	s17 =	sadd.s32 $0x0, s6  }
0xe: {  	[tilespmem:s1], [sflag:$0x2] =	stream.linear.gather [hbm4b:s17+s1], $0x200, $0x38;
	[tilespmem:$0x10200] =	vst v63  }
0xf: {  	_ =	swait.ge [sflag:s7], $0x200  }
0x10: {  	[sflag:s7] =	ssyncset.done $0x0  }
0x11: {  	[sflag:s7] =	ssyncadd.s32 $0xFFFFFE00  }
0x12: {  	[tilespmem:s9], [sflag:$0x1] =	stream.indirect.gather [hbm4b:s3+s8], $0x80, s1, s8, $0xb8;
	[tilespmem:$0x10200] =	vst v63  }
0x13: {  	_ = 	snop  }
0x14: {  	[tilespmem:s10], [sflag:$0x1] =	stream.indirect.gather [hbm4b:s3+s8], $0x80, s8, s8, $0xb8;
	[tilespmem:$0x10200] =	vst v63  }
0x15: {  	_ = 	snop  }
0x16: {  	[tilespmem:s12], [sflag:$0x1] =	stream.indirect.gather [hbm4b:s3+s8], $0x80, s11, s8, $0xb8;
	[tilespmem:$0x10200] =	vst v63  }
0x17: {  	_ = 	snop  }
0x18: {  	[tilespmem:s14], [sflag:$0x1] =	stream.indirect.gather [hbm4b:s3+s8], $0x80, s13, s8, $0xb8;
	[tilespmem:$0x10200] =	vst v63  }
0x19: {  	_ =	swait.ge [sflag:s15], $0x4000  }
0x1a: {  	[sflag:s15] =	ssyncset.done $0x0  }
0x1b: {  	[sflag:s15] =	ssyncadd.s32 $0xFFFFC000  }
0x1c: {  	_ =	swait.ge [sflag:s15], $0x4000  }
0x1d: {  	[sflag:s15] =	ssyncset.done $0x0  }
0x1e: {  	[sflag:s15] =	ssyncadd.s32 $0xFFFFC000  }
0x1f: {  	_ =	swait.ge [sflag:s15], $0x4000  }
0x20: {  	[sflag:s15] =	ssyncset.done $0x0  }
0x21: {  	[sflag:s15] =	ssyncadd.s32 $0xFFFFC000  }
0x22: {  	_ =	swait.ge [sflag:s15], $0x4000  }
0x23: {  	[sflag:s15] =	ssyncset.done $0x0  }
0x24: {  	[sflag:s15] =	ssyncadd.s32 $0xFFFFC000  }
0x25: {  	[hbm4b:s5+s1] =	stream.linear.scatter [tilespmem:s9], [sflag:$0x2], $0x10000, $0x38;
	[tilespmem:$0x10200] =	vst v63  }
0x26: {  	s18 =	simm.s32 $0x40;
	_ =	swait.ge [sflag:s7], $0x10000  }
0x27: {  	s19 =	simm.s32 $0x80;
	s17 =	sadd.s32 $0x2000, s5;
	[sflag:s7] =	ssyncset.done $0x0  }
.LBB2_2:
0x28: {  	s20 =	sadd.s32 s18, s6  }
0x29: {  	[sflag:s7] =	ssyncadd.s32 $0xFFFF0000;
	s18 =	smov.u32 s19;
	s21 =	sadd.s32 $0x40, s19  }
0x2a: {  	[tilespmem:s1], [sflag:$0x2] =	stream.linear.gather [hbm4b:s20+s1], $0x200, $0x38;
	[tilespmem:$0x10200] =	vst v63  }
0x2b: {  	p0 =	sne.s32 s19, $0x1FC0;
	_ =	swait.ge [sflag:s7], $0x200  }
0x2c: {  	[sflag:s7] =	ssyncset.done $0x0  }
0x2d: {  	[sflag:s7] =	ssyncadd.s32 $0xFFFFFE00  }
0x2e: {  	[tilespmem:s9], [sflag:$0x1] =	stream.indirect.gather [hbm4b:s3+s8], $0x80, s1, s8, $0xb8;
	[tilespmem:$0x10200] =	vst v63  }
0x2f: {  	_ = 	snop  }
0x30: {  	[tilespmem:s10], [sflag:$0x1] =	stream.indirect.gather [hbm4b:s3+s8], $0x80, s8, s8, $0xb8;
	[tilespmem:$0x10200] =	vst v63  }
0x31: {  	_ = 	snop  }
0x32: {  	[tilespmem:s12], [sflag:$0x1] =	stream.indirect.gather [hbm4b:s3+s8], $0x80, s11, s8, $0xb8;
	[tilespmem:$0x10200] =	vst v63  }
0x33: {  	_ = 	snop  }
0x34: {  	[tilespmem:s14], [sflag:$0x1] =	stream.indirect.gather [hbm4b:s3+s8], $0x80, s13, s8, $0xb8;
	[tilespmem:$0x10200] =	vst v63  }
0x35: {  	_ =	swait.ge [sflag:s15], $0x4000  }
0x36: {  	[sflag:s15] =	ssyncset.done $0x0  }
0x37: {  	[sflag:s15] =	ssyncadd.s32 $0xFFFFC000  }
0x38: {  	_ =	swait.ge [sflag:s15], $0x4000  }
0x39: {  	[sflag:s15] =	ssyncset.done $0x0  }
0x3a: {  	[sflag:s15] =	ssyncadd.s32 $0xFFFFC000  }
0x3b: {  	_ =	swait.ge [sflag:s15], $0x4000  }
0x3c: {  	[sflag:s15] =	ssyncset.done $0x0  }
0x3d: {  	[sflag:s15] =	ssyncadd.s32 $0xFFFFC000  }
0x3e: {  	_ =	swait.ge [sflag:s15], $0x4000  }
.Ltmp0:
0x3f: {  	[sflag:s15] =	ssyncset.done $0x0;
	(pc) =	sbr.rel @p0 .LBB2_2-.Ltmp0, $4  }
0x40: {  	[sflag:s15] =	ssyncadd.s32 $0xFFFFC000  }
0x41: {  	[hbm4b:s17+s1] =	stream.linear.scatter [tilespmem:s9], [sflag:$0x2], $0x10000, $0x38;
	[tilespmem:$0x10200] =	vst v63  }
0x42: {  	_ =	swait.ge [sflag:s7], $0x10000  }
0x43: {  	s19 =	smov.u32 s21;
	s17 =	sadd.s32 $0x2000, s17;
	[sflag:s7] =	ssyncset.done $0x0  }
0x44: {  	s18 =	sadd.s32 s18, s6;
	[sflag:s7] =	ssyncadd.s32 $0xFFFF0000  }
0x45: {  	[tilespmem:s1], [sflag:$0x2] =	stream.linear.gather [hbm4b:s18+s1], $0x200, $0x38;
	[tilespmem:$0x10200] =	vst v63  }
0x46: {  	_ =	swait.ge [sflag:s7], $0x200  }
0x47: {  	[sflag:s7] =	ssyncset.done $0x0  }
0x48: {  	[sflag:s7] =	ssyncadd.s32 $0xFFFFFE00  }
0x49: {  	[tilespmem:s9], [sflag:$0x1] =	stream.indirect.gather [hbm4b:s3+s8], $0x80, s1, s8, $0xb8;
	[tilespmem:$0x10200] =	vst v63  }
0x4a: {  	_ = 	snop  }
0x4b: {  	[tilespmem:s10], [sflag:$0x1] =	stream.indirect.gather [hbm4b:s3+s8], $0x80, s8, s8, $0xb8;
	[tilespmem:$0x10200] =	vst v63  }
0x4c: {  	_ = 	snop  }
0x4d: {  	[tilespmem:s12], [sflag:$0x1] =	stream.indirect.gather [hbm4b:s3+s8], $0x80, s11, s8, $0xb8;
	[tilespmem:$0x10200] =	vst v63  }
0x4e: {  	_ = 	snop  }
0x4f: {  	[tilespmem:s14], [sflag:$0x1] =	stream.indirect.gather [hbm4b:s3+s8], $0x80, s13, s8, $0xb8;
	[tilespmem:$0x10200] =	vst v63  }
0x50: {  	_ =	swait.ge [sflag:s15], $0x4000  }
0x51: {  	[sflag:s15] =	ssyncset.done $0x0  }
0x52: {  	[sflag:s15] =	ssyncadd.s32 $0xFFFFC000  }
0x53: {  	_ =	swait.ge [sflag:s15], $0x4000  }
0x54: {  	[sflag:s15] =	ssyncset.done $0x0  }
0x55: {  	[sflag:s15] =	ssyncadd.s32 $0xFFFFC000  }
0x56: {  	_ =	swait.ge [sflag:s15], $0x4000  }
0x57: {  	[sflag:s15] =	ssyncset.done $0x0  }
0x58: {  	[sflag:s15] =	ssyncadd.s32 $0xFFFFC000  }
0x59: {  	s16 =	sadd.s32 $0x1, s16;
	_ =	swait.ge [sflag:s15], $0x4000  }
0x5a: {  	p0 =	sne.s32 s16, s4;
	[sflag:s15] =	ssyncset.done $0x0  }
.Ltmp1:
0x5b: {  	[sflag:s15] =	ssyncadd.s32 $0xFFFFC000;
	(pc) =	sbr.rel @p0 .LBB2_1-.Ltmp1, $4  }
0x5c: {  	[hbm4b:s17+s1] =	stream.linear.scatter [tilespmem:s9], [sflag:$0x2], $0x10000, $0x38;
	[tilespmem:$0x10200] =	vst v63  }
0x5d: {  	_ =	swait.ge [sflag:s7], $0x10000  }
0x5e: {  	[sflag:s7] =	ssyncset.done $0x0  }
0x5f: {  	[sflag:s7] =	ssyncadd.s32 $0xFFFF0000  }
0x60: {  	_ =	sfence.sel $0x180000  }
0x61: {  	[bflag:$0x0] =	sbarrier.arrive $0xFFFF  }
0x62: {  	p0 =	sne.s32 s2, $0x0;
	_ =	strace $0x90000047  }
0x63: {  	s0 =	sadd.s32 @!p0 $0x100000, s0;
	[bflag:$0x2] =	sbarrier.arrive $0xFFFF  }
0x64: {  	[sflag:s0] =	ssyncadd.tile.s32 @!p0 $0x1;
	_ =	shalt  }
.Lfunc_end2:
_tile_overlayer_lowered:
.L_overlay_start_2:
0x65: {  	(tag) =	ssettag $0x2  }
0x66: {  	s0 =	rddreg [dreg:$0x0];
	s2 =	stileid.u32  }
0x67: {  	s1 =	rddreg [dreg:$0x1];
	p0 =	sne.s32 s2, $0x0  }
0x68: {  	s3 =	rddreg [dreg:$0x2];
	[bflag:$0x3] =	sbarrier.arrive $0xFFFF;
	s2 =	simm.s32 @!p0 $0x1C02  }
0x69: {  	[timem:s3], [sflag:s2] =	dma.local @!p0 [hbm:s0], s1  }
0x6a: {  	s0 =	simm.s32 @!p0 $0x2  }
0x6b: {  	_ =	swait.ge @!p0 [sflag:s0], s1  }
0x6c: {  	s1 =	ssub.s32 @!p0 $0x0, s1;
	[sflag:s0] =	ssyncset.done @!p0 $0x0  }
0x6d: {  	[sflag:s0] =	ssyncadd.s32 @!p0 s1  }
0x6e: {  	[bflag:$0x3] =	sbarrier.arrive $0xFFFF  }
0x6f: {  	_ =	shalt  }

</sc_bundles>
